<compile_context>
chip_gen: v7x
topology: tpu7x:2x2x1
jax: 0.10.2.dev20260603
libtpu: 0.0.44.dev20260713+nightly
codegen_flags: <defaults>
</compile_context>

<pallas_src>
import functools

import jax
import jax.numpy as jnp
from jax import lax
from jax.experimental import pallas as pl
from jax.experimental.pallas import tpu as pltpu
from jax.experimental.pallas import tpu_sc as plsc

NUM_CORES = 2
NUM_SUBCORES = 16
NUM_WORKERS = NUM_CORES * NUM_SUBCORES
LANES = 16
CHUNK = 3200
G1 = 8
G2 = 8


def _build_sc_call(B, N, R1, R2):
    rows_per_worker = B // NUM_WORKERS
    span = rows_per_worker * N

    mesh = plsc.VectorSubcoreMesh(
        core_axis_name="c", subcore_axis_name="s",
        num_cores=NUM_CORES, num_subcores=NUM_SUBCORES)

    @functools.partial(
        pl.kernel,
        out_type=jax.ShapeDtypeStruct((B * N,), jnp.float32),
        mesh=mesh,
        compiler_params=pltpu.CompilerParams(needs_layout_passes=False),
        scratch_types=[
            pltpu.VMEM((span,), jnp.float32),
            pltpu.VMEM((span,), jnp.float32),
            pltpu.VMEM((2 * CHUNK,), jnp.int32),
            pltpu.VMEM((2 * CHUNK,), jnp.int32),
            pltpu.VMEM((2 * CHUNK,), jnp.int32),
            pltpu.VMEM((2 * CHUNK,), jnp.float32),
            pltpu.VMEM((LANES,), jnp.float32),
            pltpu.VMEM((N,), jnp.float32),
            pltpu.SemaphoreType.DMA,
            pltpu.SemaphoreType.DMA,
        ],
    )
    def sc_call(y_hbm, k1_hbm, ir1_hbm, ip1_hbm, k2_hbm, ia2_hbm, ib2_hbm,
                ip2_hbm, den_hbm, out_hbm,
                y_v, acc_v, idx_a, idx_b, idx_c, rate_v, den_v, c1_v,
                sem0, sem1):
        wid = lax.axis_index("s") * NUM_CORES + lax.axis_index("c")
        base = wid * span
        sems = [sem0, sem1]

        pltpu.sync_copy(y_hbm.at[pl.ds(base, span)], y_v)
        pltpu.sync_copy(den_hbm, den_v)
        denv = den_v[...]

        zeros = jnp.zeros((LANES,), jnp.float32)

        def zero_body(i, carry):
            acc_v[pl.ds(i * LANES, LANES)] = zeros
            return carry

        lax.fori_loop(0, span // LANES, zero_body, 0)

        def zero_c1(i, carry):
            c1_v[pl.ds(i * LANES, LANES)] = zeros
            return carry

        lax.fori_loop(0, N // LANES, zero_c1, 0)

        def run_phase(n_chunks, hbms, bufs, compute):
            def start(c, slot):
                off = c * CHUNK
                for h, bf in zip(hbms, bufs):
                    pltpu.async_copy(h.at[pl.ds(off, CHUNK)],
                                     bf.at[pl.ds(slot * CHUNK, CHUNK)],
                                     sems[slot])

            def wait(c, slot):
                off = c * CHUNK
                for h, bf in zip(hbms, bufs):
                    pltpu.make_async_copy(h.at[pl.ds(off, CHUNK)],
                                          bf.at[pl.ds(slot * CHUNK, CHUNK)],
                                          sems[slot]).wait()

            start(0, 0)
            start(1, 1)

            def outer(k, carry):
                c0 = k * 2
                for slot in range(2):
                    c = c0 + slot
                    wait(c, slot)
                    compute(slot)

                    @pl.when(c + 2 < n_chunks)
                    def _():
                        start(c + 2, slot)
                return carry

            lax.fori_loop(0, n_chunks // 2, outer, 0)

        def compute1(slot):
            def _b(i, carry):
                s = slot * CHUNK + i * (LANES * G1)
                vecs = []
                for g in range(G1):
                    sg = s + g * LANES
                    irv = idx_a[pl.ds(sg, LANES)]
                    ipv = idx_b[pl.ds(sg, LANES)]
                    kv = rate_v[pl.ds(sg, LANES)]
                    vecs.append((irv, ipv, kv))
                for (irv, ipv, kv) in vecs:
                    plsc.addupdate_scatter(c1_v, [irv], kv)
                for rr in range(rows_per_worker):
                    yr = y_v.at[pl.ds(rr * N, N)]
                    ar = acc_v.at[pl.ds(rr * N, N)]
                    ts = [kv * plsc.load_gather(yr, [irv])
                          for (irv, ipv, kv) in vecs]
                    for t, (irv, ipv, kv) in zip(ts, vecs):
                        plsc.addupdate_scatter(ar, [ipv], t)
                return carry

            lax.fori_loop(0, CHUNK // (LANES * G1), _b, 0)

        run_phase(R1 // CHUNK, [k1_hbm, ir1_hbm, ip1_hbm],
                  [rate_v, idx_a, idx_b], compute1)

        def compute2(slot):
            def _b(i, carry):
                s = slot * CHUNK + i * (LANES * G2)
                vecs = []
                for g in range(G2):
                    sg = s + g * LANES
                    iav = idx_a[pl.ds(sg, LANES)]
                    ibv = idx_b[pl.ds(sg, LANES)]
                    ipv = idx_c[pl.ds(sg, LANES)]
                    kv = rate_v[pl.ds(sg, LANES)] * denv
                    vecs.append((iav, ibv, ipv, kv))
                for rr in range(rows_per_worker):
                    yr = y_v.at[pl.ds(rr * N, N)]
                    ar = acc_v.at[pl.ds(rr * N, N)]
                    ts = [kv * plsc.load_gather(yr, [iav])
                          * plsc.load_gather(yr, [ibv])
                          for (iav, ibv, ipv, kv) in vecs]
                    for t, (iav, ibv, ipv, kv) in zip(ts, vecs):
                        nt = -t
                        plsc.addupdate_scatter(ar, [ipv], t)
                        plsc.addupdate_scatter(ar, [iav], nt)
                        plsc.addupdate_scatter(ar, [ibv], nt)
                return carry

            lax.fori_loop(0, CHUNK // (LANES * G2), _b, 0)

        run_phase(R2 // CHUNK, [k2_hbm, ia2_hbm, ib2_hbm, ip2_hbm],
                  [rate_v, idx_a, idx_b, idx_c], compute2)

        DG = 5
        def dense_destruct(j, carry):
            for d in range(DG):
                sj = (j * DG + d) * LANES
                cv = c1_v[pl.ds(sj, LANES)]
                for rr in range(rows_per_worker):
                    o = rr * N + sj
                    acc_v[pl.ds(o, LANES)] = (acc_v[pl.ds(o, LANES)]
                                              - y_v[pl.ds(o, LANES)] * cv)
            return carry

        lax.fori_loop(0, N // (LANES * DG), dense_destruct, 0)

        pltpu.sync_copy(acc_v, out_hbm.at[pl.ds(base, span)])

    return sc_call


def kernel(t_in, y_in, rates_1st, rates_2nd, inds_r_1st, inds_p_1st,
           inds_r1_2nd, inds_r2_2nd, inds_p_2nd, den_norm):
    del t_in
    B, N = y_in.shape
    R1 = rates_1st.shape[0]
    R2 = rates_2nd.shape[0]
    sc_call = _build_sc_call(B, N, R1, R2)
    den16 = jnp.broadcast_to(den_norm.astype(jnp.float32), (LANES,))
    out_flat = sc_call(
        y_in.reshape(-1),
        rates_1st,
        inds_r_1st.astype(jnp.int32),
        inds_p_1st.astype(jnp.int32),
        rates_2nd,
        inds_r1_2nd.astype(jnp.int32),
        inds_r2_2nd.astype(jnp.int32),
        inds_p_2nd.astype(jnp.int32),
        den16,
    )
    return out_flat.reshape(B, N)

# --- scband reference (transcript-rebuilt; emitter-appended) ---
"""Pipeline reference for scband-constant-rate-term-70128226009315 (READ-ONLY COPY).

The authoritative reference and input builder live on the scoring server;
editing this copy changes nothing except your own understanding.
"""

import jax, jax.numpy as jnp
import numpy as np

N_SPECIES = 10000
R1 = 160000
R2 = 320000
B = 128


def setup_inputs(seed: int = 0) -> dict:
    key = jax.random.key(seed)
    ks = jax.random.split(key, 10)
    t_in = jnp.zeros((1,), jnp.float32)
    y_in = jax.random.uniform(ks[0], (B, N_SPECIES), dtype=jnp.float32)
    # constant rate coefficients produced by rmod_1st() / rmod_2nd()
    rates_1st = jax.random.uniform(ks[1], (R1,), dtype=jnp.float32)
    rates_2nd = jax.random.uniform(ks[2], (R2,), dtype=jnp.float32)
    # reaction matrix (rmat) index buffers used by the Assemblers
    inds_r_1st = jax.random.randint(ks[3], (R1,), 0, N_SPECIES)
    inds_p_1st = jax.random.randint(ks[4], (R1,), 0, N_SPECIES)
    inds_r1_2nd = jax.random.randint(ks[5], (R2,), 0, N_SPECIES)
    inds_r2_2nd = jax.random.randint(ks[6], (R2,), 0, N_SPECIES)
    inds_p_2nd = jax.random.randint(ks[7], (R2,), 0, N_SPECIES)
    den_norm = jnp.ones((1,), jnp.float32)
    return {
        't_in': t_in, 'y_in': y_in,
        'rates_1st': rates_1st, 'rates_2nd': rates_2nd,
        'inds_r_1st': inds_r_1st, 'inds_p_1st': inds_p_1st,
        'inds_r1_2nd': inds_r1_2nd, 'inds_r2_2nd': inds_r2_2nd, 'inds_p_2nd': inds_p_2nd,
        'den_norm': den_norm,
    }


def _assemble_1st(y, rates, inds_r, inds_p):
    # per-reaction rate term: k_j * y[r_j]
    terms = rates[None, :] * y[:, inds_r]
    out = jnp.zeros_like(y)
    out = out.at[:, inds_p].add(terms)   # production of products
    out = out.at[:, inds_r].add(-terms)  # destruction of reactants
    return out


def _assemble_2nd(y, rates, den_norm, inds_r1, inds_r2, inds_p):
    # per-reaction rate term: k_j * y[r1_j] * y[r2_j] * den_norm
    terms = rates[None, :] * y[:, inds_r1] * y[:, inds_r2] * den_norm
    out = jnp.zeros_like(y)
    out = out.at[:, inds_p].add(terms)
    out = out.at[:, inds_r1].add(-terms)
    out = out.at[:, inds_r2].add(-terms)
    return out


def reference(t_in, y_in, rates_1st, rates_2nd, inds_r_1st, inds_p_1st,
              inds_r1_2nd, inds_r2_2nd, inds_p_2nd, den_norm):
    # compute_rates(): rmod_1st()/rmod_2nd() return the constant rate vectors
    out_1st = _assemble_1st(y_in, rates_1st, inds_r_1st, inds_p_1st)
    out_2nd = _assemble_2nd(y_in, rates_2nd, den_norm, inds_r1_2nd, inds_r2_2nd, inds_p_2nd)
    return out_1st + out_2nd

if __name__ == "__main__":
    import jax
    _d = setup_inputs()
    print(jax.jit(kernel)(*tuple(_d.values())))

</pallas_src>

<mosaic_0001>
#map = affine_map<(d0, d1) -> (0)>
module attributes {stable_mosaic.version = 14 : i64} {
  func.func @sc_call(%arg0: i32, %arg1: i32, %arg2: memref<1280000xf32, #tpu.memory_space<hbm>>, %arg3: memref<160000xf32, #tpu.memory_space<hbm>>, %arg4: memref<160000xi32, #tpu.memory_space<hbm>>, %arg5: memref<160000xi32, #tpu.memory_space<hbm>>, %arg6: memref<320000xf32, #tpu.memory_space<hbm>>, %arg7: memref<320000xi32, #tpu.memory_space<hbm>>, %arg8: memref<320000xi32, #tpu.memory_space<hbm>>, %arg9: memref<320000xi32, #tpu.memory_space<hbm>>, %arg10: memref<16xf32, #tpu.memory_space<hbm>>, %arg11: memref<1280000xf32, #tpu.memory_space<hbm>>, %arg12: memref<40000xf32, #tpu.memory_space<vmem>>, %arg13: memref<40000xf32, #tpu.memory_space<vmem>>, %arg14: memref<6400xi32, #tpu.memory_space<vmem>>, %arg15: memref<6400xi32, #tpu.memory_space<vmem>>, %arg16: memref<6400xi32, #tpu.memory_space<vmem>>, %arg17: memref<6400xf32, #tpu.memory_space<vmem>>, %arg18: memref<16xf32, #tpu.memory_space<vmem>>, %arg19: memref<10000xf32, #tpu.memory_space<vmem>>, %arg20: memref<!tpu.dma_semaphore, #tpu.memory_space<semaphore_mem>>, %arg21: memref<!tpu.dma_semaphore, #tpu.memory_space<semaphore_mem>>) attributes {dimension_semantics = [#tpu.dimension_semantics<core_parallel>, #tpu.dimension_semantics<subcore_parallel>], iteration_bounds = array<i64: 2, 16>, scalar_prefetch = 0 : i64, scratch_operands = 10 : i64, tpu.core_type = #tpu.core_type<sc_vector_subcore>, window_params = [{transform_indices = #map}, {transform_indices = #map}, {transform_indices = #map}, {transform_indices = #map}, {transform_indices = #map}, {transform_indices = #map}, {transform_indices = #map}, {transform_indices = #map}, {transform_indices = #map}, {transform_indices = #map}]} {
    %mul3A = arith.constant 2 : i32
    %mul3A_0 = arith.muli %arg1, %mul3A : i32
    %add3A = arith.addi %mul3A_0, %arg0 : i32
    %mul3A_1 = arith.constant 40000 : i32
    %mul3A_2 = arith.muli %add3A, %mul3A_1 : i32
    "tpu.region"() ({
      %run_scoped3A = tpu.sem_alloc : memref<!tpu.dma_semaphore, #tpu.memory_space<semaphore_mem>>
      %dma_start3A_145 = tpu.memref_slice %arg2[%mul3A_2] : memref<1280000xf32, #tpu.memory_space<hbm>> -> memref<40000xf32, #tpu.memory_space<hbm>>
      %dma_start3A_146 = tpu.memref_slice %arg2[%mul3A_2] : memref<1280000xf32, #tpu.memory_space<hbm>> -> memref<40000xf32, #tpu.memory_space<hbm>>
      tpu.enqueue_dma source(%dma_start3A_146 : memref<40000xf32, #tpu.memory_space<hbm>>) target(%arg12 : memref<40000xf32, #tpu.memory_space<vmem>>) target_semaphore(%run_scoped3A : memref<!tpu.dma_semaphore, #tpu.memory_space<semaphore_mem>>)
      %dma_wait3A = tpu.memref_slice %arg2[%mul3A_2] : memref<1280000xf32, #tpu.memory_space<hbm>> -> memref<40000xf32, #tpu.memory_space<hbm>>
      %dma_wait3A_147 = tpu.memref_slice %arg2[%mul3A_2] : memref<1280000xf32, #tpu.memory_space<hbm>> -> memref<40000xf32, #tpu.memory_space<hbm>>
      tpu.wait_dma2 semaphore(%run_scoped3A : memref<!tpu.dma_semaphore, #tpu.memory_space<semaphore_mem>>) src(%dma_wait3A_147 : memref<40000xf32, #tpu.memory_space<hbm>>) dst(%arg12 : memref<40000xf32, #tpu.memory_space<vmem>>)
      tpu.yield
    }) : () -> ()
    "tpu.region"() ({
      %run_scoped3A = tpu.sem_alloc : memref<!tpu.dma_semaphore, #tpu.memory_space<semaphore_mem>>
      tpu.enqueue_dma source(%arg10 : memref<16xf32, #tpu.memory_space<hbm>>) target(%arg18 : memref<16xf32, #tpu.memory_space<vmem>>) target_semaphore(%run_scoped3A : memref<!tpu.dma_semaphore, #tpu.memory_space<semaphore_mem>>)
      tpu.wait_dma2 semaphore(%run_scoped3A : memref<!tpu.dma_semaphore, #tpu.memory_space<semaphore_mem>>) src(%arg10 : memref<16xf32, #tpu.memory_space<hbm>>) dst(%arg18 : memref<16xf32, #tpu.memory_space<vmem>>)
      tpu.yield
    }) : () -> ()
    %get3A = arith.constant 0 : index
    %get3A_3 = tpu.vector_load %arg18[%get3A] {strides = array<i32>} : memref<16xf32, #tpu.memory_space<vmem>>, vector<16xf32>,
    %broadcast_in_dim3A = arith.constant 0.000000e+00 : f32
    %broadcast_in_dim3A_4 = vector.broadcast %broadcast_in_dim3A : f32 to vector<16xf32>
    %scan3A = arith.constant 0 : i32
    %scan3A_5 = arith.constant 0 : i32
    %scan3A_6 = arith.constant 2500 : i32
    %scan3A_7 = arith.addi %scan3A_5, %scan3A_6 : i32
    %scan3A_8 = arith.constant 1 : i32
    scf.for %scan3A_145 = %scan3A_5 to %scan3A_7 step %scan3A_8  : i32 {
      %mul3A_146 = arith.constant 16 : i32
      %mul3A_147 = arith.muli %scan3A_145, %mul3A_146 : i32
      %swap3A = arith.index_cast %mul3A_147 : i32 to index
      %swap3A_148 = tpu.vector_load %arg13[%swap3A] {strides = array<i32>} : memref<40000xf32, #tpu.memory_space<vmem>>, vector<16xf32>,
      tpu.vector_store %arg13[%swap3A], %broadcast_in_dim3A_4 {strides = array<i32>} : memref<40000xf32, #tpu.memory_space<vmem>>, vector<16xf32>,
    }
    %scan3A_9 = arith.constant 2500 : i32
    %scan3A_10 = arith.constant 0 : i32
    %scan3A_11 = arith.constant 0 : i32
    %scan3A_12 = arith.constant 625 : i32
    %scan3A_13 = arith.addi %scan3A_11, %scan3A_12 : i32
    %scan3A_14 = arith.constant 1 : i32
    scf.for %scan3A_145 = %scan3A_11 to %scan3A_13 step %scan3A_14  : i32 {
      %mul3A_146 = arith.constant 16 : i32
      %mul3A_147 = arith.muli %scan3A_145, %mul3A_146 : i32
      %swap3A = arith.index_cast %mul3A_147 : i32 to index
      %swap3A_148 = tpu.vector_load %arg19[%swap3A] {strides = array<i32>} : memref<10000xf32, #tpu.memory_space<vmem>>, vector<16xf32>,
      tpu.vector_store %arg19[%swap3A], %broadcast_in_dim3A_4 {strides = array<i32>} : memref<10000xf32, #tpu.memory_space<vmem>>, vector<16xf32>,
    }
    %scan3A_15 = arith.constant 625 : i32
    %dma_start3A = arith.constant 0 : i32
    %dma_start3A_16 = tpu.memref_slice %arg17[%dma_start3A] : memref<6400xf32, #tpu.memory_space<vmem>> -> memref<3200xf32, #tpu.memory_space<vmem>>
    %dma_start3A_17 = arith.constant 0 : i32
    %dma_start3A_18 = tpu.memref_slice %arg3[%dma_start3A_17] : memref<160000xf32, #tpu.memory_space<hbm>> -> memref<3200xf32, #tpu.memory_space<hbm>>
    %dma_start3A_19 = arith.constant 0 : i32
    %dma_start3A_20 = tpu.memref_slice %arg17[%dma_start3A_19] : memref<6400xf32, #tpu.memory_space<vmem>> -> memref<3200xf32, #tpu.memory_space<vmem>>
    %dma_start3A_21 = arith.constant 0 : i32
    %dma_start3A_22 = tpu.memref_slice %arg3[%dma_start3A_21] : memref<160000xf32, #tpu.memory_space<hbm>> -> memref<3200xf32, #tpu.memory_space<hbm>>
    tpu.enqueue_dma source(%dma_start3A_22 : memref<3200xf32, #tpu.memory_space<hbm>>) target(%dma_start3A_20 : memref<3200xf32, #tpu.memory_space<vmem>>) target_semaphore(%arg20 : memref<!tpu.dma_semaphore, #tpu.memory_space<semaphore_mem>>)
    %dma_start3A_23 = arith.constant 0 : i32
    %dma_start3A_24 = tpu.memref_slice %arg14[%dma_start3A_23] : memref<6400xi32, #tpu.memory_space<vmem>> -> memref<3200xi32, #tpu.memory_space<vmem>>
    %dma_start3A_25 = arith.constant 0 : i32
    %dma_start3A_26 = tpu.memref_slice %arg4[%dma_start3A_25] : memref<160000xi32, #tpu.memory_space<hbm>> -> memref<3200xi32, #tpu.memory_space<hbm>>
    %dma_start3A_27 = arith.constant 0 : i32
    %dma_start3A_28 = tpu.memref_slice %arg14[%dma_start3A_27] : memref<6400xi32, #tpu.memory_space<vmem>> -> memref<3200xi32, #tpu.memory_space<vmem>>
    %dma_start3A_29 = arith.constant 0 : i32
    %dma_start3A_30 = tpu.memref_slice %arg4[%dma_start3A_29] : memref<160000xi32, #tpu.memory_space<hbm>> -> memref<3200xi32, #tpu.memory_space<hbm>>
    tpu.enqueue_dma source(%dma_start3A_30 : memref<3200xi32, #tpu.memory_space<hbm>>) target(%dma_start3A_28 : memref<3200xi32, #tpu.memory_space<vmem>>) target_semaphore(%arg20 : memref<!tpu.dma_semaphore, #tpu.memory_space<semaphore_mem>>)
    %dma_start3A_31 = arith.constant 0 : i32
    %dma_start3A_32 = tpu.memref_slice %arg15[%dma_start3A_31] : memref<6400xi32, #tpu.memory_space<vmem>> -> memref<3200xi32, #tpu.memory_space<vmem>>
    %dma_start3A_33 = arith.constant 0 : i32
    %dma_start3A_34 = tpu.memref_slice %arg5[%dma_start3A_33] : memref<160000xi32, #tpu.memory_space<hbm>> -> memref<3200xi32, #tpu.memory_space<hbm>>
    %dma_start3A_35 = arith.constant 0 : i32
    %dma_start3A_36 = tpu.memref_slice %arg15[%dma_start3A_35] : memref<6400xi32, #tpu.memory_space<vmem>> -> memref<3200xi32, #tpu.memory_space<vmem>>
    %dma_start3A_37 = arith.constant 0 : i32
    %dma_start3A_38 = tpu.memref_slice %arg5[%dma_start3A_37] : memref<160000xi32, #tpu.memory_space<hbm>> -> memref<3200xi32, #tpu.memory_space<hbm>>
    tpu.enqueue_dma source(%dma_start3A_38 : memref<3200xi32, #tpu.memory_space<hbm>>) target(%dma_start3A_36 : memref<3200xi32, #tpu.memory_space<vmem>>) target_semaphore(%arg20 : memref<!tpu.dma_semaphore, #tpu.memory_space<semaphore_mem>>)
    %dma_start3A_39 = arith.constant 3200 : i32
    %dma_start3A_40 = tpu.memref_slice %arg17[%dma_start3A_39] : memref<6400xf32, #tpu.memory_space<vmem>> -> memref<3200xf32, #tpu.memory_space<vmem>>
    %dma_start3A_41 = arith.constant 3200 : i32
    %dma_start3A_42 = tpu.memref_slice %arg3[%dma_start3A_41] : memref<160000xf32, #tpu.memory_space<hbm>> -> memref<3200xf32, #tpu.memory_space<hbm>>
    %dma_start3A_43 = arith.constant 3200 : i32
    %dma_start3A_44 = tpu.memref_slice %arg17[%dma_start3A_43] : memref<6400xf32, #tpu.memory_space<vmem>> -> memref<3200xf32, #tpu.memory_space<vmem>>
    %dma_start3A_45 = arith.constant 3200 : i32
    %dma_start3A_46 = tpu.memref_slice %arg3[%dma_start3A_45] : memref<160000xf32, #tpu.memory_space<hbm>> -> memref<3200xf32, #tpu.memory_space<hbm>>
    tpu.enqueue_dma source(%dma_start3A_46 : memref<3200xf32, #tpu.memory_space<hbm>>) target(%dma_start3A_44 : memref<3200xf32, #tpu.memory_space<vmem>>) target_semaphore(%arg21 : memref<!tpu.dma_semaphore, #tpu.memory_space<semaphore_mem>>)
    %dma_start3A_47 = arith.constant 3200 : i32
    %dma_start3A_48 = tpu.memref_slice %arg14[%dma_start3A_47] : memref<6400xi32, #tpu.memory_space<vmem>> -> memref<3200xi32, #tpu.memory_space<vmem>>
    %dma_start3A_49 = arith.constant 3200 : i32
    %dma_start3A_50 = tpu.memref_slice %arg4[%dma_start3A_49] : memref<160000xi32, #tpu.memory_space<hbm>> -> memref<3200xi32, #tpu.memory_space<hbm>>
    %dma_start3A_51 = arith.constant 3200 : i32
    %dma_start3A_52 = tpu.memref_slice %arg14[%dma_start3A_51] : memref<6400xi32, #tpu.memory_space<vmem>> -> memref<3200xi32, #tpu.memory_space<vmem>>
    %dma_start3A_53 = arith.constant 3200 : i32
    %dma_start3A_54 = tpu.memref_slice %arg4[%dma_start3A_53] : memref<160000xi32, #tpu.memory_space<hbm>> -> memref<3200xi32, #tpu.memory_space<hbm>>
    tpu.enqueue_dma source(%dma_start3A_54 : memref<3200xi32, #tpu.memory_space<hbm>>) target(%dma_start3A_52 : memref<3200xi32, #tpu.memory_space<vmem>>) target_semaphore(%arg21 : memref<!tpu.dma_semaphore, #tpu.memory_space<semaphore_mem>>)
    %dma_start3A_55 = arith.constant 3200 : i32
    %dma_start3A_56 = tpu.memref_slice %arg15[%dma_start3A_55] : memref<6400xi32, #tpu.memory_space<vmem>> -> memref<3200xi32, #tpu.memory_space<vmem>>
    %dma_start3A_57 = arith.constant 3200 : i32
    %dma_start3A_58 = tpu.memref_slice %arg5[%dma_start3A_57] : memref<160000xi32, #tpu.memory_space<hbm>> -> memref<3200xi32, #tpu.memory_space<hbm>>
    %dma_start3A_59 = arith.constant 3200 : i32
    %dma_start3A_60 = tpu.memref_slice %arg15[%dma_start3A_59] : memref<6400xi32, #tpu.memory_space<vmem>> -> memref<3200xi32, #tpu.memory_space<vmem>>
    %dma_start3A_61 = arith.constant 3200 : i32
    %dma_start3A_62 = tpu.memref_slice %arg5[%dma_start3A_61] : memref<160000xi32, #tpu.memory_space<hbm>> -> memref<3200xi32, #tpu.memory_space<hbm>>
    tpu.enqueue_dma source(%dma_start3A_62 : memref<3200xi32, #tpu.memory_space<hbm>>) target(%dma_start3A_60 : memref<3200xi32, #tpu.memory_space<vmem>>) target_semaphore(%arg21 : memref<!tpu.dma_semaphore, #tpu.memory_space<semaphore_mem>>)
    %scan3A_63 = arith.constant 0 : i32
    %scan3A_64 = arith.constant 0 : i32
    %scan3A_65 = arith.constant 25 : i32
    %scan3A_66 = arith.addi %scan3A_64, %scan3A_65 : i32
    %scan3A_67 = arith.constant 1 : i32
    scf.for %scan3A_145 = %scan3A_64 to %scan3A_66 step %scan3A_67  : i32 {
      %mul3A_146 = arith.constant 2 : i32
      %mul3A_147 = arith.muli %scan3A_145, %mul3A_146 : i32
      %add3A_148 = arith.constant 0 : i32
      %add3A_149 = arith.addi %mul3A_147, %add3A_148 : i32
      %mul3A_150 = arith.constant 3200 : i32
      %mul3A_151 = arith.muli %add3A_149, %mul3A_150 : i32
      %dma_wait3A = arith.constant 0 : i32
      %dma_wait3A_152 = tpu.memref_slice %arg17[%dma_wait3A] : memref<6400xf32, #tpu.memory_space<vmem>> -> memref<3200xf32, #tpu.memory_space<vmem>>
      %dma_wait3A_153 = tpu.memref_slice %arg3[%mul3A_151] : memref<160000xf32, #tpu.memory_space<hbm>> -> memref<3200xf32, #tpu.memory_space<hbm>>
      %dma_wait3A_154 = arith.constant 0 : i32
      %dma_wait3A_155 = tpu.memref_slice %arg17[%dma_wait3A_154] : memref<6400xf32, #tpu.memory_space<vmem>> -> memref<3200xf32, #tpu.memory_space<vmem>>
      %dma_wait3A_156 = tpu.memref_slice %arg3[%mul3A_151] : memref<160000xf32, #tpu.memory_space<hbm>> -> memref<3200xf32, #tpu.memory_space<hbm>>
      tpu.wait_dma2 semaphore(%arg20 : memref<!tpu.dma_semaphore, #tpu.memory_space<semaphore_mem>>) src(%dma_wait3A_156 : memref<3200xf32, #tpu.memory_space<hbm>>) dst(%dma_wait3A_155 : memref<3200xf32, #tpu.memory_space<vmem>>)
      %dma_wait3A_157 = arith.constant 0 : i32
      %dma_wait3A_158 = tpu.memref_slice %arg14[%dma_wait3A_157] : memref<6400xi32, #tpu.memory_space<vmem>> -> memref<3200xi32, #tpu.memory_space<vmem>>
      %dma_wait3A_159 = tpu.memref_slice %arg4[%mul3A_151] : memref<160000xi32, #tpu.memory_space<hbm>> -> memref<3200xi32, #tpu.memory_space<hbm>>
      %dma_wait3A_160 = arith.constant 0 : i32
      %dma_wait3A_161 = tpu.memref_slice %arg14[%dma_wait3A_160] : memref<6400xi32, #tpu.memory_space<vmem>> -> memref<3200xi32, #tpu.memory_space<vmem>>
      %dma_wait3A_162 = tpu.memref_slice %arg4[%mul3A_151] : memref<160000xi32, #tpu.memory_space<hbm>> -> memref<3200xi32, #tpu.memory_space<hbm>>
      tpu.wait_dma2 semaphore(%arg20 : memref<!tpu.dma_semaphore, #tpu.memory_space<semaphore_mem>>) src(%dma_wait3A_162 : memref<3200xi32, #tpu.memory_space<hbm>>) dst(%dma_wait3A_161 : memref<3200xi32, #tpu.memory_space<vmem>>)
      %dma_wait3A_163 = arith.constant 0 : i32
      %dma_wait3A_164 = tpu.memref_slice %arg15[%dma_wait3A_163] : memref<6400xi32, #tpu.memory_space<vmem>> -> memref<3200xi32, #tpu.memory_space<vmem>>
      %dma_wait3A_165 = tpu.memref_slice %arg5[%mul3A_151] : memref<160000xi32, #tpu.memory_space<hbm>> -> memref<3200xi32, #tpu.memory_space<hbm>>
      %dma_wait3A_166 = arith.constant 0 : i32
      %dma_wait3A_167 = tpu.memref_slice %arg15[%dma_wait3A_166] : memref<6400xi32, #tpu.memory_space<vmem>> -> memref<3200xi32, #tpu.memory_space<vmem>>
      %dma_wait3A_168 = tpu.memref_slice %arg5[%mul3A_151] : memref<160000xi32, #tpu.memory_space<hbm>> -> memref<3200xi32, #tpu.memory_space<hbm>>
      tpu.wait_dma2 semaphore(%arg20 : memref<!tpu.dma_semaphore, #tpu.memory_space<semaphore_mem>>) src(%dma_wait3A_168 : memref<3200xi32, #tpu.memory_space<hbm>>) dst(%dma_wait3A_167 : memref<3200xi32, #tpu.memory_space<vmem>>)
      %scan3A_169 = arith.constant 0 : i32
      %scan3A_170 = arith.constant 0 : i32
      %scan3A_171 = arith.constant 25 : i32
      %scan3A_172 = arith.addi %scan3A_170, %scan3A_171 : i32
      %scan3A_173 = arith.constant 1 : i32
      scf.for %scan3A_214 = %scan3A_170 to %scan3A_172 step %scan3A_173  : i32 {
        %mul3A_215 = arith.constant 128 : i32
        %mul3A_216 = arith.muli %scan3A_214, %mul3A_215 : i32
        %add3A_217 = arith.constant 0 : i32
        %add3A_218 = arith.addi %add3A_217, %mul3A_216 : i32
        %add3A_219 = arith.constant 0 : i32
        %add3A_220 = arith.addi %add3A_218, %add3A_219 : i32
        %get3A_221 = arith.index_cast %add3A_220 : i32 to index
        %get3A_222 = tpu.vector_load %arg14[%get3A_221] {strides = array<i32>} : memref<6400xi32, #tpu.memory_space<vmem>>, vector<16xi32>,
        %get3A_223 = arith.index_cast %add3A_220 : i32 to index
        %get3A_224 = tpu.vector_load %arg15[%get3A_223] {strides = array<i32>} : memref<6400xi32, #tpu.memory_space<vmem>>, vector<16xi32>,
        %get3A_225 = arith.index_cast %add3A_220 : i32 to index
        %get3A_226 = tpu.vector_load %arg17[%get3A_225] {strides = array<i32>} : memref<6400xf32, #tpu.memory_space<vmem>>, vector<16xf32>,
        %add3A_227 = arith.constant 16 : i32
        %add3A_228 = arith.addi %add3A_218, %add3A_227 : i32
        %get3A_229 = arith.index_cast %add3A_228 : i32 to index
        %get3A_230 = tpu.vector_load %arg14[%get3A_229] {strides = array<i32>} : memref<6400xi32, #tpu.memory_space<vmem>>, vector<16xi32>,
        %get3A_231 = arith.index_cast %add3A_228 : i32 to index
        %get3A_232 = tpu.vector_load %arg15[%get3A_231] {strides = array<i32>} : memref<6400xi32, #tpu.memory_space<vmem>>, vector<16xi32>,
        %get3A_233 = arith.index_cast %add3A_228 : i32 to index
        %get3A_234 = tpu.vector_load %arg17[%get3A_233] {strides = array<i32>} : memref<6400xf32, #tpu.memory_space<vmem>>, vector<16xf32>,
        %add3A_235 = arith.constant 32 : i32
        %add3A_236 = arith.addi %add3A_218, %add3A_235 : i32
        %get3A_237 = arith.index_cast %add3A_236 : i32 to index
        %get3A_238 = tpu.vector_load %arg14[%get3A_237] {strides = array<i32>} : memref<6400xi32, #tpu.memory_space<vmem>>, vector<16xi32>,
        %get3A_239 = arith.index_cast %add3A_236 : i32 to index
        %get3A_240 = tpu.vector_load %arg15[%get3A_239] {strides = array<i32>} : memref<6400xi32, #tpu.memory_space<vmem>>, vector<16xi32>,
        %get3A_241 = arith.index_cast %add3A_236 : i32 to index
        %get3A_242 = tpu.vector_load %arg17[%get3A_241] {strides = array<i32>} : memref<6400xf32, #tpu.memory_space<vmem>>, vector<16xf32>,
        %add3A_243 = arith.constant 48 : i32
        %add3A_244 = arith.addi %add3A_218, %add3A_243 : i32
        %get3A_245 = arith.index_cast %add3A_244 : i32 to index
        %get3A_246 = tpu.vector_load %arg14[%get3A_245] {strides = array<i32>} : memref<6400xi32, #tpu.memory_space<vmem>>, vector<16xi32>,
        %get3A_247 = arith.index_cast %add3A_244 : i32 to index
        %get3A_248 = tpu.vector_load %arg15[%get3A_247] {strides = array<i32>} : memref<6400xi32, #tpu.memory_space<vmem>>, vector<16xi32>,
        %get3A_249 = arith.index_cast %add3A_244 : i32 to index
        %get3A_250 = tpu.vector_load %arg17[%get3A_249] {strides = array<i32>} : memref<6400xf32, #tpu.memory_space<vmem>>, vector<16xf32>,
        %add3A_251 = arith.constant 64 : i32
        %add3A_252 = arith.addi %add3A_218, %add3A_251 : i32
        %get3A_253 = arith.index_cast %add3A_252 : i32 to index
        %get3A_254 = tpu.vector_load %arg14[%get3A_253] {strides = array<i32>} : memref<6400xi32, #tpu.memory_space<vmem>>, vector<16xi32>,
        %get3A_255 = arith.index_cast %add3A_252 : i32 to index
        %get3A_256 = tpu.vector_load %arg15[%get3A_255] {strides = array<i32>} : memref<6400xi32, #tpu.memory_space<vmem>>, vector<16xi32>,
        %get3A_257 = arith.index_cast %add3A_252 : i32 to index
        %get3A_258 = tpu.vector_load %arg17[%get3A_257] {strides = array<i32>} : memref<6400xf32, #tpu.memory_space<vmem>>, vector<16xf32>,
        %add3A_259 = arith.constant 80 : i32
        %add3A_260 = arith.addi %add3A_218, %add3A_259 : i32
        %get3A_261 = arith.index_cast %add3A_260 : i32 to index
        %get3A_262 = tpu.vector_load %arg14[%get3A_261] {strides = array<i32>} : memref<6400xi32, #tpu.memory_space<vmem>>, vector<16xi32>,
        %get3A_263 = arith.index_cast %add3A_260 : i32 to index
        %get3A_264 = tpu.vector_load %arg15[%get3A_263] {strides = array<i32>} : memref<6400xi32, #tpu.memory_space<vmem>>, vector<16xi32>,
        %get3A_265 = arith.index_cast %add3A_260 : i32 to index
        %get3A_266 = tpu.vector_load %arg17[%get3A_265] {strides = array<i32>} : memref<6400xf32, #tpu.memory_space<vmem>>, vector<16xf32>,
        %add3A_267 = arith.constant 96 : i32
        %add3A_268 = arith.addi %add3A_218, %add3A_267 : i32
        %get3A_269 = arith.index_cast %add3A_268 : i32 to index
        %get3A_270 = tpu.vector_load %arg14[%get3A_269] {strides = array<i32>} : memref<6400xi32, #tpu.memory_space<vmem>>, vector<16xi32>,
        %get3A_271 = arith.index_cast %add3A_268 : i32 to index
        %get3A_272 = tpu.vector_load %arg15[%get3A_271] {strides = array<i32>} : memref<6400xi32, #tpu.memory_space<vmem>>, vector<16xi32>,
        %get3A_273 = arith.index_cast %add3A_268 : i32 to index
        %get3A_274 = tpu.vector_load %arg17[%get3A_273] {strides = array<i32>} : memref<6400xf32, #tpu.memory_space<vmem>>, vector<16xf32>,
        %add3A_275 = arith.constant 112 : i32
        %add3A_276 = arith.addi %add3A_218, %add3A_275 : i32
        %get3A_277 = arith.index_cast %add3A_276 : i32 to index
        %get3A_278 = tpu.vector_load %arg14[%get3A_277] {strides = array<i32>} : memref<6400xi32, #tpu.memory_space<vmem>>, vector<16xi32>,
        %get3A_279 = arith.index_cast %add3A_276 : i32 to index
        %get3A_280 = tpu.vector_load %arg15[%get3A_279] {strides = array<i32>} : memref<6400xi32, #tpu.memory_space<vmem>>, vector<16xi32>,
        %get3A_281 = arith.index_cast %add3A_276 : i32 to index
        %get3A_282 = tpu.vector_load %arg17[%get3A_281] {strides = array<i32>} : memref<6400xf32, #tpu.memory_space<vmem>>, vector<16xf32>,
        tpu.vector_store_idx %arg19[%get3A_222], %get3A_226 {add = true} : memref<10000xf32, #tpu.memory_space<vmem>>[vector<16xi32>], vector<16xf32>,
        tpu.vector_store_idx %arg19[%get3A_230], %get3A_234 {add = true} : memref<10000xf32, #tpu.memory_space<vmem>>[vector<16xi32>], vector<16xf32>,
        tpu.vector_store_idx %arg19[%get3A_238], %get3A_242 {add = true} : memref<10000xf32, #tpu.memory_space<vmem>>[vector<16xi32>], vector<16xf32>,
        tpu.vector_store_idx %arg19[%get3A_246], %get3A_250 {add = true} : memref<10000xf32, #tpu.memory_space<vmem>>[vector<16xi32>], vector<16xf32>,
        tpu.vector_store_idx %arg19[%get3A_254], %get3A_258 {add = true} : memref<10000xf32, #tpu.memory_space<vmem>>[vector<16xi32>], vector<16xf32>,
        tpu.vector_store_idx %arg19[%get3A_262], %get3A_266 {add = true} : memref<10000xf32, #tpu.memory_space<vmem>>[vector<16xi32>], vector<16xf32>,
        tpu.vector_store_idx %arg19[%get3A_270], %get3A_274 {add = true} : memref<10000xf32, #tpu.memory_space<vmem>>[vector<16xi32>], vector<16xf32>,
        tpu.vector_store_idx %arg19[%get3A_278], %get3A_282 {add = true} : memref<10000xf32, #tpu.memory_space<vmem>>[vector<16xi32>], vector<16xf32>,
        %gather3A = arith.constant 0 : i32
        %gather3A_283 = tpu.memref_slice %arg12[%gather3A] : memref<40000xf32, #tpu.memory_space<vmem>> -> memref<10000xf32, #tpu.memory_space<vmem>>
        %gather3A_284 = tpu.vector_load_idx %gather3A_283[%get3A_222] : memref<10000xf32, #tpu.memory_space<vmem>>[vector<16xi32>], vector<16xf32>,
        %mul3A_285 = arith.mulf %get3A_226, %gather3A_284 : vector<16xf32>
        %gather3A_286 = arith.constant 0 : i32
        %gather3A_287 = tpu.memref_slice %arg12[%gather3A_286] : memref<40000xf32, #tpu.memory_space<vmem>> -> memref<10000xf32, #tpu.memory_space<vmem>>
        %gather3A_288 = tpu.vector_load_idx %gather3A_287[%get3A_230] : memref<10000xf32, #tpu.memory_space<vmem>>[vector<16xi32>], vector<16xf32>,
        %mul3A_289 = arith.mulf %get3A_234, %gather3A_288 : vector<16xf32>
        %gather3A_290 = arith.constant 0 : i32
        %gather3A_291 = tpu.memref_slice %arg12[%gather3A_290] : memref<40000xf32, #tpu.memory_space<vmem>> -> memref<10000xf32, #tpu.memory_space<vmem>>
        %gather3A_292 = tpu.vector_load_idx %gather3A_291[%get3A_238] : memref<10000xf32, #tpu.memory_space<vmem>>[vector<16xi32>], vector<16xf32>,
        %mul3A_293 = arith.mulf %get3A_242, %gather3A_292 : vector<16xf32>
        %gather3A_294 = arith.constant 0 : i32
        %gather3A_295 = tpu.memref_slice %arg12[%gather3A_294] : memref<40000xf32, #tpu.memory_space<vmem>> -> memref<10000xf32, #tpu.memory_space<vmem>>
        %gather3A_296 = tpu.vector_load_idx %gather3A_295[%get3A_246] : memref<10000xf32, #tpu.memory_space<vmem>>[vector<16xi32>], vector<16xf32>,
        %mul3A_297 = arith.mulf %get3A_250, %gather3A_296 : vector<16xf32>
        %gather3A_298 = arith.constant 0 : i32
        %gather3A_299 = tpu.memref_slice %arg12[%gather3A_298] : memref<40000xf32, #tpu.memory_space<vmem>> -> memref<10000xf32, #tpu.memory_space<vmem>>
        %gather3A_300 = tpu.vector_load_idx %gather3A_299[%get3A_254] : memref<10000xf32, #tpu.memory_space<vmem>>[vector<16xi32>], vector<16xf32>,
        %mul3A_301 = arith.mulf %get3A_258, %gather3A_300 : vector<16xf32>
        %gather3A_302 = arith.constant 0 : i32
        %gather3A_303 = tpu.memref_slice %arg12[%gather3A_302] : memref<40000xf32, #tpu.memory_space<vmem>> -> memref<10000xf32, #tpu.memory_space<vmem>>
        %gather3A_304 = tpu.vector_load_idx %gather3A_303[%get3A_262] : memref<10000xf32, #tpu.memory_space<vmem>>[vector<16xi32>], vector<16xf32>,
        %mul3A_305 = arith.mulf %get3A_266, %gather3A_304 : vector<16xf32>
        %gather3A_306 = arith.constant 0 : i32
        %gather3A_307 = tpu.memref_slice %arg12[%gather3A_306] : memref<40000xf32, #tpu.memory_space<vmem>> -> memref<10000xf32, #tpu.memory_space<vmem>>
        %gather3A_308 = tpu.vector_load_idx %gather3A_307[%get3A_270] : memref<10000xf32, #tpu.memory_space<vmem>>[vector<16xi32>], vector<16xf32>,
        %mul3A_309 = arith.mulf %get3A_274, %gather3A_308 : vector<16xf32>
        %gather3A_310 = arith.constant 0 : i32
        %gather3A_311 = tpu.memref_slice %arg12[%gather3A_310] : memref<40000xf32, #tpu.memory_space<vmem>> -> memref<10000xf32, #tpu.memory_space<vmem>>
        %gather3A_312 = tpu.vector_load_idx %gather3A_311[%get3A_278] : memref<10000xf32, #tpu.memory_space<vmem>>[vector<16xi32>], vector<16xf32>,
        %mul3A_313 = arith.mulf %get3A_282, %gather3A_312 : vector<16xf32>
        %scatter3A = arith.constant 0 : i32
        %scatter3A_314 = tpu.memref_slice %arg13[%scatter3A] : memref<40000xf32, #tpu.memory_space<vmem>> -> memref<10000xf32, #tpu.memory_space<vmem>>
        tpu.vector_store_idx %scatter3A_314[%get3A_224], %mul3A_285 {add = true} : memref<10000xf32, #tpu.memory_space<vmem>>[vector<16xi32>], vector<16xf32>,
        %scatter3A_315 = arith.constant 0 : i32
        %scatter3A_316 = tpu.memref_slice %arg13[%scatter3A_315] : memref<40000xf32, #tpu.memory_space<vmem>> -> memref<10000xf32, #tpu.memory_space<vmem>>
        tpu.vector_store_idx %scatter3A_316[%get3A_232], %mul3A_289 {add = true} : memref<10000xf32, #tpu.memory_space<vmem>>[vector<16xi32>], vector<16xf32>,
        %scatter3A_317 = arith.constant 0 : i32
        %scatter3A_318 = tpu.memref_slice %arg13[%scatter3A_317] : memref<40000xf32, #tpu.memory_space<vmem>> -> memref<10000xf32, #tpu.memory_space<vmem>>
        tpu.vector_store_idx %scatter3A_318[%get3A_240], %mul3A_293 {add = true} : memref<10000xf32, #tpu.memory_space<vmem>>[vector<16xi32>], vector<16xf32>,
        %scatter3A_319 = arith.constant 0 : i32
        %scatter3A_320 = tpu.memref_slice %arg13[%scatter3A_319] : memref<40000xf32, #tpu.memory_space<vmem>> -> memref<10000xf32, #tpu.memory_space<vmem>>
        tpu.vector_store_idx %scatter3A_320[%get3A_248], %mul3A_297 {add = true} : memref<10000xf32, #tpu.memory_space<vmem>>[vector<16xi32>], vector<16xf32>,
        %scatter3A_321 = arith.constant 0 : i32
        %scatter3A_322 = tpu.memref_slice %arg13[%scatter3A_321] : memref<40000xf32, #tpu.memory_space<vmem>> -> memref<10000xf32, #tpu.memory_space<vmem>>
        tpu.vector_store_idx %scatter3A_322[%get3A_256], %mul3A_301 {add = true} : memref<10000xf32, #tpu.memory_space<vmem>>[vector<16xi32>], vector<16xf32>,
        %scatter3A_323 = arith.constant 0 : i32
        %scatter3A_324 = tpu.memref_slice %arg13[%scatter3A_323] : memref<40000xf32, #tpu.memory_space<vmem>> -> memref<10000xf32, #tpu.memory_space<vmem>>
        tpu.vector_store_idx %scatter3A_324[%get3A_264], %mul3A_305 {add = true} : memref<10000xf32, #tpu.memory_space<vmem>>[vector<16xi32>], vector<16xf32>,
        %scatter3A_325 = arith.constant 0 : i32
        %scatter3A_326 = tpu.memref_slice %arg13[%scatter3A_325] : memref<40000xf32, #tpu.memory_space<vmem>> -> memref<10000xf32, #tpu.memory_space<vmem>>
        tpu.vector_store_idx %scatter3A_326[%get3A_272], %mul3A_309 {add = true} : memref<10000xf32, #tpu.memory_space<vmem>>[vector<16xi32>], vector<16xf32>,
        %scatter3A_327 = arith.constant 0 : i32
        %scatter3A_328 = tpu.memref_slice %arg13[%scatter3A_327] : memref<40000xf32, #tpu.memory_space<vmem>> -> memref<10000xf32, #tpu.memory_space<vmem>>
        tpu.vector_store_idx %scatter3A_328[%get3A_280], %mul3A_313 {add = true} : memref<10000xf32, #tpu.memory_space<vmem>>[vector<16xi32>], vector<16xf32>,
        %gather3A_329 = arith.constant 10000 : i32
        %gather3A_330 = tpu.memref_slice %arg12[%gather3A_329] : memref<40000xf32, #tpu.memory_space<vmem>> -> memref<10000xf32, #tpu.memory_space<vmem>>
        %gather3A_331 = tpu.vector_load_idx %gather3A_330[%get3A_222] : memref<10000xf32, #tpu.memory_space<vmem>>[vector<16xi32>], vector<16xf32>,
        %mul3A_332 = arith.mulf %get3A_226, %gather3A_331 : vector<16xf32>
        %gather3A_333 = arith.constant 10000 : i32
        %gather3A_334 = tpu.memref_slice %arg12[%gather3A_333] : memref<40000xf32, #tpu.memory_space<vmem>> -> memref<10000xf32, #tpu.memory_space<vmem>>
        %gather3A_335 = tpu.vector_load_idx %gather3A_334[%get3A_230] : memref<10000xf32, #tpu.memory_space<vmem>>[vector<16xi32>], vector<16xf32>,
        %mul3A_336 = arith.mulf %get3A_234, %gather3A_335 : vector<16xf32>
        %gather3A_337 = arith.constant 10000 : i32
        %gather3A_338 = tpu.memref_slice %arg12[%gather3A_337] : memref<40000xf32, #tpu.memory_space<vmem>> -> memref<10000xf32, #tpu.memory_space<vmem>>
        %gather3A_339 = tpu.vector_load_idx %gather3A_338[%get3A_238] : memref<10000xf32, #tpu.memory_space<vmem>>[vector<16xi32>], vector<16xf32>,
        %mul3A_340 = arith.mulf %get3A_242, %gather3A_339 : vector<16xf32>
        %gather3A_341 = arith.constant 10000 : i32
        %gather3A_342 = tpu.memref_slice %arg12[%gather3A_341] : memref<40000xf32, #tpu.memory_space<vmem>> -> memref<10000xf32, #tpu.memory_space<vmem>>
        %gather3A_343 = tpu.vector_load_idx %gather3A_342[%get3A_246] : memref<10000xf32, #tpu.memory_space<vmem>>[vector<16xi32>], vector<16xf32>,
        %mul3A_344 = arith.mulf %get3A_250, %gather3A_343 : vector<16xf32>
        %gather3A_345 = arith.constant 10000 : i32
        %gather3A_346 = tpu.memref_slice %arg12[%gather3A_345] : memref<40000xf32, #tpu.memory_space<vmem>> -> memref<10000xf32, #tpu.memory_space<vmem>>
        %gather3A_347 = tpu.vector_load_idx %gather3A_346[%get3A_254] : memref<10000xf32, #tpu.memory_space<vmem>>[vector<16xi32>], vector<16xf32>,
        %mul3A_348 = arith.mulf %get3A_258, %gather3A_347 : vector<16xf32>
        %gather3A_349 = arith.constant 10000 : i32
        %gather3A_350 = tpu.memref_slice %arg12[%gather3A_349] : memref<40000xf32, #tpu.memory_space<vmem>> -> memref<10000xf32, #tpu.memory_space<vmem>>
        %gather3A_351 = tpu.vector_load_idx %gather3A_350[%get3A_262] : memref<10000xf32, #tpu.memory_space<vmem>>[vector<16xi32>], vector<16xf32>,
        %mul3A_352 = arith.mulf %get3A_266, %gather3A_351 : vector<16xf32>
        %gather3A_353 = arith.constant 10000 : i32
        %gather3A_354 = tpu.memref_slice %arg12[%gather3A_353] : memref<40000xf32, #tpu.memory_space<vmem>> -> memref<10000xf32, #tpu.memory_space<vmem>>
        %gather3A_355 = tpu.vector_load_idx %gather3A_354[%get3A_270] : memref<10000xf32, #tpu.memory_space<vmem>>[vector<16xi32>], vector<16xf32>,
        %mul3A_356 = arith.mulf %get3A_274, %gather3A_355 : vector<16xf32>
        %gather3A_357 = arith.constant 10000 : i32
        %gather3A_358 = tpu.memref_slice %arg12[%gather3A_357] : memref<40000xf32, #tpu.memory_space<vmem>> -> memref<10000xf32, #tpu.memory_space<vmem>>
        %gather3A_359 = tpu.vector_load_idx %gather3A_358[%get3A_278] : memref<10000xf32, #tpu.memory_space<vmem>>[vector<16xi32>], vector<16xf32>,
        %mul3A_360 = arith.mulf %get3A_282, %gather3A_359 : vector<16xf32>
        %scatter3A_361 = arith.constant 10000 : i32
        %scatter3A_362 = tpu.memref_slice %arg13[%scatter3A_361] : memref<40000xf32, #tpu.memory_space<vmem>> -> memref<10000xf32, #tpu.memory_space<vmem>>
        tpu.vector_store_idx %scatter3A_362[%get3A_224], %mul3A_332 {add = true} : memref<10000xf32, #tpu.memory_space<vmem>>[vector<16xi32>], vector<16xf32>,
        %scatter3A_363 = arith.constant 10000 : i32
        %scatter3A_364 = tpu.memref_slice %arg13[%scatter3A_363] : memref<40000xf32, #tpu.memory_space<vmem>> -> memref<10000xf32, #tpu.memory_space<vmem>>
        tpu.vector_store_idx %scatter3A_364[%get3A_232], %mul3A_336 {add = true} : memref<10000xf32, #tpu.memory_space<vmem>>[vector<16xi32>], vector<16xf32>,
        %scatter3A_365 = arith.constant 10000 : i32
        %scatter3A_366 = tpu.memref_slice %arg13[%scatter3A_365] : memref<40000xf32, #tpu.memory_space<vmem>> -> memref<10000xf32, #tpu.memory_space<vmem>>
        tpu.vector_store_idx %scatter3A_366[%get3A_240], %mul3A_340 {add = true} : memref<10000xf32, #tpu.memory_space<vmem>>[vector<16xi32>], vector<16xf32>,
        %scatter3A_367 = arith.constant 10000 : i32
        %scatter3A_368 = tpu.memref_slice %arg13[%scatter3A_367] : memref<40000xf32, #tpu.memory_space<vmem>> -> memref<10000xf32, #tpu.memory_space<vmem>>
        tpu.vector_store_idx %scatter3A_368[%get3A_248], %mul3A_344 {add = true} : memref<10000xf32, #tpu.memory_space<vmem>>[vector<16xi32>], vector<16xf32>,
        %scatter3A_369 = arith.constant 10000 : i32
        %scatter3A_370 = tpu.memref_slice %arg13[%scatter3A_369] : memref<40000xf32, #tpu.memory_space<vmem>> -> memref<10000xf32, #tpu.memory_space<vmem>>
        tpu.vector_store_idx %scatter3A_370[%get3A_256], %mul3A_348 {add = true} : memref<10000xf32, #tpu.memory_space<vmem>>[vector<16xi32>], vector<16xf32>,
        %scatter3A_371 = arith.constant 10000 : i32
        %scatter3A_372 = tpu.memref_slice %arg13[%scatter3A_371] : memref<40000xf32, #tpu.memory_space<vmem>> -> memref<10000xf32, #tpu.memory_space<vmem>>
        tpu.vector_store_idx %scatter3A_372[%get3A_264], %mul3A_352 {add = true} : memref<10000xf32, #tpu.memory_space<vmem>>[vector<16xi32>], vector<16xf32>,
        %scatter3A_373 = arith.constant 10000 : i32
        %scatter3A_374 = tpu.memref_slice %arg13[%scatter3A_373] : memref<40000xf32, #tpu.memory_space<vmem>> -> memref<10000xf32, #tpu.memory_space<vmem>>
        tpu.vector_store_idx %scatter3A_374[%get3A_272], %mul3A_356 {add = true} : memref<10000xf32, #tpu.memory_space<vmem>>[vector<16xi32>], vector<16xf32>,
        %scatter3A_375 = arith.constant 10000 : i32
        %scatter3A_376 = tpu.memref_slice %arg13[%scatter3A_375] : memref<40000xf32, #tpu.memory_space<vmem>> -> memref<10000xf32, #tpu.memory_space<vmem>>
        tpu.vector_store_idx %scatter3A_376[%get3A_280], %mul3A_360 {add = true} : memref<10000xf32, #tpu.memory_space<vmem>>[vector<16xi32>], vector<16xf32>,
        %gather3A_377 = arith.constant 20000 : i32
        %gather3A_378 = tpu.memref_slice %arg12[%gather3A_377] : memref<40000xf32, #tpu.memory_space<vmem>> -> memref<10000xf32, #tpu.memory_space<vmem>>
        %gather3A_379 = tpu.vector_load_idx %gather3A_378[%get3A_222] : memref<10000xf32, #tpu.memory_space<vmem>>[vector<16xi32>], vector<16xf32>,
        %mul3A_380 = arith.mulf %get3A_226, %gather3A_379 : vector<16xf32>
        %gather3A_381 = arith.constant 20000 : i32
        %gather3A_382 = tpu.memref_slice %arg12[%gather3A_381] : memref<40000xf32, #tpu.memory_space<vmem>> -> memref<10000xf32, #tpu.memory_space<vmem>>
        %gather3A_383 = tpu.vector_load_idx %gather3A_382[%get3A_230] : memref<10000xf32, #tpu.memory_space<vmem>>[vector<16xi32>], vector<16xf32>,
        %mul3A_384 = arith.mulf %get3A_234, %gather3A_383 : vector<16xf32>
        %gather3A_385 = arith.constant 20000 : i32
        %gather3A_386 = tpu.memref_slice %arg12[%gather3A_385] : memref<40000xf32, #tpu.memory_space<vmem>> -> memref<10000xf32, #tpu.memory_space<vmem>>
        %gather3A_387 = tpu.vector_load_idx %gather3A_386[%get3A_238] : memref<10000xf32, #tpu.memory_space<vmem>>[vector<16xi32>], vector<16xf32>,
        %mul3A_388 = arith.mulf %get3A_242, %gather3A_387 : vector<16xf32>
        %gather3A_389 = arith.constant 20000 : i32
        %gather3A_390 = tpu.memref_slice %arg12[%gather3A_389] : memref<40000xf32, #tpu.memory_space<vmem>> -> memref<10000xf32, #tpu.memory_space<vmem>>
        %gather3A_391 = tpu.vector_load_idx %gather3A_390[%get3A_246] : memref<10000xf32, #tpu.memory_space<vmem>>[vector<16xi32>], vector<16xf32>,
        %mul3A_392 = arith.mulf %get3A_250, %gather3A_391 : vector<16xf32>
        %gather3A_393 = arith.constant 20000 : i32
        %gather3A_394 = tpu.memref_slice %arg12[%gather3A_393] : memref<40000xf32, #tpu.memory_space<vmem>> -> memref<10000xf32, #tpu.memory_space<vmem>>
        %gather3A_395 = tpu.vector_load_idx %gather3A_394[%get3A_254] : memref<10000xf32, #tpu.memory_space<vmem>>[vector<16xi32>], vector<16xf32>,
        %mul3A_396 = arith.mulf %get3A_258, %gather3A_395 : vector<16xf32>
        %gather3A_397 = arith.constant 20000 : i32
        %gather3A_398 = tpu.memref_slice %arg12[%gather3A_397] : memref<40000xf32, #tpu.memory_space<vmem>> -> memref<10000xf32, #tpu.memory_space<vmem>>
        %gather3A_399 = tpu.vector_load_idx %gather3A_398[%get3A_262] : memref<10000xf32, #tpu.memory_space<vmem>>[vector<16xi32>], vector<16xf32>,
        %mul3A_400 = arith.mulf %get3A_266, %gather3A_399 : vector<16xf32>
        %gather3A_401 = arith.constant 20000 : i32
        %gather3A_402 = tpu.memref_slice %arg12[%gather3A_401] : memref<40000xf32, #tpu.memory_space<vmem>> -> memref<10000xf32, #tpu.memory_space<vmem>>
        %gather3A_403 = tpu.vector_load_idx %gather3A_402[%get3A_270] : memref<10000xf32, #tpu.memory_space<vmem>>[vector<16xi32>], vector<16xf32>,
        %mul3A_404 = arith.mulf %get3A_274, %gather3A_403 : vector<16xf32>
        %gather3A_405 = arith.constant 20000 : i32
        %gather3A_406 = tpu.memref_slice %arg12[%gather3A_405] : memref<40000xf32, #tpu.memory_space<vmem>> -> memref<10000xf32, #tpu.memory_space<vmem>>
        %gather3A_407 = tpu.vector_load_idx %gather3A_406[%get3A_278] : memref<10000xf32, #tpu.memory_space<vmem>>[vector<16xi32>], vector<16xf32>,
        %mul3A_408 = arith.mulf %get3A_282, %gather3A_407 : vector<16xf32>
        %scatter3A_409 = arith.constant 20000 : i32
        %scatter3A_410 = tpu.memref_slice %arg13[%scatter3A_409] : memref<40000xf32, #tpu.memory_space<vmem>> -> memref<10000xf32, #tpu.memory_space<vmem>>
        tpu.vector_store_idx %scatter3A_410[%get3A_224], %mul3A_380 {add = true} : memref<10000xf32, #tpu.memory_space<vmem>>[vector<16xi32>], vector<16xf32>,
        %scatter3A_411 = arith.constant 20000 : i32
        %scatter3A_412 = tpu.memref_slice %arg13[%scatter3A_411] : memref<40000xf32, #tpu.memory_space<vmem>> -> memref<10000xf32, #tpu.memory_space<vmem>>
        tpu.vector_store_idx %scatter3A_412[%get3A_232], %mul3A_384 {add = true} : memref<10000xf32, #tpu.memory_space<vmem>>[vector<16xi32>], vector<16xf32>,
        %scatter3A_413 = arith.constant 20000 : i32
        %scatter3A_414 = tpu.memref_slice %arg13[%scatter3A_413] : memref<40000xf32, #tpu.memory_space<vmem>> -> memref<10000xf32, #tpu.memory_space<vmem>>
        tpu.vector_store_idx %scatter3A_414[%get3A_240], %mul3A_388 {add = true} : memref<10000xf32, #tpu.memory_space<vmem>>[vector<16xi32>], vector<16xf32>,
        %scatter3A_415 = arith.constant 20000 : i32
        %scatter3A_416 = tpu.memref_slice %arg13[%scatter3A_415] : memref<40000xf32, #tpu.memory_space<vmem>> -> memref<10000xf32, #tpu.memory_space<vmem>>
        tpu.vector_store_idx %scatter3A_416[%get3A_248], %mul3A_392 {add = true} : memref<10000xf32, #tpu.memory_space<vmem>>[vector<16xi32>], vector<16xf32>,
        %scatter3A_417 = arith.constant 20000 : i32
        %scatter3A_418 = tpu.memref_slice %arg13[%scatter3A_417] : memref<40000xf32, #tpu.memory_space<vmem>> -> memref<10000xf32, #tpu.memory_space<vmem>>
        tpu.vector_store_idx %scatter3A_418[%get3A_256], %mul3A_396 {add = true} : memref<10000xf32, #tpu.memory_space<vmem>>[vector<16xi32>], vector<16xf32>,
        %scatter3A_419 = arith.constant 20000 : i32
        %scatter3A_420 = tpu.memref_slice %arg13[%scatter3A_419] : memref<40000xf32, #tpu.memory_space<vmem>> -> memref<10000xf32, #tpu.memory_space<vmem>>
        tpu.vector_store_idx %scatter3A_420[%get3A_264], %mul3A_400 {add = true} : memref<10000xf32, #tpu.memory_space<vmem>>[vector<16xi32>], vector<16xf32>,
        %scatter3A_421 = arith.constant 20000 : i32
        %scatter3A_422 = tpu.memref_slice %arg13[%scatter3A_421] : memref<40000xf32, #tpu.memory_space<vmem>> -> memref<10000xf32, #tpu.memory_space<vmem>>
        tpu.vector_store_idx %scatter3A_422[%get3A_272], %mul3A_404 {add = true} : memref<10000xf32, #tpu.memory_space<vmem>>[vector<16xi32>], vector<16xf32>,
        %scatter3A_423 = arith.constant 20000 : i32
        %scatter3A_424 = tpu.memref_slice %arg13[%scatter3A_423] : memref<40000xf32, #tpu.memory_space<vmem>> -> memref<10000xf32, #tpu.memory_space<vmem>>
        tpu.vector_store_idx %scatter3A_424[%get3A_280], %mul3A_408 {add = true} : memref<10000xf32, #tpu.memory_space<vmem>>[vector<16xi32>], vector<16xf32>,
        %gather3A_425 = arith.constant 30000 : i32
        %gather3A_426 = tpu.memref_slice %arg12[%gather3A_425] : memref<40000xf32, #tpu.memory_space<vmem>> -> memref<10000xf32, #tpu.memory_space<vmem>>
        %gather3A_427 = tpu.vector_load_idx %gather3A_426[%get3A_222] : memref<10000xf32, #tpu.memory_space<vmem>>[vector<16xi32>], vector<16xf32>,
        %mul3A_428 = arith.mulf %get3A_226, %gather3A_427 : vector<16xf32>
        %gather3A_429 = arith.constant 30000 : i32
        %gather3A_430 = tpu.memref_slice %arg12[%gather3A_429] : memref<40000xf32, #tpu.memory_space<vmem>> -> memref<10000xf32, #tpu.memory_space<vmem>>
        %gather3A_431 = tpu.vector_load_idx %gather3A_430[%get3A_230] : memref<10000xf32, #tpu.memory_space<vmem>>[vector<16xi32>], vector<16xf32>,
        %mul3A_432 = arith.mulf %get3A_234, %gather3A_431 : vector<16xf32>
        %gather3A_433 = arith.constant 30000 : i32
        %gather3A_434 = tpu.memref_slice %arg12[%gather3A_433] : memref<40000xf32, #tpu.memory_space<vmem>> -> memref<10000xf32, #tpu.memory_space<vmem>>
        %gather3A_435 = tpu.vector_load_idx %gather3A_434[%get3A_238] : memref<10000xf32, #tpu.memory_space<vmem>>[vector<16xi32>], vector<16xf32>,
        %mul3A_436 = arith.mulf %get3A_242, %gather3A_435 : vector<16xf32>
        %gather3A_437 = arith.constant 30000 : i32
        %gather3A_438 = tpu.memref_slice %arg12[%gather3A_437] : memref<40000xf32, #tpu.memory_space<vmem>> -> memref<10000xf32, #tpu.memory_space<vmem>>
        %gather3A_439 = tpu.vector_load_idx %gather3A_438[%get3A_246] : memref<10000xf32, #tpu.memory_space<vmem>>[vector<16xi32>], vector<16xf32>,
        %mul3A_440 = arith.mulf %get3A_250, %gather3A_439 : vector<16xf32>
        %gather3A_441 = arith.constant 30000 : i32
        %gather3A_442 = tpu.memref_slice %arg12[%gather3A_441] : memref<40000xf32, #tpu.memory_space<vmem>> -> memref<10000xf32, #tpu.memory_space<vmem>>
        %gather3A_443 = tpu.vector_load_idx %gather3A_442[%get3A_254] : memref<10000xf32, #tpu.memory_space<vmem>>[vector<16xi32>], vector<16xf32>,
        %mul3A_444 = arith.mulf %get3A_258, %gather3A_443 : vector<16xf32>
        %gather3A_445 = arith.constant 30000 : i32
        %gather3A_446 = tpu.memref_slice %arg12[%gather3A_445] : memref<40000xf32, #tpu.memory_space<vmem>> -> memref<10000xf32, #tpu.memory_space<vmem>>
        %gather3A_447 = tpu.vector_load_idx %gather3A_446[%get3A_262] : memref<10000xf32, #tpu.memory_space<vmem>>[vector<16xi32>], vector<16xf32>,
        %mul3A_448 = arith.mulf %get3A_266, %gather3A_447 : vector<16xf32>
        %gather3A_449 = arith.constant 30000 : i32
        %gather3A_450 = tpu.memref_slice %arg12[%gather3A_449] : memref<40000xf32, #tpu.memory_space<vmem>> -> memref<10000xf32, #tpu.memory_space<vmem>>
        %gather3A_451 = tpu.vector_load_idx %gather3A_450[%get3A_270] : memref<10000xf32, #tpu.memory_space<vmem>>[vector<16xi32>], vector<16xf32>,
        %mul3A_452 = arith.mulf %get3A_274, %gather3A_451 : vector<16xf32>
        %gather3A_453 = arith.constant 30000 : i32
        %gather3A_454 = tpu.memref_slice %arg12[%gather3A_453] : memref<40000xf32, #tpu.memory_space<vmem>> -> memref<10000xf32, #tpu.memory_space<vmem>>
        %gather3A_455 = tpu.vector_load_idx %gather3A_454[%get3A_278] : memref<10000xf32, #tpu.memory_space<vmem>>[vector<16xi32>], vector<16xf32>,
        %mul3A_456 = arith.mulf %get3A_282, %gather3A_455 : vector<16xf32>
        %scatter3A_457 = arith.constant 30000 : i32
        %scatter3A_458 = tpu.memref_slice %arg13[%scatter3A_457] : memref<40000xf32, #tpu.memory_space<vmem>> -> memref<10000xf32, #tpu.memory_space<vmem>>
        tpu.vector_store_idx %scatter3A_458[%get3A_224], %mul3A_428 {add = true} : memref<10000xf32, #tpu.memory_space<vmem>>[vector<16xi32>], vector<16xf32>,
        %scatter3A_459 = arith.constant 30000 : i32
        %scatter3A_460 = tpu.memref_slice %arg13[%scatter3A_459] : memref<40000xf32, #tpu.memory_space<vmem>> -> memref<10000xf32, #tpu.memory_space<vmem>>
        tpu.vector_store_idx %scatter3A_460[%get3A_232], %mul3A_432 {add = true} : memref<10000xf32, #tpu.memory_space<vmem>>[vector<16xi32>], vector<16xf32>,
        %scatter3A_461 = arith.constant 30000 : i32
        %scatter3A_462 = tpu.memref_slice %arg13[%scatter3A_461] : memref<40000xf32, #tpu.memory_space<vmem>> -> memref<10000xf32, #tpu.memory_space<vmem>>
        tpu.vector_store_idx %scatter3A_462[%get3A_240], %mul3A_436 {add = true} : memref<10000xf32, #tpu.memory_space<vmem>>[vector<16xi32>], vector<16xf32>,
        %scatter3A_463 = arith.constant 30000 : i32
        %scatter3A_464 = tpu.memref_slice %arg13[%scatter3A_463] : memref<40000xf32, #tpu.memory_space<vmem>> -> memref<10000xf32, #tpu.memory_space<vmem>>
        tpu.vector_store_idx %scatter3A_464[%get3A_248], %mul3A_440 {add = true} : memref<10000xf32, #tpu.memory_space<vmem>>[vector<16xi32>], vector<16xf32>,
        %scatter3A_465 = arith.constant 30000 : i32
        %scatter3A_466 = tpu.memref_slice %arg13[%scatter3A_465] : memref<40000xf32, #tpu.memory_space<vmem>> -> memref<10000xf32, #tpu.memory_space<vmem>>
        tpu.vector_store_idx %scatter3A_466[%get3A_256], %mul3A_444 {add = true} : memref<10000xf32, #tpu.memory_space<vmem>>[vector<16xi32>], vector<16xf32>,
        %scatter3A_467 = arith.constant 30000 : i32
        %scatter3A_468 = tpu.memref_slice %arg13[%scatter3A_467] : memref<40000xf32, #tpu.memory_space<vmem>> -> memref<10000xf32, #tpu.memory_space<vmem>>
        tpu.vector_store_idx %scatter3A_468[%get3A_264], %mul3A_448 {add = true} : memref<10000xf32, #tpu.memory_space<vmem>>[vector<16xi32>], vector<16xf32>,
        %scatter3A_469 = arith.constant 30000 : i32
        %scatter3A_470 = tpu.memref_slice %arg13[%scatter3A_469] : memref<40000xf32, #tpu.memory_space<vmem>> -> memref<10000xf32, #tpu.memory_space<vmem>>
        tpu.vector_store_idx %scatter3A_470[%get3A_272], %mul3A_452 {add = true} : memref<10000xf32, #tpu.memory_space<vmem>>[vector<16xi32>], vector<16xf32>,
        %scatter3A_471 = arith.constant 30000 : i32
        %scatter3A_472 = tpu.memref_slice %arg13[%scatter3A_471] : memref<40000xf32, #tpu.memory_space<vmem>> -> memref<10000xf32, #tpu.memory_space<vmem>>
        tpu.vector_store_idx %scatter3A_472[%get3A_280], %mul3A_456 {add = true} : memref<10000xf32, #tpu.memory_space<vmem>>[vector<16xi32>], vector<16xf32>,
      }
      %scan3A_174 = arith.constant 25 : i32
      %add3A_175 = arith.constant 2 : i32
      %add3A_176 = arith.addi %add3A_149, %add3A_175 : i32
      %lt3A = arith.constant 50 : i32
      %lt3A_177 = arith.cmpi slt, %add3A_176, %lt3A : i32
      %convert_element_type3A = arith.extui %lt3A_177 : i1 to i32
      %cond3A = arith.constant 0 : i32
      %cond3A_178 = arith.cmpi ne, %convert_element_type3A, %cond3A : i32
      scf.if %cond3A_178 {
        %add3A_214 = arith.constant 2 : i32
        %add3A_215 = arith.addi %add3A_149, %add3A_214 : i32
        %mul3A_216 = arith.constant 3200 : i32
        %mul3A_217 = arith.muli %add3A_215, %mul3A_216 : i32
        %dma_start3A_218 = arith.constant 0 : i32
        %dma_start3A_219 = tpu.memref_slice %arg17[%dma_start3A_218] : memref<6400xf32, #tpu.memory_space<vmem>> -> memref<3200xf32, #tpu.memory_space<vmem>>
        %dma_start3A_220 = tpu.memref_slice %arg3[%mul3A_217] : memref<160000xf32, #tpu.memory_space<hbm>> -> memref<3200xf32, #tpu.memory_space<hbm>>
        %dma_start3A_221 = arith.constant 0 : i32
        %dma_start3A_222 = tpu.memref_slice %arg17[%dma_start3A_221] : memref<6400xf32, #tpu.memory_space<vmem>> -> memref<3200xf32, #tpu.memory_space<vmem>>
        %dma_start3A_223 = tpu.memref_slice %arg3[%mul3A_217] : memref<160000xf32, #tpu.memory_space<hbm>> -> memref<3200xf32, #tpu.memory_space<hbm>>
        tpu.enqueue_dma source(%dma_start3A_223 : memref<3200xf32, #tpu.memory_space<hbm>>) target(%dma_start3A_222 : memref<3200xf32, #tpu.memory_space<vmem>>) target_semaphore(%arg20 : memref<!tpu.dma_semaphore, #tpu.memory_space<semaphore_mem>>)
        %dma_start3A_224 = arith.constant 0 : i32
        %dma_start3A_225 = tpu.memref_slice %arg14[%dma_start3A_224] : memref<6400xi32, #tpu.memory_space<vmem>> -> memref<3200xi32, #tpu.memory_space<vmem>>
        %dma_start3A_226 = tpu.memref_slice %arg4[%mul3A_217] : memref<160000xi32, #tpu.memory_space<hbm>> -> memref<3200xi32, #tpu.memory_space<hbm>>
        %dma_start3A_227 = arith.constant 0 : i32
        %dma_start3A_228 = tpu.memref_slice %arg14[%dma_start3A_227] : memref<6400xi32, #tpu.memory_space<vmem>> -> memref<3200xi32, #tpu.memory_space<vmem>>
        %dma_start3A_229 = tpu.memref_slice %arg4[%mul3A_217] : memref<160000xi32, #tpu.memory_space<hbm>> -> memref<3200xi32, #tpu.memory_space<hbm>>
        tpu.enqueue_dma source(%dma_start3A_229 : memref<3200xi32, #tpu.memory_space<hbm>>) target(%dma_start3A_228 : memref<3200xi32, #tpu.memory_space<vmem>>) target_semaphore(%arg20 : memref<!tpu.dma_semaphore, #tpu.memory_space<semaphore_mem>>)
        %dma_start3A_230 = arith.constant 0 : i32
        %dma_start3A_231 = tpu.memref_slice %arg15[%dma_start3A_230] : memref<6400xi32, #tpu.memory_space<vmem>> -> memref<3200xi32, #tpu.memory_space<vmem>>
        %dma_start3A_232 = tpu.memref_slice %arg5[%mul3A_217] : memref<160000xi32, #tpu.memory_space<hbm>> -> memref<3200xi32, #tpu.memory_space<hbm>>
        %dma_start3A_233 = arith.constant 0 : i32
        %dma_start3A_234 = tpu.memref_slice %arg15[%dma_start3A_233] : memref<6400xi32, #tpu.memory_space<vmem>> -> memref<3200xi32, #tpu.memory_space<vmem>>
        %dma_start3A_235 = tpu.memref_slice %arg5[%mul3A_217] : memref<160000xi32, #tpu.memory_space<hbm>> -> memref<3200xi32, #tpu.memory_space<hbm>>
        tpu.enqueue_dma source(%dma_start3A_235 : memref<3200xi32, #tpu.memory_space<hbm>>) target(%dma_start3A_234 : memref<3200xi32, #tpu.memory_space<vmem>>) target_semaphore(%arg20 : memref<!tpu.dma_semaphore, #tpu.memory_space<semaphore_mem>>)
      } else {
      }
      %add3A_179 = arith.constant 1 : i32
      %add3A_180 = arith.addi %mul3A_147, %add3A_179 : i32
      %mul3A_181 = arith.constant 3200 : i32
      %mul3A_182 = arith.muli %add3A_180, %mul3A_181 : i32
      %dma_wait3A_183 = arith.constant 3200 : i32
      %dma_wait3A_184 = tpu.memref_slice %arg17[%dma_wait3A_183] : memref<6400xf32, #tpu.memory_space<vmem>> -> memref<3200xf32, #tpu.memory_space<vmem>>
      %dma_wait3A_185 = tpu.memref_slice %arg3[%mul3A_182] : memref<160000xf32, #tpu.memory_space<hbm>> -> memref<3200xf32, #tpu.memory_space<hbm>>
      %dma_wait3A_186 = arith.constant 3200 : i32
      %dma_wait3A_187 = tpu.memref_slice %arg17[%dma_wait3A_186] : memref<6400xf32, #tpu.memory_space<vmem>> -> memref<3200xf32, #tpu.memory_space<vmem>>
      %dma_wait3A_188 = tpu.memref_slice %arg3[%mul3A_182] : memref<160000xf32, #tpu.memory_space<hbm>> -> memref<3200xf32, #tpu.memory_space<hbm>>
      tpu.wait_dma2 semaphore(%arg21 : memref<!tpu.dma_semaphore, #tpu.memory_space<semaphore_mem>>) src(%dma_wait3A_188 : memref<3200xf32, #tpu.memory_space<hbm>>) dst(%dma_wait3A_187 : memref<3200xf32, #tpu.memory_space<vmem>>)
      %dma_wait3A_189 = arith.constant 3200 : i32
      %dma_wait3A_190 = tpu.memref_slice %arg14[%dma_wait3A_189] : memref<6400xi32, #tpu.memory_space<vmem>> -> memref<3200xi32, #tpu.memory_space<vmem>>
      %dma_wait3A_191 = tpu.memref_slice %arg4[%mul3A_182] : memref<160000xi32, #tpu.memory_space<hbm>> -> memref<3200xi32, #tpu.memory_space<hbm>>
      %dma_wait3A_192 = arith.constant 3200 : i32
      %dma_wait3A_193 = tpu.memref_slice %arg14[%dma_wait3A_192] : memref<6400xi32, #tpu.memory_space<vmem>> -> memref<3200xi32, #tpu.memory_space<vmem>>
      %dma_wait3A_194 = tpu.memref_slice %arg4[%mul3A_182] : memref<160000xi32, #tpu.memory_space<hbm>> -> memref<3200xi32, #tpu.memory_space<hbm>>
      tpu.wait_dma2 semaphore(%arg21 : memref<!tpu.dma_semaphore, #tpu.memory_space<semaphore_mem>>) src(%dma_wait3A_194 : memref<3200xi32, #tpu.memory_space<hbm>>) dst(%dma_wait3A_193 : memref<3200xi32, #tpu.memory_space<vmem>>)
      %dma_wait3A_195 = arith.constant 3200 : i32
      %dma_wait3A_196 = tpu.memref_slice %arg15[%dma_wait3A_195] : memref<6400xi32, #tpu.memory_space<vmem>> -> memref<3200xi32, #tpu.memory_space<vmem>>
      %dma_wait3A_197 = tpu.memref_slice %arg5[%mul3A_182] : memref<160000xi32, #tpu.memory_space<hbm>> -> memref<3200xi32, #tpu.memory_space<hbm>>
      %dma_wait3A_198 = arith.constant 3200 : i32
      %dma_wait3A_199 = tpu.memref_slice %arg15[%dma_wait3A_198] : memref<6400xi32, #tpu.memory_space<vmem>> -> memref<3200xi32, #tpu.memory_space<vmem>>
      %dma_wait3A_200 = tpu.memref_slice %arg5[%mul3A_182] : memref<160000xi32, #tpu.memory_space<hbm>> -> memref<3200xi32, #tpu.memory_space<hbm>>
      tpu.wait_dma2 semaphore(%arg21 : memref<!tpu.dma_semaphore, #tpu.memory_space<semaphore_mem>>) src(%dma_wait3A_200 : memref<3200xi32, #tpu.memory_space<hbm>>) dst(%dma_wait3A_199 : memref<3200xi32, #tpu.memory_space<vmem>>)
      %scan3A_201 = arith.constant 0 : i32
      %scan3A_202 = arith.constant 0 : i32
      %scan3A_203 = arith.constant 25 : i32
      %scan3A_204 = arith.addi %scan3A_202, %scan3A_203 : i32
      %scan3A_205 = arith.constant 1 : i32
      scf.for %scan3A_214 = %scan3A_202 to %scan3A_204 step %scan3A_205  : i32 {
        %mul3A_215 = arith.constant 128 : i32
        %mul3A_216 = arith.muli %scan3A_214, %mul3A_215 : i32
        %add3A_217 = arith.constant 3200 : i32
        %add3A_218 = arith.addi %add3A_217, %mul3A_216 : i32
        %add3A_219 = arith.constant 0 : i32
        %add3A_220 = arith.addi %add3A_218, %add3A_219 : i32
        %get3A_221 = arith.index_cast %add3A_220 : i32 to index
        %get3A_222 = tpu.vector_load %arg14[%get3A_221] {strides = array<i32>} : memref<6400xi32, #tpu.memory_space<vmem>>, vector<16xi32>,
        %get3A_223 = arith.index_cast %add3A_220 : i32 to index
        %get3A_224 = tpu.vector_load %arg15[%get3A_223] {strides = array<i32>} : memref<6400xi32, #tpu.memory_space<vmem>>, vector<16xi32>,
        %get3A_225 = arith.index_cast %add3A_220 : i32 to index
        %get3A_226 = tpu.vector_load %arg17[%get3A_225] {strides = array<i32>} : memref<6400xf32, #tpu.memory_space<vmem>>, vector<16xf32>,
        %add3A_227 = arith.constant 16 : i32
        %add3A_228 = arith.addi %add3A_218, %add3A_227 : i32
        %get3A_229 = arith.index_cast %add3A_228 : i32 to index
        %get3A_230 = tpu.vector_load %arg14[%get3A_229] {strides = array<i32>} : memref<6400xi32, #tpu.memory_space<vmem>>, vector<16xi32>,
        %get3A_231 = arith.index_cast %add3A_228 : i32 to index
        %get3A_232 = tpu.vector_load %arg15[%get3A_231] {strides = array<i32>} : memref<6400xi32, #tpu.memory_space<vmem>>, vector<16xi32>,
        %get3A_233 = arith.index_cast %add3A_228 : i32 to index
        %get3A_234 = tpu.vector_load %arg17[%get3A_233] {strides = array<i32>} : memref<6400xf32, #tpu.memory_space<vmem>>, vector<16xf32>,
        %add3A_235 = arith.constant 32 : i32
        %add3A_236 = arith.addi %add3A_218, %add3A_235 : i32
        %get3A_237 = arith.index_cast %add3A_236 : i32 to index
        %get3A_238 = tpu.vector_load %arg14[%get3A_237] {strides = array<i32>} : memref<6400xi32, #tpu.memory_space<vmem>>, vector<16xi32>,
        %get3A_239 = arith.index_cast %add3A_236 : i32 to index
        %get3A_240 = tpu.vector_load %arg15[%get3A_239] {strides = array<i32>} : memref<6400xi32, #tpu.memory_space<vmem>>, vector<16xi32>,
        %get3A_241 = arith.index_cast %add3A_236 : i32 to index
        %get3A_242 = tpu.vector_load %arg17[%get3A_241] {strides = array<i32>} : memref<6400xf32, #tpu.memory_space<vmem>>, vector<16xf32>,
        %add3A_243 = arith.constant 48 : i32
        %add3A_244 = arith.addi %add3A_218, %add3A_243 : i32
        %get3A_245 = arith.index_cast %add3A_244 : i32 to index
        %get3A_246 = tpu.vector_load %arg14[%get3A_245] {strides = array<i32>} : memref<6400xi32, #tpu.memory_space<vmem>>, vector<16xi32>,
        %get3A_247 = arith.index_cast %add3A_244 : i32 to index
        %get3A_248 = tpu.vector_load %arg15[%get3A_247] {strides = array<i32>} : memref<6400xi32, #tpu.memory_space<vmem>>, vector<16xi32>,
        %get3A_249 = arith.index_cast %add3A_244 : i32 to index
        %get3A_250 = tpu.vector_load %arg17[%get3A_249] {strides = array<i32>} : memref<6400xf32, #tpu.memory_space<vmem>>, vector<16xf32>,
        %add3A_251 = arith.constant 64 : i32
        %add3A_252 = arith.addi %add3A_218, %add3A_251 : i32
        %get3A_253 = arith.index_cast %add3A_252 : i32 to index
        %get3A_254 = tpu.vector_load %arg14[%get3A_253] {strides = array<i32>} : memref<6400xi32, #tpu.memory_space<vmem>>, vector<16xi32>,
        %get3A_255 = arith.index_cast %add3A_252 : i32 to index
        %get3A_256 = tpu.vector_load %arg15[%get3A_255] {strides = array<i32>} : memref<6400xi32, #tpu.memory_space<vmem>>, vector<16xi32>,
        %get3A_257 = arith.index_cast %add3A_252 : i32 to index
        %get3A_258 = tpu.vector_load %arg17[%get3A_257] {strides = array<i32>} : memref<6400xf32, #tpu.memory_space<vmem>>, vector<16xf32>,
        %add3A_259 = arith.constant 80 : i32
        %add3A_260 = arith.addi %add3A_218, %add3A_259 : i32
        %get3A_261 = arith.index_cast %add3A_260 : i32 to index
        %get3A_262 = tpu.vector_load %arg14[%get3A_261] {strides = array<i32>} : memref<6400xi32, #tpu.memory_space<vmem>>, vector<16xi32>,
        %get3A_263 = arith.index_cast %add3A_260 : i32 to index
        %get3A_264 = tpu.vector_load %arg15[%get3A_263] {strides = array<i32>} : memref<6400xi32, #tpu.memory_space<vmem>>, vector<16xi32>,
        %get3A_265 = arith.index_cast %add3A_260 : i32 to index
        %get3A_266 = tpu.vector_load %arg17[%get3A_265] {strides = array<i32>} : memref<6400xf32, #tpu.memory_space<vmem>>, vector<16xf32>,
        %add3A_267 = arith.constant 96 : i32
        %add3A_268 = arith.addi %add3A_218, %add3A_267 : i32
        %get3A_269 = arith.index_cast %add3A_268 : i32 to index
        %get3A_270 = tpu.vector_load %arg14[%get3A_269] {strides = array<i32>} : memref<6400xi32, #tpu.memory_space<vmem>>, vector<16xi32>,
        %get3A_271 = arith.index_cast %add3A_268 : i32 to index
        %get3A_272 = tpu.vector_load %arg15[%get3A_271] {strides = array<i32>} : memref<6400xi32, #tpu.memory_space<vmem>>, vector<16xi32>,
        %get3A_273 = arith.index_cast %add3A_268 : i32 to index
        %get3A_274 = tpu.vector_load %arg17[%get3A_273] {strides = array<i32>} : memref<6400xf32, #tpu.memory_space<vmem>>, vector<16xf32>,
        %add3A_275 = arith.constant 112 : i32
        %add3A_276 = arith.addi %add3A_218, %add3A_275 : i32
        %get3A_277 = arith.index_cast %add3A_276 : i32 to index
        %get3A_278 = tpu.vector_load %arg14[%get3A_277] {strides = array<i32>} : memref<6400xi32, #tpu.memory_space<vmem>>, vector<16xi32>,
        %get3A_279 = arith.index_cast %add3A_276 : i32 to index
        %get3A_280 = tpu.vector_load %arg15[%get3A_279] {strides = array<i32>} : memref<6400xi32, #tpu.memory_space<vmem>>, vector<16xi32>,
        %get3A_281 = arith.index_cast %add3A_276 : i32 to index
        %get3A_282 = tpu.vector_load %arg17[%get3A_281] {strides = array<i32>} : memref<6400xf32, #tpu.memory_space<vmem>>, vector<16xf32>,
        tpu.vector_store_idx %arg19[%get3A_222], %get3A_226 {add = true} : memref<10000xf32, #tpu.memory_space<vmem>>[vector<16xi32>], vector<16xf32>,
        tpu.vector_store_idx %arg19[%get3A_230], %get3A_234 {add = true} : memref<10000xf32, #tpu.memory_space<vmem>>[vector<16xi32>], vector<16xf32>,
        tpu.vector_store_idx %arg19[%get3A_238], %get3A_242 {add = true} : memref<10000xf32, #tpu.memory_space<vmem>>[vector<16xi32>], vector<16xf32>,
        tpu.vector_store_idx %arg19[%get3A_246], %get3A_250 {add = true} : memref<10000xf32, #tpu.memory_space<vmem>>[vector<16xi32>], vector<16xf32>,
        tpu.vector_store_idx %arg19[%get3A_254], %get3A_258 {add = true} : memref<10000xf32, #tpu.memory_space<vmem>>[vector<16xi32>], vector<16xf32>,
        tpu.vector_store_idx %arg19[%get3A_262], %get3A_266 {add = true} : memref<10000xf32, #tpu.memory_space<vmem>>[vector<16xi32>], vector<16xf32>,
        tpu.vector_store_idx %arg19[%get3A_270], %get3A_274 {add = true} : memref<10000xf32, #tpu.memory_space<vmem>>[vector<16xi32>], vector<16xf32>,
        tpu.vector_store_idx %arg19[%get3A_278], %get3A_282 {add = true} : memref<10000xf32, #tpu.memory_space<vmem>>[vector<16xi32>], vector<16xf32>,
        %gather3A = arith.constant 0 : i32
        %gather3A_283 = tpu.memref_slice %arg12[%gather3A] : memref<40000xf32, #tpu.memory_space<vmem>> -> memref<10000xf32, #tpu.memory_space<vmem>>
        %gather3A_284 = tpu.vector_load_idx %gather3A_283[%get3A_222] : memref<10000xf32, #tpu.memory_space<vmem>>[vector<16xi32>], vector<16xf32>,
        %mul3A_285 = arith.mulf %get3A_226, %gather3A_284 : vector<16xf32>
        %gather3A_286 = arith.constant 0 : i32
        %gather3A_287 = tpu.memref_slice %arg12[%gather3A_286] : memref<40000xf32, #tpu.memory_space<vmem>> -> memref<10000xf32, #tpu.memory_space<vmem>>
        %gather3A_288 = tpu.vector_load_idx %gather3A_287[%get3A_230] : memref<10000xf32, #tpu.memory_space<vmem>>[vector<16xi32>], vector<16xf32>,
        %mul3A_289 = arith.mulf %get3A_234, %gather3A_288 : vector<16xf32>
        %gather3A_290 = arith.constant 0 : i32
        %gather3A_291 = tpu.memref_slice %arg12[%gather3A_290] : memref<40000xf32, #tpu.memory_space<vmem>> -> memref<10000xf32, #tpu.memory_space<vmem>>
        %gather3A_292 = tpu.vector_load_idx %gather3A_291[%get3A_238] : memref<10000xf32, #tpu.memory_space<vmem>>[vector<16xi32>], vector<16xf32>,
        %mul3A_293 = arith.mulf %get3A_242, %gather3A_292 : vector<16xf32>
        %gather3A_294 = arith.constant 0 : i32
        %gather3A_295 = tpu.memref_slice %arg12[%gather3A_294] : memref<40000xf32, #tpu.memory_space<vmem>> -> memref<10000xf32, #tpu.memory_space<vmem>>
        %gather3A_296 = tpu.vector_load_idx %gather3A_295[%get3A_246] : memref<10000xf32, #tpu.memory_space<vmem>>[vector<16xi32>], vector<16xf32>,
        %mul3A_297 = arith.mulf %get3A_250, %gather3A_296 : vector<16xf32>
        %gather3A_298 = arith.constant 0 : i32
        %gather3A_299 = tpu.memref_slice %arg12[%gather3A_298] : memref<40000xf32, #tpu.memory_space<vmem>> -> memref<10000xf32, #tpu.memory_space<vmem>>
        %gather3A_300 = tpu.vector_load_idx %gather3A_299[%get3A_254] : memref<10000xf32, #tpu.memory_space<vmem>>[vector<16xi32>], vector<16xf32>,
        %mul3A_301 = arith.mulf %get3A_258, %gather3A_300 : vector<16xf32>
        %gather3A_302 = arith.constant 0 : i32
        %gather3A_303 = tpu.memref_slice %arg12[%gather3A_302] : memref<40000xf32, #tpu.memory_space<vmem>> -> memref<10000xf32, #tpu.memory_space<vmem>>
        %gather3A_304 = tpu.vector_load_idx %gather3A_303[%get3A_262] : memref<10000xf32, #tpu.memory_space<vmem>>[vector<16xi32>], vector<16xf32>,
        %mul3A_305 = arith.mulf %get3A_266, %gather3A_304 : vector<16xf32>
        %gather3A_306 = arith.constant 0 : i32
        %gather3A_307 = tpu.memref_slice %arg12[%gather3A_306] : memref<40000xf32, #tpu.memory_space<vmem>> -> memref<10000xf32, #tpu.memory_space<vmem>>
        %gather3A_308 = tpu.vector_load_idx %gather3A_307[%get3A_270] : memref<10000xf32, #tpu.memory_space<vmem>>[vector<16xi32>], vector<16xf32>,
        %mul3A_309 = arith.mulf %get3A_274, %gather3A_308 : vector<16xf32>
        %gather3A_310 = arith.constant 0 : i32
        %gather3A_311 = tpu.memref_slice %arg12[%gather3A_310] : memref<40000xf32, #tpu.memory_space<vmem>> -> memref<10000xf32, #tpu.memory_space<vmem>>
        %gather3A_312 = tpu.vector_load_idx %gather3A_311[%get3A_278] : memref<10000xf32, #tpu.memory_space<vmem>>[vector<16xi32>], vector<16xf32>,
        %mul3A_313 = arith.mulf %get3A_282, %gather3A_312 : vector<16xf32>
        %scatter3A = arith.constant 0 : i32
        %scatter3A_314 = tpu.memref_slice %arg13[%scatter3A] : memref<40000xf32, #tpu.memory_space<vmem>> -> memref<10000xf32, #tpu.memory_space<vmem>>
        tpu.vector_store_idx %scatter3A_314[%get3A_224], %mul3A_285 {add = true} : memref<10000xf32, #tpu.memory_space<vmem>>[vector<16xi32>], vector<16xf32>,
        %scatter3A_315 = arith.constant 0 : i32
        %scatter3A_316 = tpu.memref_slice %arg13[%scatter3A_315] : memref<40000xf32, #tpu.memory_space<vmem>> -> memref<10000xf32, #tpu.memory_space<vmem>>
        tpu.vector_store_idx %scatter3A_316[%get3A_232], %mul3A_289 {add = true} : memref<10000xf32, #tpu.memory_space<vmem>>[vector<16xi32>], vector<16xf32>,
        %scatter3A_317 = arith.constant 0 : i32
        %scatter3A_318 = tpu.memref_slice %arg13[%scatter3A_317] : memref<40000xf32, #tpu.memory_space<vmem>> -> memref<10000xf32, #tpu.memory_space<vmem>>
        tpu.vector_store_idx %scatter3A_318[%get3A_240], %mul3A_293 {add = true} : memref<10000xf32, #tpu.memory_space<vmem>>[vector<16xi32>], vector<16xf32>,
        %scatter3A_319 = arith.constant 0 : i32
        %scatter3A_320 = tpu.memref_slice %arg13[%scatter3A_319] : memref<40000xf32, #tpu.memory_space<vmem>> -> memref<10000xf32, #tpu.memory_space<vmem>>
        tpu.vector_store_idx %scatter3A_320[%get3A_248], %mul3A_297 {add = true} : memref<10000xf32, #tpu.memory_space<vmem>>[vector<16xi32>], vector<16xf32>,
        %scatter3A_321 = arith.constant 0 : i32
        %scatter3A_322 = tpu.memref_slice %arg13[%scatter3A_321] : memref<40000xf32, #tpu.memory_space<vmem>> -> memref<10000xf32, #tpu.memory_space<vmem>>
        tpu.vector_store_idx %scatter3A_322[%get3A_256], %mul3A_301 {add = true} : memref<10000xf32, #tpu.memory_space<vmem>>[vector<16xi32>], vector<16xf32>,
        %scatter3A_323 = arith.constant 0 : i32
        %scatter3A_324 = tpu.memref_slice %arg13[%scatter3A_323] : memref<40000xf32, #tpu.memory_space<vmem>> -> memref<10000xf32, #tpu.memory_space<vmem>>
        tpu.vector_store_idx %scatter3A_324[%get3A_264], %mul3A_305 {add = true} : memref<10000xf32, #tpu.memory_space<vmem>>[vector<16xi32>], vector<16xf32>,
        %scatter3A_325 = arith.constant 0 : i32
        %scatter3A_326 = tpu.memref_slice %arg13[%scatter3A_325] : memref<40000xf32, #tpu.memory_space<vmem>> -> memref<10000xf32, #tpu.memory_space<vmem>>
        tpu.vector_store_idx %scatter3A_326[%get3A_272], %mul3A_309 {add = true} : memref<10000xf32, #tpu.memory_space<vmem>>[vector<16xi32>], vector<16xf32>,
        %scatter3A_327 = arith.constant 0 : i32
        %scatter3A_328 = tpu.memref_slice %arg13[%scatter3A_327] : memref<40000xf32, #tpu.memory_space<vmem>> -> memref<10000xf32, #tpu.memory_space<vmem>>
        tpu.vector_store_idx %scatter3A_328[%get3A_280], %mul3A_313 {add = true} : memref<10000xf32, #tpu.memory_space<vmem>>[vector<16xi32>], vector<16xf32>,
        %gather3A_329 = arith.constant 10000 : i32
        %gather3A_330 = tpu.memref_slice %arg12[%gather3A_329] : memref<40000xf32, #tpu.memory_space<vmem>> -> memref<10000xf32, #tpu.memory_space<vmem>>
        %gather3A_331 = tpu.vector_load_idx %gather3A_330[%get3A_222] : memref<10000xf32, #tpu.memory_space<vmem>>[vector<16xi32>], vector<16xf32>,
        %mul3A_332 = arith.mulf %get3A_226, %gather3A_331 : vector<16xf32>
        %gather3A_333 = arith.constant 10000 : i32
        %gather3A_334 = tpu.memref_slice %arg12[%gather3A_333] : memref<40000xf32, #tpu.memory_space<vmem>> -> memref<10000xf32, #tpu.memory_space<vmem>>
        %gather3A_335 = tpu.vector_load_idx %gather3A_334[%get3A_230] : memref<10000xf32, #tpu.memory_space<vmem>>[vector<16xi32>], vector<16xf32>,
        %mul3A_336 = arith.mulf %get3A_234, %gather3A_335 : vector<16xf32>
        %gather3A_337 = arith.constant 10000 : i32
        %gather3A_338 = tpu.memref_slice %arg12[%gather3A_337] : memref<40000xf32, #tpu.memory_space<vmem>> -> memref<10000xf32, #tpu.memory_space<vmem>>
        %gather3A_339 = tpu.vector_load_idx %gather3A_338[%get3A_238] : memref<10000xf32, #tpu.memory_space<vmem>>[vector<16xi32>], vector<16xf32>,
        %mul3A_340 = arith.mulf %get3A_242, %gather3A_339 : vector<16xf32>
        %gather3A_341 = arith.constant 10000 : i32
        %gather3A_342 = tpu.memref_slice %arg12[%gather3A_341] : memref<40000xf32, #tpu.memory_space<vmem>> -> memref<10000xf32, #tpu.memory_space<vmem>>
        %gather3A_343 = tpu.vector_load_idx %gather3A_342[%get3A_246] : memref<10000xf32, #tpu.memory_space<vmem>>[vector<16xi32>], vector<16xf32>,
        %mul3A_344 = arith.mulf %get3A_250, %gather3A_343 : vector<16xf32>
        %gather3A_345 = arith.constant 10000 : i32
        %gather3A_346 = tpu.memref_slice %arg12[%gather3A_345] : memref<40000xf32, #tpu.memory_space<vmem>> -> memref<10000xf32, #tpu.memory_space<vmem>>
        %gather3A_347 = tpu.vector_load_idx %gather3A_346[%get3A_254] : memref<10000xf32, #tpu.memory_space<vmem>>[vector<16xi32>], vector<16xf32>,
        %mul3A_348 = arith.mulf %get3A_258, %gather3A_347 : vector<16xf32>
        %gather3A_349 = arith.constant 10000 : i32
        %gather3A_350 = tpu.memref_slice %arg12[%gather3A_349] : memref<40000xf32, #tpu.memory_space<vmem>> -> memref<10000xf32, #tpu.memory_space<vmem>>
        %gather3A_351 = tpu.vector_load_idx %gather3A_350[%get3A_262] : memref<10000xf32, #tpu.memory_space<vmem>>[vector<16xi32>], vector<16xf32>,
        %mul3A_352 = arith.mulf %get3A_266, %gather3A_351 : vector<16xf32>
        %gather3A_353 = arith.constant 10000 : i32
        %gather3A_354 = tpu.memref_slice %arg12[%gather3A_353] : memref<40000xf32, #tpu.memory_space<vmem>> -> memref<10000xf32, #tpu.memory_space<vmem>>
        %gather3A_355 = tpu.vector_load_idx %gather3A_354[%get3A_270] : memref<10000xf32, #tpu.memory_space<vmem>>[vector<16xi32>], vector<16xf32>,
        %mul3A_356 = arith.mulf %get3A_274, %gather3A_355 : vector<16xf32>
        %gather3A_357 = arith.constant 10000 : i32
        %gather3A_358 = tpu.memref_slice %arg12[%gather3A_357] : memref<40000xf32, #tpu.memory_space<vmem>> -> memref<10000xf32, #tpu.memory_space<vmem>>
        %gather3A_359 = tpu.vector_load_idx %gather3A_358[%get3A_278] : memref<10000xf32, #tpu.memory_space<vmem>>[vector<16xi32>], vector<16xf32>,
        %mul3A_360 = arith.mulf %get3A_282, %gather3A_359 : vector<16xf32>
        %scatter3A_361 = arith.constant 10000 : i32
        %scatter3A_362 = tpu.memref_slice %arg13[%scatter3A_361] : memref<40000xf32, #tpu.memory_space<vmem>> -> memref<10000xf32, #tpu.memory_space<vmem>>
        tpu.vector_store_idx %scatter3A_362[%get3A_224], %mul3A_332 {add = true} : memref<10000xf32, #tpu.memory_space<vmem>>[vector<16xi32>], vector<16xf32>,
        %scatter3A_363 = arith.constant 10000 : i32
        %scatter3A_364 = tpu.memref_slice %arg13[%scatter3A_363] : memref<40000xf32, #tpu.memory_space<vmem>> -> memref<10000xf32, #tpu.memory_space<vmem>>
        tpu.vector_store_idx %scatter3A_364[%get3A_232], %mul3A_336 {add = true} : memref<10000xf32, #tpu.memory_space<vmem>>[vector<16xi32>], vector<16xf32>,
        %scatter3A_365 = arith.constant 10000 : i32
        %scatter3A_366 = tpu.memref_slice %arg13[%scatter3A_365] : memref<40000xf32, #tpu.memory_space<vmem>> -> memref<10000xf32, #tpu.memory_space<vmem>>
        tpu.vector_store_idx %scatter3A_366[%get3A_240], %mul3A_340 {add = true} : memref<10000xf32, #tpu.memory_space<vmem>>[vector<16xi32>], vector<16xf32>,
        %scatter3A_367 = arith.constant 10000 : i32
        %scatter3A_368 = tpu.memref_slice %arg13[%scatter3A_367] : memref<40000xf32, #tpu.memory_space<vmem>> -> memref<10000xf32, #tpu.memory_space<vmem>>
        tpu.vector_store_idx %scatter3A_368[%get3A_248], %mul3A_344 {add = true} : memref<10000xf32, #tpu.memory_space<vmem>>[vector<16xi32>], vector<16xf32>,
        %scatter3A_369 = arith.constant 10000 : i32
        %scatter3A_370 = tpu.memref_slice %arg13[%scatter3A_369] : memref<40000xf32, #tpu.memory_space<vmem>> -> memref<10000xf32, #tpu.memory_space<vmem>>
        tpu.vector_store_idx %scatter3A_370[%get3A_256], %mul3A_348 {add = true} : memref<10000xf32, #tpu.memory_space<vmem>>[vector<16xi32>], vector<16xf32>,
        %scatter3A_371 = arith.constant 10000 : i32
        %scatter3A_372 = tpu.memref_slice %arg13[%scatter3A_371] : memref<40000xf32, #tpu.memory_space<vmem>> -> memref<10000xf32, #tpu.memory_space<vmem>>
        tpu.vector_store_idx %scatter3A_372[%get3A_264], %mul3A_352 {add = true} : memref<10000xf32, #tpu.memory_space<vmem>>[vector<16xi32>], vector<16xf32>,
        %scatter3A_373 = arith.constant 10000 : i32
        %scatter3A_374 = tpu.memref_slice %arg13[%scatter3A_373] : memref<40000xf32, #tpu.memory_space<vmem>> -> memref<10000xf32, #tpu.memory_space<vmem>>
        tpu.vector_store_idx %scatter3A_374[%get3A_272], %mul3A_356 {add = true} : memref<10000xf32, #tpu.memory_space<vmem>>[vector<16xi32>], vector<16xf32>,
        %scatter3A_375 = arith.constant 10000 : i32
        %scatter3A_376 = tpu.memref_slice %arg13[%scatter3A_375] : memref<40000xf32, #tpu.memory_space<vmem>> -> memref<10000xf32, #tpu.memory_space<vmem>>
        tpu.vector_store_idx %scatter3A_376[%get3A_280], %mul3A_360 {add = true} : memref<10000xf32, #tpu.memory_space<vmem>>[vector<16xi32>], vector<16xf32>,
        %gather3A_377 = arith.constant 20000 : i32
        %gather3A_378 = tpu.memref_slice %arg12[%gather3A_377] : memref<40000xf32, #tpu.memory_space<vmem>> -> memref<10000xf32, #tpu.memory_space<vmem>>
        %gather3A_379 = tpu.vector_load_idx %gather3A_378[%get3A_222] : memref<10000xf32, #tpu.memory_space<vmem>>[vector<16xi32>], vector<16xf32>,
        %mul3A_380 = arith.mulf %get3A_226, %gather3A_379 : vector<16xf32>
        %gather3A_381 = arith.constant 20000 : i32
        %gather3A_382 = tpu.memref_slice %arg12[%gather3A_381] : memref<40000xf32, #tpu.memory_space<vmem>> -> memref<10000xf32, #tpu.memory_space<vmem>>
        %gather3A_383 = tpu.vector_load_idx %gather3A_382[%get3A_230] : memref<10000xf32, #tpu.memory_space<vmem>>[vector<16xi32>], vector<16xf32>,
        %mul3A_384 = arith.mulf %get3A_234, %gather3A_383 : vector<16xf32>
        %gather3A_385 = arith.constant 20000 : i32
        %gather3A_386 = tpu.memref_slice %arg12[%gather3A_385] : memref<40000xf32, #tpu.memory_space<vmem>> -> memref<10000xf32, #tpu.memory_space<vmem>>
        %gather3A_387 = tpu.vector_load_idx %gather3A_386[%get3A_238] : memref<10000xf32, #tpu.memory_space<vmem>>[vector<16xi32>], vector<16xf32>,
        %mul3A_388 = arith.mulf %get3A_242, %gather3A_387 : vector<16xf32>
        %gather3A_389 = arith.constant 20000 : i32
        %gather3A_390 = tpu.memref_slice %arg12[%gather3A_389] : memref<40000xf32, #tpu.memory_space<vmem>> -> memref<10000xf32, #tpu.memory_space<vmem>>
        %gather3A_391 = tpu.vector_load_idx %gather3A_390[%get3A_246] : memref<10000xf32, #tpu.memory_space<vmem>>[vector<16xi32>], vector<16xf32>,
        %mul3A_392 = arith.mulf %get3A_250, %gather3A_391 : vector<16xf32>
        %gather3A_393 = arith.constant 20000 : i32
        %gather3A_394 = tpu.memref_slice %arg12[%gather3A_393] : memref<40000xf32, #tpu.memory_space<vmem>> -> memref<10000xf32, #tpu.memory_space<vmem>>
        %gather3A_395 = tpu.vector_load_idx %gather3A_394[%get3A_254] : memref<10000xf32, #tpu.memory_space<vmem>>[vector<16xi32>], vector<16xf32>,
        %mul3A_396 = arith.mulf %get3A_258, %gather3A_395 : vector<16xf32>
        %gather3A_397 = arith.constant 20000 : i32
        %gather3A_398 = tpu.memref_slice %arg12[%gather3A_397] : memref<40000xf32, #tpu.memory_space<vmem>> -> memref<10000xf32, #tpu.memory_space<vmem>>
        %gather3A_399 = tpu.vector_load_idx %gather3A_398[%get3A_262] : memref<10000xf32, #tpu.memory_space<vmem>>[vector<16xi32>], vector<16xf32>,
        %mul3A_400 = arith.mulf %get3A_266, %gather3A_399 : vector<16xf32>
        %gather3A_401 = arith.constant 20000 : i32
        %gather3A_402 = tpu.memref_slice %arg12[%gather3A_401] : memref<40000xf32, #tpu.memory_space<vmem>> -> memref<10000xf32, #tpu.memory_space<vmem>>
        %gather3A_403 = tpu.vector_load_idx %gather3A_402[%get3A_270] : memref<10000xf32, #tpu.memory_space<vmem>>[vector<16xi32>], vector<16xf32>,
        %mul3A_404 = arith.mulf %get3A_274, %gather3A_403 : vector<16xf32>
        %gather3A_405 = arith.constant 20000 : i32
        %gather3A_406 = tpu.memref_slice %arg12[%gather3A_405] : memref<40000xf32, #tpu.memory_space<vmem>> -> memref<10000xf32, #tpu.memory_space<vmem>>
        %gather3A_407 = tpu.vector_load_idx %gather3A_406[%get3A_278] : memref<10000xf32, #tpu.memory_space<vmem>>[vector<16xi32>], vector<16xf32>,
        %mul3A_408 = arith.mulf %get3A_282, %gather3A_407 : vector<16xf32>
        %scatter3A_409 = arith.constant 20000 : i32
        %scatter3A_410 = tpu.memref_slice %arg13[%scatter3A_409] : memref<40000xf32, #tpu.memory_space<vmem>> -> memref<10000xf32, #tpu.memory_space<vmem>>
        tpu.vector_store_idx %scatter3A_410[%get3A_224], %mul3A_380 {add = true} : memref<10000xf32, #tpu.memory_space<vmem>>[vector<16xi32>], vector<16xf32>,
        %scatter3A_411 = arith.constant 20000 : i32
        %scatter3A_412 = tpu.memref_slice %arg13[%scatter3A_411] : memref<40000xf32, #tpu.memory_space<vmem>> -> memref<10000xf32, #tpu.memory_space<vmem>>
        tpu.vector_store_idx %scatter3A_412[%get3A_232], %mul3A_384 {add = true} : memref<10000xf32, #tpu.memory_space<vmem>>[vector<16xi32>], vector<16xf32>,
        %scatter3A_413 = arith.constant 20000 : i32
        %scatter3A_414 = tpu.memref_slice %arg13[%scatter3A_413] : memref<40000xf32, #tpu.memory_space<vmem>> -> memref<10000xf32, #tpu.memory_space<vmem>>
        tpu.vector_store_idx %scatter3A_414[%get3A_240], %mul3A_388 {add = true} : memref<10000xf32, #tpu.memory_space<vmem>>[vector<16xi32>], vector<16xf32>,
        %scatter3A_415 = arith.constant 20000 : i32
        %scatter3A_416 = tpu.memref_slice %arg13[%scatter3A_415] : memref<40000xf32, #tpu.memory_space<vmem>> -> memref<10000xf32, #tpu.memory_space<vmem>>
        tpu.vector_store_idx %scatter3A_416[%get3A_248], %mul3A_392 {add = true} : memref<10000xf32, #tpu.memory_space<vmem>>[vector<16xi32>], vector<16xf32>,
        %scatter3A_417 = arith.constant 20000 : i32
        %scatter3A_418 = tpu.memref_slice %arg13[%scatter3A_417] : memref<40000xf32, #tpu.memory_space<vmem>> -> memref<10000xf32, #tpu.memory_space<vmem>>
        tpu.vector_store_idx %scatter3A_418[%get3A_256], %mul3A_396 {add = true} : memref<10000xf32, #tpu.memory_space<vmem>>[vector<16xi32>], vector<16xf32>,
        %scatter3A_419 = arith.constant 20000 : i32
        %scatter3A_420 = tpu.memref_slice %arg13[%scatter3A_419] : memref<40000xf32, #tpu.memory_space<vmem>> -> memref<10000xf32, #tpu.memory_space<vmem>>
        tpu.vector_store_idx %scatter3A_420[%get3A_264], %mul3A_400 {add = true} : memref<10000xf32, #tpu.memory_space<vmem>>[vector<16xi32>], vector<16xf32>,
        %scatter3A_421 = arith.constant 20000 : i32
        %scatter3A_422 = tpu.memref_slice %arg13[%scatter3A_421] : memref<40000xf32, #tpu.memory_space<vmem>> -> memref<10000xf32, #tpu.memory_space<vmem>>
        tpu.vector_store_idx %scatter3A_422[%get3A_272], %mul3A_404 {add = true} : memref<10000xf32, #tpu.memory_space<vmem>>[vector<16xi32>], vector<16xf32>,
        %scatter3A_423 = arith.constant 20000 : i32
        %scatter3A_424 = tpu.memref_slice %arg13[%scatter3A_423] : memref<40000xf32, #tpu.memory_space<vmem>> -> memref<10000xf32, #tpu.memory_space<vmem>>
        tpu.vector_store_idx %scatter3A_424[%get3A_280], %mul3A_408 {add = true} : memref<10000xf32, #tpu.memory_space<vmem>>[vector<16xi32>], vector<16xf32>,
        %gather3A_425 = arith.constant 30000 : i32
        %gather3A_426 = tpu.memref_slice %arg12[%gather3A_425] : memref<40000xf32, #tpu.memory_space<vmem>> -> memref<10000xf32, #tpu.memory_space<vmem>>
        %gather3A_427 = tpu.vector_load_idx %gather3A_426[%get3A_222] : memref<10000xf32, #tpu.memory_space<vmem>>[vector<16xi32>], vector<16xf32>,
        %mul3A_428 = arith.mulf %get3A_226, %gather3A_427 : vector<16xf32>
        %gather3A_429 = arith.constant 30000 : i32
        %gather3A_430 = tpu.memref_slice %arg12[%gather3A_429] : memref<40000xf32, #tpu.memory_space<vmem>> -> memref<10000xf32, #tpu.memory_space<vmem>>
        %gather3A_431 = tpu.vector_load_idx %gather3A_430[%get3A_230] : memref<10000xf32, #tpu.memory_space<vmem>>[vector<16xi32>], vector<16xf32>,
        %mul3A_432 = arith.mulf %get3A_234, %gather3A_431 : vector<16xf32>
        %gather3A_433 = arith.constant 30000 : i32
        %gather3A_434 = tpu.memref_slice %arg12[%gather3A_433] : memref<40000xf32, #tpu.memory_space<vmem>> -> memref<10000xf32, #tpu.memory_space<vmem>>
        %gather3A_435 = tpu.vector_load_idx %gather3A_434[%get3A_238] : memref<10000xf32, #tpu.memory_space<vmem>>[vector<16xi32>], vector<16xf32>,
        %mul3A_436 = arith.mulf %get3A_242, %gather3A_435 : vector<16xf32>
        %gather3A_437 = arith.constant 30000 : i32
        %gather3A_438 = tpu.memref_slice %arg12[%gather3A_437] : memref<40000xf32, #tpu.memory_space<vmem>> -> memref<10000xf32, #tpu.memory_space<vmem>>
        %gather3A_439 = tpu.vector_load_idx %gather3A_438[%get3A_246] : memref<10000xf32, #tpu.memory_space<vmem>>[vector<16xi32>], vector<16xf32>,
        %mul3A_440 = arith.mulf %get3A_250, %gather3A_439 : vector<16xf32>
        %gather3A_441 = arith.constant 30000 : i32
        %gather3A_442 = tpu.memref_slice %arg12[%gather3A_441] : memref<40000xf32, #tpu.memory_space<vmem>> -> memref<10000xf32, #tpu.memory_space<vmem>>
        %gather3A_443 = tpu.vector_load_idx %gather3A_442[%get3A_254] : memref<10000xf32, #tpu.memory_space<vmem>>[vector<16xi32>], vector<16xf32>,
        %mul3A_444 = arith.mulf %get3A_258, %gather3A_443 : vector<16xf32>
        %gather3A_445 = arith.constant 30000 : i32
        %gather3A_446 = tpu.memref_slice %arg12[%gather3A_445] : memref<40000xf32, #tpu.memory_space<vmem>> -> memref<10000xf32, #tpu.memory_space<vmem>>
        %gather3A_447 = tpu.vector_load_idx %gather3A_446[%get3A_262] : memref<10000xf32, #tpu.memory_space<vmem>>[vector<16xi32>], vector<16xf32>,
        %mul3A_448 = arith.mulf %get3A_266, %gather3A_447 : vector<16xf32>
        %gather3A_449 = arith.constant 30000 : i32
        %gather3A_450 = tpu.memref_slice %arg12[%gather3A_449] : memref<40000xf32, #tpu.memory_space<vmem>> -> memref<10000xf32, #tpu.memory_space<vmem>>
        %gather3A_451 = tpu.vector_load_idx %gather3A_450[%get3A_270] : memref<10000xf32, #tpu.memory_space<vmem>>[vector<16xi32>], vector<16xf32>,
        %mul3A_452 = arith.mulf %get3A_274, %gather3A_451 : vector<16xf32>
        %gather3A_453 = arith.constant 30000 : i32
        %gather3A_454 = tpu.memref_slice %arg12[%gather3A_453] : memref<40000xf32, #tpu.memory_space<vmem>> -> memref<10000xf32, #tpu.memory_space<vmem>>
        %gather3A_455 = tpu.vector_load_idx %gather3A_454[%get3A_278] : memref<10000xf32, #tpu.memory_space<vmem>>[vector<16xi32>], vector<16xf32>,
        %mul3A_456 = arith.mulf %get3A_282, %gather3A_455 : vector<16xf32>
        %scatter3A_457 = arith.constant 30000 : i32
        %scatter3A_458 = tpu.memref_slice %arg13[%scatter3A_457] : memref<40000xf32, #tpu.memory_space<vmem>> -> memref<10000xf32, #tpu.memory_space<vmem>>
        tpu.vector_store_idx %scatter3A_458[%get3A_224], %mul3A_428 {add = true} : memref<10000xf32, #tpu.memory_space<vmem>>[vector<16xi32>], vector<16xf32>,
        %scatter3A_459 = arith.constant 30000 : i32
        %scatter3A_460 = tpu.memref_slice %arg13[%scatter3A_459] : memref<40000xf32, #tpu.memory_space<vmem>> -> memref<10000xf32, #tpu.memory_space<vmem>>
        tpu.vector_store_idx %scatter3A_460[%get3A_232], %mul3A_432 {add = true} : memref<10000xf32, #tpu.memory_space<vmem>>[vector<16xi32>], vector<16xf32>,
        %scatter3A_461 = arith.constant 30000 : i32
        %scatter3A_462 = tpu.memref_slice %arg13[%scatter3A_461] : memref<40000xf32, #tpu.memory_space<vmem>> -> memref<10000xf32, #tpu.memory_space<vmem>>
        tpu.vector_store_idx %scatter3A_462[%get3A_240], %mul3A_436 {add = true} : memref<10000xf32, #tpu.memory_space<vmem>>[vector<16xi32>], vector<16xf32>,
        %scatter3A_463 = arith.constant 30000 : i32
        %scatter3A_464 = tpu.memref_slice %arg13[%scatter3A_463] : memref<40000xf32, #tpu.memory_space<vmem>> -> memref<10000xf32, #tpu.memory_space<vmem>>
        tpu.vector_store_idx %scatter3A_464[%get3A_248], %mul3A_440 {add = true} : memref<10000xf32, #tpu.memory_space<vmem>>[vector<16xi32>], vector<16xf32>,
        %scatter3A_465 = arith.constant 30000 : i32
        %scatter3A_466 = tpu.memref_slice %arg13[%scatter3A_465] : memref<40000xf32, #tpu.memory_space<vmem>> -> memref<10000xf32, #tpu.memory_space<vmem>>
        tpu.vector_store_idx %scatter3A_466[%get3A_256], %mul3A_444 {add = true} : memref<10000xf32, #tpu.memory_space<vmem>>[vector<16xi32>], vector<16xf32>,
        %scatter3A_467 = arith.constant 30000 : i32
        %scatter3A_468 = tpu.memref_slice %arg13[%scatter3A_467] : memref<40000xf32, #tpu.memory_space<vmem>> -> memref<10000xf32, #tpu.memory_space<vmem>>
        tpu.vector_store_idx %scatter3A_468[%get3A_264], %mul3A_448 {add = true} : memref<10000xf32, #tpu.memory_space<vmem>>[vector<16xi32>], vector<16xf32>,
        %scatter3A_469 = arith.constant 30000 : i32
        %scatter3A_470 = tpu.memref_slice %arg13[%scatter3A_469] : memref<40000xf32, #tpu.memory_space<vmem>> -> memref<10000xf32, #tpu.memory_space<vmem>>
        tpu.vector_store_idx %scatter3A_470[%get3A_272], %mul3A_452 {add = true} : memref<10000xf32, #tpu.memory_space<vmem>>[vector<16xi32>], vector<16xf32>,
        %scatter3A_471 = arith.constant 30000 : i32
        %scatter3A_472 = tpu.memref_slice %arg13[%scatter3A_471] : memref<40000xf32, #tpu.memory_space<vmem>> -> memref<10000xf32, #tpu.memory_space<vmem>>
        tpu.vector_store_idx %scatter3A_472[%get3A_280], %mul3A_456 {add = true} : memref<10000xf32, #tpu.memory_space<vmem>>[vector<16xi32>], vector<16xf32>,
      }
      %scan3A_206 = arith.constant 25 : i32
      %add3A_207 = arith.constant 2 : i32
      %add3A_208 = arith.addi %add3A_180, %add3A_207 : i32
      %lt3A_209 = arith.constant 50 : i32
      %lt3A_210 = arith.cmpi slt, %add3A_208, %lt3A_209 : i32
      %convert_element_type3A_211 = arith.extui %lt3A_210 : i1 to i32
      %cond3A_212 = arith.constant 0 : i32
      %cond3A_213 = arith.cmpi ne, %convert_element_type3A_211, %cond3A_212 : i32
      scf.if %cond3A_213 {
        %add3A_214 = arith.constant 2 : i32
        %add3A_215 = arith.addi %add3A_180, %add3A_214 : i32
        %mul3A_216 = arith.constant 3200 : i32
        %mul3A_217 = arith.muli %add3A_215, %mul3A_216 : i32
        %dma_start3A_218 = arith.constant 3200 : i32
        %dma_start3A_219 = tpu.memref_slice %arg17[%dma_start3A_218] : memref<6400xf32, #tpu.memory_space<vmem>> -> memref<3200xf32, #tpu.memory_space<vmem>>
        %dma_start3A_220 = tpu.memref_slice %arg3[%mul3A_217] : memref<160000xf32, #tpu.memory_space<hbm>> -> memref<3200xf32, #tpu.memory_space<hbm>>
        %dma_start3A_221 = arith.constant 3200 : i32
        %dma_start3A_222 = tpu.memref_slice %arg17[%dma_start3A_221] : memref<6400xf32, #tpu.memory_space<vmem>> -> memref<3200xf32, #tpu.memory_space<vmem>>
        %dma_start3A_223 = tpu.memref_slice %arg3[%mul3A_217] : memref<160000xf32, #tpu.memory_space<hbm>> -> memref<3200xf32, #tpu.memory_space<hbm>>
        tpu.enqueue_dma source(%dma_start3A_223 : memref<3200xf32, #tpu.memory_space<hbm>>) target(%dma_start3A_222 : memref<3200xf32, #tpu.memory_space<vmem>>) target_semaphore(%arg21 : memref<!tpu.dma_semaphore, #tpu.memory_space<semaphore_mem>>)
        %dma_start3A_224 = arith.constant 3200 : i32
        %dma_start3A_225 = tpu.memref_slice %arg14[%dma_start3A_224] : memref<6400xi32, #tpu.memory_space<vmem>> -> memref<3200xi32, #tpu.memory_space<vmem>>
        %dma_start3A_226 = tpu.memref_slice %arg4[%mul3A_217] : memref<160000xi32, #tpu.memory_space<hbm>> -> memref<3200xi32, #tpu.memory_space<hbm>>
        %dma_start3A_227 = arith.constant 3200 : i32
        %dma_start3A_228 = tpu.memref_slice %arg14[%dma_start3A_227] : memref<6400xi32, #tpu.memory_space<vmem>> -> memref<3200xi32, #tpu.memory_space<vmem>>
        %dma_start3A_229 = tpu.memref_slice %arg4[%mul3A_217] : memref<160000xi32, #tpu.memory_space<hbm>> -> memref<3200xi32, #tpu.memory_space<hbm>>
        tpu.enqueue_dma source(%dma_start3A_229 : memref<3200xi32, #tpu.memory_space<hbm>>) target(%dma_start3A_228 : memref<3200xi32, #tpu.memory_space<vmem>>) target_semaphore(%arg21 : memref<!tpu.dma_semaphore, #tpu.memory_space<semaphore_mem>>)
        %dma_start3A_230 = arith.constant 3200 : i32
        %dma_start3A_231 = tpu.memref_slice %arg15[%dma_start3A_230] : memref<6400xi32, #tpu.memory_space<vmem>> -> memref<3200xi32, #tpu.memory_space<vmem>>
        %dma_start3A_232 = tpu.memref_slice %arg5[%mul3A_217] : memref<160000xi32, #tpu.memory_space<hbm>> -> memref<3200xi32, #tpu.memory_space<hbm>>
        %dma_start3A_233 = arith.constant 3200 : i32
        %dma_start3A_234 = tpu.memref_slice %arg15[%dma_start3A_233] : memref<6400xi32, #tpu.memory_space<vmem>> -> memref<3200xi32, #tpu.memory_space<vmem>>
        %dma_start3A_235 = tpu.memref_slice %arg5[%mul3A_217] : memref<160000xi32, #tpu.memory_space<hbm>> -> memref<3200xi32, #tpu.memory_space<hbm>>
        tpu.enqueue_dma source(%dma_start3A_235 : memref<3200xi32, #tpu.memory_space<hbm>>) target(%dma_start3A_234 : memref<3200xi32, #tpu.memory_space<vmem>>) target_semaphore(%arg21 : memref<!tpu.dma_semaphore, #tpu.memory_space<semaphore_mem>>)
      } else {
      }
    }
    %scan3A_68 = arith.constant 25 : i32
    %dma_start3A_69 = arith.constant 0 : i32
    %dma_start3A_70 = tpu.memref_slice %arg17[%dma_start3A_69] : memref<6400xf32, #tpu.memory_space<vmem>> -> memref<3200xf32, #tpu.memory_space<vmem>>
    %dma_start3A_71 = arith.constant 0 : i32
    %dma_start3A_72 = tpu.memref_slice %arg6[%dma_start3A_71] : memref<320000xf32, #tpu.memory_space<hbm>> -> memref<3200xf32, #tpu.memory_space<hbm>>
    %dma_start3A_73 = arith.constant 0 : i32
    %dma_start3A_74 = tpu.memref_slice %arg17[%dma_start3A_73] : memref<6400xf32, #tpu.memory_space<vmem>> -> memref<3200xf32, #tpu.memory_space<vmem>>
    %dma_start3A_75 = arith.constant 0 : i32
    %dma_start3A_76 = tpu.memref_slice %arg6[%dma_start3A_75] : memref<320000xf32, #tpu.memory_space<hbm>> -> memref<3200xf32, #tpu.memory_space<hbm>>
    tpu.enqueue_dma source(%dma_start3A_76 : memref<3200xf32, #tpu.memory_space<hbm>>) target(%dma_start3A_74 : memref<3200xf32, #tpu.memory_space<vmem>>) target_semaphore(%arg20 : memref<!tpu.dma_semaphore, #tpu.memory_space<semaphore_mem>>)
    %dma_start3A_77 = arith.constant 0 : i32
    %dma_start3A_78 = tpu.memref_slice %arg14[%dma_start3A_77] : memref<6400xi32, #tpu.memory_space<vmem>> -> memref<3200xi32, #tpu.memory_space<vmem>>
    %dma_start3A_79 = arith.constant 0 : i32
    %dma_start3A_80 = tpu.memref_slice %arg7[%dma_start3A_79] : memref<320000xi32, #tpu.memory_space<hbm>> -> memref<3200xi32, #tpu.memory_space<hbm>>
    %dma_start3A_81 = arith.constant 0 : i32
    %dma_start3A_82 = tpu.memref_slice %arg14[%dma_start3A_81] : memref<6400xi32, #tpu.memory_space<vmem>> -> memref<3200xi32, #tpu.memory_space<vmem>>
    %dma_start3A_83 = arith.constant 0 : i32
    %dma_start3A_84 = tpu.memref_slice %arg7[%dma_start3A_83] : memref<320000xi32, #tpu.memory_space<hbm>> -> memref<3200xi32, #tpu.memory_space<hbm>>
    tpu.enqueue_dma source(%dma_start3A_84 : memref<3200xi32, #tpu.memory_space<hbm>>) target(%dma_start3A_82 : memref<3200xi32, #tpu.memory_space<vmem>>) target_semaphore(%arg20 : memref<!tpu.dma_semaphore, #tpu.memory_space<semaphore_mem>>)
    %dma_start3A_85 = arith.constant 0 : i32
    %dma_start3A_86 = tpu.memref_slice %arg15[%dma_start3A_85] : memref<6400xi32, #tpu.memory_space<vmem>> -> memref<3200xi32, #tpu.memory_space<vmem>>
    %dma_start3A_87 = arith.constant 0 : i32
    %dma_start3A_88 = tpu.memref_slice %arg8[%dma_start3A_87] : memref<320000xi32, #tpu.memory_space<hbm>> -> memref<3200xi32, #tpu.memory_space<hbm>>
    %dma_start3A_89 = arith.constant 0 : i32
    %dma_start3A_90 = tpu.memref_slice %arg15[%dma_start3A_89] : memref<6400xi32, #tpu.memory_space<vmem>> -> memref<3200xi32, #tpu.memory_space<vmem>>
    %dma_start3A_91 = arith.constant 0 : i32
    %dma_start3A_92 = tpu.memref_slice %arg8[%dma_start3A_91] : memref<320000xi32, #tpu.memory_space<hbm>> -> memref<3200xi32, #tpu.memory_space<hbm>>
    tpu.enqueue_dma source(%dma_start3A_92 : memref<3200xi32, #tpu.memory_space<hbm>>) target(%dma_start3A_90 : memref<3200xi32, #tpu.memory_space<vmem>>) target_semaphore(%arg20 : memref<!tpu.dma_semaphore, #tpu.memory_space<semaphore_mem>>)
    %dma_start3A_93 = arith.constant 0 : i32
    %dma_start3A_94 = tpu.memref_slice %arg16[%dma_start3A_93] : memref<6400xi32, #tpu.memory_space<vmem>> -> memref<3200xi32, #tpu.memory_space<vmem>>
    %dma_start3A_95 = arith.constant 0 : i32
    %dma_start3A_96 = tpu.memref_slice %arg9[%dma_start3A_95] : memref<320000xi32, #tpu.memory_space<hbm>> -> memref<3200xi32, #tpu.memory_space<hbm>>
    %dma_start3A_97 = arith.constant 0 : i32
    %dma_start3A_98 = tpu.memref_slice %arg16[%dma_start3A_97] : memref<6400xi32, #tpu.memory_space<vmem>> -> memref<3200xi32, #tpu.memory_space<vmem>>
    %dma_start3A_99 = arith.constant 0 : i32
    %dma_start3A_100 = tpu.memref_slice %arg9[%dma_start3A_99] : memref<320000xi32, #tpu.memory_space<hbm>> -> memref<3200xi32, #tpu.memory_space<hbm>>
    tpu.enqueue_dma source(%dma_start3A_100 : memref<3200xi32, #tpu.memory_space<hbm>>) target(%dma_start3A_98 : memref<3200xi32, #tpu.memory_space<vmem>>) target_semaphore(%arg20 : memref<!tpu.dma_semaphore, #tpu.memory_space<semaphore_mem>>)
    %dma_start3A_101 = arith.constant 3200 : i32
    %dma_start3A_102 = tpu.memref_slice %arg17[%dma_start3A_101] : memref<6400xf32, #tpu.memory_space<vmem>> -> memref<3200xf32, #tpu.memory_space<vmem>>
    %dma_start3A_103 = arith.constant 3200 : i32
    %dma_start3A_104 = tpu.memref_slice %arg6[%dma_start3A_103] : memref<320000xf32, #tpu.memory_space<hbm>> -> memref<3200xf32, #tpu.memory_space<hbm>>
    %dma_start3A_105 = arith.constant 3200 : i32
    %dma_start3A_106 = tpu.memref_slice %arg17[%dma_start3A_105] : memref<6400xf32, #tpu.memory_space<vmem>> -> memref<3200xf32, #tpu.memory_space<vmem>>
    %dma_start3A_107 = arith.constant 3200 : i32
    %dma_start3A_108 = tpu.memref_slice %arg6[%dma_start3A_107] : memref<320000xf32, #tpu.memory_space<hbm>> -> memref<3200xf32, #tpu.memory_space<hbm>>
    tpu.enqueue_dma source(%dma_start3A_108 : memref<3200xf32, #tpu.memory_space<hbm>>) target(%dma_start3A_106 : memref<3200xf32, #tpu.memory_space<vmem>>) target_semaphore(%arg21 : memref<!tpu.dma_semaphore, #tpu.memory_space<semaphore_mem>>)
    %dma_start3A_109 = arith.constant 3200 : i32
    %dma_start3A_110 = tpu.memref_slice %arg14[%dma_start3A_109] : memref<6400xi32, #tpu.memory_space<vmem>> -> memref<3200xi32, #tpu.memory_space<vmem>>
    %dma_start3A_111 = arith.constant 3200 : i32
    %dma_start3A_112 = tpu.memref_slice %arg7[%dma_start3A_111] : memref<320000xi32, #tpu.memory_space<hbm>> -> memref<3200xi32, #tpu.memory_space<hbm>>
    %dma_start3A_113 = arith.constant 3200 : i32
    %dma_start3A_114 = tpu.memref_slice %arg14[%dma_start3A_113] : memref<6400xi32, #tpu.memory_space<vmem>> -> memref<3200xi32, #tpu.memory_space<vmem>>
    %dma_start3A_115 = arith.constant 3200 : i32
    %dma_start3A_116 = tpu.memref_slice %arg7[%dma_start3A_115] : memref<320000xi32, #tpu.memory_space<hbm>> -> memref<3200xi32, #tpu.memory_space<hbm>>
    tpu.enqueue_dma source(%dma_start3A_116 : memref<3200xi32, #tpu.memory_space<hbm>>) target(%dma_start3A_114 : memref<3200xi32, #tpu.memory_space<vmem>>) target_semaphore(%arg21 : memref<!tpu.dma_semaphore, #tpu.memory_space<semaphore_mem>>)
    %dma_start3A_117 = arith.constant 3200 : i32
    %dma_start3A_118 = tpu.memref_slice %arg15[%dma_start3A_117] : memref<6400xi32, #tpu.memory_space<vmem>> -> memref<3200xi32, #tpu.memory_space<vmem>>
    %dma_start3A_119 = arith.constant 3200 : i32
    %dma_start3A_120 = tpu.memref_slice %arg8[%dma_start3A_119] : memref<320000xi32, #tpu.memory_space<hbm>> -> memref<3200xi32, #tpu.memory_space<hbm>>
    %dma_start3A_121 = arith.constant 3200 : i32
    %dma_start3A_122 = tpu.memref_slice %arg15[%dma_start3A_121] : memref<6400xi32, #tpu.memory_space<vmem>> -> memref<3200xi32, #tpu.memory_space<vmem>>
    %dma_start3A_123 = arith.constant 3200 : i32
    %dma_start3A_124 = tpu.memref_slice %arg8[%dma_start3A_123] : memref<320000xi32, #tpu.memory_space<hbm>> -> memref<3200xi32, #tpu.memory_space<hbm>>
    tpu.enqueue_dma source(%dma_start3A_124 : memref<3200xi32, #tpu.memory_space<hbm>>) target(%dma_start3A_122 : memref<3200xi32, #tpu.memory_space<vmem>>) target_semaphore(%arg21 : memref<!tpu.dma_semaphore, #tpu.memory_space<semaphore_mem>>)
    %dma_start3A_125 = arith.constant 3200 : i32
    %dma_start3A_126 = tpu.memref_slice %arg16[%dma_start3A_125] : memref<6400xi32, #tpu.memory_space<vmem>> -> memref<3200xi32, #tpu.memory_space<vmem>>
    %dma_start3A_127 = arith.constant 3200 : i32
    %dma_start3A_128 = tpu.memref_slice %arg9[%dma_start3A_127] : memref<320000xi32, #tpu.memory_space<hbm>> -> memref<3200xi32, #tpu.memory_space<hbm>>
    %dma_start3A_129 = arith.constant 3200 : i32
    %dma_start3A_130 = tpu.memref_slice %arg16[%dma_start3A_129] : memref<6400xi32, #tpu.memory_space<vmem>> -> memref<3200xi32, #tpu.memory_space<vmem>>
    %dma_start3A_131 = arith.constant 3200 : i32
    %dma_start3A_132 = tpu.memref_slice %arg9[%dma_start3A_131] : memref<320000xi32, #tpu.memory_space<hbm>> -> memref<3200xi32, #tpu.memory_space<hbm>>
    tpu.enqueue_dma source(%dma_start3A_132 : memref<3200xi32, #tpu.memory_space<hbm>>) target(%dma_start3A_130 : memref<3200xi32, #tpu.memory_space<vmem>>) target_semaphore(%arg21 : memref<!tpu.dma_semaphore, #tpu.memory_space<semaphore_mem>>)
    %scan3A_133 = arith.constant 0 : i32
    %scan3A_134 = arith.constant 0 : i32
    %scan3A_135 = arith.constant 50 : i32
    %scan3A_136 = arith.addi %scan3A_134, %scan3A_135 : i32
    %scan3A_137 = arith.constant 1 : i32
    scf.for %scan3A_145 = %scan3A_134 to %scan3A_136 step %scan3A_137  : i32 {
      %mul3A_146 = arith.constant 2 : i32
      %mul3A_147 = arith.muli %scan3A_145, %mul3A_146 : i32
      %add3A_148 = arith.constant 0 : i32
      %add3A_149 = arith.addi %mul3A_147, %add3A_148 : i32
      %mul3A_150 = arith.constant 3200 : i32
      %mul3A_151 = arith.muli %add3A_149, %mul3A_150 : i32
      %dma_wait3A = arith.constant 0 : i32
      %dma_wait3A_152 = tpu.memref_slice %arg17[%dma_wait3A] : memref<6400xf32, #tpu.memory_space<vmem>> -> memref<3200xf32, #tpu.memory_space<vmem>>
      %dma_wait3A_153 = tpu.memref_slice %arg6[%mul3A_151] : memref<320000xf32, #tpu.memory_space<hbm>> -> memref<3200xf32, #tpu.memory_space<hbm>>
      %dma_wait3A_154 = arith.constant 0 : i32
      %dma_wait3A_155 = tpu.memref_slice %arg17[%dma_wait3A_154] : memref<6400xf32, #tpu.memory_space<vmem>> -> memref<3200xf32, #tpu.memory_space<vmem>>
      %dma_wait3A_156 = tpu.memref_slice %arg6[%mul3A_151] : memref<320000xf32, #tpu.memory_space<hbm>> -> memref<3200xf32, #tpu.memory_space<hbm>>
      tpu.wait_dma2 semaphore(%arg20 : memref<!tpu.dma_semaphore, #tpu.memory_space<semaphore_mem>>) src(%dma_wait3A_156 : memref<3200xf32, #tpu.memory_space<hbm>>) dst(%dma_wait3A_155 : memref<3200xf32, #tpu.memory_space<vmem>>)
      %dma_wait3A_157 = arith.constant 0 : i32
      %dma_wait3A_158 = tpu.memref_slice %arg14[%dma_wait3A_157] : memref<6400xi32, #tpu.memory_space<vmem>> -> memref<3200xi32, #tpu.memory_space<vmem>>
      %dma_wait3A_159 = tpu.memref_slice %arg7[%mul3A_151] : memref<320000xi32, #tpu.memory_space<hbm>> -> memref<3200xi32, #tpu.memory_space<hbm>>
      %dma_wait3A_160 = arith.constant 0 : i32
      %dma_wait3A_161 = tpu.memref_slice %arg14[%dma_wait3A_160] : memref<6400xi32, #tpu.memory_space<vmem>> -> memref<3200xi32, #tpu.memory_space<vmem>>
      %dma_wait3A_162 = tpu.memref_slice %arg7[%mul3A_151] : memref<320000xi32, #tpu.memory_space<hbm>> -> memref<3200xi32, #tpu.memory_space<hbm>>
      tpu.wait_dma2 semaphore(%arg20 : memref<!tpu.dma_semaphore, #tpu.memory_space<semaphore_mem>>) src(%dma_wait3A_162 : memref<3200xi32, #tpu.memory_space<hbm>>) dst(%dma_wait3A_161 : memref<3200xi32, #tpu.memory_space<vmem>>)
      %dma_wait3A_163 = arith.constant 0 : i32
      %dma_wait3A_164 = tpu.memref_slice %arg15[%dma_wait3A_163] : memref<6400xi32, #tpu.memory_space<vmem>> -> memref<3200xi32, #tpu.memory_space<vmem>>
      %dma_wait3A_165 = tpu.memref_slice %arg8[%mul3A_151] : memref<320000xi32, #tpu.memory_space<hbm>> -> memref<3200xi32, #tpu.memory_space<hbm>>
      %dma_wait3A_166 = arith.constant 0 : i32
      %dma_wait3A_167 = tpu.memref_slice %arg15[%dma_wait3A_166] : memref<6400xi32, #tpu.memory_space<vmem>> -> memref<3200xi32, #tpu.memory_space<vmem>>
      %dma_wait3A_168 = tpu.memref_slice %arg8[%mul3A_151] : memref<320000xi32, #tpu.memory_space<hbm>> -> memref<3200xi32, #tpu.memory_space<hbm>>
      tpu.wait_dma2 semaphore(%arg20 : memref<!tpu.dma_semaphore, #tpu.memory_space<semaphore_mem>>) src(%dma_wait3A_168 : memref<3200xi32, #tpu.memory_space<hbm>>) dst(%dma_wait3A_167 : memref<3200xi32, #tpu.memory_space<vmem>>)
      %dma_wait3A_169 = arith.constant 0 : i32
      %dma_wait3A_170 = tpu.memref_slice %arg16[%dma_wait3A_169] : memref<6400xi32, #tpu.memory_space<vmem>> -> memref<3200xi32, #tpu.memory_space<vmem>>
      %dma_wait3A_171 = tpu.memref_slice %arg9[%mul3A_151] : memref<320000xi32, #tpu.memory_space<hbm>> -> memref<3200xi32, #tpu.memory_space<hbm>>
      %dma_wait3A_172 = arith.constant 0 : i32
      %dma_wait3A_173 = tpu.memref_slice %arg16[%dma_wait3A_172] : memref<6400xi32, #tpu.memory_space<vmem>> -> memref<3200xi32, #tpu.memory_space<vmem>>
      %dma_wait3A_174 = tpu.memref_slice %arg9[%mul3A_151] : memref<320000xi32, #tpu.memory_space<hbm>> -> memref<3200xi32, #tpu.memory_space<hbm>>
      tpu.wait_dma2 semaphore(%arg20 : memref<!tpu.dma_semaphore, #tpu.memory_space<semaphore_mem>>) src(%dma_wait3A_174 : memref<3200xi32, #tpu.memory_space<hbm>>) dst(%dma_wait3A_173 : memref<3200xi32, #tpu.memory_space<vmem>>)
      %scan3A_175 = arith.constant 0 : i32
      %scan3A_176 = arith.constant 0 : i32
      %scan3A_177 = arith.constant 25 : i32
      %scan3A_178 = arith.addi %scan3A_176, %scan3A_177 : i32
      %scan3A_179 = arith.constant 1 : i32
      scf.for %scan3A_226 = %scan3A_176 to %scan3A_178 step %scan3A_179  : i32 {
        %mul3A_227 = arith.constant 128 : i32
        %mul3A_228 = arith.muli %scan3A_226, %mul3A_227 : i32
        %add3A_229 = arith.constant 0 : i32
        %add3A_230 = arith.addi %add3A_229, %mul3A_228 : i32
        %add3A_231 = arith.constant 0 : i32
        %add3A_232 = arith.addi %add3A_230, %add3A_231 : i32
        %get3A_233 = arith.index_cast %add3A_232 : i32 to index
        %get3A_234 = tpu.vector_load %arg14[%get3A_233] {strides = array<i32>} : memref<6400xi32, #tpu.memory_space<vmem>>, vector<16xi32>,
        %get3A_235 = arith.index_cast %add3A_232 : i32 to index
        %get3A_236 = tpu.vector_load %arg15[%get3A_235] {strides = array<i32>} : memref<6400xi32, #tpu.memory_space<vmem>>, vector<16xi32>,
        %get3A_237 = arith.index_cast %add3A_232 : i32 to index
        %get3A_238 = tpu.vector_load %arg16[%get3A_237] {strides = array<i32>} : memref<6400xi32, #tpu.memory_space<vmem>>, vector<16xi32>,
        %get3A_239 = arith.index_cast %add3A_232 : i32 to index
        %get3A_240 = tpu.vector_load %arg17[%get3A_239] {strides = array<i32>} : memref<6400xf32, #tpu.memory_space<vmem>>, vector<16xf32>,
        %mul3A_241 = arith.mulf %get3A_240, %get3A_3 : vector<16xf32>
        %add3A_242 = arith.constant 16 : i32
        %add3A_243 = arith.addi %add3A_230, %add3A_242 : i32
        %get3A_244 = arith.index_cast %add3A_243 : i32 to index
        %get3A_245 = tpu.vector_load %arg14[%get3A_244] {strides = array<i32>} : memref<6400xi32, #tpu.memory_space<vmem>>, vector<16xi32>,
        %get3A_246 = arith.index_cast %add3A_243 : i32 to index
        %get3A_247 = tpu.vector_load %arg15[%get3A_246] {strides = array<i32>} : memref<6400xi32, #tpu.memory_space<vmem>>, vector<16xi32>,
        %get3A_248 = arith.index_cast %add3A_243 : i32 to index
        %get3A_249 = tpu.vector_load %arg16[%get3A_248] {strides = array<i32>} : memref<6400xi32, #tpu.memory_space<vmem>>, vector<16xi32>,
        %get3A_250 = arith.index_cast %add3A_243 : i32 to index
        %get3A_251 = tpu.vector_load %arg17[%get3A_250] {strides = array<i32>} : memref<6400xf32, #tpu.memory_space<vmem>>, vector<16xf32>,
        %mul3A_252 = arith.mulf %get3A_251, %get3A_3 : vector<16xf32>
        %add3A_253 = arith.constant 32 : i32
        %add3A_254 = arith.addi %add3A_230, %add3A_253 : i32
        %get3A_255 = arith.index_cast %add3A_254 : i32 to index
        %get3A_256 = tpu.vector_load %arg14[%get3A_255] {strides = array<i32>} : memref<6400xi32, #tpu.memory_space<vmem>>, vector<16xi32>,
        %get3A_257 = arith.index_cast %add3A_254 : i32 to index
        %get3A_258 = tpu.vector_load %arg15[%get3A_257] {strides = array<i32>} : memref<6400xi32, #tpu.memory_space<vmem>>, vector<16xi32>,
        %get3A_259 = arith.index_cast %add3A_254 : i32 to index
        %get3A_260 = tpu.vector_load %arg16[%get3A_259] {strides = array<i32>} : memref<6400xi32, #tpu.memory_space<vmem>>, vector<16xi32>,
        %get3A_261 = arith.index_cast %add3A_254 : i32 to index
        %get3A_262 = tpu.vector_load %arg17[%get3A_261] {strides = array<i32>} : memref<6400xf32, #tpu.memory_space<vmem>>, vector<16xf32>,
        %mul3A_263 = arith.mulf %get3A_262, %get3A_3 : vector<16xf32>
        %add3A_264 = arith.constant 48 : i32
        %add3A_265 = arith.addi %add3A_230, %add3A_264 : i32
        %get3A_266 = arith.index_cast %add3A_265 : i32 to index
        %get3A_267 = tpu.vector_load %arg14[%get3A_266] {strides = array<i32>} : memref<6400xi32, #tpu.memory_space<vmem>>, vector<16xi32>,
        %get3A_268 = arith.index_cast %add3A_265 : i32 to index
        %get3A_269 = tpu.vector_load %arg15[%get3A_268] {strides = array<i32>} : memref<6400xi32, #tpu.memory_space<vmem>>, vector<16xi32>,
        %get3A_270 = arith.index_cast %add3A_265 : i32 to index
        %get3A_271 = tpu.vector_load %arg16[%get3A_270] {strides = array<i32>} : memref<6400xi32, #tpu.memory_space<vmem>>, vector<16xi32>,
        %get3A_272 = arith.index_cast %add3A_265 : i32 to index
        %get3A_273 = tpu.vector_load %arg17[%get3A_272] {strides = array<i32>} : memref<6400xf32, #tpu.memory_space<vmem>>, vector<16xf32>,
        %mul3A_274 = arith.mulf %get3A_273, %get3A_3 : vector<16xf32>
        %add3A_275 = arith.constant 64 : i32
        %add3A_276 = arith.addi %add3A_230, %add3A_275 : i32
        %get3A_277 = arith.index_cast %add3A_276 : i32 to index
        %get3A_278 = tpu.vector_load %arg14[%get3A_277] {strides = array<i32>} : memref<6400xi32, #tpu.memory_space<vmem>>, vector<16xi32>,
        %get3A_279 = arith.index_cast %add3A_276 : i32 to index
        %get3A_280 = tpu.vector_load %arg15[%get3A_279] {strides = array<i32>} : memref<6400xi32, #tpu.memory_space<vmem>>, vector<16xi32>,
        %get3A_281 = arith.index_cast %add3A_276 : i32 to index
        %get3A_282 = tpu.vector_load %arg16[%get3A_281] {strides = array<i32>} : memref<6400xi32, #tpu.memory_space<vmem>>, vector<16xi32>,
        %get3A_283 = arith.index_cast %add3A_276 : i32 to index
        %get3A_284 = tpu.vector_load %arg17[%get3A_283] {strides = array<i32>} : memref<6400xf32, #tpu.memory_space<vmem>>, vector<16xf32>,
        %mul3A_285 = arith.mulf %get3A_284, %get3A_3 : vector<16xf32>
        %add3A_286 = arith.constant 80 : i32
        %add3A_287 = arith.addi %add3A_230, %add3A_286 : i32
        %get3A_288 = arith.index_cast %add3A_287 : i32 to index
        %get3A_289 = tpu.vector_load %arg14[%get3A_288] {strides = array<i32>} : memref<6400xi32, #tpu.memory_space<vmem>>, vector<16xi32>,
        %get3A_290 = arith.index_cast %add3A_287 : i32 to index
        %get3A_291 = tpu.vector_load %arg15[%get3A_290] {strides = array<i32>} : memref<6400xi32, #tpu.memory_space<vmem>>, vector<16xi32>,
        %get3A_292 = arith.index_cast %add3A_287 : i32 to index
        %get3A_293 = tpu.vector_load %arg16[%get3A_292] {strides = array<i32>} : memref<6400xi32, #tpu.memory_space<vmem>>, vector<16xi32>,
        %get3A_294 = arith.index_cast %add3A_287 : i32 to index
        %get3A_295 = tpu.vector_load %arg17[%get3A_294] {strides = array<i32>} : memref<6400xf32, #tpu.memory_space<vmem>>, vector<16xf32>,
        %mul3A_296 = arith.mulf %get3A_295, %get3A_3 : vector<16xf32>
        %add3A_297 = arith.constant 96 : i32
        %add3A_298 = arith.addi %add3A_230, %add3A_297 : i32
        %get3A_299 = arith.index_cast %add3A_298 : i32 to index
        %get3A_300 = tpu.vector_load %arg14[%get3A_299] {strides = array<i32>} : memref<6400xi32, #tpu.memory_space<vmem>>, vector<16xi32>,
        %get3A_301 = arith.index_cast %add3A_298 : i32 to index
        %get3A_302 = tpu.vector_load %arg15[%get3A_301] {strides = array<i32>} : memref<6400xi32, #tpu.memory_space<vmem>>, vector<16xi32>,
        %get3A_303 = arith.index_cast %add3A_298 : i32 to index
        %get3A_304 = tpu.vector_load %arg16[%get3A_303] {strides = array<i32>} : memref<6400xi32, #tpu.memory_space<vmem>>, vector<16xi32>,
        %get3A_305 = arith.index_cast %add3A_298 : i32 to index
        %get3A_306 = tpu.vector_load %arg17[%get3A_305] {strides = array<i32>} : memref<6400xf32, #tpu.memory_space<vmem>>, vector<16xf32>,
        %mul3A_307 = arith.mulf %get3A_306, %get3A_3 : vector<16xf32>
        %add3A_308 = arith.constant 112 : i32
        %add3A_309 = arith.addi %add3A_230, %add3A_308 : i32
        %get3A_310 = arith.index_cast %add3A_309 : i32 to index
        %get3A_311 = tpu.vector_load %arg14[%get3A_310] {strides = array<i32>} : memref<6400xi32, #tpu.memory_space<vmem>>, vector<16xi32>,
        %get3A_312 = arith.index_cast %add3A_309 : i32 to index
        %get3A_313 = tpu.vector_load %arg15[%get3A_312] {strides = array<i32>} : memref<6400xi32, #tpu.memory_space<vmem>>, vector<16xi32>,
        %get3A_314 = arith.index_cast %add3A_309 : i32 to index
        %get3A_315 = tpu.vector_load %arg16[%get3A_314] {strides = array<i32>} : memref<6400xi32, #tpu.memory_space<vmem>>, vector<16xi32>,
        %get3A_316 = arith.index_cast %add3A_309 : i32 to index
        %get3A_317 = tpu.vector_load %arg17[%get3A_316] {strides = array<i32>} : memref<6400xf32, #tpu.memory_space<vmem>>, vector<16xf32>,
        %mul3A_318 = arith.mulf %get3A_317, %get3A_3 : vector<16xf32>
        %gather3A = arith.constant 0 : i32
        %gather3A_319 = tpu.memref_slice %arg12[%gather3A] : memref<40000xf32, #tpu.memory_space<vmem>> -> memref<10000xf32, #tpu.memory_space<vmem>>
        %gather3A_320 = tpu.vector_load_idx %gather3A_319[%get3A_234] : memref<10000xf32, #tpu.memory_space<vmem>>[vector<16xi32>], vector<16xf32>,
        %mul3A_321 = arith.mulf %mul3A_241, %gather3A_320 : vector<16xf32>
        %gather3A_322 = arith.constant 0 : i32
        %gather3A_323 = tpu.memref_slice %arg12[%gather3A_322] : memref<40000xf32, #tpu.memory_space<vmem>> -> memref<10000xf32, #tpu.memory_space<vmem>>
        %gather3A_324 = tpu.vector_load_idx %gather3A_323[%get3A_236] : memref<10000xf32, #tpu.memory_space<vmem>>[vector<16xi32>], vector<16xf32>,
        %mul3A_325 = arith.mulf %mul3A_321, %gather3A_324 : vector<16xf32>
        %gather3A_326 = arith.constant 0 : i32
        %gather3A_327 = tpu.memref_slice %arg12[%gather3A_326] : memref<40000xf32, #tpu.memory_space<vmem>> -> memref<10000xf32, #tpu.memory_space<vmem>>
        %gather3A_328 = tpu.vector_load_idx %gather3A_327[%get3A_245] : memref<10000xf32, #tpu.memory_space<vmem>>[vector<16xi32>], vector<16xf32>,
        %mul3A_329 = arith.mulf %mul3A_252, %gather3A_328 : vector<16xf32>
        %gather3A_330 = arith.constant 0 : i32
        %gather3A_331 = tpu.memref_slice %arg12[%gather3A_330] : memref<40000xf32, #tpu.memory_space<vmem>> -> memref<10000xf32, #tpu.memory_space<vmem>>
        %gather3A_332 = tpu.vector_load_idx %gather3A_331[%get3A_247] : memref<10000xf32, #tpu.memory_space<vmem>>[vector<16xi32>], vector<16xf32>,
        %mul3A_333 = arith.mulf %mul3A_329, %gather3A_332 : vector<16xf32>
        %gather3A_334 = arith.constant 0 : i32
        %gather3A_335 = tpu.memref_slice %arg12[%gather3A_334] : memref<40000xf32, #tpu.memory_space<vmem>> -> memref<10000xf32, #tpu.memory_space<vmem>>
        %gather3A_336 = tpu.vector_load_idx %gather3A_335[%get3A_256] : memref<10000xf32, #tpu.memory_space<vmem>>[vector<16xi32>], vector<16xf32>,
        %mul3A_337 = arith.mulf %mul3A_263, %gather3A_336 : vector<16xf32>
        %gather3A_338 = arith.constant 0 : i32
        %gather3A_339 = tpu.memref_slice %arg12[%gather3A_338] : memref<40000xf32, #tpu.memory_space<vmem>> -> memref<10000xf32, #tpu.memory_space<vmem>>
        %gather3A_340 = tpu.vector_load_idx %gather3A_339[%get3A_258] : memref<10000xf32, #tpu.memory_space<vmem>>[vector<16xi32>], vector<16xf32>,
        %mul3A_341 = arith.mulf %mul3A_337, %gather3A_340 : vector<16xf32>
        %gather3A_342 = arith.constant 0 : i32
        %gather3A_343 = tpu.memref_slice %arg12[%gather3A_342] : memref<40000xf32, #tpu.memory_space<vmem>> -> memref<10000xf32, #tpu.memory_space<vmem>>
        %gather3A_344 = tpu.vector_load_idx %gather3A_343[%get3A_267] : memref<10000xf32, #tpu.memory_space<vmem>>[vector<16xi32>], vector<16xf32>,
        %mul3A_345 = arith.mulf %mul3A_274, %gather3A_344 : vector<16xf32>
        %gather3A_346 = arith.constant 0 : i32
        %gather3A_347 = tpu.memref_slice %arg12[%gather3A_346] : memref<40000xf32, #tpu.memory_space<vmem>> -> memref<10000xf32, #tpu.memory_space<vmem>>
        %gather3A_348 = tpu.vector_load_idx %gather3A_347[%get3A_269] : memref<10000xf32, #tpu.memory_space<vmem>>[vector<16xi32>], vector<16xf32>,
        %mul3A_349 = arith.mulf %mul3A_345, %gather3A_348 : vector<16xf32>
        %gather3A_350 = arith.constant 0 : i32
        %gather3A_351 = tpu.memref_slice %arg12[%gather3A_350] : memref<40000xf32, #tpu.memory_space<vmem>> -> memref<10000xf32, #tpu.memory_space<vmem>>
        %gather3A_352 = tpu.vector_load_idx %gather3A_351[%get3A_278] : memref<10000xf32, #tpu.memory_space<vmem>>[vector<16xi32>], vector<16xf32>,
        %mul3A_353 = arith.mulf %mul3A_285, %gather3A_352 : vector<16xf32>
        %gather3A_354 = arith.constant 0 : i32
        %gather3A_355 = tpu.memref_slice %arg12[%gather3A_354] : memref<40000xf32, #tpu.memory_space<vmem>> -> memref<10000xf32, #tpu.memory_space<vmem>>
        %gather3A_356 = tpu.vector_load_idx %gather3A_355[%get3A_280] : memref<10000xf32, #tpu.memory_space<vmem>>[vector<16xi32>], vector<16xf32>,
        %mul3A_357 = arith.mulf %mul3A_353, %gather3A_356 : vector<16xf32>
        %gather3A_358 = arith.constant 0 : i32
        %gather3A_359 = tpu.memref_slice %arg12[%gather3A_358] : memref<40000xf32, #tpu.memory_space<vmem>> -> memref<10000xf32, #tpu.memory_space<vmem>>
        %gather3A_360 = tpu.vector_load_idx %gather3A_359[%get3A_289] : memref<10000xf32, #tpu.memory_space<vmem>>[vector<16xi32>], vector<16xf32>,
        %mul3A_361 = arith.mulf %mul3A_296, %gather3A_360 : vector<16xf32>
        %gather3A_362 = arith.constant 0 : i32
        %gather3A_363 = tpu.memref_slice %arg12[%gather3A_362] : memref<40000xf32, #tpu.memory_space<vmem>> -> memref<10000xf32, #tpu.memory_space<vmem>>
        %gather3A_364 = tpu.vector_load_idx %gather3A_363[%get3A_291] : memref<10000xf32, #tpu.memory_space<vmem>>[vector<16xi32>], vector<16xf32>,
        %mul3A_365 = arith.mulf %mul3A_361, %gather3A_364 : vector<16xf32>
        %gather3A_366 = arith.constant 0 : i32
        %gather3A_367 = tpu.memref_slice %arg12[%gather3A_366] : memref<40000xf32, #tpu.memory_space<vmem>> -> memref<10000xf32, #tpu.memory_space<vmem>>
        %gather3A_368 = tpu.vector_load_idx %gather3A_367[%get3A_300] : memref<10000xf32, #tpu.memory_space<vmem>>[vector<16xi32>], vector<16xf32>,
        %mul3A_369 = arith.mulf %mul3A_307, %gather3A_368 : vector<16xf32>
        %gather3A_370 = arith.constant 0 : i32
        %gather3A_371 = tpu.memref_slice %arg12[%gather3A_370] : memref<40000xf32, #tpu.memory_space<vmem>> -> memref<10000xf32, #tpu.memory_space<vmem>>
        %gather3A_372 = tpu.vector_load_idx %gather3A_371[%get3A_302] : memref<10000xf32, #tpu.memory_space<vmem>>[vector<16xi32>], vector<16xf32>,
        %mul3A_373 = arith.mulf %mul3A_369, %gather3A_372 : vector<16xf32>
        %gather3A_374 = arith.constant 0 : i32
        %gather3A_375 = tpu.memref_slice %arg12[%gather3A_374] : memref<40000xf32, #tpu.memory_space<vmem>> -> memref<10000xf32, #tpu.memory_space<vmem>>
        %gather3A_376 = tpu.vector_load_idx %gather3A_375[%get3A_311] : memref<10000xf32, #tpu.memory_space<vmem>>[vector<16xi32>], vector<16xf32>,
        %mul3A_377 = arith.mulf %mul3A_318, %gather3A_376 : vector<16xf32>
        %gather3A_378 = arith.constant 0 : i32
        %gather3A_379 = tpu.memref_slice %arg12[%gather3A_378] : memref<40000xf32, #tpu.memory_space<vmem>> -> memref<10000xf32, #tpu.memory_space<vmem>>
        %gather3A_380 = tpu.vector_load_idx %gather3A_379[%get3A_313] : memref<10000xf32, #tpu.memory_space<vmem>>[vector<16xi32>], vector<16xf32>,
        %mul3A_381 = arith.mulf %mul3A_377, %gather3A_380 : vector<16xf32>
        %neg3A = arith.constant 0.000000e+00 : f32
        %neg3A_382 = vector.broadcast %neg3A : f32 to vector<16xf32>
        %neg3A_383 = arith.subf %neg3A_382, %mul3A_325 : vector<16xf32>
        %scatter3A = arith.constant 0 : i32
        %scatter3A_384 = tpu.memref_slice %arg13[%scatter3A] : memref<40000xf32, #tpu.memory_space<vmem>> -> memref<10000xf32, #tpu.memory_space<vmem>>
        tpu.vector_store_idx %scatter3A_384[%get3A_238], %mul3A_325 {add = true} : memref<10000xf32, #tpu.memory_space<vmem>>[vector<16xi32>], vector<16xf32>,
        %scatter3A_385 = arith.constant 0 : i32
        %scatter3A_386 = tpu.memref_slice %arg13[%scatter3A_385] : memref<40000xf32, #tpu.memory_space<vmem>> -> memref<10000xf32, #tpu.memory_space<vmem>>
        tpu.vector_store_idx %scatter3A_386[%get3A_234], %neg3A_383 {add = true} : memref<10000xf32, #tpu.memory_space<vmem>>[vector<16xi32>], vector<16xf32>,
        %scatter3A_387 = arith.constant 0 : i32
        %scatter3A_388 = tpu.memref_slice %arg13[%scatter3A_387] : memref<40000xf32, #tpu.memory_space<vmem>> -> memref<10000xf32, #tpu.memory_space<vmem>>
        tpu.vector_store_idx %scatter3A_388[%get3A_236], %neg3A_383 {add = true} : memref<10000xf32, #tpu.memory_space<vmem>>[vector<16xi32>], vector<16xf32>,
        %neg3A_389 = arith.constant 0.000000e+00 : f32
        %neg3A_390 = vector.broadcast %neg3A_389 : f32 to vector<16xf32>
        %neg3A_391 = arith.subf %neg3A_390, %mul3A_333 : vector<16xf32>
        %scatter3A_392 = arith.constant 0 : i32
        %scatter3A_393 = tpu.memref_slice %arg13[%scatter3A_392] : memref<40000xf32, #tpu.memory_space<vmem>> -> memref<10000xf32, #tpu.memory_space<vmem>>
        tpu.vector_store_idx %scatter3A_393[%get3A_249], %mul3A_333 {add = true} : memref<10000xf32, #tpu.memory_space<vmem>>[vector<16xi32>], vector<16xf32>,
        %scatter3A_394 = arith.constant 0 : i32
        %scatter3A_395 = tpu.memref_slice %arg13[%scatter3A_394] : memref<40000xf32, #tpu.memory_space<vmem>> -> memref<10000xf32, #tpu.memory_space<vmem>>
        tpu.vector_store_idx %scatter3A_395[%get3A_245], %neg3A_391 {add = true} : memref<10000xf32, #tpu.memory_space<vmem>>[vector<16xi32>], vector<16xf32>,
        %scatter3A_396 = arith.constant 0 : i32
        %scatter3A_397 = tpu.memref_slice %arg13[%scatter3A_396] : memref<40000xf32, #tpu.memory_space<vmem>> -> memref<10000xf32, #tpu.memory_space<vmem>>
        tpu.vector_store_idx %scatter3A_397[%get3A_247], %neg3A_391 {add = true} : memref<10000xf32, #tpu.memory_space<vmem>>[vector<16xi32>], vector<16xf32>,
        %neg3A_398 = arith.constant 0.000000e+00 : f32
        %neg3A_399 = vector.broadcast %neg3A_398 : f32 to vector<16xf32>
        %neg3A_400 = arith.subf %neg3A_399, %mul3A_341 : vector<16xf32>
        %scatter3A_401 = arith.constant 0 : i32
        %scatter3A_402 = tpu.memref_slice %arg13[%scatter3A_401] : memref<40000xf32, #tpu.memory_space<vmem>> -> memref<10000xf32, #tpu.memory_space<vmem>>
        tpu.vector_store_idx %scatter3A_402[%get3A_260], %mul3A_341 {add = true} : memref<10000xf32, #tpu.memory_space<vmem>>[vector<16xi32>], vector<16xf32>,
        %scatter3A_403 = arith.constant 0 : i32
        %scatter3A_404 = tpu.memref_slice %arg13[%scatter3A_403] : memref<40000xf32, #tpu.memory_space<vmem>> -> memref<10000xf32, #tpu.memory_space<vmem>>
        tpu.vector_store_idx %scatter3A_404[%get3A_256], %neg3A_400 {add = true} : memref<10000xf32, #tpu.memory_space<vmem>>[vector<16xi32>], vector<16xf32>,
        %scatter3A_405 = arith.constant 0 : i32
        %scatter3A_406 = tpu.memref_slice %arg13[%scatter3A_405] : memref<40000xf32, #tpu.memory_space<vmem>> -> memref<10000xf32, #tpu.memory_space<vmem>>
        tpu.vector_store_idx %scatter3A_406[%get3A_258], %neg3A_400 {add = true} : memref<10000xf32, #tpu.memory_space<vmem>>[vector<16xi32>], vector<16xf32>,
        %neg3A_407 = arith.constant 0.000000e+00 : f32
        %neg3A_408 = vector.broadcast %neg3A_407 : f32 to vector<16xf32>
        %neg3A_409 = arith.subf %neg3A_408, %mul3A_349 : vector<16xf32>
        %scatter3A_410 = arith.constant 0 : i32
        %scatter3A_411 = tpu.memref_slice %arg13[%scatter3A_410] : memref<40000xf32, #tpu.memory_space<vmem>> -> memref<10000xf32, #tpu.memory_space<vmem>>
        tpu.vector_store_idx %scatter3A_411[%get3A_271], %mul3A_349 {add = true} : memref<10000xf32, #tpu.memory_space<vmem>>[vector<16xi32>], vector<16xf32>,
        %scatter3A_412 = arith.constant 0 : i32
        %scatter3A_413 = tpu.memref_slice %arg13[%scatter3A_412] : memref<40000xf32, #tpu.memory_space<vmem>> -> memref<10000xf32, #tpu.memory_space<vmem>>
        tpu.vector_store_idx %scatter3A_413[%get3A_267], %neg3A_409 {add = true} : memref<10000xf32, #tpu.memory_space<vmem>>[vector<16xi32>], vector<16xf32>,
        %scatter3A_414 = arith.constant 0 : i32
        %scatter3A_415 = tpu.memref_slice %arg13[%scatter3A_414] : memref<40000xf32, #tpu.memory_space<vmem>> -> memref<10000xf32, #tpu.memory_space<vmem>>
        tpu.vector_store_idx %scatter3A_415[%get3A_269], %neg3A_409 {add = true} : memref<10000xf32, #tpu.memory_space<vmem>>[vector<16xi32>], vector<16xf32>,
        %neg3A_416 = arith.constant 0.000000e+00 : f32
        %neg3A_417 = vector.broadcast %neg3A_416 : f32 to vector<16xf32>
        %neg3A_418 = arith.subf %neg3A_417, %mul3A_357 : vector<16xf32>
        %scatter3A_419 = arith.constant 0 : i32
        %scatter3A_420 = tpu.memref_slice %arg13[%scatter3A_419] : memref<40000xf32, #tpu.memory_space<vmem>> -> memref<10000xf32, #tpu.memory_space<vmem>>
        tpu.vector_store_idx %scatter3A_420[%get3A_282], %mul3A_357 {add = true} : memref<10000xf32, #tpu.memory_space<vmem>>[vector<16xi32>], vector<16xf32>,
        %scatter3A_421 = arith.constant 0 : i32
        %scatter3A_422 = tpu.memref_slice %arg13[%scatter3A_421] : memref<40000xf32, #tpu.memory_space<vmem>> -> memref<10000xf32, #tpu.memory_space<vmem>>
        tpu.vector_store_idx %scatter3A_422[%get3A_278], %neg3A_418 {add = true} : memref<10000xf32, #tpu.memory_space<vmem>>[vector<16xi32>], vector<16xf32>,
        %scatter3A_423 = arith.constant 0 : i32
        %scatter3A_424 = tpu.memref_slice %arg13[%scatter3A_423] : memref<40000xf32, #tpu.memory_space<vmem>> -> memref<10000xf32, #tpu.memory_space<vmem>>
        tpu.vector_store_idx %scatter3A_424[%get3A_280], %neg3A_418 {add = true} : memref<10000xf32, #tpu.memory_space<vmem>>[vector<16xi32>], vector<16xf32>,
        %neg3A_425 = arith.constant 0.000000e+00 : f32
        %neg3A_426 = vector.broadcast %neg3A_425 : f32 to vector<16xf32>
        %neg3A_427 = arith.subf %neg3A_426, %mul3A_365 : vector<16xf32>
        %scatter3A_428 = arith.constant 0 : i32
        %scatter3A_429 = tpu.memref_slice %arg13[%scatter3A_428] : memref<40000xf32, #tpu.memory_space<vmem>> -> memref<10000xf32, #tpu.memory_space<vmem>>
        tpu.vector_store_idx %scatter3A_429[%get3A_293], %mul3A_365 {add = true} : memref<10000xf32, #tpu.memory_space<vmem>>[vector<16xi32>], vector<16xf32>,
        %scatter3A_430 = arith.constant 0 : i32
        %scatter3A_431 = tpu.memref_slice %arg13[%scatter3A_430] : memref<40000xf32, #tpu.memory_space<vmem>> -> memref<10000xf32, #tpu.memory_space<vmem>>
        tpu.vector_store_idx %scatter3A_431[%get3A_289], %neg3A_427 {add = true} : memref<10000xf32, #tpu.memory_space<vmem>>[vector<16xi32>], vector<16xf32>,
        %scatter3A_432 = arith.constant 0 : i32
        %scatter3A_433 = tpu.memref_slice %arg13[%scatter3A_432] : memref<40000xf32, #tpu.memory_space<vmem>> -> memref<10000xf32, #tpu.memory_space<vmem>>
        tpu.vector_store_idx %scatter3A_433[%get3A_291], %neg3A_427 {add = true} : memref<10000xf32, #tpu.memory_space<vmem>>[vector<16xi32>], vector<16xf32>,
        %neg3A_434 = arith.constant 0.000000e+00 : f32
        %neg3A_435 = vector.broadcast %neg3A_434 : f32 to vector<16xf32>
        %neg3A_436 = arith.subf %neg3A_435, %mul3A_373 : vector<16xf32>
        %scatter3A_437 = arith.constant 0 : i32
        %scatter3A_438 = tpu.memref_slice %arg13[%scatter3A_437] : memref<40000xf32, #tpu.memory_space<vmem>> -> memref<10000xf32, #tpu.memory_space<vmem>>
        tpu.vector_store_idx %scatter3A_438[%get3A_304], %mul3A_373 {add = true} : memref<10000xf32, #tpu.memory_space<vmem>>[vector<16xi32>], vector<16xf32>,
        %scatter3A_439 = arith.constant 0 : i32
        %scatter3A_440 = tpu.memref_slice %arg13[%scatter3A_439] : memref<40000xf32, #tpu.memory_space<vmem>> -> memref<10000xf32, #tpu.memory_space<vmem>>
        tpu.vector_store_idx %scatter3A_440[%get3A_300], %neg3A_436 {add = true} : memref<10000xf32, #tpu.memory_space<vmem>>[vector<16xi32>], vector<16xf32>,
        %scatter3A_441 = arith.constant 0 : i32
        %scatter3A_442 = tpu.memref_slice %arg13[%scatter3A_441] : memref<40000xf32, #tpu.memory_space<vmem>> -> memref<10000xf32, #tpu.memory_space<vmem>>
        tpu.vector_store_idx %scatter3A_442[%get3A_302], %neg3A_436 {add = true} : memref<10000xf32, #tpu.memory_space<vmem>>[vector<16xi32>], vector<16xf32>,
        %neg3A_443 = arith.constant 0.000000e+00 : f32
        %neg3A_444 = vector.broadcast %neg3A_443 : f32 to vector<16xf32>
        %neg3A_445 = arith.subf %neg3A_444, %mul3A_381 : vector<16xf32>
        %scatter3A_446 = arith.constant 0 : i32
        %scatter3A_447 = tpu.memref_slice %arg13[%scatter3A_446] : memref<40000xf32, #tpu.memory_space<vmem>> -> memref<10000xf32, #tpu.memory_space<vmem>>
        tpu.vector_store_idx %scatter3A_447[%get3A_315], %mul3A_381 {add = true} : memref<10000xf32, #tpu.memory_space<vmem>>[vector<16xi32>], vector<16xf32>,
        %scatter3A_448 = arith.constant 0 : i32
        %scatter3A_449 = tpu.memref_slice %arg13[%scatter3A_448] : memref<40000xf32, #tpu.memory_space<vmem>> -> memref<10000xf32, #tpu.memory_space<vmem>>
        tpu.vector_store_idx %scatter3A_449[%get3A_311], %neg3A_445 {add = true} : memref<10000xf32, #tpu.memory_space<vmem>>[vector<16xi32>], vector<16xf32>,
        %scatter3A_450 = arith.constant 0 : i32
        %scatter3A_451 = tpu.memref_slice %arg13[%scatter3A_450] : memref<40000xf32, #tpu.memory_space<vmem>> -> memref<10000xf32, #tpu.memory_space<vmem>>
        tpu.vector_store_idx %scatter3A_451[%get3A_313], %neg3A_445 {add = true} : memref<10000xf32, #tpu.memory_space<vmem>>[vector<16xi32>], vector<16xf32>,
        %gather3A_452 = arith.constant 10000 : i32
        %gather3A_453 = tpu.memref_slice %arg12[%gather3A_452] : memref<40000xf32, #tpu.memory_space<vmem>> -> memref<10000xf32, #tpu.memory_space<vmem>>
        %gather3A_454 = tpu.vector_load_idx %gather3A_453[%get3A_234] : memref<10000xf32, #tpu.memory_space<vmem>>[vector<16xi32>], vector<16xf32>,
        %mul3A_455 = arith.mulf %mul3A_241, %gather3A_454 : vector<16xf32>
        %gather3A_456 = arith.constant 10000 : i32
        %gather3A_457 = tpu.memref_slice %arg12[%gather3A_456] : memref<40000xf32, #tpu.memory_space<vmem>> -> memref<10000xf32, #tpu.memory_space<vmem>>
        %gather3A_458 = tpu.vector_load_idx %gather3A_457[%get3A_236] : memref<10000xf32, #tpu.memory_space<vmem>>[vector<16xi32>], vector<16xf32>,
        %mul3A_459 = arith.mulf %mul3A_455, %gather3A_458 : vector<16xf32>
        %gather3A_460 = arith.constant 10000 : i32
        %gather3A_461 = tpu.memref_slice %arg12[%gather3A_460] : memref<40000xf32, #tpu.memory_space<vmem>> -> memref<10000xf32, #tpu.memory_space<vmem>>
        %gather3A_462 = tpu.vector_load_idx %gather3A_461[%get3A_245] : memref<10000xf32, #tpu.memory_space<vmem>>[vector<16xi32>], vector<16xf32>,
        %mul3A_463 = arith.mulf %mul3A_252, %gather3A_462 : vector<16xf32>
        %gather3A_464 = arith.constant 10000 : i32
        %gather3A_465 = tpu.memref_slice %arg12[%gather3A_464] : memref<40000xf32, #tpu.memory_space<vmem>> -> memref<10000xf32, #tpu.memory_space<vmem>>
        %gather3A_466 = tpu.vector_load_idx %gather3A_465[%get3A_247] : memref<10000xf32, #tpu.memory_space<vmem>>[vector<16xi32>], vector<16xf32>,
        %mul3A_467 = arith.mulf %mul3A_463, %gather3A_466 : vector<16xf32>
        %gather3A_468 = arith.constant 10000 : i32
        %gather3A_469 = tpu.memref_slice %arg12[%gather3A_468] : memref<40000xf32, #tpu.memory_space<vmem>> -> memref<10000xf32, #tpu.memory_space<vmem>>
        %gather3A_470 = tpu.vector_load_idx %gather3A_469[%get3A_256] : memref<10000xf32, #tpu.memory_space<vmem>>[vector<16xi32>], vector<16xf32>,
        %mul3A_471 = arith.mulf %mul3A_263, %gather3A_470 : vector<16xf32>
        %gather3A_472 = arith.constant 10000 : i32
        %gather3A_473 = tpu.memref_slice %arg12[%gather3A_472] : memref<40000xf32, #tpu.memory_space<vmem>> -> memref<10000xf32, #tpu.memory_space<vmem>>
        %gather3A_474 = tpu.vector_load_idx %gather3A_473[%get3A_258] : memref<10000xf32, #tpu.memory_space<vmem>>[vector<16xi32>], vector<16xf32>,
        %mul3A_475 = arith.mulf %mul3A_471, %gather3A_474 : vector<16xf32>
        %gather3A_476 = arith.constant 10000 : i32
        %gather3A_477 = tpu.memref_slice %arg12[%gather3A_476] : memref<40000xf32, #tpu.memory_space<vmem>> -> memref<10000xf32, #tpu.memory_space<vmem>>
        %gather3A_478 = tpu.vector_load_idx %gather3A_477[%get3A_267] : memref<10000xf32, #tpu.memory_space<vmem>>[vector<16xi32>], vector<16xf32>,
        %mul3A_479 = arith.mulf %mul3A_274, %gather3A_478 : vector<16xf32>
        %gather3A_480 = arith.constant 10000 : i32
        %gather3A_481 = tpu.memref_slice %arg12[%gather3A_480] : memref<40000xf32, #tpu.memory_space<vmem>> -> memref<10000xf32, #tpu.memory_space<vmem>>
        %gather3A_482 = tpu.vector_load_idx %gather3A_481[%get3A_269] : memref<10000xf32, #tpu.memory_space<vmem>>[vector<16xi32>], vector<16xf32>,
        %mul3A_483 = arith.mulf %mul3A_479, %gather3A_482 : vector<16xf32>
        %gather3A_484 = arith.constant 10000 : i32
        %gather3A_485 = tpu.memref_slice %arg12[%gather3A_484] : memref<40000xf32, #tpu.memory_space<vmem>> -> memref<10000xf32, #tpu.memory_space<vmem>>
        %gather3A_486 = tpu.vector_load_idx %gather3A_485[%get3A_278] : memref<10000xf32, #tpu.memory_space<vmem>>[vector<16xi32>], vector<16xf32>,
        %mul3A_487 = arith.mulf %mul3A_285, %gather3A_486 : vector<16xf32>
        %gather3A_488 = arith.constant 10000 : i32
        %gather3A_489 = tpu.memref_slice %arg12[%gather3A_488] : memref<40000xf32, #tpu.memory_space<vmem>> -> memref<10000xf32, #tpu.memory_space<vmem>>
        %gather3A_490 = tpu.vector_load_idx %gather3A_489[%get3A_280] : memref<10000xf32, #tpu.memory_space<vmem>>[vector<16xi32>], vector<16xf32>,
        %mul3A_491 = arith.mulf %mul3A_487, %gather3A_490 : vector<16xf32>
        %gather3A_492 = arith.constant 10000 : i32
        %gather3A_493 = tpu.memref_slice %arg12[%gather3A_492] : memref<40000xf32, #tpu.memory_space<vmem>> -> memref<10000xf32, #tpu.memory_space<vmem>>
        %gather3A_494 = tpu.vector_load_idx %gather3A_493[%get3A_289] : memref<10000xf32, #tpu.memory_space<vmem>>[vector<16xi32>], vector<16xf32>,
        %mul3A_495 = arith.mulf %mul3A_296, %gather3A_494 : vector<16xf32>
        %gather3A_496 = arith.constant 10000 : i32
        %gather3A_497 = tpu.memref_slice %arg12[%gather3A_496] : memref<40000xf32, #tpu.memory_space<vmem>> -> memref<10000xf32, #tpu.memory_space<vmem>>
        %gather3A_498 = tpu.vector_load_idx %gather3A_497[%get3A_291] : memref<10000xf32, #tpu.memory_space<vmem>>[vector<16xi32>], vector<16xf32>,
        %mul3A_499 = arith.mulf %mul3A_495, %gather3A_498 : vector<16xf32>
        %gather3A_500 = arith.constant 10000 : i32
        %gather3A_501 = tpu.memref_slice %arg12[%gather3A_500] : memref<40000xf32, #tpu.memory_space<vmem>> -> memref<10000xf32, #tpu.memory_space<vmem>>
        %gather3A_502 = tpu.vector_load_idx %gather3A_501[%get3A_300] : memref<10000xf32, #tpu.memory_space<vmem>>[vector<16xi32>], vector<16xf32>,
        %mul3A_503 = arith.mulf %mul3A_307, %gather3A_502 : vector<16xf32>
        %gather3A_504 = arith.constant 10000 : i32
        %gather3A_505 = tpu.memref_slice %arg12[%gather3A_504] : memref<40000xf32, #tpu.memory_space<vmem>> -> memref<10000xf32, #tpu.memory_space<vmem>>
        %gather3A_506 = tpu.vector_load_idx %gather3A_505[%get3A_302] : memref<10000xf32, #tpu.memory_space<vmem>>[vector<16xi32>], vector<16xf32>,
        %mul3A_507 = arith.mulf %mul3A_503, %gather3A_506 : vector<16xf32>
        %gather3A_508 = arith.constant 10000 : i32
        %gather3A_509 = tpu.memref_slice %arg12[%gather3A_508] : memref<40000xf32, #tpu.memory_space<vmem>> -> memref<10000xf32, #tpu.memory_space<vmem>>
        %gather3A_510 = tpu.vector_load_idx %gather3A_509[%get3A_311] : memref<10000xf32, #tpu.memory_space<vmem>>[vector<16xi32>], vector<16xf32>,
        %mul3A_511 = arith.mulf %mul3A_318, %gather3A_510 : vector<16xf32>
        %gather3A_512 = arith.constant 10000 : i32
        %gather3A_513 = tpu.memref_slice %arg12[%gather3A_512] : memref<40000xf32, #tpu.memory_space<vmem>> -> memref<10000xf32, #tpu.memory_space<vmem>>
        %gather3A_514 = tpu.vector_load_idx %gather3A_513[%get3A_313] : memref<10000xf32, #tpu.memory_space<vmem>>[vector<16xi32>], vector<16xf32>,
        %mul3A_515 = arith.mulf %mul3A_511, %gather3A_514 : vector<16xf32>
        %neg3A_516 = arith.constant 0.000000e+00 : f32
        %neg3A_517 = vector.broadcast %neg3A_516 : f32 to vector<16xf32>
        %neg3A_518 = arith.subf %neg3A_517, %mul3A_459 : vector<16xf32>
        %scatter3A_519 = arith.constant 10000 : i32
        %scatter3A_520 = tpu.memref_slice %arg13[%scatter3A_519] : memref<40000xf32, #tpu.memory_space<vmem>> -> memref<10000xf32, #tpu.memory_space<vmem>>
        tpu.vector_store_idx %scatter3A_520[%get3A_238], %mul3A_459 {add = true} : memref<10000xf32, #tpu.memory_space<vmem>>[vector<16xi32>], vector<16xf32>,
        %scatter3A_521 = arith.constant 10000 : i32
        %scatter3A_522 = tpu.memref_slice %arg13[%scatter3A_521] : memref<40000xf32, #tpu.memory_space<vmem>> -> memref<10000xf32, #tpu.memory_space<vmem>>
        tpu.vector_store_idx %scatter3A_522[%get3A_234], %neg3A_518 {add = true} : memref<10000xf32, #tpu.memory_space<vmem>>[vector<16xi32>], vector<16xf32>,
        %scatter3A_523 = arith.constant 10000 : i32
        %scatter3A_524 = tpu.memref_slice %arg13[%scatter3A_523] : memref<40000xf32, #tpu.memory_space<vmem>> -> memref<10000xf32, #tpu.memory_space<vmem>>
        tpu.vector_store_idx %scatter3A_524[%get3A_236], %neg3A_518 {add = true} : memref<10000xf32, #tpu.memory_space<vmem>>[vector<16xi32>], vector<16xf32>,
        %neg3A_525 = arith.constant 0.000000e+00 : f32
        %neg3A_526 = vector.broadcast %neg3A_525 : f32 to vector<16xf32>
        %neg3A_527 = arith.subf %neg3A_526, %mul3A_467 : vector<16xf32>
        %scatter3A_528 = arith.constant 10000 : i32
        %scatter3A_529 = tpu.memref_slice %arg13[%scatter3A_528] : memref<40000xf32, #tpu.memory_space<vmem>> -> memref<10000xf32, #tpu.memory_space<vmem>>
        tpu.vector_store_idx %scatter3A_529[%get3A_249], %mul3A_467 {add = true} : memref<10000xf32, #tpu.memory_space<vmem>>[vector<16xi32>], vector<16xf32>,
        %scatter3A_530 = arith.constant 10000 : i32
        %scatter3A_531 = tpu.memref_slice %arg13[%scatter3A_530] : memref<40000xf32, #tpu.memory_space<vmem>> -> memref<10000xf32, #tpu.memory_space<vmem>>
        tpu.vector_store_idx %scatter3A_531[%get3A_245], %neg3A_527 {add = true} : memref<10000xf32, #tpu.memory_space<vmem>>[vector<16xi32>], vector<16xf32>,
        %scatter3A_532 = arith.constant 10000 : i32
        %scatter3A_533 = tpu.memref_slice %arg13[%scatter3A_532] : memref<40000xf32, #tpu.memory_space<vmem>> -> memref<10000xf32, #tpu.memory_space<vmem>>
        tpu.vector_store_idx %scatter3A_533[%get3A_247], %neg3A_527 {add = true} : memref<10000xf32, #tpu.memory_space<vmem>>[vector<16xi32>], vector<16xf32>,
        %neg3A_534 = arith.constant 0.000000e+00 : f32
        %neg3A_535 = vector.broadcast %neg3A_534 : f32 to vector<16xf32>
        %neg3A_536 = arith.subf %neg3A_535, %mul3A_475 : vector<16xf32>
        %scatter3A_537 = arith.constant 10000 : i32
        %scatter3A_538 = tpu.memref_slice %arg13[%scatter3A_537] : memref<40000xf32, #tpu.memory_space<vmem>> -> memref<10000xf32, #tpu.memory_space<vmem>>
        tpu.vector_store_idx %scatter3A_538[%get3A_260], %mul3A_475 {add = true} : memref<10000xf32, #tpu.memory_space<vmem>>[vector<16xi32>], vector<16xf32>,
        %scatter3A_539 = arith.constant 10000 : i32
        %scatter3A_540 = tpu.memref_slice %arg13[%scatter3A_539] : memref<40000xf32, #tpu.memory_space<vmem>> -> memref<10000xf32, #tpu.memory_space<vmem>>
        tpu.vector_store_idx %scatter3A_540[%get3A_256], %neg3A_536 {add = true} : memref<10000xf32, #tpu.memory_space<vmem>>[vector<16xi32>], vector<16xf32>,
        %scatter3A_541 = arith.constant 10000 : i32
        %scatter3A_542 = tpu.memref_slice %arg13[%scatter3A_541] : memref<40000xf32, #tpu.memory_space<vmem>> -> memref<10000xf32, #tpu.memory_space<vmem>>
        tpu.vector_store_idx %scatter3A_542[%get3A_258], %neg3A_536 {add = true} : memref<10000xf32, #tpu.memory_space<vmem>>[vector<16xi32>], vector<16xf32>,
        %neg3A_543 = arith.constant 0.000000e+00 : f32
        %neg3A_544 = vector.broadcast %neg3A_543 : f32 to vector<16xf32>
        %neg3A_545 = arith.subf %neg3A_544, %mul3A_483 : vector<16xf32>
        %scatter3A_546 = arith.constant 10000 : i32
        %scatter3A_547 = tpu.memref_slice %arg13[%scatter3A_546] : memref<40000xf32, #tpu.memory_space<vmem>> -> memref<10000xf32, #tpu.memory_space<vmem>>
        tpu.vector_store_idx %scatter3A_547[%get3A_271], %mul3A_483 {add = true} : memref<10000xf32, #tpu.memory_space<vmem>>[vector<16xi32>], vector<16xf32>,
        %scatter3A_548 = arith.constant 10000 : i32
        %scatter3A_549 = tpu.memref_slice %arg13[%scatter3A_548] : memref<40000xf32, #tpu.memory_space<vmem>> -> memref<10000xf32, #tpu.memory_space<vmem>>
        tpu.vector_store_idx %scatter3A_549[%get3A_267], %neg3A_545 {add = true} : memref<10000xf32, #tpu.memory_space<vmem>>[vector<16xi32>], vector<16xf32>,
        %scatter3A_550 = arith.constant 10000 : i32
        %scatter3A_551 = tpu.memref_slice %arg13[%scatter3A_550] : memref<40000xf32, #tpu.memory_space<vmem>> -> memref<10000xf32, #tpu.memory_space<vmem>>
        tpu.vector_store_idx %scatter3A_551[%get3A_269], %neg3A_545 {add = true} : memref<10000xf32, #tpu.memory_space<vmem>>[vector<16xi32>], vector<16xf32>,
        %neg3A_552 = arith.constant 0.000000e+00 : f32
        %neg3A_553 = vector.broadcast %neg3A_552 : f32 to vector<16xf32>
        %neg3A_554 = arith.subf %neg3A_553, %mul3A_491 : vector<16xf32>
        %scatter3A_555 = arith.constant 10000 : i32
        %scatter3A_556 = tpu.memref_slice %arg13[%scatter3A_555] : memref<40000xf32, #tpu.memory_space<vmem>> -> memref<10000xf32, #tpu.memory_space<vmem>>
        tpu.vector_store_idx %scatter3A_556[%get3A_282], %mul3A_491 {add = true} : memref<10000xf32, #tpu.memory_space<vmem>>[vector<16xi32>], vector<16xf32>,
        %scatter3A_557 = arith.constant 10000 : i32
        %scatter3A_558 = tpu.memref_slice %arg13[%scatter3A_557] : memref<40000xf32, #tpu.memory_space<vmem>> -> memref<10000xf32, #tpu.memory_space<vmem>>
        tpu.vector_store_idx %scatter3A_558[%get3A_278], %neg3A_554 {add = true} : memref<10000xf32, #tpu.memory_space<vmem>>[vector<16xi32>], vector<16xf32>,
        %scatter3A_559 = arith.constant 10000 : i32
        %scatter3A_560 = tpu.memref_slice %arg13[%scatter3A_559] : memref<40000xf32, #tpu.memory_space<vmem>> -> memref<10000xf32, #tpu.memory_space<vmem>>
        tpu.vector_store_idx %scatter3A_560[%get3A_280], %neg3A_554 {add = true} : memref<10000xf32, #tpu.memory_space<vmem>>[vector<16xi32>], vector<16xf32>,
        %neg3A_561 = arith.constant 0.000000e+00 : f32
        %neg3A_562 = vector.broadcast %neg3A_561 : f32 to vector<16xf32>
        %neg3A_563 = arith.subf %neg3A_562, %mul3A_499 : vector<16xf32>
        %scatter3A_564 = arith.constant 10000 : i32
        %scatter3A_565 = tpu.memref_slice %arg13[%scatter3A_564] : memref<40000xf32, #tpu.memory_space<vmem>> -> memref<10000xf32, #tpu.memory_space<vmem>>
        tpu.vector_store_idx %scatter3A_565[%get3A_293], %mul3A_499 {add = true} : memref<10000xf32, #tpu.memory_space<vmem>>[vector<16xi32>], vector<16xf32>,
        %scatter3A_566 = arith.constant 10000 : i32
        %scatter3A_567 = tpu.memref_slice %arg13[%scatter3A_566] : memref<40000xf32, #tpu.memory_space<vmem>> -> memref<10000xf32, #tpu.memory_space<vmem>>
        tpu.vector_store_idx %scatter3A_567[%get3A_289], %neg3A_563 {add = true} : memref<10000xf32, #tpu.memory_space<vmem>>[vector<16xi32>], vector<16xf32>,
        %scatter3A_568 = arith.constant 10000 : i32
        %scatter3A_569 = tpu.memref_slice %arg13[%scatter3A_568] : memref<40000xf32, #tpu.memory_space<vmem>> -> memref<10000xf32, #tpu.memory_space<vmem>>
        tpu.vector_store_idx %scatter3A_569[%get3A_291], %neg3A_563 {add = true} : memref<10000xf32, #tpu.memory_space<vmem>>[vector<16xi32>], vector<16xf32>,
        %neg3A_570 = arith.constant 0.000000e+00 : f32
        %neg3A_571 = vector.broadcast %neg3A_570 : f32 to vector<16xf32>
        %neg3A_572 = arith.subf %neg3A_571, %mul3A_507 : vector<16xf32>
        %scatter3A_573 = arith.constant 10000 : i32
        %scatter3A_574 = tpu.memref_slice %arg13[%scatter3A_573] : memref<40000xf32, #tpu.memory_space<vmem>> -> memref<10000xf32, #tpu.memory_space<vmem>>
        tpu.vector_store_idx %scatter3A_574[%get3A_304], %mul3A_507 {add = true} : memref<10000xf32, #tpu.memory_space<vmem>>[vector<16xi32>], vector<16xf32>,
        %scatter3A_575 = arith.constant 10000 : i32
        %scatter3A_576 = tpu.memref_slice %arg13[%scatter3A_575] : memref<40000xf32, #tpu.memory_space<vmem>> -> memref<10000xf32, #tpu.memory_space<vmem>>
        tpu.vector_store_idx %scatter3A_576[%get3A_300], %neg3A_572 {add = true} : memref<10000xf32, #tpu.memory_space<vmem>>[vector<16xi32>], vector<16xf32>,
        %scatter3A_577 = arith.constant 10000 : i32
        %scatter3A_578 = tpu.memref_slice %arg13[%scatter3A_577] : memref<40000xf32, #tpu.memory_space<vmem>> -> memref<10000xf32, #tpu.memory_space<vmem>>
        tpu.vector_store_idx %scatter3A_578[%get3A_302], %neg3A_572 {add = true} : memref<10000xf32, #tpu.memory_space<vmem>>[vector<16xi32>], vector<16xf32>,
        %neg3A_579 = arith.constant 0.000000e+00 : f32
        %neg3A_580 = vector.broadcast %neg3A_579 : f32 to vector<16xf32>
        %neg3A_581 = arith.subf %neg3A_580, %mul3A_515 : vector<16xf32>
        %scatter3A_582 = arith.constant 10000 : i32
        %scatter3A_583 = tpu.memref_slice %arg13[%scatter3A_582] : memref<40000xf32, #tpu.memory_space<vmem>> -> memref<10000xf32, #tpu.memory_space<vmem>>
        tpu.vector_store_idx %scatter3A_583[%get3A_315], %mul3A_515 {add = true} : memref<10000xf32, #tpu.memory_space<vmem>>[vector<16xi32>], vector<16xf32>,
        %scatter3A_584 = arith.constant 10000 : i32
        %scatter3A_585 = tpu.memref_slice %arg13[%scatter3A_584] : memref<40000xf32, #tpu.memory_space<vmem>> -> memref<10000xf32, #tpu.memory_space<vmem>>
        tpu.vector_store_idx %scatter3A_585[%get3A_311], %neg3A_581 {add = true} : memref<10000xf32, #tpu.memory_space<vmem>>[vector<16xi32>], vector<16xf32>,
        %scatter3A_586 = arith.constant 10000 : i32
        %scatter3A_587 = tpu.memref_slice %arg13[%scatter3A_586] : memref<40000xf32, #tpu.memory_space<vmem>> -> memref<10000xf32, #tpu.memory_space<vmem>>
        tpu.vector_store_idx %scatter3A_587[%get3A_313], %neg3A_581 {add = true} : memref<10000xf32, #tpu.memory_space<vmem>>[vector<16xi32>], vector<16xf32>,
        %gather3A_588 = arith.constant 20000 : i32
        %gather3A_589 = tpu.memref_slice %arg12[%gather3A_588] : memref<40000xf32, #tpu.memory_space<vmem>> -> memref<10000xf32, #tpu.memory_space<vmem>>
        %gather3A_590 = tpu.vector_load_idx %gather3A_589[%get3A_234] : memref<10000xf32, #tpu.memory_space<vmem>>[vector<16xi32>], vector<16xf32>,
        %mul3A_591 = arith.mulf %mul3A_241, %gather3A_590 : vector<16xf32>
        %gather3A_592 = arith.constant 20000 : i32
        %gather3A_593 = tpu.memref_slice %arg12[%gather3A_592] : memref<40000xf32, #tpu.memory_space<vmem>> -> memref<10000xf32, #tpu.memory_space<vmem>>
        %gather3A_594 = tpu.vector_load_idx %gather3A_593[%get3A_236] : memref<10000xf32, #tpu.memory_space<vmem>>[vector<16xi32>], vector<16xf32>,
        %mul3A_595 = arith.mulf %mul3A_591, %gather3A_594 : vector<16xf32>
        %gather3A_596 = arith.constant 20000 : i32
        %gather3A_597 = tpu.memref_slice %arg12[%gather3A_596] : memref<40000xf32, #tpu.memory_space<vmem>> -> memref<10000xf32, #tpu.memory_space<vmem>>
        %gather3A_598 = tpu.vector_load_idx %gather3A_597[%get3A_245] : memref<10000xf32, #tpu.memory_space<vmem>>[vector<16xi32>], vector<16xf32>,
        %mul3A_599 = arith.mulf %mul3A_252, %gather3A_598 : vector<16xf32>
        %gather3A_600 = arith.constant 20000 : i32
        %gather3A_601 = tpu.memref_slice %arg12[%gather3A_600] : memref<40000xf32, #tpu.memory_space<vmem>> -> memref<10000xf32, #tpu.memory_space<vmem>>
        %gather3A_602 = tpu.vector_load_idx %gather3A_601[%get3A_247] : memref<10000xf32, #tpu.memory_space<vmem>>[vector<16xi32>], vector<16xf32>,
        %mul3A_603 = arith.mulf %mul3A_599, %gather3A_602 : vector<16xf32>
        %gather3A_604 = arith.constant 20000 : i32
        %gather3A_605 = tpu.memref_slice %arg12[%gather3A_604] : memref<40000xf32, #tpu.memory_space<vmem>> -> memref<10000xf32, #tpu.memory_space<vmem>>
        %gather3A_606 = tpu.vector_load_idx %gather3A_605[%get3A_256] : memref<10000xf32, #tpu.memory_space<vmem>>[vector<16xi32>], vector<16xf32>,
        %mul3A_607 = arith.mulf %mul3A_263, %gather3A_606 : vector<16xf32>
        %gather3A_608 = arith.constant 20000 : i32
        %gather3A_609 = tpu.memref_slice %arg12[%gather3A_608] : memref<40000xf32, #tpu.memory_space<vmem>> -> memref<10000xf32, #tpu.memory_space<vmem>>
        %gather3A_610 = tpu.vector_load_idx %gather3A_609[%get3A_258] : memref<10000xf32, #tpu.memory_space<vmem>>[vector<16xi32>], vector<16xf32>,
        %mul3A_611 = arith.mulf %mul3A_607, %gather3A_610 : vector<16xf32>
        %gather3A_612 = arith.constant 20000 : i32
        %gather3A_613 = tpu.memref_slice %arg12[%gather3A_612] : memref<40000xf32, #tpu.memory_space<vmem>> -> memref<10000xf32, #tpu.memory_space<vmem>>
        %gather3A_614 = tpu.vector_load_idx %gather3A_613[%get3A_267] : memref<10000xf32, #tpu.memory_space<vmem>>[vector<16xi32>], vector<16xf32>,
        %mul3A_615 = arith.mulf %mul3A_274, %gather3A_614 : vector<16xf32>
        %gather3A_616 = arith.constant 20000 : i32
        %gather3A_617 = tpu.memref_slice %arg12[%gather3A_616] : memref<40000xf32, #tpu.memory_space<vmem>> -> memref<10000xf32, #tpu.memory_space<vmem>>
        %gather3A_618 = tpu.vector_load_idx %gather3A_617[%get3A_269] : memref<10000xf32, #tpu.memory_space<vmem>>[vector<16xi32>], vector<16xf32>,
        %mul3A_619 = arith.mulf %mul3A_615, %gather3A_618 : vector<16xf32>
        %gather3A_620 = arith.constant 20000 : i32
        %gather3A_621 = tpu.memref_slice %arg12[%gather3A_620] : memref<40000xf32, #tpu.memory_space<vmem>> -> memref<10000xf32, #tpu.memory_space<vmem>>
        %gather3A_622 = tpu.vector_load_idx %gather3A_621[%get3A_278] : memref<10000xf32, #tpu.memory_space<vmem>>[vector<16xi32>], vector<16xf32>,
        %mul3A_623 = arith.mulf %mul3A_285, %gather3A_622 : vector<16xf32>
        %gather3A_624 = arith.constant 20000 : i32
        %gather3A_625 = tpu.memref_slice %arg12[%gather3A_624] : memref<40000xf32, #tpu.memory_space<vmem>> -> memref<10000xf32, #tpu.memory_space<vmem>>
        %gather3A_626 = tpu.vector_load_idx %gather3A_625[%get3A_280] : memref<10000xf32, #tpu.memory_space<vmem>>[vector<16xi32>], vector<16xf32>,
        %mul3A_627 = arith.mulf %mul3A_623, %gather3A_626 : vector<16xf32>
        %gather3A_628 = arith.constant 20000 : i32
        %gather3A_629 = tpu.memref_slice %arg12[%gather3A_628] : memref<40000xf32, #tpu.memory_space<vmem>> -> memref<10000xf32, #tpu.memory_space<vmem>>
        %gather3A_630 = tpu.vector_load_idx %gather3A_629[%get3A_289] : memref<10000xf32, #tpu.memory_space<vmem>>[vector<16xi32>], vector<16xf32>,
        %mul3A_631 = arith.mulf %mul3A_296, %gather3A_630 : vector<16xf32>
        %gather3A_632 = arith.constant 20000 : i32
        %gather3A_633 = tpu.memref_slice %arg12[%gather3A_632] : memref<40000xf32, #tpu.memory_space<vmem>> -> memref<10000xf32, #tpu.memory_space<vmem>>
        %gather3A_634 = tpu.vector_load_idx %gather3A_633[%get3A_291] : memref<10000xf32, #tpu.memory_space<vmem>>[vector<16xi32>], vector<16xf32>,
        %mul3A_635 = arith.mulf %mul3A_631, %gather3A_634 : vector<16xf32>
        %gather3A_636 = arith.constant 20000 : i32
        %gather3A_637 = tpu.memref_slice %arg12[%gather3A_636] : memref<40000xf32, #tpu.memory_space<vmem>> -> memref<10000xf32, #tpu.memory_space<vmem>>
        %gather3A_638 = tpu.vector_load_idx %gather3A_637[%get3A_300] : memref<10000xf32, #tpu.memory_space<vmem>>[vector<16xi32>], vector<16xf32>,
        %mul3A_639 = arith.mulf %mul3A_307, %gather3A_638 : vector<16xf32>
        %gather3A_640 = arith.constant 20000 : i32
        %gather3A_641 = tpu.memref_slice %arg12[%gather3A_640] : memref<40000xf32, #tpu.memory_space<vmem>> -> memref<10000xf32, #tpu.memory_space<vmem>>
        %gather3A_642 = tpu.vector_load_idx %gather3A_641[%get3A_302] : memref<10000xf32, #tpu.memory_space<vmem>>[vector<16xi32>], vector<16xf32>,
        %mul3A_643 = arith.mulf %mul3A_639, %gather3A_642 : vector<16xf32>
        %gather3A_644 = arith.constant 20000 : i32
        %gather3A_645 = tpu.memref_slice %arg12[%gather3A_644] : memref<40000xf32, #tpu.memory_space<vmem>> -> memref<10000xf32, #tpu.memory_space<vmem>>
        %gather3A_646 = tpu.vector_load_idx %gather3A_645[%get3A_311] : memref<10000xf32, #tpu.memory_space<vmem>>[vector<16xi32>], vector<16xf32>,
        %mul3A_647 = arith.mulf %mul3A_318, %gather3A_646 : vector<16xf32>
        %gather3A_648 = arith.constant 20000 : i32
        %gather3A_649 = tpu.memref_slice %arg12[%gather3A_648] : memref<40000xf32, #tpu.memory_space<vmem>> -> memref<10000xf32, #tpu.memory_space<vmem>>
        %gather3A_650 = tpu.vector_load_idx %gather3A_649[%get3A_313] : memref<10000xf32, #tpu.memory_space<vmem>>[vector<16xi32>], vector<16xf32>,
        %mul3A_651 = arith.mulf %mul3A_647, %gather3A_650 : vector<16xf32>
        %neg3A_652 = arith.constant 0.000000e+00 : f32
        %neg3A_653 = vector.broadcast %neg3A_652 : f32 to vector<16xf32>
        %neg3A_654 = arith.subf %neg3A_653, %mul3A_595 : vector<16xf32>
        %scatter3A_655 = arith.constant 20000 : i32
        %scatter3A_656 = tpu.memref_slice %arg13[%scatter3A_655] : memref<40000xf32, #tpu.memory_space<vmem>> -> memref<10000xf32, #tpu.memory_space<vmem>>
        tpu.vector_store_idx %scatter3A_656[%get3A_238], %mul3A_595 {add = true} : memref<10000xf32, #tpu.memory_space<vmem>>[vector<16xi32>], vector<16xf32>,
        %scatter3A_657 = arith.constant 20000 : i32
        %scatter3A_658 = tpu.memref_slice %arg13[%scatter3A_657] : memref<40000xf32, #tpu.memory_space<vmem>> -> memref<10000xf32, #tpu.memory_space<vmem>>
        tpu.vector_store_idx %scatter3A_658[%get3A_234], %neg3A_654 {add = true} : memref<10000xf32, #tpu.memory_space<vmem>>[vector<16xi32>], vector<16xf32>,
        %scatter3A_659 = arith.constant 20000 : i32
        %scatter3A_660 = tpu.memref_slice %arg13[%scatter3A_659] : memref<40000xf32, #tpu.memory_space<vmem>> -> memref<10000xf32, #tpu.memory_space<vmem>>
        tpu.vector_store_idx %scatter3A_660[%get3A_236], %neg3A_654 {add = true} : memref<10000xf32, #tpu.memory_space<vmem>>[vector<16xi32>], vector<16xf32>,
        %neg3A_661 = arith.constant 0.000000e+00 : f32
        %neg3A_662 = vector.broadcast %neg3A_661 : f32 to vector<16xf32>
        %neg3A_663 = arith.subf %neg3A_662, %mul3A_603 : vector<16xf32>
        %scatter3A_664 = arith.constant 20000 : i32
        %scatter3A_665 = tpu.memref_slice %arg13[%scatter3A_664] : memref<40000xf32, #tpu.memory_space<vmem>> -> memref<10000xf32, #tpu.memory_space<vmem>>
        tpu.vector_store_idx %scatter3A_665[%get3A_249], %mul3A_603 {add = true} : memref<10000xf32, #tpu.memory_space<vmem>>[vector<16xi32>], vector<16xf32>,
        %scatter3A_666 = arith.constant 20000 : i32
        %scatter3A_667 = tpu.memref_slice %arg13[%scatter3A_666] : memref<40000xf32, #tpu.memory_space<vmem>> -> memref<10000xf32, #tpu.memory_space<vmem>>
        tpu.vector_store_idx %scatter3A_667[%get3A_245], %neg3A_663 {add = true} : memref<10000xf32, #tpu.memory_space<vmem>>[vector<16xi32>], vector<16xf32>,
        %scatter3A_668 = arith.constant 20000 : i32
        %scatter3A_669 = tpu.memref_slice %arg13[%scatter3A_668] : memref<40000xf32, #tpu.memory_space<vmem>> -> memref<10000xf32, #tpu.memory_space<vmem>>
        tpu.vector_store_idx %scatter3A_669[%get3A_247], %neg3A_663 {add = true} : memref<10000xf32, #tpu.memory_space<vmem>>[vector<16xi32>], vector<16xf32>,
        %neg3A_670 = arith.constant 0.000000e+00 : f32
        %neg3A_671 = vector.broadcast %neg3A_670 : f32 to vector<16xf32>
        %neg3A_672 = arith.subf %neg3A_671, %mul3A_611 : vector<16xf32>
        %scatter3A_673 = arith.constant 20000 : i32
        %scatter3A_674 = tpu.memref_slice %arg13[%scatter3A_673] : memref<40000xf32, #tpu.memory_space<vmem>> -> memref<10000xf32, #tpu.memory_space<vmem>>
        tpu.vector_store_idx %scatter3A_674[%get3A_260], %mul3A_611 {add = true} : memref<10000xf32, #tpu.memory_space<vmem>>[vector<16xi32>], vector<16xf32>,
        %scatter3A_675 = arith.constant 20000 : i32
        %scatter3A_676 = tpu.memref_slice %arg13[%scatter3A_675] : memref<40000xf32, #tpu.memory_space<vmem>> -> memref<10000xf32, #tpu.memory_space<vmem>>
        tpu.vector_store_idx %scatter3A_676[%get3A_256], %neg3A_672 {add = true} : memref<10000xf32, #tpu.memory_space<vmem>>[vector<16xi32>], vector<16xf32>,
        %scatter3A_677 = arith.constant 20000 : i32
        %scatter3A_678 = tpu.memref_slice %arg13[%scatter3A_677] : memref<40000xf32, #tpu.memory_space<vmem>> -> memref<10000xf32, #tpu.memory_space<vmem>>
        tpu.vector_store_idx %scatter3A_678[%get3A_258], %neg3A_672 {add = true} : memref<10000xf32, #tpu.memory_space<vmem>>[vector<16xi32>], vector<16xf32>,
        %neg3A_679 = arith.constant 0.000000e+00 : f32
        %neg3A_680 = vector.broadcast %neg3A_679 : f32 to vector<16xf32>
        %neg3A_681 = arith.subf %neg3A_680, %mul3A_619 : vector<16xf32>
        %scatter3A_682 = arith.constant 20000 : i32
        %scatter3A_683 = tpu.memref_slice %arg13[%scatter3A_682] : memref<40000xf32, #tpu.memory_space<vmem>> -> memref<10000xf32, #tpu.memory_space<vmem>>
        tpu.vector_store_idx %scatter3A_683[%get3A_271], %mul3A_619 {add = true} : memref<10000xf32, #tpu.memory_space<vmem>>[vector<16xi32>], vector<16xf32>,
        %scatter3A_684 = arith.constant 20000 : i32
        %scatter3A_685 = tpu.memref_slice %arg13[%scatter3A_684] : memref<40000xf32, #tpu.memory_space<vmem>> -> memref<10000xf32, #tpu.memory_space<vmem>>
        tpu.vector_store_idx %scatter3A_685[%get3A_267], %neg3A_681 {add = true} : memref<10000xf32, #tpu.memory_space<vmem>>[vector<16xi32>], vector<16xf32>,
        %scatter3A_686 = arith.constant 20000 : i32
        %scatter3A_687 = tpu.memref_slice %arg13[%scatter3A_686] : memref<40000xf32, #tpu.memory_space<vmem>> -> memref<10000xf32, #tpu.memory_space<vmem>>
        tpu.vector_store_idx %scatter3A_687[%get3A_269], %neg3A_681 {add = true} : memref<10000xf32, #tpu.memory_space<vmem>>[vector<16xi32>], vector<16xf32>,
        %neg3A_688 = arith.constant 0.000000e+00 : f32
        %neg3A_689 = vector.broadcast %neg3A_688 : f32 to vector<16xf32>
        %neg3A_690 = arith.subf %neg3A_689, %mul3A_627 : vector<16xf32>
        %scatter3A_691 = arith.constant 20000 : i32
        %scatter3A_692 = tpu.memref_slice %arg13[%scatter3A_691] : memref<40000xf32, #tpu.memory_space<vmem>> -> memref<10000xf32, #tpu.memory_space<vmem>>
        tpu.vector_store_idx %scatter3A_692[%get3A_282], %mul3A_627 {add = true} : memref<10000xf32, #tpu.memory_space<vmem>>[vector<16xi32>], vector<16xf32>,
        %scatter3A_693 = arith.constant 20000 : i32
        %scatter3A_694 = tpu.memref_slice %arg13[%scatter3A_693] : memref<40000xf32, #tpu.memory_space<vmem>> -> memref<10000xf32, #tpu.memory_space<vmem>>
        tpu.vector_store_idx %scatter3A_694[%get3A_278], %neg3A_690 {add = true} : memref<10000xf32, #tpu.memory_space<vmem>>[vector<16xi32>], vector<16xf32>,
        %scatter3A_695 = arith.constant 20000 : i32
        %scatter3A_696 = tpu.memref_slice %arg13[%scatter3A_695] : memref<40000xf32, #tpu.memory_space<vmem>> -> memref<10000xf32, #tpu.memory_space<vmem>>
        tpu.vector_store_idx %scatter3A_696[%get3A_280], %neg3A_690 {add = true} : memref<10000xf32, #tpu.memory_space<vmem>>[vector<16xi32>], vector<16xf32>,
        %neg3A_697 = arith.constant 0.000000e+00 : f32
        %neg3A_698 = vector.broadcast %neg3A_697 : f32 to vector<16xf32>
        %neg3A_699 = arith.subf %neg3A_698, %mul3A_635 : vector<16xf32>
        %scatter3A_700 = arith.constant 20000 : i32
        %scatter3A_701 = tpu.memref_slice %arg13[%scatter3A_700] : memref<40000xf32, #tpu.memory_space<vmem>> -> memref<10000xf32, #tpu.memory_space<vmem>>
        tpu.vector_store_idx %scatter3A_701[%get3A_293], %mul3A_635 {add = true} : memref<10000xf32, #tpu.memory_space<vmem>>[vector<16xi32>], vector<16xf32>,
        %scatter3A_702 = arith.constant 20000 : i32
        %scatter3A_703 = tpu.memref_slice %arg13[%scatter3A_702] : memref<40000xf32, #tpu.memory_space<vmem>> -> memref<10000xf32, #tpu.memory_space<vmem>>
        tpu.vector_store_idx %scatter3A_703[%get3A_289], %neg3A_699 {add = true} : memref<10000xf32, #tpu.memory_space<vmem>>[vector<16xi32>], vector<16xf32>,
        %scatter3A_704 = arith.constant 20000 : i32
        %scatter3A_705 = tpu.memref_slice %arg13[%scatter3A_704] : memref<40000xf32, #tpu.memory_space<vmem>> -> memref<10000xf32, #tpu.memory_space<vmem>>
        tpu.vector_store_idx %scatter3A_705[%get3A_291], %neg3A_699 {add = true} : memref<10000xf32, #tpu.memory_space<vmem>>[vector<16xi32>], vector<16xf32>,
        %neg3A_706 = arith.constant 0.000000e+00 : f32
        %neg3A_707 = vector.broadcast %neg3A_706 : f32 to vector<16xf32>
        %neg3A_708 = arith.subf %neg3A_707, %mul3A_643 : vector<16xf32>
        %scatter3A_709 = arith.constant 20000 : i32
        %scatter3A_710 = tpu.memref_slice %arg13[%scatter3A_709] : memref<40000xf32, #tpu.memory_space<vmem>> -> memref<10000xf32, #tpu.memory_space<vmem>>
        tpu.vector_store_idx %scatter3A_710[%get3A_304], %mul3A_643 {add = true} : memref<10000xf32, #tpu.memory_space<vmem>>[vector<16xi32>], vector<16xf32>,
        %scatter3A_711 = arith.constant 20000 : i32
        %scatter3A_712 = tpu.memref_slice %arg13[%scatter3A_711] : memref<40000xf32, #tpu.memory_space<vmem>> -> memref<10000xf32, #tpu.memory_space<vmem>>
        tpu.vector_store_idx %scatter3A_712[%get3A_300], %neg3A_708 {add = true} : memref<10000xf32, #tpu.memory_space<vmem>>[vector<16xi32>], vector<16xf32>,
        %scatter3A_713 = arith.constant 20000 : i32
        %scatter3A_714 = tpu.memref_slice %arg13[%scatter3A_713] : memref<40000xf32, #tpu.memory_space<vmem>> -> memref<10000xf32, #tpu.memory_space<vmem>>
        tpu.vector_store_idx %scatter3A_714[%get3A_302], %neg3A_708 {add = true} : memref<10000xf32, #tpu.memory_space<vmem>>[vector<16xi32>], vector<16xf32>,
        %neg3A_715 = arith.constant 0.000000e+00 : f32
        %neg3A_716 = vector.broadcast %neg3A_715 : f32 to vector<16xf32>
        %neg3A_717 = arith.subf %neg3A_716, %mul3A_651 : vector<16xf32>
        %scatter3A_718 = arith.constant 20000 : i32
        %scatter3A_719 = tpu.memref_slice %arg13[%scatter3A_718] : memref<40000xf32, #tpu.memory_space<vmem>> -> memref<10000xf32, #tpu.memory_space<vmem>>
        tpu.vector_store_idx %scatter3A_719[%get3A_315], %mul3A_651 {add = true} : memref<10000xf32, #tpu.memory_space<vmem>>[vector<16xi32>], vector<16xf32>,
        %scatter3A_720 = arith.constant 20000 : i32
        %scatter3A_721 = tpu.memref_slice %arg13[%scatter3A_720] : memref<40000xf32, #tpu.memory_space<vmem>> -> memref<10000xf32, #tpu.memory_space<vmem>>
        tpu.vector_store_idx %scatter3A_721[%get3A_311], %neg3A_717 {add = true} : memref<10000xf32, #tpu.memory_space<vmem>>[vector<16xi32>], vector<16xf32>,
        %scatter3A_722 = arith.constant 20000 : i32
        %scatter3A_723 = tpu.memref_slice %arg13[%scatter3A_722] : memref<40000xf32, #tpu.memory_space<vmem>> -> memref<10000xf32, #tpu.memory_space<vmem>>
        tpu.vector_store_idx %scatter3A_723[%get3A_313], %neg3A_717 {add = true} : memref<10000xf32, #tpu.memory_space<vmem>>[vector<16xi32>], vector<16xf32>,
        %gather3A_724 = arith.constant 30000 : i32
        %gather3A_725 = tpu.memref_slice %arg12[%gather3A_724] : memref<40000xf32, #tpu.memory_space<vmem>> -> memref<10000xf32, #tpu.memory_space<vmem>>
        %gather3A_726 = tpu.vector_load_idx %gather3A_725[%get3A_234] : memref<10000xf32, #tpu.memory_space<vmem>>[vector<16xi32>], vector<16xf32>,
        %mul3A_727 = arith.mulf %mul3A_241, %gather3A_726 : vector<16xf32>
        %gather3A_728 = arith.constant 30000 : i32
        %gather3A_729 = tpu.memref_slice %arg12[%gather3A_728] : memref<40000xf32, #tpu.memory_space<vmem>> -> memref<10000xf32, #tpu.memory_space<vmem>>
        %gather3A_730 = tpu.vector_load_idx %gather3A_729[%get3A_236] : memref<10000xf32, #tpu.memory_space<vmem>>[vector<16xi32>], vector<16xf32>,
        %mul3A_731 = arith.mulf %mul3A_727, %gather3A_730 : vector<16xf32>
        %gather3A_732 = arith.constant 30000 : i32
        %gather3A_733 = tpu.memref_slice %arg12[%gather3A_732] : memref<40000xf32, #tpu.memory_space<vmem>> -> memref<10000xf32, #tpu.memory_space<vmem>>
        %gather3A_734 = tpu.vector_load_idx %gather3A_733[%get3A_245] : memref<10000xf32, #tpu.memory_space<vmem>>[vector<16xi32>], vector<16xf32>,
        %mul3A_735 = arith.mulf %mul3A_252, %gather3A_734 : vector<16xf32>
        %gather3A_736 = arith.constant 30000 : i32
        %gather3A_737 = tpu.memref_slice %arg12[%gather3A_736] : memref<40000xf32, #tpu.memory_space<vmem>> -> memref<10000xf32, #tpu.memory_space<vmem>>
        %gather3A_738 = tpu.vector_load_idx %gather3A_737[%get3A_247] : memref<10000xf32, #tpu.memory_space<vmem>>[vector<16xi32>], vector<16xf32>,
        %mul3A_739 = arith.mulf %mul3A_735, %gather3A_738 : vector<16xf32>
        %gather3A_740 = arith.constant 30000 : i32
        %gather3A_741 = tpu.memref_slice %arg12[%gather3A_740] : memref<40000xf32, #tpu.memory_space<vmem>> -> memref<10000xf32, #tpu.memory_space<vmem>>
        %gather3A_742 = tpu.vector_load_idx %gather3A_741[%get3A_256] : memref<10000xf32, #tpu.memory_space<vmem>>[vector<16xi32>], vector<16xf32>,
        %mul3A_743 = arith.mulf %mul3A_263, %gather3A_742 : vector<16xf32>
        %gather3A_744 = arith.constant 30000 : i32
        %gather3A_745 = tpu.memref_slice %arg12[%gather3A_744] : memref<40000xf32, #tpu.memory_space<vmem>> -> memref<10000xf32, #tpu.memory_space<vmem>>
        %gather3A_746 = tpu.vector_load_idx %gather3A_745[%get3A_258] : memref<10000xf32, #tpu.memory_space<vmem>>[vector<16xi32>], vector<16xf32>,
        %mul3A_747 = arith.mulf %mul3A_743, %gather3A_746 : vector<16xf32>
        %gather3A_748 = arith.constant 30000 : i32
        %gather3A_749 = tpu.memref_slice %arg12[%gather3A_748] : memref<40000xf32, #tpu.memory_space<vmem>> -> memref<10000xf32, #tpu.memory_space<vmem>>
        %gather3A_750 = tpu.vector_load_idx %gather3A_749[%get3A_267] : memref<10000xf32, #tpu.memory_space<vmem>>[vector<16xi32>], vector<16xf32>,
        %mul3A_751 = arith.mulf %mul3A_274, %gather3A_750 : vector<16xf32>
        %gather3A_752 = arith.constant 30000 : i32
        %gather3A_753 = tpu.memref_slice %arg12[%gather3A_752] : memref<40000xf32, #tpu.memory_space<vmem>> -> memref<10000xf32, #tpu.memory_space<vmem>>
        %gather3A_754 = tpu.vector_load_idx %gather3A_753[%get3A_269] : memref<10000xf32, #tpu.memory_space<vmem>>[vector<16xi32>], vector<16xf32>,
        %mul3A_755 = arith.mulf %mul3A_751, %gather3A_754 : vector<16xf32>
        %gather3A_756 = arith.constant 30000 : i32
        %gather3A_757 = tpu.memref_slice %arg12[%gather3A_756] : memref<40000xf32, #tpu.memory_space<vmem>> -> memref<10000xf32, #tpu.memory_space<vmem>>
        %gather3A_758 = tpu.vector_load_idx %gather3A_757[%get3A_278] : memref<10000xf32, #tpu.memory_space<vmem>>[vector<16xi32>], vector<16xf32>,
        %mul3A_759 = arith.mulf %mul3A_285, %gather3A_758 : vector<16xf32>
        %gather3A_760 = arith.constant 30000 : i32
        %gather3A_761 = tpu.memref_slice %arg12[%gather3A_760] : memref<40000xf32, #tpu.memory_space<vmem>> -> memref<10000xf32, #tpu.memory_space<vmem>>
        %gather3A_762 = tpu.vector_load_idx %gather3A_761[%get3A_280] : memref<10000xf32, #tpu.memory_space<vmem>>[vector<16xi32>], vector<16xf32>,
        %mul3A_763 = arith.mulf %mul3A_759, %gather3A_762 : vector<16xf32>
        %gather3A_764 = arith.constant 30000 : i32
        %gather3A_765 = tpu.memref_slice %arg12[%gather3A_764] : memref<40000xf32, #tpu.memory_space<vmem>> -> memref<10000xf32, #tpu.memory_space<vmem>>
        %gather3A_766 = tpu.vector_load_idx %gather3A_765[%get3A_289] : memref<10000xf32, #tpu.memory_space<vmem>>[vector<16xi32>], vector<16xf32>,
        %mul3A_767 = arith.mulf %mul3A_296, %gather3A_766 : vector<16xf32>
        %gather3A_768 = arith.constant 30000 : i32
        %gather3A_769 = tpu.memref_slice %arg12[%gather3A_768] : memref<40000xf32, #tpu.memory_space<vmem>> -> memref<10000xf32, #tpu.memory_space<vmem>>
        %gather3A_770 = tpu.vector_load_idx %gather3A_769[%get3A_291] : memref<10000xf32, #tpu.memory_space<vmem>>[vector<16xi32>], vector<16xf32>,
        %mul3A_771 = arith.mulf %mul3A_767, %gather3A_770 : vector<16xf32>
        %gather3A_772 = arith.constant 30000 : i32
        %gather3A_773 = tpu.memref_slice %arg12[%gather3A_772] : memref<40000xf32, #tpu.memory_space<vmem>> -> memref<10000xf32, #tpu.memory_space<vmem>>
        %gather3A_774 = tpu.vector_load_idx %gather3A_773[%get3A_300] : memref<10000xf32, #tpu.memory_space<vmem>>[vector<16xi32>], vector<16xf32>,
        %mul3A_775 = arith.mulf %mul3A_307, %gather3A_774 : vector<16xf32>
        %gather3A_776 = arith.constant 30000 : i32
        %gather3A_777 = tpu.memref_slice %arg12[%gather3A_776] : memref<40000xf32, #tpu.memory_space<vmem>> -> memref<10000xf32, #tpu.memory_space<vmem>>
        %gather3A_778 = tpu.vector_load_idx %gather3A_777[%get3A_302] : memref<10000xf32, #tpu.memory_space<vmem>>[vector<16xi32>], vector<16xf32>,
        %mul3A_779 = arith.mulf %mul3A_775, %gather3A_778 : vector<16xf32>
        %gather3A_780 = arith.constant 30000 : i32
        %gather3A_781 = tpu.memref_slice %arg12[%gather3A_780] : memref<40000xf32, #tpu.memory_space<vmem>> -> memref<10000xf32, #tpu.memory_space<vmem>>
        %gather3A_782 = tpu.vector_load_idx %gather3A_781[%get3A_311] : memref<10000xf32, #tpu.memory_space<vmem>>[vector<16xi32>], vector<16xf32>,
        %mul3A_783 = arith.mulf %mul3A_318, %gather3A_782 : vector<16xf32>
        %gather3A_784 = arith.constant 30000 : i32
        %gather3A_785 = tpu.memref_slice %arg12[%gather3A_784] : memref<40000xf32, #tpu.memory_space<vmem>> -> memref<10000xf32, #tpu.memory_space<vmem>>
        %gather3A_786 = tpu.vector_load_idx %gather3A_785[%get3A_313] : memref<10000xf32, #tpu.memory_space<vmem>>[vector<16xi32>], vector<16xf32>,
        %mul3A_787 = arith.mulf %mul3A_783, %gather3A_786 : vector<16xf32>
        %neg3A_788 = arith.constant 0.000000e+00 : f32
        %neg3A_789 = vector.broadcast %neg3A_788 : f32 to vector<16xf32>
        %neg3A_790 = arith.subf %neg3A_789, %mul3A_731 : vector<16xf32>
        %scatter3A_791 = arith.constant 30000 : i32
        %scatter3A_792 = tpu.memref_slice %arg13[%scatter3A_791] : memref<40000xf32, #tpu.memory_space<vmem>> -> memref<10000xf32, #tpu.memory_space<vmem>>
        tpu.vector_store_idx %scatter3A_792[%get3A_238], %mul3A_731 {add = true} : memref<10000xf32, #tpu.memory_space<vmem>>[vector<16xi32>], vector<16xf32>,
        %scatter3A_793 = arith.constant 30000 : i32
        %scatter3A_794 = tpu.memref_slice %arg13[%scatter3A_793] : memref<40000xf32, #tpu.memory_space<vmem>> -> memref<10000xf32, #tpu.memory_space<vmem>>
        tpu.vector_store_idx %scatter3A_794[%get3A_234], %neg3A_790 {add = true} : memref<10000xf32, #tpu.memory_space<vmem>>[vector<16xi32>], vector<16xf32>,
        %scatter3A_795 = arith.constant 30000 : i32
        %scatter3A_796 = tpu.memref_slice %arg13[%scatter3A_795] : memref<40000xf32, #tpu.memory_space<vmem>> -> memref<10000xf32, #tpu.memory_space<vmem>>
        tpu.vector_store_idx %scatter3A_796[%get3A_236], %neg3A_790 {add = true} : memref<10000xf32, #tpu.memory_space<vmem>>[vector<16xi32>], vector<16xf32>,
        %neg3A_797 = arith.constant 0.000000e+00 : f32
        %neg3A_798 = vector.broadcast %neg3A_797 : f32 to vector<16xf32>
        %neg3A_799 = arith.subf %neg3A_798, %mul3A_739 : vector<16xf32>
        %scatter3A_800 = arith.constant 30000 : i32
        %scatter3A_801 = tpu.memref_slice %arg13[%scatter3A_800] : memref<40000xf32, #tpu.memory_space<vmem>> -> memref<10000xf32, #tpu.memory_space<vmem>>
        tpu.vector_store_idx %scatter3A_801[%get3A_249], %mul3A_739 {add = true} : memref<10000xf32, #tpu.memory_space<vmem>>[vector<16xi32>], vector<16xf32>,
        %scatter3A_802 = arith.constant 30000 : i32
        %scatter3A_803 = tpu.memref_slice %arg13[%scatter3A_802] : memref<40000xf32, #tpu.memory_space<vmem>> -> memref<10000xf32, #tpu.memory_space<vmem>>
        tpu.vector_store_idx %scatter3A_803[%get3A_245], %neg3A_799 {add = true} : memref<10000xf32, #tpu.memory_space<vmem>>[vector<16xi32>], vector<16xf32>,
        %scatter3A_804 = arith.constant 30000 : i32
        %scatter3A_805 = tpu.memref_slice %arg13[%scatter3A_804] : memref<40000xf32, #tpu.memory_space<vmem>> -> memref<10000xf32, #tpu.memory_space<vmem>>
        tpu.vector_store_idx %scatter3A_805[%get3A_247], %neg3A_799 {add = true} : memref<10000xf32, #tpu.memory_space<vmem>>[vector<16xi32>], vector<16xf32>,
        %neg3A_806 = arith.constant 0.000000e+00 : f32
        %neg3A_807 = vector.broadcast %neg3A_806 : f32 to vector<16xf32>
        %neg3A_808 = arith.subf %neg3A_807, %mul3A_747 : vector<16xf32>
        %scatter3A_809 = arith.constant 30000 : i32
        %scatter3A_810 = tpu.memref_slice %arg13[%scatter3A_809] : memref<40000xf32, #tpu.memory_space<vmem>> -> memref<10000xf32, #tpu.memory_space<vmem>>
        tpu.vector_store_idx %scatter3A_810[%get3A_260], %mul3A_747 {add = true} : memref<10000xf32, #tpu.memory_space<vmem>>[vector<16xi32>], vector<16xf32>,
        %scatter3A_811 = arith.constant 30000 : i32
        %scatter3A_812 = tpu.memref_slice %arg13[%scatter3A_811] : memref<40000xf32, #tpu.memory_space<vmem>> -> memref<10000xf32, #tpu.memory_space<vmem>>
        tpu.vector_store_idx %scatter3A_812[%get3A_256], %neg3A_808 {add = true} : memref<10000xf32, #tpu.memory_space<vmem>>[vector<16xi32>], vector<16xf32>,
        %scatter3A_813 = arith.constant 30000 : i32
        %scatter3A_814 = tpu.memref_slice %arg13[%scatter3A_813] : memref<40000xf32, #tpu.memory_space<vmem>> -> memref<10000xf32, #tpu.memory_space<vmem>>
        tpu.vector_store_idx %scatter3A_814[%get3A_258], %neg3A_808 {add = true} : memref<10000xf32, #tpu.memory_space<vmem>>[vector<16xi32>], vector<16xf32>,
        %neg3A_815 = arith.constant 0.000000e+00 : f32
        %neg3A_816 = vector.broadcast %neg3A_815 : f32 to vector<16xf32>
        %neg3A_817 = arith.subf %neg3A_816, %mul3A_755 : vector<16xf32>
        %scatter3A_818 = arith.constant 30000 : i32
        %scatter3A_819 = tpu.memref_slice %arg13[%scatter3A_818] : memref<40000xf32, #tpu.memory_space<vmem>> -> memref<10000xf32, #tpu.memory_space<vmem>>
        tpu.vector_store_idx %scatter3A_819[%get3A_271], %mul3A_755 {add = true} : memref<10000xf32, #tpu.memory_space<vmem>>[vector<16xi32>], vector<16xf32>,
        %scatter3A_820 = arith.constant 30000 : i32
        %scatter3A_821 = tpu.memref_slice %arg13[%scatter3A_820] : memref<40000xf32, #tpu.memory_space<vmem>> -> memref<10000xf32, #tpu.memory_space<vmem>>
        tpu.vector_store_idx %scatter3A_821[%get3A_267], %neg3A_817 {add = true} : memref<10000xf32, #tpu.memory_space<vmem>>[vector<16xi32>], vector<16xf32>,
        %scatter3A_822 = arith.constant 30000 : i32
        %scatter3A_823 = tpu.memref_slice %arg13[%scatter3A_822] : memref<40000xf32, #tpu.memory_space<vmem>> -> memref<10000xf32, #tpu.memory_space<vmem>>
        tpu.vector_store_idx %scatter3A_823[%get3A_269], %neg3A_817 {add = true} : memref<10000xf32, #tpu.memory_space<vmem>>[vector<16xi32>], vector<16xf32>,
        %neg3A_824 = arith.constant 0.000000e+00 : f32
        %neg3A_825 = vector.broadcast %neg3A_824 : f32 to vector<16xf32>
        %neg3A_826 = arith.subf %neg3A_825, %mul3A_763 : vector<16xf32>
        %scatter3A_827 = arith.constant 30000 : i32
        %scatter3A_828 = tpu.memref_slice %arg13[%scatter3A_827] : memref<40000xf32, #tpu.memory_space<vmem>> -> memref<10000xf32, #tpu.memory_space<vmem>>
        tpu.vector_store_idx %scatter3A_828[%get3A_282], %mul3A_763 {add = true} : memref<10000xf32, #tpu.memory_space<vmem>>[vector<16xi32>], vector<16xf32>,
        %scatter3A_829 = arith.constant 30000 : i32
        %scatter3A_830 = tpu.memref_slice %arg13[%scatter3A_829] : memref<40000xf32, #tpu.memory_space<vmem>> -> memref<10000xf32, #tpu.memory_space<vmem>>
        tpu.vector_store_idx %scatter3A_830[%get3A_278], %neg3A_826 {add = true} : memref<10000xf32, #tpu.memory_space<vmem>>[vector<16xi32>], vector<16xf32>,
        %scatter3A_831 = arith.constant 30000 : i32
        %scatter3A_832 = tpu.memref_slice %arg13[%scatter3A_831] : memref<40000xf32, #tpu.memory_space<vmem>> -> memref<10000xf32, #tpu.memory_space<vmem>>
        tpu.vector_store_idx %scatter3A_832[%get3A_280], %neg3A_826 {add = true} : memref<10000xf32, #tpu.memory_space<vmem>>[vector<16xi32>], vector<16xf32>,
        %neg3A_833 = arith.constant 0.000000e+00 : f32
        %neg3A_834 = vector.broadcast %neg3A_833 : f32 to vector<16xf32>
        %neg3A_835 = arith.subf %neg3A_834, %mul3A_771 : vector<16xf32>
        %scatter3A_836 = arith.constant 30000 : i32
        %scatter3A_837 = tpu.memref_slice %arg13[%scatter3A_836] : memref<40000xf32, #tpu.memory_space<vmem>> -> memref<10000xf32, #tpu.memory_space<vmem>>
        tpu.vector_store_idx %scatter3A_837[%get3A_293], %mul3A_771 {add = true} : memref<10000xf32, #tpu.memory_space<vmem>>[vector<16xi32>], vector<16xf32>,
        %scatter3A_838 = arith.constant 30000 : i32
        %scatter3A_839 = tpu.memref_slice %arg13[%scatter3A_838] : memref<40000xf32, #tpu.memory_space<vmem>> -> memref<10000xf32, #tpu.memory_space<vmem>>
        tpu.vector_store_idx %scatter3A_839[%get3A_289], %neg3A_835 {add = true} : memref<10000xf32, #tpu.memory_space<vmem>>[vector<16xi32>], vector<16xf32>,
        %scatter3A_840 = arith.constant 30000 : i32
        %scatter3A_841 = tpu.memref_slice %arg13[%scatter3A_840] : memref<40000xf32, #tpu.memory_space<vmem>> -> memref<10000xf32, #tpu.memory_space<vmem>>
        tpu.vector_store_idx %scatter3A_841[%get3A_291], %neg3A_835 {add = true} : memref<10000xf32, #tpu.memory_space<vmem>>[vector<16xi32>], vector<16xf32>,
        %neg3A_842 = arith.constant 0.000000e+00 : f32
        %neg3A_843 = vector.broadcast %neg3A_842 : f32 to vector<16xf32>
        %neg3A_844 = arith.subf %neg3A_843, %mul3A_779 : vector<16xf32>
        %scatter3A_845 = arith.constant 30000 : i32
        %scatter3A_846 = tpu.memref_slice %arg13[%scatter3A_845] : memref<40000xf32, #tpu.memory_space<vmem>> -> memref<10000xf32, #tpu.memory_space<vmem>>
        tpu.vector_store_idx %scatter3A_846[%get3A_304], %mul3A_779 {add = true} : memref<10000xf32, #tpu.memory_space<vmem>>[vector<16xi32>], vector<16xf32>,
        %scatter3A_847 = arith.constant 30000 : i32
        %scatter3A_848 = tpu.memref_slice %arg13[%scatter3A_847] : memref<40000xf32, #tpu.memory_space<vmem>> -> memref<10000xf32, #tpu.memory_space<vmem>>
        tpu.vector_store_idx %scatter3A_848[%get3A_300], %neg3A_844 {add = true} : memref<10000xf32, #tpu.memory_space<vmem>>[vector<16xi32>], vector<16xf32>,
        %scatter3A_849 = arith.constant 30000 : i32
        %scatter3A_850 = tpu.memref_slice %arg13[%scatter3A_849] : memref<40000xf32, #tpu.memory_space<vmem>> -> memref<10000xf32, #tpu.memory_space<vmem>>
        tpu.vector_store_idx %scatter3A_850[%get3A_302], %neg3A_844 {add = true} : memref<10000xf32, #tpu.memory_space<vmem>>[vector<16xi32>], vector<16xf32>,
        %neg3A_851 = arith.constant 0.000000e+00 : f32
        %neg3A_852 = vector.broadcast %neg3A_851 : f32 to vector<16xf32>
        %neg3A_853 = arith.subf %neg3A_852, %mul3A_787 : vector<16xf32>
        %scatter3A_854 = arith.constant 30000 : i32
        %scatter3A_855 = tpu.memref_slice %arg13[%scatter3A_854] : memref<40000xf32, #tpu.memory_space<vmem>> -> memref<10000xf32, #tpu.memory_space<vmem>>
        tpu.vector_store_idx %scatter3A_855[%get3A_315], %mul3A_787 {add = true} : memref<10000xf32, #tpu.memory_space<vmem>>[vector<16xi32>], vector<16xf32>,
        %scatter3A_856 = arith.constant 30000 : i32
        %scatter3A_857 = tpu.memref_slice %arg13[%scatter3A_856] : memref<40000xf32, #tpu.memory_space<vmem>> -> memref<10000xf32, #tpu.memory_space<vmem>>
        tpu.vector_store_idx %scatter3A_857[%get3A_311], %neg3A_853 {add = true} : memref<10000xf32, #tpu.memory_space<vmem>>[vector<16xi32>], vector<16xf32>,
        %scatter3A_858 = arith.constant 30000 : i32
        %scatter3A_859 = tpu.memref_slice %arg13[%scatter3A_858] : memref<40000xf32, #tpu.memory_space<vmem>> -> memref<10000xf32, #tpu.memory_space<vmem>>
        tpu.vector_store_idx %scatter3A_859[%get3A_313], %neg3A_853 {add = true} : memref<10000xf32, #tpu.memory_space<vmem>>[vector<16xi32>], vector<16xf32>,
      }
      %scan3A_180 = arith.constant 25 : i32
      %add3A_181 = arith.constant 2 : i32
      %add3A_182 = arith.addi %add3A_149, %add3A_181 : i32
      %lt3A = arith.constant 100 : i32
      %lt3A_183 = arith.cmpi slt, %add3A_182, %lt3A : i32
      %convert_element_type3A = arith.extui %lt3A_183 : i1 to i32
      %cond3A = arith.constant 0 : i32
      %cond3A_184 = arith.cmpi ne, %convert_element_type3A, %cond3A : i32
      scf.if %cond3A_184 {
        %add3A_226 = arith.constant 2 : i32
        %add3A_227 = arith.addi %add3A_149, %add3A_226 : i32
        %mul3A_228 = arith.constant 3200 : i32
        %mul3A_229 = arith.muli %add3A_227, %mul3A_228 : i32
        %dma_start3A_230 = arith.constant 0 : i32
        %dma_start3A_231 = tpu.memref_slice %arg17[%dma_start3A_230] : memref<6400xf32, #tpu.memory_space<vmem>> -> memref<3200xf32, #tpu.memory_space<vmem>>
        %dma_start3A_232 = tpu.memref_slice %arg6[%mul3A_229] : memref<320000xf32, #tpu.memory_space<hbm>> -> memref<3200xf32, #tpu.memory_space<hbm>>
        %dma_start3A_233 = arith.constant 0 : i32
        %dma_start3A_234 = tpu.memref_slice %arg17[%dma_start3A_233] : memref<6400xf32, #tpu.memory_space<vmem>> -> memref<3200xf32, #tpu.memory_space<vmem>>
        %dma_start3A_235 = tpu.memref_slice %arg6[%mul3A_229] : memref<320000xf32, #tpu.memory_space<hbm>> -> memref<3200xf32, #tpu.memory_space<hbm>>
        tpu.enqueue_dma source(%dma_start3A_235 : memref<3200xf32, #tpu.memory_space<hbm>>) target(%dma_start3A_234 : memref<3200xf32, #tpu.memory_space<vmem>>) target_semaphore(%arg20 : memref<!tpu.dma_semaphore, #tpu.memory_space<semaphore_mem>>)
        %dma_start3A_236 = arith.constant 0 : i32
        %dma_start3A_237 = tpu.memref_slice %arg14[%dma_start3A_236] : memref<6400xi32, #tpu.memory_space<vmem>> -> memref<3200xi32, #tpu.memory_space<vmem>>
        %dma_start3A_238 = tpu.memref_slice %arg7[%mul3A_229] : memref<320000xi32, #tpu.memory_space<hbm>> -> memref<3200xi32, #tpu.memory_space<hbm>>
        %dma_start3A_239 = arith.constant 0 : i32
        %dma_start3A_240 = tpu.memref_slice %arg14[%dma_start3A_239] : memref<6400xi32, #tpu.memory_space<vmem>> -> memref<3200xi32, #tpu.memory_space<vmem>>
        %dma_start3A_241 = tpu.memref_slice %arg7[%mul3A_229] : memref<320000xi32, #tpu.memory_space<hbm>> -> memref<3200xi32, #tpu.memory_space<hbm>>
        tpu.enqueue_dma source(%dma_start3A_241 : memref<3200xi32, #tpu.memory_space<hbm>>) target(%dma_start3A_240 : memref<3200xi32, #tpu.memory_space<vmem>>) target_semaphore(%arg20 : memref<!tpu.dma_semaphore, #tpu.memory_space<semaphore_mem>>)
        %dma_start3A_242 = arith.constant 0 : i32
        %dma_start3A_243 = tpu.memref_slice %arg15[%dma_start3A_242] : memref<6400xi32, #tpu.memory_space<vmem>> -> memref<3200xi32, #tpu.memory_space<vmem>>
        %dma_start3A_244 = tpu.memref_slice %arg8[%mul3A_229] : memref<320000xi32, #tpu.memory_space<hbm>> -> memref<3200xi32, #tpu.memory_space<hbm>>
        %dma_start3A_245 = arith.constant 0 : i32
        %dma_start3A_246 = tpu.memref_slice %arg15[%dma_start3A_245] : memref<6400xi32, #tpu.memory_space<vmem>> -> memref<3200xi32, #tpu.memory_space<vmem>>
        %dma_start3A_247 = tpu.memref_slice %arg8[%mul3A_229] : memref<320000xi32, #tpu.memory_space<hbm>> -> memref<3200xi32, #tpu.memory_space<hbm>>
        tpu.enqueue_dma source(%dma_start3A_247 : memref<3200xi32, #tpu.memory_space<hbm>>) target(%dma_start3A_246 : memref<3200xi32, #tpu.memory_space<vmem>>) target_semaphore(%arg20 : memref<!tpu.dma_semaphore, #tpu.memory_space<semaphore_mem>>)
        %dma_start3A_248 = arith.constant 0 : i32
        %dma_start3A_249 = tpu.memref_slice %arg16[%dma_start3A_248] : memref<6400xi32, #tpu.memory_space<vmem>> -> memref<3200xi32, #tpu.memory_space<vmem>>
        %dma_start3A_250 = tpu.memref_slice %arg9[%mul3A_229] : memref<320000xi32, #tpu.memory_space<hbm>> -> memref<3200xi32, #tpu.memory_space<hbm>>
        %dma_start3A_251 = arith.constant 0 : i32
        %dma_start3A_252 = tpu.memref_slice %arg16[%dma_start3A_251] : memref<6400xi32, #tpu.memory_space<vmem>> -> memref<3200xi32, #tpu.memory_space<vmem>>
        %dma_start3A_253 = tpu.memref_slice %arg9[%mul3A_229] : memref<320000xi32, #tpu.memory_space<hbm>> -> memref<3200xi32, #tpu.memory_space<hbm>>
        tpu.enqueue_dma source(%dma_start3A_253 : memref<3200xi32, #tpu.memory_space<hbm>>) target(%dma_start3A_252 : memref<3200xi32, #tpu.memory_space<vmem>>) target_semaphore(%arg20 : memref<!tpu.dma_semaphore, #tpu.memory_space<semaphore_mem>>)
      } else {
      }
      %add3A_185 = arith.constant 1 : i32
      %add3A_186 = arith.addi %mul3A_147, %add3A_185 : i32
      %mul3A_187 = arith.constant 3200 : i32
      %mul3A_188 = arith.muli %add3A_186, %mul3A_187 : i32
      %dma_wait3A_189 = arith.constant 3200 : i32
      %dma_wait3A_190 = tpu.memref_slice %arg17[%dma_wait3A_189] : memref<6400xf32, #tpu.memory_space<vmem>> -> memref<3200xf32, #tpu.memory_space<vmem>>
      %dma_wait3A_191 = tpu.memref_slice %arg6[%mul3A_188] : memref<320000xf32, #tpu.memory_space<hbm>> -> memref<3200xf32, #tpu.memory_space<hbm>>
      %dma_wait3A_192 = arith.constant 3200 : i32
      %dma_wait3A_193 = tpu.memref_slice %arg17[%dma_wait3A_192] : memref<6400xf32, #tpu.memory_space<vmem>> -> memref<3200xf32, #tpu.memory_space<vmem>>
      %dma_wait3A_194 = tpu.memref_slice %arg6[%mul3A_188] : memref<320000xf32, #tpu.memory_space<hbm>> -> memref<3200xf32, #tpu.memory_space<hbm>>
      tpu.wait_dma2 semaphore(%arg21 : memref<!tpu.dma_semaphore, #tpu.memory_space<semaphore_mem>>) src(%dma_wait3A_194 : memref<3200xf32, #tpu.memory_space<hbm>>) dst(%dma_wait3A_193 : memref<3200xf32, #tpu.memory_space<vmem>>)
      %dma_wait3A_195 = arith.constant 3200 : i32
      %dma_wait3A_196 = tpu.memref_slice %arg14[%dma_wait3A_195] : memref<6400xi32, #tpu.memory_space<vmem>> -> memref<3200xi32, #tpu.memory_space<vmem>>
      %dma_wait3A_197 = tpu.memref_slice %arg7[%mul3A_188] : memref<320000xi32, #tpu.memory_space<hbm>> -> memref<3200xi32, #tpu.memory_space<hbm>>
      %dma_wait3A_198 = arith.constant 3200 : i32
      %dma_wait3A_199 = tpu.memref_slice %arg14[%dma_wait3A_198] : memref<6400xi32, #tpu.memory_space<vmem>> -> memref<3200xi32, #tpu.memory_space<vmem>>
      %dma_wait3A_200 = tpu.memref_slice %arg7[%mul3A_188] : memref<320000xi32, #tpu.memory_space<hbm>> -> memref<3200xi32, #tpu.memory_space<hbm>>
      tpu.wait_dma2 semaphore(%arg21 : memref<!tpu.dma_semaphore, #tpu.memory_space<semaphore_mem>>) src(%dma_wait3A_200 : memref<3200xi32, #tpu.memory_space<hbm>>) dst(%dma_wait3A_199 : memref<3200xi32, #tpu.memory_space<vmem>>)
      %dma_wait3A_201 = arith.constant 3200 : i32
      %dma_wait3A_202 = tpu.memref_slice %arg15[%dma_wait3A_201] : memref<6400xi32, #tpu.memory_space<vmem>> -> memref<3200xi32, #tpu.memory_space<vmem>>
      %dma_wait3A_203 = tpu.memref_slice %arg8[%mul3A_188] : memref<320000xi32, #tpu.memory_space<hbm>> -> memref<3200xi32, #tpu.memory_space<hbm>>
      %dma_wait3A_204 = arith.constant 3200 : i32
      %dma_wait3A_205 = tpu.memref_slice %arg15[%dma_wait3A_204] : memref<6400xi32, #tpu.memory_space<vmem>> -> memref<3200xi32, #tpu.memory_space<vmem>>
      %dma_wait3A_206 = tpu.memref_slice %arg8[%mul3A_188] : memref<320000xi32, #tpu.memory_space<hbm>> -> memref<3200xi32, #tpu.memory_space<hbm>>
      tpu.wait_dma2 semaphore(%arg21 : memref<!tpu.dma_semaphore, #tpu.memory_space<semaphore_mem>>) src(%dma_wait3A_206 : memref<3200xi32, #tpu.memory_space<hbm>>) dst(%dma_wait3A_205 : memref<3200xi32, #tpu.memory_space<vmem>>)
      %dma_wait3A_207 = arith.constant 3200 : i32
      %dma_wait3A_208 = tpu.memref_slice %arg16[%dma_wait3A_207] : memref<6400xi32, #tpu.memory_space<vmem>> -> memref<3200xi32, #tpu.memory_space<vmem>>
      %dma_wait3A_209 = tpu.memref_slice %arg9[%mul3A_188] : memref<320000xi32, #tpu.memory_space<hbm>> -> memref<3200xi32, #tpu.memory_space<hbm>>
      %dma_wait3A_210 = arith.constant 3200 : i32
      %dma_wait3A_211 = tpu.memref_slice %arg16[%dma_wait3A_210] : memref<6400xi32, #tpu.memory_space<vmem>> -> memref<3200xi32, #tpu.memory_space<vmem>>
      %dma_wait3A_212 = tpu.memref_slice %arg9[%mul3A_188] : memref<320000xi32, #tpu.memory_space<hbm>> -> memref<3200xi32, #tpu.memory_space<hbm>>
      tpu.wait_dma2 semaphore(%arg21 : memref<!tpu.dma_semaphore, #tpu.memory_space<semaphore_mem>>) src(%dma_wait3A_212 : memref<3200xi32, #tpu.memory_space<hbm>>) dst(%dma_wait3A_211 : memref<3200xi32, #tpu.memory_space<vmem>>)
      %scan3A_213 = arith.constant 0 : i32
      %scan3A_214 = arith.constant 0 : i32
      %scan3A_215 = arith.constant 25 : i32
      %scan3A_216 = arith.addi %scan3A_214, %scan3A_215 : i32
      %scan3A_217 = arith.constant 1 : i32
      scf.for %scan3A_226 = %scan3A_214 to %scan3A_216 step %scan3A_217  : i32 {
        %mul3A_227 = arith.constant 128 : i32
        %mul3A_228 = arith.muli %scan3A_226, %mul3A_227 : i32
        %add3A_229 = arith.constant 3200 : i32
        %add3A_230 = arith.addi %add3A_229, %mul3A_228 : i32
        %add3A_231 = arith.constant 0 : i32
        %add3A_232 = arith.addi %add3A_230, %add3A_231 : i32
        %get3A_233 = arith.index_cast %add3A_232 : i32 to index
        %get3A_234 = tpu.vector_load %arg14[%get3A_233] {strides = array<i32>} : memref<6400xi32, #tpu.memory_space<vmem>>, vector<16xi32>,
        %get3A_235 = arith.index_cast %add3A_232 : i32 to index
        %get3A_236 = tpu.vector_load %arg15[%get3A_235] {strides = array<i32>} : memref<6400xi32, #tpu.memory_space<vmem>>, vector<16xi32>,
        %get3A_237 = arith.index_cast %add3A_232 : i32 to index
        %get3A_238 = tpu.vector_load %arg16[%get3A_237] {strides = array<i32>} : memref<6400xi32, #tpu.memory_space<vmem>>, vector<16xi32>,
        %get3A_239 = arith.index_cast %add3A_232 : i32 to index
        %get3A_240 = tpu.vector_load %arg17[%get3A_239] {strides = array<i32>} : memref<6400xf32, #tpu.memory_space<vmem>>, vector<16xf32>,
        %mul3A_241 = arith.mulf %get3A_240, %get3A_3 : vector<16xf32>
        %add3A_242 = arith.constant 16 : i32
        %add3A_243 = arith.addi %add3A_230, %add3A_242 : i32
        %get3A_244 = arith.index_cast %add3A_243 : i32 to index
        %get3A_245 = tpu.vector_load %arg14[%get3A_244] {strides = array<i32>} : memref<6400xi32, #tpu.memory_space<vmem>>, vector<16xi32>,
        %get3A_246 = arith.index_cast %add3A_243 : i32 to index
        %get3A_247 = tpu.vector_load %arg15[%get3A_246] {strides = array<i32>} : memref<6400xi32, #tpu.memory_space<vmem>>, vector<16xi32>,
        %get3A_248 = arith.index_cast %add3A_243 : i32 to index
        %get3A_249 = tpu.vector_load %arg16[%get3A_248] {strides = array<i32>} : memref<6400xi32, #tpu.memory_space<vmem>>, vector<16xi32>,
        %get3A_250 = arith.index_cast %add3A_243 : i32 to index
        %get3A_251 = tpu.vector_load %arg17[%get3A_250] {strides = array<i32>} : memref<6400xf32, #tpu.memory_space<vmem>>, vector<16xf32>,
        %mul3A_252 = arith.mulf %get3A_251, %get3A_3 : vector<16xf32>
        %add3A_253 = arith.constant 32 : i32
        %add3A_254 = arith.addi %add3A_230, %add3A_253 : i32
        %get3A_255 = arith.index_cast %add3A_254 : i32 to index
        %get3A_256 = tpu.vector_load %arg14[%get3A_255] {strides = array<i32>} : memref<6400xi32, #tpu.memory_space<vmem>>, vector<16xi32>,
        %get3A_257 = arith.index_cast %add3A_254 : i32 to index
        %get3A_258 = tpu.vector_load %arg15[%get3A_257] {strides = array<i32>} : memref<6400xi32, #tpu.memory_space<vmem>>, vector<16xi32>,
        %get3A_259 = arith.index_cast %add3A_254 : i32 to index
        %get3A_260 = tpu.vector_load %arg16[%get3A_259] {strides = array<i32>} : memref<6400xi32, #tpu.memory_space<vmem>>, vector<16xi32>,
        %get3A_261 = arith.index_cast %add3A_254 : i32 to index
        %get3A_262 = tpu.vector_load %arg17[%get3A_261] {strides = array<i32>} : memref<6400xf32, #tpu.memory_space<vmem>>, vector<16xf32>,
        %mul3A_263 = arith.mulf %get3A_262, %get3A_3 : vector<16xf32>
        %add3A_264 = arith.constant 48 : i32
        %add3A_265 = arith.addi %add3A_230, %add3A_264 : i32
        %get3A_266 = arith.index_cast %add3A_265 : i32 to index
        %get3A_267 = tpu.vector_load %arg14[%get3A_266] {strides = array<i32>} : memref<6400xi32, #tpu.memory_space<vmem>>, vector<16xi32>,
        %get3A_268 = arith.index_cast %add3A_265 : i32 to index
        %get3A_269 = tpu.vector_load %arg15[%get3A_268] {strides = array<i32>} : memref<6400xi32, #tpu.memory_space<vmem>>, vector<16xi32>,
        %get3A_270 = arith.index_cast %add3A_265 : i32 to index
        %get3A_271 = tpu.vector_load %arg16[%get3A_270] {strides = array<i32>} : memref<6400xi32, #tpu.memory_space<vmem>>, vector<16xi32>,
        %get3A_272 = arith.index_cast %add3A_265 : i32 to index
        %get3A_273 = tpu.vector_load %arg17[%get3A_272] {strides = array<i32>} : memref<6400xf32, #tpu.memory_space<vmem>>, vector<16xf32>,
        %mul3A_274 = arith.mulf %get3A_273, %get3A_3 : vector<16xf32>
        %add3A_275 = arith.constant 64 : i32
        %add3A_276 = arith.addi %add3A_230, %add3A_275 : i32
        %get3A_277 = arith.index_cast %add3A_276 : i32 to index
        %get3A_278 = tpu.vector_load %arg14[%get3A_277] {strides = array<i32>} : memref<6400xi32, #tpu.memory_space<vmem>>, vector<16xi32>,
        %get3A_279 = arith.index_cast %add3A_276 : i32 to index
        %get3A_280 = tpu.vector_load %arg15[%get3A_279] {strides = array<i32>} : memref<6400xi32, #tpu.memory_space<vmem>>, vector<16xi32>,
        %get3A_281 = arith.index_cast %add3A_276 : i32 to index
        %get3A_282 = tpu.vector_load %arg16[%get3A_281] {strides = array<i32>} : memref<6400xi32, #tpu.memory_space<vmem>>, vector<16xi32>,
        %get3A_283 = arith.index_cast %add3A_276 : i32 to index
        %get3A_284 = tpu.vector_load %arg17[%get3A_283] {strides = array<i32>} : memref<6400xf32, #tpu.memory_space<vmem>>, vector<16xf32>,
        %mul3A_285 = arith.mulf %get3A_284, %get3A_3 : vector<16xf32>
        %add3A_286 = arith.constant 80 : i32
        %add3A_287 = arith.addi %add3A_230, %add3A_286 : i32
        %get3A_288 = arith.index_cast %add3A_287 : i32 to index
        %get3A_289 = tpu.vector_load %arg14[%get3A_288] {strides = array<i32>} : memref<6400xi32, #tpu.memory_space<vmem>>, vector<16xi32>,
        %get3A_290 = arith.index_cast %add3A_287 : i32 to index
        %get3A_291 = tpu.vector_load %arg15[%get3A_290] {strides = array<i32>} : memref<6400xi32, #tpu.memory_space<vmem>>, vector<16xi32>,
        %get3A_292 = arith.index_cast %add3A_287 : i32 to index
        %get3A_293 = tpu.vector_load %arg16[%get3A_292] {strides = array<i32>} : memref<6400xi32, #tpu.memory_space<vmem>>, vector<16xi32>,
        %get3A_294 = arith.index_cast %add3A_287 : i32 to index
        %get3A_295 = tpu.vector_load %arg17[%get3A_294] {strides = array<i32>} : memref<6400xf32, #tpu.memory_space<vmem>>, vector<16xf32>,
        %mul3A_296 = arith.mulf %get3A_295, %get3A_3 : vector<16xf32>
        %add3A_297 = arith.constant 96 : i32
        %add3A_298 = arith.addi %add3A_230, %add3A_297 : i32
        %get3A_299 = arith.index_cast %add3A_298 : i32 to index
        %get3A_300 = tpu.vector_load %arg14[%get3A_299] {strides = array<i32>} : memref<6400xi32, #tpu.memory_space<vmem>>, vector<16xi32>,
        %get3A_301 = arith.index_cast %add3A_298 : i32 to index
        %get3A_302 = tpu.vector_load %arg15[%get3A_301] {strides = array<i32>} : memref<6400xi32, #tpu.memory_space<vmem>>, vector<16xi32>,
        %get3A_303 = arith.index_cast %add3A_298 : i32 to index
        %get3A_304 = tpu.vector_load %arg16[%get3A_303] {strides = array<i32>} : memref<6400xi32, #tpu.memory_space<vmem>>, vector<16xi32>,
        %get3A_305 = arith.index_cast %add3A_298 : i32 to index
        %get3A_306 = tpu.vector_load %arg17[%get3A_305] {strides = array<i32>} : memref<6400xf32, #tpu.memory_space<vmem>>, vector<16xf32>,
        %mul3A_307 = arith.mulf %get3A_306, %get3A_3 : vector<16xf32>
        %add3A_308 = arith.constant 112 : i32
        %add3A_309 = arith.addi %add3A_230, %add3A_308 : i32
        %get3A_310 = arith.index_cast %add3A_309 : i32 to index
        %get3A_311 = tpu.vector_load %arg14[%get3A_310] {strides = array<i32>} : memref<6400xi32, #tpu.memory_space<vmem>>, vector<16xi32>,
        %get3A_312 = arith.index_cast %add3A_309 : i32 to index
        %get3A_313 = tpu.vector_load %arg15[%get3A_312] {strides = array<i32>} : memref<6400xi32, #tpu.memory_space<vmem>>, vector<16xi32>,
        %get3A_314 = arith.index_cast %add3A_309 : i32 to index
        %get3A_315 = tpu.vector_load %arg16[%get3A_314] {strides = array<i32>} : memref<6400xi32, #tpu.memory_space<vmem>>, vector<16xi32>,
        %get3A_316 = arith.index_cast %add3A_309 : i32 to index
        %get3A_317 = tpu.vector_load %arg17[%get3A_316] {strides = array<i32>} : memref<6400xf32, #tpu.memory_space<vmem>>, vector<16xf32>,
        %mul3A_318 = arith.mulf %get3A_317, %get3A_3 : vector<16xf32>
        %gather3A = arith.constant 0 : i32
        %gather3A_319 = tpu.memref_slice %arg12[%gather3A] : memref<40000xf32, #tpu.memory_space<vmem>> -> memref<10000xf32, #tpu.memory_space<vmem>>
        %gather3A_320 = tpu.vector_load_idx %gather3A_319[%get3A_234] : memref<10000xf32, #tpu.memory_space<vmem>>[vector<16xi32>], vector<16xf32>,
        %mul3A_321 = arith.mulf %mul3A_241, %gather3A_320 : vector<16xf32>
        %gather3A_322 = arith.constant 0 : i32
        %gather3A_323 = tpu.memref_slice %arg12[%gather3A_322] : memref<40000xf32, #tpu.memory_space<vmem>> -> memref<10000xf32, #tpu.memory_space<vmem>>
        %gather3A_324 = tpu.vector_load_idx %gather3A_323[%get3A_236] : memref<10000xf32, #tpu.memory_space<vmem>>[vector<16xi32>], vector<16xf32>,
        %mul3A_325 = arith.mulf %mul3A_321, %gather3A_324 : vector<16xf32>
        %gather3A_326 = arith.constant 0 : i32
        %gather3A_327 = tpu.memref_slice %arg12[%gather3A_326] : memref<40000xf32, #tpu.memory_space<vmem>> -> memref<10000xf32, #tpu.memory_space<vmem>>
        %gather3A_328 = tpu.vector_load_idx %gather3A_327[%get3A_245] : memref<10000xf32, #tpu.memory_space<vmem>>[vector<16xi32>], vector<16xf32>,
        %mul3A_329 = arith.mulf %mul3A_252, %gather3A_328 : vector<16xf32>
        %gather3A_330 = arith.constant 0 : i32
        %gather3A_331 = tpu.memref_slice %arg12[%gather3A_330] : memref<40000xf32, #tpu.memory_space<vmem>> -> memref<10000xf32, #tpu.memory_space<vmem>>
        %gather3A_332 = tpu.vector_load_idx %gather3A_331[%get3A_247] : memref<10000xf32, #tpu.memory_space<vmem>>[vector<16xi32>], vector<16xf32>,
        %mul3A_333 = arith.mulf %mul3A_329, %gather3A_332 : vector<16xf32>
        %gather3A_334 = arith.constant 0 : i32
        %gather3A_335 = tpu.memref_slice %arg12[%gather3A_334] : memref<40000xf32, #tpu.memory_space<vmem>> -> memref<10000xf32, #tpu.memory_space<vmem>>
        %gather3A_336 = tpu.vector_load_idx %gather3A_335[%get3A_256] : memref<10000xf32, #tpu.memory_space<vmem>>[vector<16xi32>], vector<16xf32>,
        %mul3A_337 = arith.mulf %mul3A_263, %gather3A_336 : vector<16xf32>
        %gather3A_338 = arith.constant 0 : i32
        %gather3A_339 = tpu.memref_slice %arg12[%gather3A_338] : memref<40000xf32, #tpu.memory_space<vmem>> -> memref<10000xf32, #tpu.memory_space<vmem>>
        %gather3A_340 = tpu.vector_load_idx %gather3A_339[%get3A_258] : memref<10000xf32, #tpu.memory_space<vmem>>[vector<16xi32>], vector<16xf32>,
        %mul3A_341 = arith.mulf %mul3A_337, %gather3A_340 : vector<16xf32>
        %gather3A_342 = arith.constant 0 : i32
        %gather3A_343 = tpu.memref_slice %arg12[%gather3A_342] : memref<40000xf32, #tpu.memory_space<vmem>> -> memref<10000xf32, #tpu.memory_space<vmem>>
        %gather3A_344 = tpu.vector_load_idx %gather3A_343[%get3A_267] : memref<10000xf32, #tpu.memory_space<vmem>>[vector<16xi32>], vector<16xf32>,
        %mul3A_345 = arith.mulf %mul3A_274, %gather3A_344 : vector<16xf32>
        %gather3A_346 = arith.constant 0 : i32
        %gather3A_347 = tpu.memref_slice %arg12[%gather3A_346] : memref<40000xf32, #tpu.memory_space<vmem>> -> memref<10000xf32, #tpu.memory_space<vmem>>
        %gather3A_348 = tpu.vector_load_idx %gather3A_347[%get3A_269] : memref<10000xf32, #tpu.memory_space<vmem>>[vector<16xi32>], vector<16xf32>,
        %mul3A_349 = arith.mulf %mul3A_345, %gather3A_348 : vector<16xf32>
        %gather3A_350 = arith.constant 0 : i32
        %gather3A_351 = tpu.memref_slice %arg12[%gather3A_350] : memref<40000xf32, #tpu.memory_space<vmem>> -> memref<10000xf32, #tpu.memory_space<vmem>>
        %gather3A_352 = tpu.vector_load_idx %gather3A_351[%get3A_278] : memref<10000xf32, #tpu.memory_space<vmem>>[vector<16xi32>], vector<16xf32>,
        %mul3A_353 = arith.mulf %mul3A_285, %gather3A_352 : vector<16xf32>
        %gather3A_354 = arith.constant 0 : i32
        %gather3A_355 = tpu.memref_slice %arg12[%gather3A_354] : memref<40000xf32, #tpu.memory_space<vmem>> -> memref<10000xf32, #tpu.memory_space<vmem>>
        %gather3A_356 = tpu.vector_load_idx %gather3A_355[%get3A_280] : memref<10000xf32, #tpu.memory_space<vmem>>[vector<16xi32>], vector<16xf32>,
        %mul3A_357 = arith.mulf %mul3A_353, %gather3A_356 : vector<16xf32>
        %gather3A_358 = arith.constant 0 : i32
        %gather3A_359 = tpu.memref_slice %arg12[%gather3A_358] : memref<40000xf32, #tpu.memory_space<vmem>> -> memref<10000xf32, #tpu.memory_space<vmem>>
        %gather3A_360 = tpu.vector_load_idx %gather3A_359[%get3A_289] : memref<10000xf32, #tpu.memory_space<vmem>>[vector<16xi32>], vector<16xf32>,
        %mul3A_361 = arith.mulf %mul3A_296, %gather3A_360 : vector<16xf32>
        %gather3A_362 = arith.constant 0 : i32
        %gather3A_363 = tpu.memref_slice %arg12[%gather3A_362] : memref<40000xf32, #tpu.memory_space<vmem>> -> memref<10000xf32, #tpu.memory_space<vmem>>
        %gather3A_364 = tpu.vector_load_idx %gather3A_363[%get3A_291] : memref<10000xf32, #tpu.memory_space<vmem>>[vector<16xi32>], vector<16xf32>,
        %mul3A_365 = arith.mulf %mul3A_361, %gather3A_364 : vector<16xf32>
        %gather3A_366 = arith.constant 0 : i32
        %gather3A_367 = tpu.memref_slice %arg12[%gather3A_366] : memref<40000xf32, #tpu.memory_space<vmem>> -> memref<10000xf32, #tpu.memory_space<vmem>>
        %gather3A_368 = tpu.vector_load_idx %gather3A_367[%get3A_300] : memref<10000xf32, #tpu.memory_space<vmem>>[vector<16xi32>], vector<16xf32>,
        %mul3A_369 = arith.mulf %mul3A_307, %gather3A_368 : vector<16xf32>
        %gather3A_370 = arith.constant 0 : i32
        %gather3A_371 = tpu.memref_slice %arg12[%gather3A_370] : memref<40000xf32, #tpu.memory_space<vmem>> -> memref<10000xf32, #tpu.memory_space<vmem>>
        %gather3A_372 = tpu.vector_load_idx %gather3A_371[%get3A_302] : memref<10000xf32, #tpu.memory_space<vmem>>[vector<16xi32>], vector<16xf32>,
        %mul3A_373 = arith.mulf %mul3A_369, %gather3A_372 : vector<16xf32>
        %gather3A_374 = arith.constant 0 : i32
        %gather3A_375 = tpu.memref_slice %arg12[%gather3A_374] : memref<40000xf32, #tpu.memory_space<vmem>> -> memref<10000xf32, #tpu.memory_space<vmem>>
        %gather3A_376 = tpu.vector_load_idx %gather3A_375[%get3A_311] : memref<10000xf32, #tpu.memory_space<vmem>>[vector<16xi32>], vector<16xf32>,
        %mul3A_377 = arith.mulf %mul3A_318, %gather3A_376 : vector<16xf32>
        %gather3A_378 = arith.constant 0 : i32
        %gather3A_379 = tpu.memref_slice %arg12[%gather3A_378] : memref<40000xf32, #tpu.memory_space<vmem>> -> memref<10000xf32, #tpu.memory_space<vmem>>
        %gather3A_380 = tpu.vector_load_idx %gather3A_379[%get3A_313] : memref<10000xf32, #tpu.memory_space<vmem>>[vector<16xi32>], vector<16xf32>,
        %mul3A_381 = arith.mulf %mul3A_377, %gather3A_380 : vector<16xf32>
        %neg3A = arith.constant 0.000000e+00 : f32
        %neg3A_382 = vector.broadcast %neg3A : f32 to vector<16xf32>
        %neg3A_383 = arith.subf %neg3A_382, %mul3A_325 : vector<16xf32>
        %scatter3A = arith.constant 0 : i32
        %scatter3A_384 = tpu.memref_slice %arg13[%scatter3A] : memref<40000xf32, #tpu.memory_space<vmem>> -> memref<10000xf32, #tpu.memory_space<vmem>>
        tpu.vector_store_idx %scatter3A_384[%get3A_238], %mul3A_325 {add = true} : memref<10000xf32, #tpu.memory_space<vmem>>[vector<16xi32>], vector<16xf32>,
        %scatter3A_385 = arith.constant 0 : i32
        %scatter3A_386 = tpu.memref_slice %arg13[%scatter3A_385] : memref<40000xf32, #tpu.memory_space<vmem>> -> memref<10000xf32, #tpu.memory_space<vmem>>
        tpu.vector_store_idx %scatter3A_386[%get3A_234], %neg3A_383 {add = true} : memref<10000xf32, #tpu.memory_space<vmem>>[vector<16xi32>], vector<16xf32>,
        %scatter3A_387 = arith.constant 0 : i32
        %scatter3A_388 = tpu.memref_slice %arg13[%scatter3A_387] : memref<40000xf32, #tpu.memory_space<vmem>> -> memref<10000xf32, #tpu.memory_space<vmem>>
        tpu.vector_store_idx %scatter3A_388[%get3A_236], %neg3A_383 {add = true} : memref<10000xf32, #tpu.memory_space<vmem>>[vector<16xi32>], vector<16xf32>,
        %neg3A_389 = arith.constant 0.000000e+00 : f32
        %neg3A_390 = vector.broadcast %neg3A_389 : f32 to vector<16xf32>
        %neg3A_391 = arith.subf %neg3A_390, %mul3A_333 : vector<16xf32>
        %scatter3A_392 = arith.constant 0 : i32
        %scatter3A_393 = tpu.memref_slice %arg13[%scatter3A_392] : memref<40000xf32, #tpu.memory_space<vmem>> -> memref<10000xf32, #tpu.memory_space<vmem>>
        tpu.vector_store_idx %scatter3A_393[%get3A_249], %mul3A_333 {add = true} : memref<10000xf32, #tpu.memory_space<vmem>>[vector<16xi32>], vector<16xf32>,
        %scatter3A_394 = arith.constant 0 : i32
        %scatter3A_395 = tpu.memref_slice %arg13[%scatter3A_394] : memref<40000xf32, #tpu.memory_space<vmem>> -> memref<10000xf32, #tpu.memory_space<vmem>>
        tpu.vector_store_idx %scatter3A_395[%get3A_245], %neg3A_391 {add = true} : memref<10000xf32, #tpu.memory_space<vmem>>[vector<16xi32>], vector<16xf32>,
        %scatter3A_396 = arith.constant 0 : i32
        %scatter3A_397 = tpu.memref_slice %arg13[%scatter3A_396] : memref<40000xf32, #tpu.memory_space<vmem>> -> memref<10000xf32, #tpu.memory_space<vmem>>
        tpu.vector_store_idx %scatter3A_397[%get3A_247], %neg3A_391 {add = true} : memref<10000xf32, #tpu.memory_space<vmem>>[vector<16xi32>], vector<16xf32>,
        %neg3A_398 = arith.constant 0.000000e+00 : f32
        %neg3A_399 = vector.broadcast %neg3A_398 : f32 to vector<16xf32>
        %neg3A_400 = arith.subf %neg3A_399, %mul3A_341 : vector<16xf32>
        %scatter3A_401 = arith.constant 0 : i32
        %scatter3A_402 = tpu.memref_slice %arg13[%scatter3A_401] : memref<40000xf32, #tpu.memory_space<vmem>> -> memref<10000xf32, #tpu.memory_space<vmem>>
        tpu.vector_store_idx %scatter3A_402[%get3A_260], %mul3A_341 {add = true} : memref<10000xf32, #tpu.memory_space<vmem>>[vector<16xi32>], vector<16xf32>,
        %scatter3A_403 = arith.constant 0 : i32
        %scatter3A_404 = tpu.memref_slice %arg13[%scatter3A_403] : memref<40000xf32, #tpu.memory_space<vmem>> -> memref<10000xf32, #tpu.memory_space<vmem>>
        tpu.vector_store_idx %scatter3A_404[%get3A_256], %neg3A_400 {add = true} : memref<10000xf32, #tpu.memory_space<vmem>>[vector<16xi32>], vector<16xf32>,
        %scatter3A_405 = arith.constant 0 : i32
        %scatter3A_406 = tpu.memref_slice %arg13[%scatter3A_405] : memref<40000xf32, #tpu.memory_space<vmem>> -> memref<10000xf32, #tpu.memory_space<vmem>>
        tpu.vector_store_idx %scatter3A_406[%get3A_258], %neg3A_400 {add = true} : memref<10000xf32, #tpu.memory_space<vmem>>[vector<16xi32>], vector<16xf32>,
        %neg3A_407 = arith.constant 0.000000e+00 : f32
        %neg3A_408 = vector.broadcast %neg3A_407 : f32 to vector<16xf32>
        %neg3A_409 = arith.subf %neg3A_408, %mul3A_349 : vector<16xf32>
        %scatter3A_410 = arith.constant 0 : i32
        %scatter3A_411 = tpu.memref_slice %arg13[%scatter3A_410] : memref<40000xf32, #tpu.memory_space<vmem>> -> memref<10000xf32, #tpu.memory_space<vmem>>
        tpu.vector_store_idx %scatter3A_411[%get3A_271], %mul3A_349 {add = true} : memref<10000xf32, #tpu.memory_space<vmem>>[vector<16xi32>], vector<16xf32>,
        %scatter3A_412 = arith.constant 0 : i32
        %scatter3A_413 = tpu.memref_slice %arg13[%scatter3A_412] : memref<40000xf32, #tpu.memory_space<vmem>> -> memref<10000xf32, #tpu.memory_space<vmem>>
        tpu.vector_store_idx %scatter3A_413[%get3A_267], %neg3A_409 {add = true} : memref<10000xf32, #tpu.memory_space<vmem>>[vector<16xi32>], vector<16xf32>,
        %scatter3A_414 = arith.constant 0 : i32
        %scatter3A_415 = tpu.memref_slice %arg13[%scatter3A_414] : memref<40000xf32, #tpu.memory_space<vmem>> -> memref<10000xf32, #tpu.memory_space<vmem>>
        tpu.vector_store_idx %scatter3A_415[%get3A_269], %neg3A_409 {add = true} : memref<10000xf32, #tpu.memory_space<vmem>>[vector<16xi32>], vector<16xf32>,
        %neg3A_416 = arith.constant 0.000000e+00 : f32
        %neg3A_417 = vector.broadcast %neg3A_416 : f32 to vector<16xf32>
        %neg3A_418 = arith.subf %neg3A_417, %mul3A_357 : vector<16xf32>
        %scatter3A_419 = arith.constant 0 : i32
        %scatter3A_420 = tpu.memref_slice %arg13[%scatter3A_419] : memref<40000xf32, #tpu.memory_space<vmem>> -> memref<10000xf32, #tpu.memory_space<vmem>>
        tpu.vector_store_idx %scatter3A_420[%get3A_282], %mul3A_357 {add = true} : memref<10000xf32, #tpu.memory_space<vmem>>[vector<16xi32>], vector<16xf32>,
        %scatter3A_421 = arith.constant 0 : i32
        %scatter3A_422 = tpu.memref_slice %arg13[%scatter3A_421] : memref<40000xf32, #tpu.memory_space<vmem>> -> memref<10000xf32, #tpu.memory_space<vmem>>
        tpu.vector_store_idx %scatter3A_422[%get3A_278], %neg3A_418 {add = true} : memref<10000xf32, #tpu.memory_space<vmem>>[vector<16xi32>], vector<16xf32>,
        %scatter3A_423 = arith.constant 0 : i32
        %scatter3A_424 = tpu.memref_slice %arg13[%scatter3A_423] : memref<40000xf32, #tpu.memory_space<vmem>> -> memref<10000xf32, #tpu.memory_space<vmem>>
        tpu.vector_store_idx %scatter3A_424[%get3A_280], %neg3A_418 {add = true} : memref<10000xf32, #tpu.memory_space<vmem>>[vector<16xi32>], vector<16xf32>,
        %neg3A_425 = arith.constant 0.000000e+00 : f32
        %neg3A_426 = vector.broadcast %neg3A_425 : f32 to vector<16xf32>
        %neg3A_427 = arith.subf %neg3A_426, %mul3A_365 : vector<16xf32>
        %scatter3A_428 = arith.constant 0 : i32
        %scatter3A_429 = tpu.memref_slice %arg13[%scatter3A_428] : memref<40000xf32, #tpu.memory_space<vmem>> -> memref<10000xf32, #tpu.memory_space<vmem>>
        tpu.vector_store_idx %scatter3A_429[%get3A_293], %mul3A_365 {add = true} : memref<10000xf32, #tpu.memory_space<vmem>>[vector<16xi32>], vector<16xf32>,
        %scatter3A_430 = arith.constant 0 : i32
        %scatter3A_431 = tpu.memref_slice %arg13[%scatter3A_430] : memref<40000xf32, #tpu.memory_space<vmem>> -> memref<10000xf32, #tpu.memory_space<vmem>>
        tpu.vector_store_idx %scatter3A_431[%get3A_289], %neg3A_427 {add = true} : memref<10000xf32, #tpu.memory_space<vmem>>[vector<16xi32>], vector<16xf32>,
        %scatter3A_432 = arith.constant 0 : i32
        %scatter3A_433 = tpu.memref_slice %arg13[%scatter3A_432] : memref<40000xf32, #tpu.memory_space<vmem>> -> memref<10000xf32, #tpu.memory_space<vmem>>
        tpu.vector_store_idx %scatter3A_433[%get3A_291], %neg3A_427 {add = true} : memref<10000xf32, #tpu.memory_space<vmem>>[vector<16xi32>], vector<16xf32>,
        %neg3A_434 = arith.constant 0.000000e+00 : f32
        %neg3A_435 = vector.broadcast %neg3A_434 : f32 to vector<16xf32>
        %neg3A_436 = arith.subf %neg3A_435, %mul3A_373 : vector<16xf32>
        %scatter3A_437 = arith.constant 0 : i32
        %scatter3A_438 = tpu.memref_slice %arg13[%scatter3A_437] : memref<40000xf32, #tpu.memory_space<vmem>> -> memref<10000xf32, #tpu.memory_space<vmem>>
        tpu.vector_store_idx %scatter3A_438[%get3A_304], %mul3A_373 {add = true} : memref<10000xf32, #tpu.memory_space<vmem>>[vector<16xi32>], vector<16xf32>,
        %scatter3A_439 = arith.constant 0 : i32
        %scatter3A_440 = tpu.memref_slice %arg13[%scatter3A_439] : memref<40000xf32, #tpu.memory_space<vmem>> -> memref<10000xf32, #tpu.memory_space<vmem>>
        tpu.vector_store_idx %scatter3A_440[%get3A_300], %neg3A_436 {add = true} : memref<10000xf32, #tpu.memory_space<vmem>>[vector<16xi32>], vector<16xf32>,
        %scatter3A_441 = arith.constant 0 : i32
        %scatter3A_442 = tpu.memref_slice %arg13[%scatter3A_441] : memref<40000xf32, #tpu.memory_space<vmem>> -> memref<10000xf32, #tpu.memory_space<vmem>>
        tpu.vector_store_idx %scatter3A_442[%get3A_302], %neg3A_436 {add = true} : memref<10000xf32, #tpu.memory_space<vmem>>[vector<16xi32>], vector<16xf32>,
        %neg3A_443 = arith.constant 0.000000e+00 : f32
        %neg3A_444 = vector.broadcast %neg3A_443 : f32 to vector<16xf32>
        %neg3A_445 = arith.subf %neg3A_444, %mul3A_381 : vector<16xf32>
        %scatter3A_446 = arith.constant 0 : i32
        %scatter3A_447 = tpu.memref_slice %arg13[%scatter3A_446] : memref<40000xf32, #tpu.memory_space<vmem>> -> memref<10000xf32, #tpu.memory_space<vmem>>
        tpu.vector_store_idx %scatter3A_447[%get3A_315], %mul3A_381 {add = true} : memref<10000xf32, #tpu.memory_space<vmem>>[vector<16xi32>], vector<16xf32>,
        %scatter3A_448 = arith.constant 0 : i32
        %scatter3A_449 = tpu.memref_slice %arg13[%scatter3A_448] : memref<40000xf32, #tpu.memory_space<vmem>> -> memref<10000xf32, #tpu.memory_space<vmem>>
        tpu.vector_store_idx %scatter3A_449[%get3A_311], %neg3A_445 {add = true} : memref<10000xf32, #tpu.memory_space<vmem>>[vector<16xi32>], vector<16xf32>,
        %scatter3A_450 = arith.constant 0 : i32
        %scatter3A_451 = tpu.memref_slice %arg13[%scatter3A_450] : memref<40000xf32, #tpu.memory_space<vmem>> -> memref<10000xf32, #tpu.memory_space<vmem>>
        tpu.vector_store_idx %scatter3A_451[%get3A_313], %neg3A_445 {add = true} : memref<10000xf32, #tpu.memory_space<vmem>>[vector<16xi32>], vector<16xf32>,
        %gather3A_452 = arith.constant 10000 : i32
        %gather3A_453 = tpu.memref_slice %arg12[%gather3A_452] : memref<40000xf32, #tpu.memory_space<vmem>> -> memref<10000xf32, #tpu.memory_space<vmem>>
        %gather3A_454 = tpu.vector_load_idx %gather3A_453[%get3A_234] : memref<10000xf32, #tpu.memory_space<vmem>>[vector<16xi32>], vector<16xf32>,
        %mul3A_455 = arith.mulf %mul3A_241, %gather3A_454 : vector<16xf32>
        %gather3A_456 = arith.constant 10000 : i32
        %gather3A_457 = tpu.memref_slice %arg12[%gather3A_456] : memref<40000xf32, #tpu.memory_space<vmem>> -> memref<10000xf32, #tpu.memory_space<vmem>>
        %gather3A_458 = tpu.vector_load_idx %gather3A_457[%get3A_236] : memref<10000xf32, #tpu.memory_space<vmem>>[vector<16xi32>], vector<16xf32>,
        %mul3A_459 = arith.mulf %mul3A_455, %gather3A_458 : vector<16xf32>
        %gather3A_460 = arith.constant 10000 : i32
        %gather3A_461 = tpu.memref_slice %arg12[%gather3A_460] : memref<40000xf32, #tpu.memory_space<vmem>> -> memref<10000xf32, #tpu.memory_space<vmem>>
        %gather3A_462 = tpu.vector_load_idx %gather3A_461[%get3A_245] : memref<10000xf32, #tpu.memory_space<vmem>>[vector<16xi32>], vector<16xf32>,
        %mul3A_463 = arith.mulf %mul3A_252, %gather3A_462 : vector<16xf32>
        %gather3A_464 = arith.constant 10000 : i32
        %gather3A_465 = tpu.memref_slice %arg12[%gather3A_464] : memref<40000xf32, #tpu.memory_space<vmem>> -> memref<10000xf32, #tpu.memory_space<vmem>>
        %gather3A_466 = tpu.vector_load_idx %gather3A_465[%get3A_247] : memref<10000xf32, #tpu.memory_space<vmem>>[vector<16xi32>], vector<16xf32>,
        %mul3A_467 = arith.mulf %mul3A_463, %gather3A_466 : vector<16xf32>
        %gather3A_468 = arith.constant 10000 : i32
        %gather3A_469 = tpu.memref_slice %arg12[%gather3A_468] : memref<40000xf32, #tpu.memory_space<vmem>> -> memref<10000xf32, #tpu.memory_space<vmem>>
        %gather3A_470 = tpu.vector_load_idx %gather3A_469[%get3A_256] : memref<10000xf32, #tpu.memory_space<vmem>>[vector<16xi32>], vector<16xf32>,
        %mul3A_471 = arith.mulf %mul3A_263, %gather3A_470 : vector<16xf32>
        %gather3A_472 = arith.constant 10000 : i32
        %gather3A_473 = tpu.memref_slice %arg12[%gather3A_472] : memref<40000xf32, #tpu.memory_space<vmem>> -> memref<10000xf32, #tpu.memory_space<vmem>>
        %gather3A_474 = tpu.vector_load_idx %gather3A_473[%get3A_258] : memref<10000xf32, #tpu.memory_space<vmem>>[vector<16xi32>], vector<16xf32>,
        %mul3A_475 = arith.mulf %mul3A_471, %gather3A_474 : vector<16xf32>
        %gather3A_476 = arith.constant 10000 : i32
        %gather3A_477 = tpu.memref_slice %arg12[%gather3A_476] : memref<40000xf32, #tpu.memory_space<vmem>> -> memref<10000xf32, #tpu.memory_space<vmem>>
        %gather3A_478 = tpu.vector_load_idx %gather3A_477[%get3A_267] : memref<10000xf32, #tpu.memory_space<vmem>>[vector<16xi32>], vector<16xf32>,
        %mul3A_479 = arith.mulf %mul3A_274, %gather3A_478 : vector<16xf32>
        %gather3A_480 = arith.constant 10000 : i32
        %gather3A_481 = tpu.memref_slice %arg12[%gather3A_480] : memref<40000xf32, #tpu.memory_space<vmem>> -> memref<10000xf32, #tpu.memory_space<vmem>>
        %gather3A_482 = tpu.vector_load_idx %gather3A_481[%get3A_269] : memref<10000xf32, #tpu.memory_space<vmem>>[vector<16xi32>], vector<16xf32>,
        %mul3A_483 = arith.mulf %mul3A_479, %gather3A_482 : vector<16xf32>
        %gather3A_484 = arith.constant 10000 : i32
        %gather3A_485 = tpu.memref_slice %arg12[%gather3A_484] : memref<40000xf32, #tpu.memory_space<vmem>> -> memref<10000xf32, #tpu.memory_space<vmem>>
        %gather3A_486 = tpu.vector_load_idx %gather3A_485[%get3A_278] : memref<10000xf32, #tpu.memory_space<vmem>>[vector<16xi32>], vector<16xf32>,
        %mul3A_487 = arith.mulf %mul3A_285, %gather3A_486 : vector<16xf32>
        %gather3A_488 = arith.constant 10000 : i32
        %gather3A_489 = tpu.memref_slice %arg12[%gather3A_488] : memref<40000xf32, #tpu.memory_space<vmem>> -> memref<10000xf32, #tpu.memory_space<vmem>>
        %gather3A_490 = tpu.vector_load_idx %gather3A_489[%get3A_280] : memref<10000xf32, #tpu.memory_space<vmem>>[vector<16xi32>], vector<16xf32>,
        %mul3A_491 = arith.mulf %mul3A_487, %gather3A_490 : vector<16xf32>
        %gather3A_492 = arith.constant 10000 : i32
        %gather3A_493 = tpu.memref_slice %arg12[%gather3A_492] : memref<40000xf32, #tpu.memory_space<vmem>> -> memref<10000xf32, #tpu.memory_space<vmem>>
        %gather3A_494 = tpu.vector_load_idx %gather3A_493[%get3A_289] : memref<10000xf32, #tpu.memory_space<vmem>>[vector<16xi32>], vector<16xf32>,
        %mul3A_495 = arith.mulf %mul3A_296, %gather3A_494 : vector<16xf32>
        %gather3A_496 = arith.constant 10000 : i32
        %gather3A_497 = tpu.memref_slice %arg12[%gather3A_496] : memref<40000xf32, #tpu.memory_space<vmem>> -> memref<10000xf32, #tpu.memory_space<vmem>>
        %gather3A_498 = tpu.vector_load_idx %gather3A_497[%get3A_291] : memref<10000xf32, #tpu.memory_space<vmem>>[vector<16xi32>], vector<16xf32>,
        %mul3A_499 = arith.mulf %mul3A_495, %gather3A_498 : vector<16xf32>
        %gather3A_500 = arith.constant 10000 : i32
        %gather3A_501 = tpu.memref_slice %arg12[%gather3A_500] : memref<40000xf32, #tpu.memory_space<vmem>> -> memref<10000xf32, #tpu.memory_space<vmem>>
        %gather3A_502 = tpu.vector_load_idx %gather3A_501[%get3A_300] : memref<10000xf32, #tpu.memory_space<vmem>>[vector<16xi32>], vector<16xf32>,
        %mul3A_503 = arith.mulf %mul3A_307, %gather3A_502 : vector<16xf32>
        %gather3A_504 = arith.constant 10000 : i32
        %gather3A_505 = tpu.memref_slice %arg12[%gather3A_504] : memref<40000xf32, #tpu.memory_space<vmem>> -> memref<10000xf32, #tpu.memory_space<vmem>>
        %gather3A_506 = tpu.vector_load_idx %gather3A_505[%get3A_302] : memref<10000xf32, #tpu.memory_space<vmem>>[vector<16xi32>], vector<16xf32>,
        %mul3A_507 = arith.mulf %mul3A_503, %gather3A_506 : vector<16xf32>
        %gather3A_508 = arith.constant 10000 : i32
        %gather3A_509 = tpu.memref_slice %arg12[%gather3A_508] : memref<40000xf32, #tpu.memory_space<vmem>> -> memref<10000xf32, #tpu.memory_space<vmem>>
        %gather3A_510 = tpu.vector_load_idx %gather3A_509[%get3A_311] : memref<10000xf32, #tpu.memory_space<vmem>>[vector<16xi32>], vector<16xf32>,
        %mul3A_511 = arith.mulf %mul3A_318, %gather3A_510 : vector<16xf32>
        %gather3A_512 = arith.constant 10000 : i32
        %gather3A_513 = tpu.memref_slice %arg12[%gather3A_512] : memref<40000xf32, #tpu.memory_space<vmem>> -> memref<10000xf32, #tpu.memory_space<vmem>>
        %gather3A_514 = tpu.vector_load_idx %gather3A_513[%get3A_313] : memref<10000xf32, #tpu.memory_space<vmem>>[vector<16xi32>], vector<16xf32>,
        %mul3A_515 = arith.mulf %mul3A_511, %gather3A_514 : vector<16xf32>
        %neg3A_516 = arith.constant 0.000000e+00 : f32
        %neg3A_517 = vector.broadcast %neg3A_516 : f32 to vector<16xf32>
        %neg3A_518 = arith.subf %neg3A_517, %mul3A_459 : vector<16xf32>
        %scatter3A_519 = arith.constant 10000 : i32
        %scatter3A_520 = tpu.memref_slice %arg13[%scatter3A_519] : memref<40000xf32, #tpu.memory_space<vmem>> -> memref<10000xf32, #tpu.memory_space<vmem>>
        tpu.vector_store_idx %scatter3A_520[%get3A_238], %mul3A_459 {add = true} : memref<10000xf32, #tpu.memory_space<vmem>>[vector<16xi32>], vector<16xf32>,
        %scatter3A_521 = arith.constant 10000 : i32
        %scatter3A_522 = tpu.memref_slice %arg13[%scatter3A_521] : memref<40000xf32, #tpu.memory_space<vmem>> -> memref<10000xf32, #tpu.memory_space<vmem>>
        tpu.vector_store_idx %scatter3A_522[%get3A_234], %neg3A_518 {add = true} : memref<10000xf32, #tpu.memory_space<vmem>>[vector<16xi32>], vector<16xf32>,
        %scatter3A_523 = arith.constant 10000 : i32
        %scatter3A_524 = tpu.memref_slice %arg13[%scatter3A_523] : memref<40000xf32, #tpu.memory_space<vmem>> -> memref<10000xf32, #tpu.memory_space<vmem>>
        tpu.vector_store_idx %scatter3A_524[%get3A_236], %neg3A_518 {add = true} : memref<10000xf32, #tpu.memory_space<vmem>>[vector<16xi32>], vector<16xf32>,
        %neg3A_525 = arith.constant 0.000000e+00 : f32
        %neg3A_526 = vector.broadcast %neg3A_525 : f32 to vector<16xf32>
        %neg3A_527 = arith.subf %neg3A_526, %mul3A_467 : vector<16xf32>
        %scatter3A_528 = arith.constant 10000 : i32
        %scatter3A_529 = tpu.memref_slice %arg13[%scatter3A_528] : memref<40000xf32, #tpu.memory_space<vmem>> -> memref<10000xf32, #tpu.memory_space<vmem>>
        tpu.vector_store_idx %scatter3A_529[%get3A_249], %mul3A_467 {add = true} : memref<10000xf32, #tpu.memory_space<vmem>>[vector<16xi32>], vector<16xf32>,
        %scatter3A_530 = arith.constant 10000 : i32
        %scatter3A_531 = tpu.memref_slice %arg13[%scatter3A_530] : memref<40000xf32, #tpu.memory_space<vmem>> -> memref<10000xf32, #tpu.memory_space<vmem>>
        tpu.vector_store_idx %scatter3A_531[%get3A_245], %neg3A_527 {add = true} : memref<10000xf32, #tpu.memory_space<vmem>>[vector<16xi32>], vector<16xf32>,
        %scatter3A_532 = arith.constant 10000 : i32
        %scatter3A_533 = tpu.memref_slice %arg13[%scatter3A_532] : memref<40000xf32, #tpu.memory_space<vmem>> -> memref<10000xf32, #tpu.memory_space<vmem>>
        tpu.vector_store_idx %scatter3A_533[%get3A_247], %neg3A_527 {add = true} : memref<10000xf32, #tpu.memory_space<vmem>>[vector<16xi32>], vector<16xf32>,
        %neg3A_534 = arith.constant 0.000000e+00 : f32
        %neg3A_535 = vector.broadcast %neg3A_534 : f32 to vector<16xf32>
        %neg3A_536 = arith.subf %neg3A_535, %mul3A_475 : vector<16xf32>
        %scatter3A_537 = arith.constant 10000 : i32
        %scatter3A_538 = tpu.memref_slice %arg13[%scatter3A_537] : memref<40000xf32, #tpu.memory_space<vmem>> -> memref<10000xf32, #tpu.memory_space<vmem>>
        tpu.vector_store_idx %scatter3A_538[%get3A_260], %mul3A_475 {add = true} : memref<10000xf32, #tpu.memory_space<vmem>>[vector<16xi32>], vector<16xf32>,
        %scatter3A_539 = arith.constant 10000 : i32
        %scatter3A_540 = tpu.memref_slice %arg13[%scatter3A_539] : memref<40000xf32, #tpu.memory_space<vmem>> -> memref<10000xf32, #tpu.memory_space<vmem>>
        tpu.vector_store_idx %scatter3A_540[%get3A_256], %neg3A_536 {add = true} : memref<10000xf32, #tpu.memory_space<vmem>>[vector<16xi32>], vector<16xf32>,
        %scatter3A_541 = arith.constant 10000 : i32
        %scatter3A_542 = tpu.memref_slice %arg13[%scatter3A_541] : memref<40000xf32, #tpu.memory_space<vmem>> -> memref<10000xf32, #tpu.memory_space<vmem>>
        tpu.vector_store_idx %scatter3A_542[%get3A_258], %neg3A_536 {add = true} : memref<10000xf32, #tpu.memory_space<vmem>>[vector<16xi32>], vector<16xf32>,
        %neg3A_543 = arith.constant 0.000000e+00 : f32
        %neg3A_544 = vector.broadcast %neg3A_543 : f32 to vector<16xf32>
        %neg3A_545 = arith.subf %neg3A_544, %mul3A_483 : vector<16xf32>
        %scatter3A_546 = arith.constant 10000 : i32
        %scatter3A_547 = tpu.memref_slice %arg13[%scatter3A_546] : memref<40000xf32, #tpu.memory_space<vmem>> -> memref<10000xf32, #tpu.memory_space<vmem>>
        tpu.vector_store_idx %scatter3A_547[%get3A_271], %mul3A_483 {add = true} : memref<10000xf32, #tpu.memory_space<vmem>>[vector<16xi32>], vector<16xf32>,
        %scatter3A_548 = arith.constant 10000 : i32
        %scatter3A_549 = tpu.memref_slice %arg13[%scatter3A_548] : memref<40000xf32, #tpu.memory_space<vmem>> -> memref<10000xf32, #tpu.memory_space<vmem>>
        tpu.vector_store_idx %scatter3A_549[%get3A_267], %neg3A_545 {add = true} : memref<10000xf32, #tpu.memory_space<vmem>>[vector<16xi32>], vector<16xf32>,
        %scatter3A_550 = arith.constant 10000 : i32
        %scatter3A_551 = tpu.memref_slice %arg13[%scatter3A_550] : memref<40000xf32, #tpu.memory_space<vmem>> -> memref<10000xf32, #tpu.memory_space<vmem>>
        tpu.vector_store_idx %scatter3A_551[%get3A_269], %neg3A_545 {add = true} : memref<10000xf32, #tpu.memory_space<vmem>>[vector<16xi32>], vector<16xf32>,
        %neg3A_552 = arith.constant 0.000000e+00 : f32
        %neg3A_553 = vector.broadcast %neg3A_552 : f32 to vector<16xf32>
        %neg3A_554 = arith.subf %neg3A_553, %mul3A_491 : vector<16xf32>
        %scatter3A_555 = arith.constant 10000 : i32
        %scatter3A_556 = tpu.memref_slice %arg13[%scatter3A_555] : memref<40000xf32, #tpu.memory_space<vmem>> -> memref<10000xf32, #tpu.memory_space<vmem>>
        tpu.vector_store_idx %scatter3A_556[%get3A_282], %mul3A_491 {add = true} : memref<10000xf32, #tpu.memory_space<vmem>>[vector<16xi32>], vector<16xf32>,
        %scatter3A_557 = arith.constant 10000 : i32
        %scatter3A_558 = tpu.memref_slice %arg13[%scatter3A_557] : memref<40000xf32, #tpu.memory_space<vmem>> -> memref<10000xf32, #tpu.memory_space<vmem>>
        tpu.vector_store_idx %scatter3A_558[%get3A_278], %neg3A_554 {add = true} : memref<10000xf32, #tpu.memory_space<vmem>>[vector<16xi32>], vector<16xf32>,
        %scatter3A_559 = arith.constant 10000 : i32
        %scatter3A_560 = tpu.memref_slice %arg13[%scatter3A_559] : memref<40000xf32, #tpu.memory_space<vmem>> -> memref<10000xf32, #tpu.memory_space<vmem>>
        tpu.vector_store_idx %scatter3A_560[%get3A_280], %neg3A_554 {add = true} : memref<10000xf32, #tpu.memory_space<vmem>>[vector<16xi32>], vector<16xf32>,
        %neg3A_561 = arith.constant 0.000000e+00 : f32
        %neg3A_562 = vector.broadcast %neg3A_561 : f32 to vector<16xf32>
        %neg3A_563 = arith.subf %neg3A_562, %mul3A_499 : vector<16xf32>
        %scatter3A_564 = arith.constant 10000 : i32
        %scatter3A_565 = tpu.memref_slice %arg13[%scatter3A_564] : memref<40000xf32, #tpu.memory_space<vmem>> -> memref<10000xf32, #tpu.memory_space<vmem>>
        tpu.vector_store_idx %scatter3A_565[%get3A_293], %mul3A_499 {add = true} : memref<10000xf32, #tpu.memory_space<vmem>>[vector<16xi32>], vector<16xf32>,
        %scatter3A_566 = arith.constant 10000 : i32
        %scatter3A_567 = tpu.memref_slice %arg13[%scatter3A_566] : memref<40000xf32, #tpu.memory_space<vmem>> -> memref<10000xf32, #tpu.memory_space<vmem>>
        tpu.vector_store_idx %scatter3A_567[%get3A_289], %neg3A_563 {add = true} : memref<10000xf32, #tpu.memory_space<vmem>>[vector<16xi32>], vector<16xf32>,
        %scatter3A_568 = arith.constant 10000 : i32
        %scatter3A_569 = tpu.memref_slice %arg13[%scatter3A_568] : memref<40000xf32, #tpu.memory_space<vmem>> -> memref<10000xf32, #tpu.memory_space<vmem>>
        tpu.vector_store_idx %scatter3A_569[%get3A_291], %neg3A_563 {add = true} : memref<10000xf32, #tpu.memory_space<vmem>>[vector<16xi32>], vector<16xf32>,
        %neg3A_570 = arith.constant 0.000000e+00 : f32
        %neg3A_571 = vector.broadcast %neg3A_570 : f32 to vector<16xf32>
        %neg3A_572 = arith.subf %neg3A_571, %mul3A_507 : vector<16xf32>
        %scatter3A_573 = arith.constant 10000 : i32
        %scatter3A_574 = tpu.memref_slice %arg13[%scatter3A_573] : memref<40000xf32, #tpu.memory_space<vmem>> -> memref<10000xf32, #tpu.memory_space<vmem>>
        tpu.vector_store_idx %scatter3A_574[%get3A_304], %mul3A_507 {add = true} : memref<10000xf32, #tpu.memory_space<vmem>>[vector<16xi32>], vector<16xf32>,
        %scatter3A_575 = arith.constant 10000 : i32
        %scatter3A_576 = tpu.memref_slice %arg13[%scatter3A_575] : memref<40000xf32, #tpu.memory_space<vmem>> -> memref<10000xf32, #tpu.memory_space<vmem>>
        tpu.vector_store_idx %scatter3A_576[%get3A_300], %neg3A_572 {add = true} : memref<10000xf32, #tpu.memory_space<vmem>>[vector<16xi32>], vector<16xf32>,
        %scatter3A_577 = arith.constant 10000 : i32
        %scatter3A_578 = tpu.memref_slice %arg13[%scatter3A_577] : memref<40000xf32, #tpu.memory_space<vmem>> -> memref<10000xf32, #tpu.memory_space<vmem>>
        tpu.vector_store_idx %scatter3A_578[%get3A_302], %neg3A_572 {add = true} : memref<10000xf32, #tpu.memory_space<vmem>>[vector<16xi32>], vector<16xf32>,
        %neg3A_579 = arith.constant 0.000000e+00 : f32
        %neg3A_580 = vector.broadcast %neg3A_579 : f32 to vector<16xf32>
        %neg3A_581 = arith.subf %neg3A_580, %mul3A_515 : vector<16xf32>
        %scatter3A_582 = arith.constant 10000 : i32
        %scatter3A_583 = tpu.memref_slice %arg13[%scatter3A_582] : memref<40000xf32, #tpu.memory_space<vmem>> -> memref<10000xf32, #tpu.memory_space<vmem>>
        tpu.vector_store_idx %scatter3A_583[%get3A_315], %mul3A_515 {add = true} : memref<10000xf32, #tpu.memory_space<vmem>>[vector<16xi32>], vector<16xf32>,
        %scatter3A_584 = arith.constant 10000 : i32
        %scatter3A_585 = tpu.memref_slice %arg13[%scatter3A_584] : memref<40000xf32, #tpu.memory_space<vmem>> -> memref<10000xf32, #tpu.memory_space<vmem>>
        tpu.vector_store_idx %scatter3A_585[%get3A_311], %neg3A_581 {add = true} : memref<10000xf32, #tpu.memory_space<vmem>>[vector<16xi32>], vector<16xf32>,
        %scatter3A_586 = arith.constant 10000 : i32
        %scatter3A_587 = tpu.memref_slice %arg13[%scatter3A_586] : memref<40000xf32, #tpu.memory_space<vmem>> -> memref<10000xf32, #tpu.memory_space<vmem>>
        tpu.vector_store_idx %scatter3A_587[%get3A_313], %neg3A_581 {add = true} : memref<10000xf32, #tpu.memory_space<vmem>>[vector<16xi32>], vector<16xf32>,
        %gather3A_588 = arith.constant 20000 : i32
        %gather3A_589 = tpu.memref_slice %arg12[%gather3A_588] : memref<40000xf32, #tpu.memory_space<vmem>> -> memref<10000xf32, #tpu.memory_space<vmem>>
        %gather3A_590 = tpu.vector_load_idx %gather3A_589[%get3A_234] : memref<10000xf32, #tpu.memory_space<vmem>>[vector<16xi32>], vector<16xf32>,
        %mul3A_591 = arith.mulf %mul3A_241, %gather3A_590 : vector<16xf32>
        %gather3A_592 = arith.constant 20000 : i32
        %gather3A_593 = tpu.memref_slice %arg12[%gather3A_592] : memref<40000xf32, #tpu.memory_space<vmem>> -> memref<10000xf32, #tpu.memory_space<vmem>>
        %gather3A_594 = tpu.vector_load_idx %gather3A_593[%get3A_236] : memref<10000xf32, #tpu.memory_space<vmem>>[vector<16xi32>], vector<16xf32>,
        %mul3A_595 = arith.mulf %mul3A_591, %gather3A_594 : vector<16xf32>
        %gather3A_596 = arith.constant 20000 : i32
        %gather3A_597 = tpu.memref_slice %arg12[%gather3A_596] : memref<40000xf32, #tpu.memory_space<vmem>> -> memref<10000xf32, #tpu.memory_space<vmem>>
        %gather3A_598 = tpu.vector_load_idx %gather3A_597[%get3A_245] : memref<10000xf32, #tpu.memory_space<vmem>>[vector<16xi32>], vector<16xf32>,
        %mul3A_599 = arith.mulf %mul3A_252, %gather3A_598 : vector<16xf32>
        %gather3A_600 = arith.constant 20000 : i32
        %gather3A_601 = tpu.memref_slice %arg12[%gather3A_600] : memref<40000xf32, #tpu.memory_space<vmem>> -> memref<10000xf32, #tpu.memory_space<vmem>>
        %gather3A_602 = tpu.vector_load_idx %gather3A_601[%get3A_247] : memref<10000xf32, #tpu.memory_space<vmem>>[vector<16xi32>], vector<16xf32>,
        %mul3A_603 = arith.mulf %mul3A_599, %gather3A_602 : vector<16xf32>
        %gather3A_604 = arith.constant 20000 : i32
        %gather3A_605 = tpu.memref_slice %arg12[%gather3A_604] : memref<40000xf32, #tpu.memory_space<vmem>> -> memref<10000xf32, #tpu.memory_space<vmem>>
        %gather3A_606 = tpu.vector_load_idx %gather3A_605[%get3A_256] : memref<10000xf32, #tpu.memory_space<vmem>>[vector<16xi32>], vector<16xf32>,
        %mul3A_607 = arith.mulf %mul3A_263, %gather3A_606 : vector<16xf32>
        %gather3A_608 = arith.constant 20000 : i32
        %gather3A_609 = tpu.memref_slice %arg12[%gather3A_608] : memref<40000xf32, #tpu.memory_space<vmem>> -> memref<10000xf32, #tpu.memory_space<vmem>>
        %gather3A_610 = tpu.vector_load_idx %gather3A_609[%get3A_258] : memref<10000xf32, #tpu.memory_space<vmem>>[vector<16xi32>], vector<16xf32>,
        %mul3A_611 = arith.mulf %mul3A_607, %gather3A_610 : vector<16xf32>
        %gather3A_612 = arith.constant 20000 : i32
        %gather3A_613 = tpu.memref_slice %arg12[%gather3A_612] : memref<40000xf32, #tpu.memory_space<vmem>> -> memref<10000xf32, #tpu.memory_space<vmem>>
        %gather3A_614 = tpu.vector_load_idx %gather3A_613[%get3A_267] : memref<10000xf32, #tpu.memory_space<vmem>>[vector<16xi32>], vector<16xf32>,
        %mul3A_615 = arith.mulf %mul3A_274, %gather3A_614 : vector<16xf32>
        %gather3A_616 = arith.constant 20000 : i32
        %gather3A_617 = tpu.memref_slice %arg12[%gather3A_616] : memref<40000xf32, #tpu.memory_space<vmem>> -> memref<10000xf32, #tpu.memory_space<vmem>>
        %gather3A_618 = tpu.vector_load_idx %gather3A_617[%get3A_269] : memref<10000xf32, #tpu.memory_space<vmem>>[vector<16xi32>], vector<16xf32>,
        %mul3A_619 = arith.mulf %mul3A_615, %gather3A_618 : vector<16xf32>
        %gather3A_620 = arith.constant 20000 : i32
        %gather3A_621 = tpu.memref_slice %arg12[%gather3A_620] : memref<40000xf32, #tpu.memory_space<vmem>> -> memref<10000xf32, #tpu.memory_space<vmem>>
        %gather3A_622 = tpu.vector_load_idx %gather3A_621[%get3A_278] : memref<10000xf32, #tpu.memory_space<vmem>>[vector<16xi32>], vector<16xf32>,
        %mul3A_623 = arith.mulf %mul3A_285, %gather3A_622 : vector<16xf32>
        %gather3A_624 = arith.constant 20000 : i32
        %gather3A_625 = tpu.memref_slice %arg12[%gather3A_624] : memref<40000xf32, #tpu.memory_space<vmem>> -> memref<10000xf32, #tpu.memory_space<vmem>>
        %gather3A_626 = tpu.vector_load_idx %gather3A_625[%get3A_280] : memref<10000xf32, #tpu.memory_space<vmem>>[vector<16xi32>], vector<16xf32>,
        %mul3A_627 = arith.mulf %mul3A_623, %gather3A_626 : vector<16xf32>
        %gather3A_628 = arith.constant 20000 : i32
        %gather3A_629 = tpu.memref_slice %arg12[%gather3A_628] : memref<40000xf32, #tpu.memory_space<vmem>> -> memref<10000xf32, #tpu.memory_space<vmem>>
        %gather3A_630 = tpu.vector_load_idx %gather3A_629[%get3A_289] : memref<10000xf32, #tpu.memory_space<vmem>>[vector<16xi32>], vector<16xf32>,
        %mul3A_631 = arith.mulf %mul3A_296, %gather3A_630 : vector<16xf32>
        %gather3A_632 = arith.constant 20000 : i32
        %gather3A_633 = tpu.memref_slice %arg12[%gather3A_632] : memref<40000xf32, #tpu.memory_space<vmem>> -> memref<10000xf32, #tpu.memory_space<vmem>>
        %gather3A_634 = tpu.vector_load_idx %gather3A_633[%get3A_291] : memref<10000xf32, #tpu.memory_space<vmem>>[vector<16xi32>], vector<16xf32>,
        %mul3A_635 = arith.mulf %mul3A_631, %gather3A_634 : vector<16xf32>
        %gather3A_636 = arith.constant 20000 : i32
        %gather3A_637 = tpu.memref_slice %arg12[%gather3A_636] : memref<40000xf32, #tpu.memory_space<vmem>> -> memref<10000xf32, #tpu.memory_space<vmem>>
        %gather3A_638 = tpu.vector_load_idx %gather3A_637[%get3A_300] : memref<10000xf32, #tpu.memory_space<vmem>>[vector<16xi32>], vector<16xf32>,
        %mul3A_639 = arith.mulf %mul3A_307, %gather3A_638 : vector<16xf32>
        %gather3A_640 = arith.constant 20000 : i32
        %gather3A_641 = tpu.memref_slice %arg12[%gather3A_640] : memref<40000xf32, #tpu.memory_space<vmem>> -> memref<10000xf32, #tpu.memory_space<vmem>>
        %gather3A_642 = tpu.vector_load_idx %gather3A_641[%get3A_302] : memref<10000xf32, #tpu.memory_space<vmem>>[vector<16xi32>], vector<16xf32>,
        %mul3A_643 = arith.mulf %mul3A_639, %gather3A_642 : vector<16xf32>
        %gather3A_644 = arith.constant 20000 : i32
        %gather3A_645 = tpu.memref_slice %arg12[%gather3A_644] : memref<40000xf32, #tpu.memory_space<vmem>> -> memref<10000xf32, #tpu.memory_space<vmem>>
        %gather3A_646 = tpu.vector_load_idx %gather3A_645[%get3A_311] : memref<10000xf32, #tpu.memory_space<vmem>>[vector<16xi32>], vector<16xf32>,
        %mul3A_647 = arith.mulf %mul3A_318, %gather3A_646 : vector<16xf32>
        %gather3A_648 = arith.constant 20000 : i32
        %gather3A_649 = tpu.memref_slice %arg12[%gather3A_648] : memref<40000xf32, #tpu.memory_space<vmem>> -> memref<10000xf32, #tpu.memory_space<vmem>>
        %gather3A_650 = tpu.vector_load_idx %gather3A_649[%get3A_313] : memref<10000xf32, #tpu.memory_space<vmem>>[vector<16xi32>], vector<16xf32>,
        %mul3A_651 = arith.mulf %mul3A_647, %gather3A_650 : vector<16xf32>
        %neg3A_652 = arith.constant 0.000000e+00 : f32
        %neg3A_653 = vector.broadcast %neg3A_652 : f32 to vector<16xf32>
        %neg3A_654 = arith.subf %neg3A_653, %mul3A_595 : vector<16xf32>
        %scatter3A_655 = arith.constant 20000 : i32
        %scatter3A_656 = tpu.memref_slice %arg13[%scatter3A_655] : memref<40000xf32, #tpu.memory_space<vmem>> -> memref<10000xf32, #tpu.memory_space<vmem>>
        tpu.vector_store_idx %scatter3A_656[%get3A_238], %mul3A_595 {add = true} : memref<10000xf32, #tpu.memory_space<vmem>>[vector<16xi32>], vector<16xf32>,
        %scatter3A_657 = arith.constant 20000 : i32
        %scatter3A_658 = tpu.memref_slice %arg13[%scatter3A_657] : memref<40000xf32, #tpu.memory_space<vmem>> -> memref<10000xf32, #tpu.memory_space<vmem>>
        tpu.vector_store_idx %scatter3A_658[%get3A_234], %neg3A_654 {add = true} : memref<10000xf32, #tpu.memory_space<vmem>>[vector<16xi32>], vector<16xf32>,
        %scatter3A_659 = arith.constant 20000 : i32
        %scatter3A_660 = tpu.memref_slice %arg13[%scatter3A_659] : memref<40000xf32, #tpu.memory_space<vmem>> -> memref<10000xf32, #tpu.memory_space<vmem>>
        tpu.vector_store_idx %scatter3A_660[%get3A_236], %neg3A_654 {add = true} : memref<10000xf32, #tpu.memory_space<vmem>>[vector<16xi32>], vector<16xf32>,
        %neg3A_661 = arith.constant 0.000000e+00 : f32
        %neg3A_662 = vector.broadcast %neg3A_661 : f32 to vector<16xf32>
        %neg3A_663 = arith.subf %neg3A_662, %mul3A_603 : vector<16xf32>
        %scatter3A_664 = arith.constant 20000 : i32
        %scatter3A_665 = tpu.memref_slice %arg13[%scatter3A_664] : memref<40000xf32, #tpu.memory_space<vmem>> -> memref<10000xf32, #tpu.memory_space<vmem>>
        tpu.vector_store_idx %scatter3A_665[%get3A_249], %mul3A_603 {add = true} : memref<10000xf32, #tpu.memory_space<vmem>>[vector<16xi32>], vector<16xf32>,
        %scatter3A_666 = arith.constant 20000 : i32
        %scatter3A_667 = tpu.memref_slice %arg13[%scatter3A_666] : memref<40000xf32, #tpu.memory_space<vmem>> -> memref<10000xf32, #tpu.memory_space<vmem>>
        tpu.vector_store_idx %scatter3A_667[%get3A_245], %neg3A_663 {add = true} : memref<10000xf32, #tpu.memory_space<vmem>>[vector<16xi32>], vector<16xf32>,
        %scatter3A_668 = arith.constant 20000 : i32
        %scatter3A_669 = tpu.memref_slice %arg13[%scatter3A_668] : memref<40000xf32, #tpu.memory_space<vmem>> -> memref<10000xf32, #tpu.memory_space<vmem>>
        tpu.vector_store_idx %scatter3A_669[%get3A_247], %neg3A_663 {add = true} : memref<10000xf32, #tpu.memory_space<vmem>>[vector<16xi32>], vector<16xf32>,
        %neg3A_670 = arith.constant 0.000000e+00 : f32
        %neg3A_671 = vector.broadcast %neg3A_670 : f32 to vector<16xf32>
        %neg3A_672 = arith.subf %neg3A_671, %mul3A_611 : vector<16xf32>
        %scatter3A_673 = arith.constant 20000 : i32
        %scatter3A_674 = tpu.memref_slice %arg13[%scatter3A_673] : memref<40000xf32, #tpu.memory_space<vmem>> -> memref<10000xf32, #tpu.memory_space<vmem>>
        tpu.vector_store_idx %scatter3A_674[%get3A_260], %mul3A_611 {add = true} : memref<10000xf32, #tpu.memory_space<vmem>>[vector<16xi32>], vector<16xf32>,
        %scatter3A_675 = arith.constant 20000 : i32
        %scatter3A_676 = tpu.memref_slice %arg13[%scatter3A_675] : memref<40000xf32, #tpu.memory_space<vmem>> -> memref<10000xf32, #tpu.memory_space<vmem>>
        tpu.vector_store_idx %scatter3A_676[%get3A_256], %neg3A_672 {add = true} : memref<10000xf32, #tpu.memory_space<vmem>>[vector<16xi32>], vector<16xf32>,
        %scatter3A_677 = arith.constant 20000 : i32
        %scatter3A_678 = tpu.memref_slice %arg13[%scatter3A_677] : memref<40000xf32, #tpu.memory_space<vmem>> -> memref<10000xf32, #tpu.memory_space<vmem>>
        tpu.vector_store_idx %scatter3A_678[%get3A_258], %neg3A_672 {add = true} : memref<10000xf32, #tpu.memory_space<vmem>>[vector<16xi32>], vector<16xf32>,
        %neg3A_679 = arith.constant 0.000000e+00 : f32
        %neg3A_680 = vector.broadcast %neg3A_679 : f32 to vector<16xf32>
        %neg3A_681 = arith.subf %neg3A_680, %mul3A_619 : vector<16xf32>
        %scatter3A_682 = arith.constant 20000 : i32
        %scatter3A_683 = tpu.memref_slice %arg13[%scatter3A_682] : memref<40000xf32, #tpu.memory_space<vmem>> -> memref<10000xf32, #tpu.memory_space<vmem>>
        tpu.vector_store_idx %scatter3A_683[%get3A_271], %mul3A_619 {add = true} : memref<10000xf32, #tpu.memory_space<vmem>>[vector<16xi32>], vector<16xf32>,
        %scatter3A_684 = arith.constant 20000 : i32
        %scatter3A_685 = tpu.memref_slice %arg13[%scatter3A_684] : memref<40000xf32, #tpu.memory_space<vmem>> -> memref<10000xf32, #tpu.memory_space<vmem>>
        tpu.vector_store_idx %scatter3A_685[%get3A_267], %neg3A_681 {add = true} : memref<10000xf32, #tpu.memory_space<vmem>>[vector<16xi32>], vector<16xf32>,
        %scatter3A_686 = arith.constant 20000 : i32
        %scatter3A_687 = tpu.memref_slice %arg13[%scatter3A_686] : memref<40000xf32, #tpu.memory_space<vmem>> -> memref<10000xf32, #tpu.memory_space<vmem>>
        tpu.vector_store_idx %scatter3A_687[%get3A_269], %neg3A_681 {add = true} : memref<10000xf32, #tpu.memory_space<vmem>>[vector<16xi32>], vector<16xf32>,
        %neg3A_688 = arith.constant 0.000000e+00 : f32
        %neg3A_689 = vector.broadcast %neg3A_688 : f32 to vector<16xf32>
        %neg3A_690 = arith.subf %neg3A_689, %mul3A_627 : vector<16xf32>
        %scatter3A_691 = arith.constant 20000 : i32
        %scatter3A_692 = tpu.memref_slice %arg13[%scatter3A_691] : memref<40000xf32, #tpu.memory_space<vmem>> -> memref<10000xf32, #tpu.memory_space<vmem>>
        tpu.vector_store_idx %scatter3A_692[%get3A_282], %mul3A_627 {add = true} : memref<10000xf32, #tpu.memory_space<vmem>>[vector<16xi32>], vector<16xf32>,
        %scatter3A_693 = arith.constant 20000 : i32
        %scatter3A_694 = tpu.memref_slice %arg13[%scatter3A_693] : memref<40000xf32, #tpu.memory_space<vmem>> -> memref<10000xf32, #tpu.memory_space<vmem>>
        tpu.vector_store_idx %scatter3A_694[%get3A_278], %neg3A_690 {add = true} : memref<10000xf32, #tpu.memory_space<vmem>>[vector<16xi32>], vector<16xf32>,
        %scatter3A_695 = arith.constant 20000 : i32
        %scatter3A_696 = tpu.memref_slice %arg13[%scatter3A_695] : memref<40000xf32, #tpu.memory_space<vmem>> -> memref<10000xf32, #tpu.memory_space<vmem>>
        tpu.vector_store_idx %scatter3A_696[%get3A_280], %neg3A_690 {add = true} : memref<10000xf32, #tpu.memory_space<vmem>>[vector<16xi32>], vector<16xf32>,
        %neg3A_697 = arith.constant 0.000000e+00 : f32
        %neg3A_698 = vector.broadcast %neg3A_697 : f32 to vector<16xf32>
        %neg3A_699 = arith.subf %neg3A_698, %mul3A_635 : vector<16xf32>
        %scatter3A_700 = arith.constant 20000 : i32
        %scatter3A_701 = tpu.memref_slice %arg13[%scatter3A_700] : memref<40000xf32, #tpu.memory_space<vmem>> -> memref<10000xf32, #tpu.memory_space<vmem>>
        tpu.vector_store_idx %scatter3A_701[%get3A_293], %mul3A_635 {add = true} : memref<10000xf32, #tpu.memory_space<vmem>>[vector<16xi32>], vector<16xf32>,
        %scatter3A_702 = arith.constant 20000 : i32
        %scatter3A_703 = tpu.memref_slice %arg13[%scatter3A_702] : memref<40000xf32, #tpu.memory_space<vmem>> -> memref<10000xf32, #tpu.memory_space<vmem>>
        tpu.vector_store_idx %scatter3A_703[%get3A_289], %neg3A_699 {add = true} : memref<10000xf32, #tpu.memory_space<vmem>>[vector<16xi32>], vector<16xf32>,
        %scatter3A_704 = arith.constant 20000 : i32
        %scatter3A_705 = tpu.memref_slice %arg13[%scatter3A_704] : memref<40000xf32, #tpu.memory_space<vmem>> -> memref<10000xf32, #tpu.memory_space<vmem>>
        tpu.vector_store_idx %scatter3A_705[%get3A_291], %neg3A_699 {add = true} : memref<10000xf32, #tpu.memory_space<vmem>>[vector<16xi32>], vector<16xf32>,
        %neg3A_706 = arith.constant 0.000000e+00 : f32
        %neg3A_707 = vector.broadcast %neg3A_706 : f32 to vector<16xf32>
        %neg3A_708 = arith.subf %neg3A_707, %mul3A_643 : vector<16xf32>
        %scatter3A_709 = arith.constant 20000 : i32
        %scatter3A_710 = tpu.memref_slice %arg13[%scatter3A_709] : memref<40000xf32, #tpu.memory_space<vmem>> -> memref<10000xf32, #tpu.memory_space<vmem>>
        tpu.vector_store_idx %scatter3A_710[%get3A_304], %mul3A_643 {add = true} : memref<10000xf32, #tpu.memory_space<vmem>>[vector<16xi32>], vector<16xf32>,
        %scatter3A_711 = arith.constant 20000 : i32
        %scatter3A_712 = tpu.memref_slice %arg13[%scatter3A_711] : memref<40000xf32, #tpu.memory_space<vmem>> -> memref<10000xf32, #tpu.memory_space<vmem>>
        tpu.vector_store_idx %scatter3A_712[%get3A_300], %neg3A_708 {add = true} : memref<10000xf32, #tpu.memory_space<vmem>>[vector<16xi32>], vector<16xf32>,
        %scatter3A_713 = arith.constant 20000 : i32
        %scatter3A_714 = tpu.memref_slice %arg13[%scatter3A_713] : memref<40000xf32, #tpu.memory_space<vmem>> -> memref<10000xf32, #tpu.memory_space<vmem>>
        tpu.vector_store_idx %scatter3A_714[%get3A_302], %neg3A_708 {add = true} : memref<10000xf32, #tpu.memory_space<vmem>>[vector<16xi32>], vector<16xf32>,
        %neg3A_715 = arith.constant 0.000000e+00 : f32
        %neg3A_716 = vector.broadcast %neg3A_715 : f32 to vector<16xf32>
        %neg3A_717 = arith.subf %neg3A_716, %mul3A_651 : vector<16xf32>
        %scatter3A_718 = arith.constant 20000 : i32
        %scatter3A_719 = tpu.memref_slice %arg13[%scatter3A_718] : memref<40000xf32, #tpu.memory_space<vmem>> -> memref<10000xf32, #tpu.memory_space<vmem>>
        tpu.vector_store_idx %scatter3A_719[%get3A_315], %mul3A_651 {add = true} : memref<10000xf32, #tpu.memory_space<vmem>>[vector<16xi32>], vector<16xf32>,
        %scatter3A_720 = arith.constant 20000 : i32
        %scatter3A_721 = tpu.memref_slice %arg13[%scatter3A_720] : memref<40000xf32, #tpu.memory_space<vmem>> -> memref<10000xf32, #tpu.memory_space<vmem>>
        tpu.vector_store_idx %scatter3A_721[%get3A_311], %neg3A_717 {add = true} : memref<10000xf32, #tpu.memory_space<vmem>>[vector<16xi32>], vector<16xf32>,
        %scatter3A_722 = arith.constant 20000 : i32
        %scatter3A_723 = tpu.memref_slice %arg13[%scatter3A_722] : memref<40000xf32, #tpu.memory_space<vmem>> -> memref<10000xf32, #tpu.memory_space<vmem>>
        tpu.vector_store_idx %scatter3A_723[%get3A_313], %neg3A_717 {add = true} : memref<10000xf32, #tpu.memory_space<vmem>>[vector<16xi32>], vector<16xf32>,
        %gather3A_724 = arith.constant 30000 : i32
        %gather3A_725 = tpu.memref_slice %arg12[%gather3A_724] : memref<40000xf32, #tpu.memory_space<vmem>> -> memref<10000xf32, #tpu.memory_space<vmem>>
        %gather3A_726 = tpu.vector_load_idx %gather3A_725[%get3A_234] : memref<10000xf32, #tpu.memory_space<vmem>>[vector<16xi32>], vector<16xf32>,
        %mul3A_727 = arith.mulf %mul3A_241, %gather3A_726 : vector<16xf32>
        %gather3A_728 = arith.constant 30000 : i32
        %gather3A_729 = tpu.memref_slice %arg12[%gather3A_728] : memref<40000xf32, #tpu.memory_space<vmem>> -> memref<10000xf32, #tpu.memory_space<vmem>>
        %gather3A_730 = tpu.vector_load_idx %gather3A_729[%get3A_236] : memref<10000xf32, #tpu.memory_space<vmem>>[vector<16xi32>], vector<16xf32>,
        %mul3A_731 = arith.mulf %mul3A_727, %gather3A_730 : vector<16xf32>
        %gather3A_732 = arith.constant 30000 : i32
        %gather3A_733 = tpu.memref_slice %arg12[%gather3A_732] : memref<40000xf32, #tpu.memory_space<vmem>> -> memref<10000xf32, #tpu.memory_space<vmem>>
        %gather3A_734 = tpu.vector_load_idx %gather3A_733[%get3A_245] : memref<10000xf32, #tpu.memory_space<vmem>>[vector<16xi32>], vector<16xf32>,
        %mul3A_735 = arith.mulf %mul3A_252, %gather3A_734 : vector<16xf32>
        %gather3A_736 = arith.constant 30000 : i32
        %gather3A_737 = tpu.memref_slice %arg12[%gather3A_736] : memref<40000xf32, #tpu.memory_space<vmem>> -> memref<10000xf32, #tpu.memory_space<vmem>>
        %gather3A_738 = tpu.vector_load_idx %gather3A_737[%get3A_247] : memref<10000xf32, #tpu.memory_space<vmem>>[vector<16xi32>], vector<16xf32>,
        %mul3A_739 = arith.mulf %mul3A_735, %gather3A_738 : vector<16xf32>
        %gather3A_740 = arith.constant 30000 : i32
        %gather3A_741 = tpu.memref_slice %arg12[%gather3A_740] : memref<40000xf32, #tpu.memory_space<vmem>> -> memref<10000xf32, #tpu.memory_space<vmem>>
        %gather3A_742 = tpu.vector_load_idx %gather3A_741[%get3A_256] : memref<10000xf32, #tpu.memory_space<vmem>>[vector<16xi32>], vector<16xf32>,
        %mul3A_743 = arith.mulf %mul3A_263, %gather3A_742 : vector<16xf32>
        %gather3A_744 = arith.constant 30000 : i32
        %gather3A_745 = tpu.memref_slice %arg12[%gather3A_744] : memref<40000xf32, #tpu.memory_space<vmem>> -> memref<10000xf32, #tpu.memory_space<vmem>>
        %gather3A_746 = tpu.vector_load_idx %gather3A_745[%get3A_258] : memref<10000xf32, #tpu.memory_space<vmem>>[vector<16xi32>], vector<16xf32>,
        %mul3A_747 = arith.mulf %mul3A_743, %gather3A_746 : vector<16xf32>
        %gather3A_748 = arith.constant 30000 : i32
        %gather3A_749 = tpu.memref_slice %arg12[%gather3A_748] : memref<40000xf32, #tpu.memory_space<vmem>> -> memref<10000xf32, #tpu.memory_space<vmem>>
        %gather3A_750 = tpu.vector_load_idx %gather3A_749[%get3A_267] : memref<10000xf32, #tpu.memory_space<vmem>>[vector<16xi32>], vector<16xf32>,
        %mul3A_751 = arith.mulf %mul3A_274, %gather3A_750 : vector<16xf32>
        %gather3A_752 = arith.constant 30000 : i32
        %gather3A_753 = tpu.memref_slice %arg12[%gather3A_752] : memref<40000xf32, #tpu.memory_space<vmem>> -> memref<10000xf32, #tpu.memory_space<vmem>>
        %gather3A_754 = tpu.vector_load_idx %gather3A_753[%get3A_269] : memref<10000xf32, #tpu.memory_space<vmem>>[vector<16xi32>], vector<16xf32>,
        %mul3A_755 = arith.mulf %mul3A_751, %gather3A_754 : vector<16xf32>
        %gather3A_756 = arith.constant 30000 : i32
        %gather3A_757 = tpu.memref_slice %arg12[%gather3A_756] : memref<40000xf32, #tpu.memory_space<vmem>> -> memref<10000xf32, #tpu.memory_space<vmem>>
        %gather3A_758 = tpu.vector_load_idx %gather3A_757[%get3A_278] : memref<10000xf32, #tpu.memory_space<vmem>>[vector<16xi32>], vector<16xf32>,
        %mul3A_759 = arith.mulf %mul3A_285, %gather3A_758 : vector<16xf32>
        %gather3A_760 = arith.constant 30000 : i32
        %gather3A_761 = tpu.memref_slice %arg12[%gather3A_760] : memref<40000xf32, #tpu.memory_space<vmem>> -> memref<10000xf32, #tpu.memory_space<vmem>>
        %gather3A_762 = tpu.vector_load_idx %gather3A_761[%get3A_280] : memref<10000xf32, #tpu.memory_space<vmem>>[vector<16xi32>], vector<16xf32>,
        %mul3A_763 = arith.mulf %mul3A_759, %gather3A_762 : vector<16xf32>
        %gather3A_764 = arith.constant 30000 : i32
        %gather3A_765 = tpu.memref_slice %arg12[%gather3A_764] : memref<40000xf32, #tpu.memory_space<vmem>> -> memref<10000xf32, #tpu.memory_space<vmem>>
        %gather3A_766 = tpu.vector_load_idx %gather3A_765[%get3A_289] : memref<10000xf32, #tpu.memory_space<vmem>>[vector<16xi32>], vector<16xf32>,
        %mul3A_767 = arith.mulf %mul3A_296, %gather3A_766 : vector<16xf32>
        %gather3A_768 = arith.constant 30000 : i32
        %gather3A_769 = tpu.memref_slice %arg12[%gather3A_768] : memref<40000xf32, #tpu.memory_space<vmem>> -> memref<10000xf32, #tpu.memory_space<vmem>>
        %gather3A_770 = tpu.vector_load_idx %gather3A_769[%get3A_291] : memref<10000xf32, #tpu.memory_space<vmem>>[vector<16xi32>], vector<16xf32>,
        %mul3A_771 = arith.mulf %mul3A_767, %gather3A_770 : vector<16xf32>
        %gather3A_772 = arith.constant 30000 : i32
        %gather3A_773 = tpu.memref_slice %arg12[%gather3A_772] : memref<40000xf32, #tpu.memory_space<vmem>> -> memref<10000xf32, #tpu.memory_space<vmem>>
        %gather3A_774 = tpu.vector_load_idx %gather3A_773[%get3A_300] : memref<10000xf32, #tpu.memory_space<vmem>>[vector<16xi32>], vector<16xf32>,
        %mul3A_775 = arith.mulf %mul3A_307, %gather3A_774 : vector<16xf32>
        %gather3A_776 = arith.constant 30000 : i32
        %gather3A_777 = tpu.memref_slice %arg12[%gather3A_776] : memref<40000xf32, #tpu.memory_space<vmem>> -> memref<10000xf32, #tpu.memory_space<vmem>>
        %gather3A_778 = tpu.vector_load_idx %gather3A_777[%get3A_302] : memref<10000xf32, #tpu.memory_space<vmem>>[vector<16xi32>], vector<16xf32>,
        %mul3A_779 = arith.mulf %mul3A_775, %gather3A_778 : vector<16xf32>
        %gather3A_780 = arith.constant 30000 : i32
        %gather3A_781 = tpu.memref_slice %arg12[%gather3A_780] : memref<40000xf32, #tpu.memory_space<vmem>> -> memref<10000xf32, #tpu.memory_space<vmem>>
        %gather3A_782 = tpu.vector_load_idx %gather3A_781[%get3A_311] : memref<10000xf32, #tpu.memory_space<vmem>>[vector<16xi32>], vector<16xf32>,
        %mul3A_783 = arith.mulf %mul3A_318, %gather3A_782 : vector<16xf32>
        %gather3A_784 = arith.constant 30000 : i32
        %gather3A_785 = tpu.memref_slice %arg12[%gather3A_784] : memref<40000xf32, #tpu.memory_space<vmem>> -> memref<10000xf32, #tpu.memory_space<vmem>>
        %gather3A_786 = tpu.vector_load_idx %gather3A_785[%get3A_313] : memref<10000xf32, #tpu.memory_space<vmem>>[vector<16xi32>], vector<16xf32>,
        %mul3A_787 = arith.mulf %mul3A_783, %gather3A_786 : vector<16xf32>
        %neg3A_788 = arith.constant 0.000000e+00 : f32
        %neg3A_789 = vector.broadcast %neg3A_788 : f32 to vector<16xf32>
        %neg3A_790 = arith.subf %neg3A_789, %mul3A_731 : vector<16xf32>
        %scatter3A_791 = arith.constant 30000 : i32
        %scatter3A_792 = tpu.memref_slice %arg13[%scatter3A_791] : memref<40000xf32, #tpu.memory_space<vmem>> -> memref<10000xf32, #tpu.memory_space<vmem>>
        tpu.vector_store_idx %scatter3A_792[%get3A_238], %mul3A_731 {add = true} : memref<10000xf32, #tpu.memory_space<vmem>>[vector<16xi32>], vector<16xf32>,
        %scatter3A_793 = arith.constant 30000 : i32
        %scatter3A_794 = tpu.memref_slice %arg13[%scatter3A_793] : memref<40000xf32, #tpu.memory_space<vmem>> -> memref<10000xf32, #tpu.memory_space<vmem>>
        tpu.vector_store_idx %scatter3A_794[%get3A_234], %neg3A_790 {add = true} : memref<10000xf32, #tpu.memory_space<vmem>>[vector<16xi32>], vector<16xf32>,
        %scatter3A_795 = arith.constant 30000 : i32
        %scatter3A_796 = tpu.memref_slice %arg13[%scatter3A_795] : memref<40000xf32, #tpu.memory_space<vmem>> -> memref<10000xf32, #tpu.memory_space<vmem>>
        tpu.vector_store_idx %scatter3A_796[%get3A_236], %neg3A_790 {add = true} : memref<10000xf32, #tpu.memory_space<vmem>>[vector<16xi32>], vector<16xf32>,
        %neg3A_797 = arith.constant 0.000000e+00 : f32
        %neg3A_798 = vector.broadcast %neg3A_797 : f32 to vector<16xf32>
        %neg3A_799 = arith.subf %neg3A_798, %mul3A_739 : vector<16xf32>
        %scatter3A_800 = arith.constant 30000 : i32
        %scatter3A_801 = tpu.memref_slice %arg13[%scatter3A_800] : memref<40000xf32, #tpu.memory_space<vmem>> -> memref<10000xf32, #tpu.memory_space<vmem>>
        tpu.vector_store_idx %scatter3A_801[%get3A_249], %mul3A_739 {add = true} : memref<10000xf32, #tpu.memory_space<vmem>>[vector<16xi32>], vector<16xf32>,
        %scatter3A_802 = arith.constant 30000 : i32
        %scatter3A_803 = tpu.memref_slice %arg13[%scatter3A_802] : memref<40000xf32, #tpu.memory_space<vmem>> -> memref<10000xf32, #tpu.memory_space<vmem>>
        tpu.vector_store_idx %scatter3A_803[%get3A_245], %neg3A_799 {add = true} : memref<10000xf32, #tpu.memory_space<vmem>>[vector<16xi32>], vector<16xf32>,
        %scatter3A_804 = arith.constant 30000 : i32
        %scatter3A_805 = tpu.memref_slice %arg13[%scatter3A_804] : memref<40000xf32, #tpu.memory_space<vmem>> -> memref<10000xf32, #tpu.memory_space<vmem>>
        tpu.vector_store_idx %scatter3A_805[%get3A_247], %neg3A_799 {add = true} : memref<10000xf32, #tpu.memory_space<vmem>>[vector<16xi32>], vector<16xf32>,
        %neg3A_806 = arith.constant 0.000000e+00 : f32
        %neg3A_807 = vector.broadcast %neg3A_806 : f32 to vector<16xf32>
        %neg3A_808 = arith.subf %neg3A_807, %mul3A_747 : vector<16xf32>
        %scatter3A_809 = arith.constant 30000 : i32
        %scatter3A_810 = tpu.memref_slice %arg13[%scatter3A_809] : memref<40000xf32, #tpu.memory_space<vmem>> -> memref<10000xf32, #tpu.memory_space<vmem>>
        tpu.vector_store_idx %scatter3A_810[%get3A_260], %mul3A_747 {add = true} : memref<10000xf32, #tpu.memory_space<vmem>>[vector<16xi32>], vector<16xf32>,
        %scatter3A_811 = arith.constant 30000 : i32
        %scatter3A_812 = tpu.memref_slice %arg13[%scatter3A_811] : memref<40000xf32, #tpu.memory_space<vmem>> -> memref<10000xf32, #tpu.memory_space<vmem>>
        tpu.vector_store_idx %scatter3A_812[%get3A_256], %neg3A_808 {add = true} : memref<10000xf32, #tpu.memory_space<vmem>>[vector<16xi32>], vector<16xf32>,
        %scatter3A_813 = arith.constant 30000 : i32
        %scatter3A_814 = tpu.memref_slice %arg13[%scatter3A_813] : memref<40000xf32, #tpu.memory_space<vmem>> -> memref<10000xf32, #tpu.memory_space<vmem>>
        tpu.vector_store_idx %scatter3A_814[%get3A_258], %neg3A_808 {add = true} : memref<10000xf32, #tpu.memory_space<vmem>>[vector<16xi32>], vector<16xf32>,
        %neg3A_815 = arith.constant 0.000000e+00 : f32
        %neg3A_816 = vector.broadcast %neg3A_815 : f32 to vector<16xf32>
        %neg3A_817 = arith.subf %neg3A_816, %mul3A_755 : vector<16xf32>
        %scatter3A_818 = arith.constant 30000 : i32
        %scatter3A_819 = tpu.memref_slice %arg13[%scatter3A_818] : memref<40000xf32, #tpu.memory_space<vmem>> -> memref<10000xf32, #tpu.memory_space<vmem>>
        tpu.vector_store_idx %scatter3A_819[%get3A_271], %mul3A_755 {add = true} : memref<10000xf32, #tpu.memory_space<vmem>>[vector<16xi32>], vector<16xf32>,
        %scatter3A_820 = arith.constant 30000 : i32
        %scatter3A_821 = tpu.memref_slice %arg13[%scatter3A_820] : memref<40000xf32, #tpu.memory_space<vmem>> -> memref<10000xf32, #tpu.memory_space<vmem>>
        tpu.vector_store_idx %scatter3A_821[%get3A_267], %neg3A_817 {add = true} : memref<10000xf32, #tpu.memory_space<vmem>>[vector<16xi32>], vector<16xf32>,
        %scatter3A_822 = arith.constant 30000 : i32
        %scatter3A_823 = tpu.memref_slice %arg13[%scatter3A_822] : memref<40000xf32, #tpu.memory_space<vmem>> -> memref<10000xf32, #tpu.memory_space<vmem>>
        tpu.vector_store_idx %scatter3A_823[%get3A_269], %neg3A_817 {add = true} : memref<10000xf32, #tpu.memory_space<vmem>>[vector<16xi32>], vector<16xf32>,
        %neg3A_824 = arith.constant 0.000000e+00 : f32
        %neg3A_825 = vector.broadcast %neg3A_824 : f32 to vector<16xf32>
        %neg3A_826 = arith.subf %neg3A_825, %mul3A_763 : vector<16xf32>
        %scatter3A_827 = arith.constant 30000 : i32
        %scatter3A_828 = tpu.memref_slice %arg13[%scatter3A_827] : memref<40000xf32, #tpu.memory_space<vmem>> -> memref<10000xf32, #tpu.memory_space<vmem>>
        tpu.vector_store_idx %scatter3A_828[%get3A_282], %mul3A_763 {add = true} : memref<10000xf32, #tpu.memory_space<vmem>>[vector<16xi32>], vector<16xf32>,
        %scatter3A_829 = arith.constant 30000 : i32
        %scatter3A_830 = tpu.memref_slice %arg13[%scatter3A_829] : memref<40000xf32, #tpu.memory_space<vmem>> -> memref<10000xf32, #tpu.memory_space<vmem>>
        tpu.vector_store_idx %scatter3A_830[%get3A_278], %neg3A_826 {add = true} : memref<10000xf32, #tpu.memory_space<vmem>>[vector<16xi32>], vector<16xf32>,
        %scatter3A_831 = arith.constant 30000 : i32
        %scatter3A_832 = tpu.memref_slice %arg13[%scatter3A_831] : memref<40000xf32, #tpu.memory_space<vmem>> -> memref<10000xf32, #tpu.memory_space<vmem>>
        tpu.vector_store_idx %scatter3A_832[%get3A_280], %neg3A_826 {add = true} : memref<10000xf32, #tpu.memory_space<vmem>>[vector<16xi32>], vector<16xf32>,
        %neg3A_833 = arith.constant 0.000000e+00 : f32
        %neg3A_834 = vector.broadcast %neg3A_833 : f32 to vector<16xf32>
        %neg3A_835 = arith.subf %neg3A_834, %mul3A_771 : vector<16xf32>
        %scatter3A_836 = arith.constant 30000 : i32
        %scatter3A_837 = tpu.memref_slice %arg13[%scatter3A_836] : memref<40000xf32, #tpu.memory_space<vmem>> -> memref<10000xf32, #tpu.memory_space<vmem>>
        tpu.vector_store_idx %scatter3A_837[%get3A_293], %mul3A_771 {add = true} : memref<10000xf32, #tpu.memory_space<vmem>>[vector<16xi32>], vector<16xf32>,
        %scatter3A_838 = arith.constant 30000 : i32
        %scatter3A_839 = tpu.memref_slice %arg13[%scatter3A_838] : memref<40000xf32, #tpu.memory_space<vmem>> -> memref<10000xf32, #tpu.memory_space<vmem>>
        tpu.vector_store_idx %scatter3A_839[%get3A_289], %neg3A_835 {add = true} : memref<10000xf32, #tpu.memory_space<vmem>>[vector<16xi32>], vector<16xf32>,
        %scatter3A_840 = arith.constant 30000 : i32
        %scatter3A_841 = tpu.memref_slice %arg13[%scatter3A_840] : memref<40000xf32, #tpu.memory_space<vmem>> -> memref<10000xf32, #tpu.memory_space<vmem>>
        tpu.vector_store_idx %scatter3A_841[%get3A_291], %neg3A_835 {add = true} : memref<10000xf32, #tpu.memory_space<vmem>>[vector<16xi32>], vector<16xf32>,
        %neg3A_842 = arith.constant 0.000000e+00 : f32
        %neg3A_843 = vector.broadcast %neg3A_842 : f32 to vector<16xf32>
        %neg3A_844 = arith.subf %neg3A_843, %mul3A_779 : vector<16xf32>
        %scatter3A_845 = arith.constant 30000 : i32
        %scatter3A_846 = tpu.memref_slice %arg13[%scatter3A_845] : memref<40000xf32, #tpu.memory_space<vmem>> -> memref<10000xf32, #tpu.memory_space<vmem>>
        tpu.vector_store_idx %scatter3A_846[%get3A_304], %mul3A_779 {add = true} : memref<10000xf32, #tpu.memory_space<vmem>>[vector<16xi32>], vector<16xf32>,
        %scatter3A_847 = arith.constant 30000 : i32
        %scatter3A_848 = tpu.memref_slice %arg13[%scatter3A_847] : memref<40000xf32, #tpu.memory_space<vmem>> -> memref<10000xf32, #tpu.memory_space<vmem>>
        tpu.vector_store_idx %scatter3A_848[%get3A_300], %neg3A_844 {add = true} : memref<10000xf32, #tpu.memory_space<vmem>>[vector<16xi32>], vector<16xf32>,
        %scatter3A_849 = arith.constant 30000 : i32
        %scatter3A_850 = tpu.memref_slice %arg13[%scatter3A_849] : memref<40000xf32, #tpu.memory_space<vmem>> -> memref<10000xf32, #tpu.memory_space<vmem>>
        tpu.vector_store_idx %scatter3A_850[%get3A_302], %neg3A_844 {add = true} : memref<10000xf32, #tpu.memory_space<vmem>>[vector<16xi32>], vector<16xf32>,
        %neg3A_851 = arith.constant 0.000000e+00 : f32
        %neg3A_852 = vector.broadcast %neg3A_851 : f32 to vector<16xf32>
        %neg3A_853 = arith.subf %neg3A_852, %mul3A_787 : vector<16xf32>
        %scatter3A_854 = arith.constant 30000 : i32
        %scatter3A_855 = tpu.memref_slice %arg13[%scatter3A_854] : memref<40000xf32, #tpu.memory_space<vmem>> -> memref<10000xf32, #tpu.memory_space<vmem>>
        tpu.vector_store_idx %scatter3A_855[%get3A_315], %mul3A_787 {add = true} : memref<10000xf32, #tpu.memory_space<vmem>>[vector<16xi32>], vector<16xf32>,
        %scatter3A_856 = arith.constant 30000 : i32
        %scatter3A_857 = tpu.memref_slice %arg13[%scatter3A_856] : memref<40000xf32, #tpu.memory_space<vmem>> -> memref<10000xf32, #tpu.memory_space<vmem>>
        tpu.vector_store_idx %scatter3A_857[%get3A_311], %neg3A_853 {add = true} : memref<10000xf32, #tpu.memory_space<vmem>>[vector<16xi32>], vector<16xf32>,
        %scatter3A_858 = arith.constant 30000 : i32
        %scatter3A_859 = tpu.memref_slice %arg13[%scatter3A_858] : memref<40000xf32, #tpu.memory_space<vmem>> -> memref<10000xf32, #tpu.memory_space<vmem>>
        tpu.vector_store_idx %scatter3A_859[%get3A_313], %neg3A_853 {add = true} : memref<10000xf32, #tpu.memory_space<vmem>>[vector<16xi32>], vector<16xf32>,
      }
      %scan3A_218 = arith.constant 25 : i32
      %add3A_219 = arith.constant 2 : i32
      %add3A_220 = arith.addi %add3A_186, %add3A_219 : i32
      %lt3A_221 = arith.constant 100 : i32
      %lt3A_222 = arith.cmpi slt, %add3A_220, %lt3A_221 : i32
      %convert_element_type3A_223 = arith.extui %lt3A_222 : i1 to i32
      %cond3A_224 = arith.constant 0 : i32
      %cond3A_225 = arith.cmpi ne, %convert_element_type3A_223, %cond3A_224 : i32
      scf.if %cond3A_225 {
        %add3A_226 = arith.constant 2 : i32
        %add3A_227 = arith.addi %add3A_186, %add3A_226 : i32
        %mul3A_228 = arith.constant 3200 : i32
        %mul3A_229 = arith.muli %add3A_227, %mul3A_228 : i32
        %dma_start3A_230 = arith.constant 3200 : i32
        %dma_start3A_231 = tpu.memref_slice %arg17[%dma_start3A_230] : memref<6400xf32, #tpu.memory_space<vmem>> -> memref<3200xf32, #tpu.memory_space<vmem>>
        %dma_start3A_232 = tpu.memref_slice %arg6[%mul3A_229] : memref<320000xf32, #tpu.memory_space<hbm>> -> memref<3200xf32, #tpu.memory_space<hbm>>
        %dma_start3A_233 = arith.constant 3200 : i32
        %dma_start3A_234 = tpu.memref_slice %arg17[%dma_start3A_233] : memref<6400xf32, #tpu.memory_space<vmem>> -> memref<3200xf32, #tpu.memory_space<vmem>>
        %dma_start3A_235 = tpu.memref_slice %arg6[%mul3A_229] : memref<320000xf32, #tpu.memory_space<hbm>> -> memref<3200xf32, #tpu.memory_space<hbm>>
        tpu.enqueue_dma source(%dma_start3A_235 : memref<3200xf32, #tpu.memory_space<hbm>>) target(%dma_start3A_234 : memref<3200xf32, #tpu.memory_space<vmem>>) target_semaphore(%arg21 : memref<!tpu.dma_semaphore, #tpu.memory_space<semaphore_mem>>)
        %dma_start3A_236 = arith.constant 3200 : i32
        %dma_start3A_237 = tpu.memref_slice %arg14[%dma_start3A_236] : memref<6400xi32, #tpu.memory_space<vmem>> -> memref<3200xi32, #tpu.memory_space<vmem>>
        %dma_start3A_238 = tpu.memref_slice %arg7[%mul3A_229] : memref<320000xi32, #tpu.memory_space<hbm>> -> memref<3200xi32, #tpu.memory_space<hbm>>
        %dma_start3A_239 = arith.constant 3200 : i32
        %dma_start3A_240 = tpu.memref_slice %arg14[%dma_start3A_239] : memref<6400xi32, #tpu.memory_space<vmem>> -> memref<3200xi32, #tpu.memory_space<vmem>>
        %dma_start3A_241 = tpu.memref_slice %arg7[%mul3A_229] : memref<320000xi32, #tpu.memory_space<hbm>> -> memref<3200xi32, #tpu.memory_space<hbm>>
        tpu.enqueue_dma source(%dma_start3A_241 : memref<3200xi32, #tpu.memory_space<hbm>>) target(%dma_start3A_240 : memref<3200xi32, #tpu.memory_space<vmem>>) target_semaphore(%arg21 : memref<!tpu.dma_semaphore, #tpu.memory_space<semaphore_mem>>)
        %dma_start3A_242 = arith.constant 3200 : i32
        %dma_start3A_243 = tpu.memref_slice %arg15[%dma_start3A_242] : memref<6400xi32, #tpu.memory_space<vmem>> -> memref<3200xi32, #tpu.memory_space<vmem>>
        %dma_start3A_244 = tpu.memref_slice %arg8[%mul3A_229] : memref<320000xi32, #tpu.memory_space<hbm>> -> memref<3200xi32, #tpu.memory_space<hbm>>
        %dma_start3A_245 = arith.constant 3200 : i32
        %dma_start3A_246 = tpu.memref_slice %arg15[%dma_start3A_245] : memref<6400xi32, #tpu.memory_space<vmem>> -> memref<3200xi32, #tpu.memory_space<vmem>>
        %dma_start3A_247 = tpu.memref_slice %arg8[%mul3A_229] : memref<320000xi32, #tpu.memory_space<hbm>> -> memref<3200xi32, #tpu.memory_space<hbm>>
        tpu.enqueue_dma source(%dma_start3A_247 : memref<3200xi32, #tpu.memory_space<hbm>>) target(%dma_start3A_246 : memref<3200xi32, #tpu.memory_space<vmem>>) target_semaphore(%arg21 : memref<!tpu.dma_semaphore, #tpu.memory_space<semaphore_mem>>)
        %dma_start3A_248 = arith.constant 3200 : i32
        %dma_start3A_249 = tpu.memref_slice %arg16[%dma_start3A_248] : memref<6400xi32, #tpu.memory_space<vmem>> -> memref<3200xi32, #tpu.memory_space<vmem>>
        %dma_start3A_250 = tpu.memref_slice %arg9[%mul3A_229] : memref<320000xi32, #tpu.memory_space<hbm>> -> memref<3200xi32, #tpu.memory_space<hbm>>
        %dma_start3A_251 = arith.constant 3200 : i32
        %dma_start3A_252 = tpu.memref_slice %arg16[%dma_start3A_251] : memref<6400xi32, #tpu.memory_space<vmem>> -> memref<3200xi32, #tpu.memory_space<vmem>>
        %dma_start3A_253 = tpu.memref_slice %arg9[%mul3A_229] : memref<320000xi32, #tpu.memory_space<hbm>> -> memref<3200xi32, #tpu.memory_space<hbm>>
        tpu.enqueue_dma source(%dma_start3A_253 : memref<3200xi32, #tpu.memory_space<hbm>>) target(%dma_start3A_252 : memref<3200xi32, #tpu.memory_space<vmem>>) target_semaphore(%arg21 : memref<!tpu.dma_semaphore, #tpu.memory_space<semaphore_mem>>)
      } else {
      }
    }
    %scan3A_138 = arith.constant 50 : i32
    %scan3A_139 = arith.constant 0 : i32
    %scan3A_140 = arith.constant 0 : i32
    %scan3A_141 = arith.constant 125 : i32
    %scan3A_142 = arith.addi %scan3A_140, %scan3A_141 : i32
    %scan3A_143 = arith.constant 1 : i32
    scf.for %scan3A_145 = %scan3A_140 to %scan3A_142 step %scan3A_143  : i32 {
      %mul3A_146 = arith.constant 5 : i32
      %mul3A_147 = arith.muli %scan3A_145, %mul3A_146 : i32
      %add3A_148 = arith.constant 0 : i32
      %add3A_149 = arith.addi %mul3A_147, %add3A_148 : i32
      %mul3A_150 = arith.constant 16 : i32
      %mul3A_151 = arith.muli %add3A_149, %mul3A_150 : i32
      %get3A_152 = arith.index_cast %mul3A_151 : i32 to index
      %get3A_153 = tpu.vector_load %arg19[%get3A_152] {strides = array<i32>} : memref<10000xf32, #tpu.memory_space<vmem>>, vector<16xf32>,
      %add3A_154 = arith.constant 0 : i32
      %add3A_155 = arith.addi %add3A_154, %mul3A_151 : i32
      %get3A_156 = arith.index_cast %add3A_155 : i32 to index
      %get3A_157 = tpu.vector_load %arg13[%get3A_156] {strides = array<i32>} : memref<40000xf32, #tpu.memory_space<vmem>>, vector<16xf32>,
      %get3A_158 = arith.index_cast %add3A_155 : i32 to index
      %get3A_159 = tpu.vector_load %arg12[%get3A_158] {strides = array<i32>} : memref<40000xf32, #tpu.memory_space<vmem>>, vector<16xf32>,
      %mul3A_160 = arith.mulf %get3A_159, %get3A_153 : vector<16xf32>
      %sub3A = arith.subf %get3A_157, %mul3A_160 : vector<16xf32>
      %swap3A = arith.index_cast %add3A_155 : i32 to index
      %swap3A_161 = tpu.vector_load %arg13[%swap3A] {strides = array<i32>} : memref<40000xf32, #tpu.memory_space<vmem>>, vector<16xf32>,
      tpu.vector_store %arg13[%swap3A], %sub3A {strides = array<i32>} : memref<40000xf32, #tpu.memory_space<vmem>>, vector<16xf32>,
      %add3A_162 = arith.constant 10000 : i32
      %add3A_163 = arith.addi %add3A_162, %mul3A_151 : i32
      %get3A_164 = arith.index_cast %add3A_163 : i32 to index
      %get3A_165 = tpu.vector_load %arg13[%get3A_164] {strides = array<i32>} : memref<40000xf32, #tpu.memory_space<vmem>>, vector<16xf32>,
      %get3A_166 = arith.index_cast %add3A_163 : i32 to index
      %get3A_167 = tpu.vector_load %arg12[%get3A_166] {strides = array<i32>} : memref<40000xf32, #tpu.memory_space<vmem>>, vector<16xf32>,
      %mul3A_168 = arith.mulf %get3A_167, %get3A_153 : vector<16xf32>
      %sub3A_169 = arith.subf %get3A_165, %mul3A_168 : vector<16xf32>
      %swap3A_170 = arith.index_cast %add3A_163 : i32 to index
      %swap3A_171 = tpu.vector_load %arg13[%swap3A_170] {strides = array<i32>} : memref<40000xf32, #tpu.memory_space<vmem>>, vector<16xf32>,
      tpu.vector_store %arg13[%swap3A_170], %sub3A_169 {strides = array<i32>} : memref<40000xf32, #tpu.memory_space<vmem>>, vector<16xf32>,
      %add3A_172 = arith.constant 20000 : i32
      %add3A_173 = arith.addi %add3A_172, %mul3A_151 : i32
      %get3A_174 = arith.index_cast %add3A_173 : i32 to index
      %get3A_175 = tpu.vector_load %arg13[%get3A_174] {strides = array<i32>} : memref<40000xf32, #tpu.memory_space<vmem>>, vector<16xf32>,
      %get3A_176 = arith.index_cast %add3A_173 : i32 to index
      %get3A_177 = tpu.vector_load %arg12[%get3A_176] {strides = array<i32>} : memref<40000xf32, #tpu.memory_space<vmem>>, vector<16xf32>,
      %mul3A_178 = arith.mulf %get3A_177, %get3A_153 : vector<16xf32>
      %sub3A_179 = arith.subf %get3A_175, %mul3A_178 : vector<16xf32>
      %swap3A_180 = arith.index_cast %add3A_173 : i32 to index
      %swap3A_181 = tpu.vector_load %arg13[%swap3A_180] {strides = array<i32>} : memref<40000xf32, #tpu.memory_space<vmem>>, vector<16xf32>,
      tpu.vector_store %arg13[%swap3A_180], %sub3A_179 {strides = array<i32>} : memref<40000xf32, #tpu.memory_space<vmem>>, vector<16xf32>,
      %add3A_182 = arith.constant 30000 : i32
      %add3A_183 = arith.addi %add3A_182, %mul3A_151 : i32
      %get3A_184 = arith.index_cast %add3A_183 : i32 to index
      %get3A_185 = tpu.vector_load %arg13[%get3A_184] {strides = array<i32>} : memref<40000xf32, #tpu.memory_space<vmem>>, vector<16xf32>,
      %get3A_186 = arith.index_cast %add3A_183 : i32 to index
      %get3A_187 = tpu.vector_load %arg12[%get3A_186] {strides = array<i32>} : memref<40000xf32, #tpu.memory_space<vmem>>, vector<16xf32>,
      %mul3A_188 = arith.mulf %get3A_187, %get3A_153 : vector<16xf32>
      %sub3A_189 = arith.subf %get3A_185, %mul3A_188 : vector<16xf32>
      %swap3A_190 = arith.index_cast %add3A_183 : i32 to index
      %swap3A_191 = tpu.vector_load %arg13[%swap3A_190] {strides = array<i32>} : memref<40000xf32, #tpu.memory_space<vmem>>, vector<16xf32>,
      tpu.vector_store %arg13[%swap3A_190], %sub3A_189 {strides = array<i32>} : memref<40000xf32, #tpu.memory_space<vmem>>, vector<16xf32>,
      %mul3A_192 = arith.constant 5 : i32
      %mul3A_193 = arith.muli %scan3A_145, %mul3A_192 : i32
      %add3A_194 = arith.constant 1 : i32
      %add3A_195 = arith.addi %mul3A_193, %add3A_194 : i32
      %mul3A_196 = arith.constant 16 : i32
      %mul3A_197 = arith.muli %add3A_195, %mul3A_196 : i32
      %get3A_198 = arith.index_cast %mul3A_197 : i32 to index
      %get3A_199 = tpu.vector_load %arg19[%get3A_198] {strides = array<i32>} : memref<10000xf32, #tpu.memory_space<vmem>>, vector<16xf32>,
      %add3A_200 = arith.constant 0 : i32
      %add3A_201 = arith.addi %add3A_200, %mul3A_197 : i32
      %get3A_202 = arith.index_cast %add3A_201 : i32 to index
      %get3A_203 = tpu.vector_load %arg13[%get3A_202] {strides = array<i32>} : memref<40000xf32, #tpu.memory_space<vmem>>, vector<16xf32>,
      %get3A_204 = arith.index_cast %add3A_201 : i32 to index
      %get3A_205 = tpu.vector_load %arg12[%get3A_204] {strides = array<i32>} : memref<40000xf32, #tpu.memory_space<vmem>>, vector<16xf32>,
      %mul3A_206 = arith.mulf %get3A_205, %get3A_199 : vector<16xf32>
      %sub3A_207 = arith.subf %get3A_203, %mul3A_206 : vector<16xf32>
      %swap3A_208 = arith.index_cast %add3A_201 : i32 to index
      %swap3A_209 = tpu.vector_load %arg13[%swap3A_208] {strides = array<i32>} : memref<40000xf32, #tpu.memory_space<vmem>>, vector<16xf32>,
      tpu.vector_store %arg13[%swap3A_208], %sub3A_207 {strides = array<i32>} : memref<40000xf32, #tpu.memory_space<vmem>>, vector<16xf32>,
      %add3A_210 = arith.constant 10000 : i32
      %add3A_211 = arith.addi %add3A_210, %mul3A_197 : i32
      %get3A_212 = arith.index_cast %add3A_211 : i32 to index
      %get3A_213 = tpu.vector_load %arg13[%get3A_212] {strides = array<i32>} : memref<40000xf32, #tpu.memory_space<vmem>>, vector<16xf32>,
      %get3A_214 = arith.index_cast %add3A_211 : i32 to index
      %get3A_215 = tpu.vector_load %arg12[%get3A_214] {strides = array<i32>} : memref<40000xf32, #tpu.memory_space<vmem>>, vector<16xf32>,
      %mul3A_216 = arith.mulf %get3A_215, %get3A_199 : vector<16xf32>
      %sub3A_217 = arith.subf %get3A_213, %mul3A_216 : vector<16xf32>
      %swap3A_218 = arith.index_cast %add3A_211 : i32 to index
      %swap3A_219 = tpu.vector_load %arg13[%swap3A_218] {strides = array<i32>} : memref<40000xf32, #tpu.memory_space<vmem>>, vector<16xf32>,
      tpu.vector_store %arg13[%swap3A_218], %sub3A_217 {strides = array<i32>} : memref<40000xf32, #tpu.memory_space<vmem>>, vector<16xf32>,
      %add3A_220 = arith.constant 20000 : i32
      %add3A_221 = arith.addi %add3A_220, %mul3A_197 : i32
      %get3A_222 = arith.index_cast %add3A_221 : i32 to index
      %get3A_223 = tpu.vector_load %arg13[%get3A_222] {strides = array<i32>} : memref<40000xf32, #tpu.memory_space<vmem>>, vector<16xf32>,
      %get3A_224 = arith.index_cast %add3A_221 : i32 to index
      %get3A_225 = tpu.vector_load %arg12[%get3A_224] {strides = array<i32>} : memref<40000xf32, #tpu.memory_space<vmem>>, vector<16xf32>,
      %mul3A_226 = arith.mulf %get3A_225, %get3A_199 : vector<16xf32>
      %sub3A_227 = arith.subf %get3A_223, %mul3A_226 : vector<16xf32>
      %swap3A_228 = arith.index_cast %add3A_221 : i32 to index
      %swap3A_229 = tpu.vector_load %arg13[%swap3A_228] {strides = array<i32>} : memref<40000xf32, #tpu.memory_space<vmem>>, vector<16xf32>,
      tpu.vector_store %arg13[%swap3A_228], %sub3A_227 {strides = array<i32>} : memref<40000xf32, #tpu.memory_space<vmem>>, vector<16xf32>,
      %add3A_230 = arith.constant 30000 : i32
      %add3A_231 = arith.addi %add3A_230, %mul3A_197 : i32
      %get3A_232 = arith.index_cast %add3A_231 : i32 to index
      %get3A_233 = tpu.vector_load %arg13[%get3A_232] {strides = array<i32>} : memref<40000xf32, #tpu.memory_space<vmem>>, vector<16xf32>,
      %get3A_234 = arith.index_cast %add3A_231 : i32 to index
      %get3A_235 = tpu.vector_load %arg12[%get3A_234] {strides = array<i32>} : memref<40000xf32, #tpu.memory_space<vmem>>, vector<16xf32>,
      %mul3A_236 = arith.mulf %get3A_235, %get3A_199 : vector<16xf32>
      %sub3A_237 = arith.subf %get3A_233, %mul3A_236 : vector<16xf32>
      %swap3A_238 = arith.index_cast %add3A_231 : i32 to index
      %swap3A_239 = tpu.vector_load %arg13[%swap3A_238] {strides = array<i32>} : memref<40000xf32, #tpu.memory_space<vmem>>, vector<16xf32>,
      tpu.vector_store %arg13[%swap3A_238], %sub3A_237 {strides = array<i32>} : memref<40000xf32, #tpu.memory_space<vmem>>, vector<16xf32>,
      %mul3A_240 = arith.constant 5 : i32
      %mul3A_241 = arith.muli %scan3A_145, %mul3A_240 : i32
      %add3A_242 = arith.constant 2 : i32
      %add3A_243 = arith.addi %mul3A_241, %add3A_242 : i32
      %mul3A_244 = arith.constant 16 : i32
      %mul3A_245 = arith.muli %add3A_243, %mul3A_244 : i32
      %get3A_246 = arith.index_cast %mul3A_245 : i32 to index
      %get3A_247 = tpu.vector_load %arg19[%get3A_246] {strides = array<i32>} : memref<10000xf32, #tpu.memory_space<vmem>>, vector<16xf32>,
      %add3A_248 = arith.constant 0 : i32
      %add3A_249 = arith.addi %add3A_248, %mul3A_245 : i32
      %get3A_250 = arith.index_cast %add3A_249 : i32 to index
      %get3A_251 = tpu.vector_load %arg13[%get3A_250] {strides = array<i32>} : memref<40000xf32, #tpu.memory_space<vmem>>, vector<16xf32>,
      %get3A_252 = arith.index_cast %add3A_249 : i32 to index
      %get3A_253 = tpu.vector_load %arg12[%get3A_252] {strides = array<i32>} : memref<40000xf32, #tpu.memory_space<vmem>>, vector<16xf32>,
      %mul3A_254 = arith.mulf %get3A_253, %get3A_247 : vector<16xf32>
      %sub3A_255 = arith.subf %get3A_251, %mul3A_254 : vector<16xf32>
      %swap3A_256 = arith.index_cast %add3A_249 : i32 to index
      %swap3A_257 = tpu.vector_load %arg13[%swap3A_256] {strides = array<i32>} : memref<40000xf32, #tpu.memory_space<vmem>>, vector<16xf32>,
      tpu.vector_store %arg13[%swap3A_256], %sub3A_255 {strides = array<i32>} : memref<40000xf32, #tpu.memory_space<vmem>>, vector<16xf32>,
      %add3A_258 = arith.constant 10000 : i32
      %add3A_259 = arith.addi %add3A_258, %mul3A_245 : i32
      %get3A_260 = arith.index_cast %add3A_259 : i32 to index
      %get3A_261 = tpu.vector_load %arg13[%get3A_260] {strides = array<i32>} : memref<40000xf32, #tpu.memory_space<vmem>>, vector<16xf32>,
      %get3A_262 = arith.index_cast %add3A_259 : i32 to index
      %get3A_263 = tpu.vector_load %arg12[%get3A_262] {strides = array<i32>} : memref<40000xf32, #tpu.memory_space<vmem>>, vector<16xf32>,
      %mul3A_264 = arith.mulf %get3A_263, %get3A_247 : vector<16xf32>
      %sub3A_265 = arith.subf %get3A_261, %mul3A_264 : vector<16xf32>
      %swap3A_266 = arith.index_cast %add3A_259 : i32 to index
      %swap3A_267 = tpu.vector_load %arg13[%swap3A_266] {strides = array<i32>} : memref<40000xf32, #tpu.memory_space<vmem>>, vector<16xf32>,
      tpu.vector_store %arg13[%swap3A_266], %sub3A_265 {strides = array<i32>} : memref<40000xf32, #tpu.memory_space<vmem>>, vector<16xf32>,
      %add3A_268 = arith.constant 20000 : i32
      %add3A_269 = arith.addi %add3A_268, %mul3A_245 : i32
      %get3A_270 = arith.index_cast %add3A_269 : i32 to index
      %get3A_271 = tpu.vector_load %arg13[%get3A_270] {strides = array<i32>} : memref<40000xf32, #tpu.memory_space<vmem>>, vector<16xf32>,
      %get3A_272 = arith.index_cast %add3A_269 : i32 to index
      %get3A_273 = tpu.vector_load %arg12[%get3A_272] {strides = array<i32>} : memref<40000xf32, #tpu.memory_space<vmem>>, vector<16xf32>,
      %mul3A_274 = arith.mulf %get3A_273, %get3A_247 : vector<16xf32>
      %sub3A_275 = arith.subf %get3A_271, %mul3A_274 : vector<16xf32>
      %swap3A_276 = arith.index_cast %add3A_269 : i32 to index
      %swap3A_277 = tpu.vector_load %arg13[%swap3A_276] {strides = array<i32>} : memref<40000xf32, #tpu.memory_space<vmem>>, vector<16xf32>,
      tpu.vector_store %arg13[%swap3A_276], %sub3A_275 {strides = array<i32>} : memref<40000xf32, #tpu.memory_space<vmem>>, vector<16xf32>,
      %add3A_278 = arith.constant 30000 : i32
      %add3A_279 = arith.addi %add3A_278, %mul3A_245 : i32
      %get3A_280 = arith.index_cast %add3A_279 : i32 to index
      %get3A_281 = tpu.vector_load %arg13[%get3A_280] {strides = array<i32>} : memref<40000xf32, #tpu.memory_space<vmem>>, vector<16xf32>,
      %get3A_282 = arith.index_cast %add3A_279 : i32 to index
      %get3A_283 = tpu.vector_load %arg12[%get3A_282] {strides = array<i32>} : memref<40000xf32, #tpu.memory_space<vmem>>, vector<16xf32>,
      %mul3A_284 = arith.mulf %get3A_283, %get3A_247 : vector<16xf32>
      %sub3A_285 = arith.subf %get3A_281, %mul3A_284 : vector<16xf32>
      %swap3A_286 = arith.index_cast %add3A_279 : i32 to index
      %swap3A_287 = tpu.vector_load %arg13[%swap3A_286] {strides = array<i32>} : memref<40000xf32, #tpu.memory_space<vmem>>, vector<16xf32>,
      tpu.vector_store %arg13[%swap3A_286], %sub3A_285 {strides = array<i32>} : memref<40000xf32, #tpu.memory_space<vmem>>, vector<16xf32>,
      %mul3A_288 = arith.constant 5 : i32
      %mul3A_289 = arith.muli %scan3A_145, %mul3A_288 : i32
      %add3A_290 = arith.constant 3 : i32
      %add3A_291 = arith.addi %mul3A_289, %add3A_290 : i32
      %mul3A_292 = arith.constant 16 : i32
      %mul3A_293 = arith.muli %add3A_291, %mul3A_292 : i32
      %get3A_294 = arith.index_cast %mul3A_293 : i32 to index
      %get3A_295 = tpu.vector_load %arg19[%get3A_294] {strides = array<i32>} : memref<10000xf32, #tpu.memory_space<vmem>>, vector<16xf32>,
      %add3A_296 = arith.constant 0 : i32
      %add3A_297 = arith.addi %add3A_296, %mul3A_293 : i32
      %get3A_298 = arith.index_cast %add3A_297 : i32 to index
      %get3A_299 = tpu.vector_load %arg13[%get3A_298] {strides = array<i32>} : memref<40000xf32, #tpu.memory_space<vmem>>, vector<16xf32>,
      %get3A_300 = arith.index_cast %add3A_297 : i32 to index
      %get3A_301 = tpu.vector_load %arg12[%get3A_300] {strides = array<i32>} : memref<40000xf32, #tpu.memory_space<vmem>>, vector<16xf32>,
      %mul3A_302 = arith.mulf %get3A_301, %get3A_295 : vector<16xf32>
      %sub3A_303 = arith.subf %get3A_299, %mul3A_302 : vector<16xf32>
      %swap3A_304 = arith.index_cast %add3A_297 : i32 to index
      %swap3A_305 = tpu.vector_load %arg13[%swap3A_304] {strides = array<i32>} : memref<40000xf32, #tpu.memory_space<vmem>>, vector<16xf32>,
      tpu.vector_store %arg13[%swap3A_304], %sub3A_303 {strides = array<i32>} : memref<40000xf32, #tpu.memory_space<vmem>>, vector<16xf32>,
      %add3A_306 = arith.constant 10000 : i32
      %add3A_307 = arith.addi %add3A_306, %mul3A_293 : i32
      %get3A_308 = arith.index_cast %add3A_307 : i32 to index
      %get3A_309 = tpu.vector_load %arg13[%get3A_308] {strides = array<i32>} : memref<40000xf32, #tpu.memory_space<vmem>>, vector<16xf32>,
      %get3A_310 = arith.index_cast %add3A_307 : i32 to index
      %get3A_311 = tpu.vector_load %arg12[%get3A_310] {strides = array<i32>} : memref<40000xf32, #tpu.memory_space<vmem>>, vector<16xf32>,
      %mul3A_312 = arith.mulf %get3A_311, %get3A_295 : vector<16xf32>
      %sub3A_313 = arith.subf %get3A_309, %mul3A_312 : vector<16xf32>
      %swap3A_314 = arith.index_cast %add3A_307 : i32 to index
      %swap3A_315 = tpu.vector_load %arg13[%swap3A_314] {strides = array<i32>} : memref<40000xf32, #tpu.memory_space<vmem>>, vector<16xf32>,
      tpu.vector_store %arg13[%swap3A_314], %sub3A_313 {strides = array<i32>} : memref<40000xf32, #tpu.memory_space<vmem>>, vector<16xf32>,
      %add3A_316 = arith.constant 20000 : i32
      %add3A_317 = arith.addi %add3A_316, %mul3A_293 : i32
      %get3A_318 = arith.index_cast %add3A_317 : i32 to index
      %get3A_319 = tpu.vector_load %arg13[%get3A_318] {strides = array<i32>} : memref<40000xf32, #tpu.memory_space<vmem>>, vector<16xf32>,
      %get3A_320 = arith.index_cast %add3A_317 : i32 to index
      %get3A_321 = tpu.vector_load %arg12[%get3A_320] {strides = array<i32>} : memref<40000xf32, #tpu.memory_space<vmem>>, vector<16xf32>,
      %mul3A_322 = arith.mulf %get3A_321, %get3A_295 : vector<16xf32>
      %sub3A_323 = arith.subf %get3A_319, %mul3A_322 : vector<16xf32>
      %swap3A_324 = arith.index_cast %add3A_317 : i32 to index
      %swap3A_325 = tpu.vector_load %arg13[%swap3A_324] {strides = array<i32>} : memref<40000xf32, #tpu.memory_space<vmem>>, vector<16xf32>,
      tpu.vector_store %arg13[%swap3A_324], %sub3A_323 {strides = array<i32>} : memref<40000xf32, #tpu.memory_space<vmem>>, vector<16xf32>,
      %add3A_326 = arith.constant 30000 : i32
      %add3A_327 = arith.addi %add3A_326, %mul3A_293 : i32
      %get3A_328 = arith.index_cast %add3A_327 : i32 to index
      %get3A_329 = tpu.vector_load %arg13[%get3A_328] {strides = array<i32>} : memref<40000xf32, #tpu.memory_space<vmem>>, vector<16xf32>,
      %get3A_330 = arith.index_cast %add3A_327 : i32 to index
      %get3A_331 = tpu.vector_load %arg12[%get3A_330] {strides = array<i32>} : memref<40000xf32, #tpu.memory_space<vmem>>, vector<16xf32>,
      %mul3A_332 = arith.mulf %get3A_331, %get3A_295 : vector<16xf32>
      %sub3A_333 = arith.subf %get3A_329, %mul3A_332 : vector<16xf32>
      %swap3A_334 = arith.index_cast %add3A_327 : i32 to index
      %swap3A_335 = tpu.vector_load %arg13[%swap3A_334] {strides = array<i32>} : memref<40000xf32, #tpu.memory_space<vmem>>, vector<16xf32>,
      tpu.vector_store %arg13[%swap3A_334], %sub3A_333 {strides = array<i32>} : memref<40000xf32, #tpu.memory_space<vmem>>, vector<16xf32>,
      %mul3A_336 = arith.constant 5 : i32
      %mul3A_337 = arith.muli %scan3A_145, %mul3A_336 : i32
      %add3A_338 = arith.constant 4 : i32
      %add3A_339 = arith.addi %mul3A_337, %add3A_338 : i32
      %mul3A_340 = arith.constant 16 : i32
      %mul3A_341 = arith.muli %add3A_339, %mul3A_340 : i32
      %get3A_342 = arith.index_cast %mul3A_341 : i32 to index
      %get3A_343 = tpu.vector_load %arg19[%get3A_342] {strides = array<i32>} : memref<10000xf32, #tpu.memory_space<vmem>>, vector<16xf32>,
      %add3A_344 = arith.constant 0 : i32
      %add3A_345 = arith.addi %add3A_344, %mul3A_341 : i32
      %get3A_346 = arith.index_cast %add3A_345 : i32 to index
      %get3A_347 = tpu.vector_load %arg13[%get3A_346] {strides = array<i32>} : memref<40000xf32, #tpu.memory_space<vmem>>, vector<16xf32>,
      %get3A_348 = arith.index_cast %add3A_345 : i32 to index
      %get3A_349 = tpu.vector_load %arg12[%get3A_348] {strides = array<i32>} : memref<40000xf32, #tpu.memory_space<vmem>>, vector<16xf32>,
      %mul3A_350 = arith.mulf %get3A_349, %get3A_343 : vector<16xf32>
      %sub3A_351 = arith.subf %get3A_347, %mul3A_350 : vector<16xf32>
      %swap3A_352 = arith.index_cast %add3A_345 : i32 to index
      %swap3A_353 = tpu.vector_load %arg13[%swap3A_352] {strides = array<i32>} : memref<40000xf32, #tpu.memory_space<vmem>>, vector<16xf32>,
      tpu.vector_store %arg13[%swap3A_352], %sub3A_351 {strides = array<i32>} : memref<40000xf32, #tpu.memory_space<vmem>>, vector<16xf32>,
      %add3A_354 = arith.constant 10000 : i32
      %add3A_355 = arith.addi %add3A_354, %mul3A_341 : i32
      %get3A_356 = arith.index_cast %add3A_355 : i32 to index
      %get3A_357 = tpu.vector_load %arg13[%get3A_356] {strides = array<i32>} : memref<40000xf32, #tpu.memory_space<vmem>>, vector<16xf32>,
      %get3A_358 = arith.index_cast %add3A_355 : i32 to index
      %get3A_359 = tpu.vector_load %arg12[%get3A_358] {strides = array<i32>} : memref<40000xf32, #tpu.memory_space<vmem>>, vector<16xf32>,
      %mul3A_360 = arith.mulf %get3A_359, %get3A_343 : vector<16xf32>
      %sub3A_361 = arith.subf %get3A_357, %mul3A_360 : vector<16xf32>
      %swap3A_362 = arith.index_cast %add3A_355 : i32 to index
      %swap3A_363 = tpu.vector_load %arg13[%swap3A_362] {strides = array<i32>} : memref<40000xf32, #tpu.memory_space<vmem>>, vector<16xf32>,
      tpu.vector_store %arg13[%swap3A_362], %sub3A_361 {strides = array<i32>} : memref<40000xf32, #tpu.memory_space<vmem>>, vector<16xf32>,
      %add3A_364 = arith.constant 20000 : i32
      %add3A_365 = arith.addi %add3A_364, %mul3A_341 : i32
      %get3A_366 = arith.index_cast %add3A_365 : i32 to index
      %get3A_367 = tpu.vector_load %arg13[%get3A_366] {strides = array<i32>} : memref<40000xf32, #tpu.memory_space<vmem>>, vector<16xf32>,
      %get3A_368 = arith.index_cast %add3A_365 : i32 to index
      %get3A_369 = tpu.vector_load %arg12[%get3A_368] {strides = array<i32>} : memref<40000xf32, #tpu.memory_space<vmem>>, vector<16xf32>,
      %mul3A_370 = arith.mulf %get3A_369, %get3A_343 : vector<16xf32>
      %sub3A_371 = arith.subf %get3A_367, %mul3A_370 : vector<16xf32>
      %swap3A_372 = arith.index_cast %add3A_365 : i32 to index
      %swap3A_373 = tpu.vector_load %arg13[%swap3A_372] {strides = array<i32>} : memref<40000xf32, #tpu.memory_space<vmem>>, vector<16xf32>,
      tpu.vector_store %arg13[%swap3A_372], %sub3A_371 {strides = array<i32>} : memref<40000xf32, #tpu.memory_space<vmem>>, vector<16xf32>,
      %add3A_374 = arith.constant 30000 : i32
      %add3A_375 = arith.addi %add3A_374, %mul3A_341 : i32
      %get3A_376 = arith.index_cast %add3A_375 : i32 to index
      %get3A_377 = tpu.vector_load %arg13[%get3A_376] {strides = array<i32>} : memref<40000xf32, #tpu.memory_space<vmem>>, vector<16xf32>,
      %get3A_378 = arith.index_cast %add3A_375 : i32 to index
      %get3A_379 = tpu.vector_load %arg12[%get3A_378] {strides = array<i32>} : memref<40000xf32, #tpu.memory_space<vmem>>, vector<16xf32>,
      %mul3A_380 = arith.mulf %get3A_379, %get3A_343 : vector<16xf32>
      %sub3A_381 = arith.subf %get3A_377, %mul3A_380 : vector<16xf32>
      %swap3A_382 = arith.index_cast %add3A_375 : i32 to index
      %swap3A_383 = tpu.vector_load %arg13[%swap3A_382] {strides = array<i32>} : memref<40000xf32, #tpu.memory_space<vmem>>, vector<16xf32>,
      tpu.vector_store %arg13[%swap3A_382], %sub3A_381 {strides = array<i32>} : memref<40000xf32, #tpu.memory_space<vmem>>, vector<16xf32>,
    }
    %scan3A_144 = arith.constant 125 : i32
    "tpu.region"() ({
      %run_scoped3A = tpu.sem_alloc : memref<!tpu.dma_semaphore, #tpu.memory_space<semaphore_mem>>
      %dma_start3A_145 = tpu.memref_slice %arg11[%mul3A_2] : memref<1280000xf32, #tpu.memory_space<hbm>> -> memref<40000xf32, #tpu.memory_space<hbm>>
      %dma_start3A_146 = tpu.memref_slice %arg11[%mul3A_2] : memref<1280000xf32, #tpu.memory_space<hbm>> -> memref<40000xf32, #tpu.memory_space<hbm>>
      tpu.enqueue_dma source(%arg13 : memref<40000xf32, #tpu.memory_space<vmem>>) target(%dma_start3A_146 : memref<40000xf32, #tpu.memory_space<hbm>>) target_semaphore(%run_scoped3A : memref<!tpu.dma_semaphore, #tpu.memory_space<semaphore_mem>>)
      %dma_wait3A = tpu.memref_slice %arg11[%mul3A_2] : memref<1280000xf32, #tpu.memory_space<hbm>> -> memref<40000xf32, #tpu.memory_space<hbm>>
      %dma_wait3A_147 = tpu.memref_slice %arg11[%mul3A_2] : memref<1280000xf32, #tpu.memory_space<hbm>> -> memref<40000xf32, #tpu.memory_space<hbm>>
      tpu.wait_dma2 semaphore(%run_scoped3A : memref<!tpu.dma_semaphore, #tpu.memory_space<semaphore_mem>>) src(%arg13 : memref<40000xf32, #tpu.memory_space<vmem>>) dst(%dma_wait3A_147 : memref<40000xf32, #tpu.memory_space<hbm>>)
      tpu.yield
    }) : () -> ()
    return
  }
}

</mosaic_0001>

<sc_bundles>
// kernel: kernel.3.cloned.1.call-start
scs
__scs_entry_jumppad:
0x0: {  	(pc) =	sbr.rel $0x88, $3  }
0x1: {  	(tag) =	ssettag $0x0;
	lr =	simm.s32 $0x1  }
0x2: {  	[smem:$0x3F98] =	sst lr;
	_ =	strace $0xD0000000  }
0x3: {  	_ = 	snop  }
0x4: {  	_ = 	snop  }
0x5: {  	_ = 	snop  }
0x6: {  	_ = 	snop  }
0x7: {  	_ = 	snop  }
__scs_overlays_trampoline_lowered:
0x8: {  	[smem:$0x3FA7] =	sst s0  }
0x9: {  	[smem:$0x3FA8] =	sst s1  }
0xa: {  	[smem:$0x3FA9] =	sst s2  }
0xb: {  	[smem:$0x3FAA] =	sst s3  }
0xc: {  	[smem:$0x3FAB] =	sst s4  }
0xd: {  	[smem:$0x3FAC] =	sst s5  }
0xe: {  	[smem:$0x3FAD] =	sst s6  }
0xf: {  	[smem:$0x3FAE] =	sst s7  }
0x10: {  	[smem:$0x3FAF] =	sst s8  }
0x11: {  	[smem:$0x3FB0] =	sst s9;
	s0 =	simm.s32 @!p0 $0x0  }
0x12: {  	s1 =	sld [smem:$0x3F96];
	s0 =	simm.s32 @p0 $0x1  }
0x13: {  	[smem:$0x3FB1] =	sst s0;
	s0 =	simm.s32 @!p1 $0x0  }
0x14: {  	s2 =	sld [smem:$0x3F95];
	s0 =	simm.s32 @p1 $0x1  }
0x15: {  	[smem:$0x3FB2] =	sst s0;
	s0 =	simm.s32 @!p2 $0x0  }
0x16: {  	s3 =	sld [smem:$0x3FDB];
	s0 =	simm.s32 @p2 $0x1  }
0x17: {  	s4 =	simm.s32 $0x1BF5;
	[smem:$0x3FB4] =	sst s0  }
0x18: {  	s0 =	sld [smem:$0x3F97];
	_ =	swait.ge [sflag:s4], $0x0  }
0x19: {  	s7 =	sld [smem:$0x3F98]  }
0x1a: {  	s8 =	sadd.s32 $0xFFFFE003, lr  }
0x1b: {  	s9 =	sadd.s32 $0xFFFFFEF7, lr;
	s5 =	simm.s32 $0xFFFFFFFF;
	p2 =	slt.u32 s8, $0xFFFFF086  }
0x1c: {  	p1 =	slt.u32 s9, $0xF7A;
	s5 =	simm.s32 @!p2 $0x0  }
0x1d: {  	s5 =	simm.s32 @p1 $0x1;
	p0 =	seq.s32 s7, s2  }
0x1e: {  	s7 =	smul.u32 @!p0 $0xF7A, s2;
	p2 =	seq.s32 @!p0 s5, $0x0  }
0x1f: {  	s9 =	smul.u32 $0xF7A, s1;
	s8 =	simm.s32 @!p0 $0x1BF5;
	p2 =	por !p2, p0  }
0x20: {  	[sflag:s8] =	ssyncset.s32 @!p0 $0xFFFFF086;
	s6 =	sadd.s32 @!p0 s3, s7;
	s7 =	simm.s32 @!p0 $0x108  }
0x21: {  	s3 =	sadd.s32 s3, s9;
	s6 =	sadd.s32 @!p0 $0x88, s6;
	s7 =	simm.s32 @p2 $0x1082  }
0x22: {  	[simem:s7], [sflag:s8] =	dma.local @!p0 [hbm:s6], $0xF7A  }
0x23: {  	s9 =	sor.u32 $0xD0000000, s2;
	s6 =	simm.s32 $0x108;
	_ =	swait.ge @!p0 [sflag:s8], $0x0  }
0x24: {  	s3 =	sadd.s32 $0x88, s3;
	s6 =	simm.s32 @!p1 $0x1082;
	[sflag:s4] =	ssyncset.s32 $0xFFFFF086  }
0x25: {  	[simem:s6], [sflag:s4] =	dma.local [hbm:s3], $0xF7A  }
0x26: {  	[smem:$0x3F98] =	sst s1;
	(tag) =	ssettag s2;
	_ =	strace s9  }
0x27: {  	s1 =	sld [smem:$0x3FA8]  }
0x28: {  	s2 =	sld [smem:$0x3FA9]  }
0x29: {  	s4 =	sld [smem:$0x3FAB]  }
0x2a: {  	p0 =	seq.s32 s5, $0x0;
	s5 =	sld [smem:$0x3FAC]  }
0x2b: {  	s6 =	sld [smem:$0x3FAD]  }
0x2c: {  	s7 =	sld [smem:$0x3FAE]  }
0x2d: {  	s3 =	simm.s32 $0x108;
	s8 =	sld [smem:$0x3FAF]  }
0x2e: {  	s3 =	simm.s32 @!p0 $0x1082;
	s9 =	sld [smem:$0x3FB0]  }
0x2f: {  	lr =	sadd.s32 s0, s3;
	s0 =	sld [smem:$0x3FA7]  }
0x30: {  	s3 =	sld [smem:$0x3FAA]  }
0x31: {  	[smem:$0x3FB3] =	sst s10  }
0x32: {  	s10 =	sld [smem:$0x3FB1];
	_ =	sdelay $0x3  }
0x33: {  	p0 =	seq.s32 s10, $0x1;
	s10 =	sld [smem:$0x3FB3];
	_ =	sdelay $0x3  }
0x34: {  	[smem:$0x3FB3] =	sst s10  }
0x35: {  	s10 =	sld [smem:$0x3FB2];
	_ =	sdelay $0x3  }
0x36: {  	p1 =	seq.s32 s10, $0x1;
	s10 =	sld [smem:$0x3FB3];
	_ =	sdelay $0x3  }
0x37: {  	[smem:$0x3FB3] =	sst s10  }
0x38: {  	s10 =	sld [smem:$0x3FB4]  }
0x39: {  	_ = 	snop;
	(pc) =	sbr.ind lr, $3  }
0x3a: {  	_ = 	snop  }
0x3b: {  	_ = 	snop  }
0x3c: {  	p2 =	seq.s32 s10, $0x1;
	s10 =	sld [smem:$0x3FB3]  }
0x3d: {  	_ =	shalt  }
0x3e: {  	_ =	shalt  }
0x3f: {  	_ =	shalt  }
0x40: {  	_ =	shalt  }
0x41: {  	_ =	shalt  }
0x42: {  	_ =	shalt  }
0x43: {  	_ =	shalt  }
0x44: {  	_ =	shalt  }
0x45: {  	_ =	shalt  }
0x46: {  	_ =	shalt  }
0x47: {  	_ =	shalt  }
0x48: {  	_ =	shalt  }
0x49: {  	_ =	shalt  }
0x4a: {  	_ =	shalt  }
0x4b: {  	_ =	shalt  }
0x4c: {  	_ =	shalt  }
0x4d: {  	_ =	shalt  }
0x4e: {  	_ =	shalt  }
0x4f: {  	_ =	shalt  }
0x50: {  	_ =	shalt  }
0x51: {  	_ =	shalt  }
0x52: {  	_ =	shalt  }
0x53: {  	_ =	shalt  }
0x54: {  	_ =	shalt  }
0x55: {  	_ =	shalt  }
0x56: {  	_ =	shalt  }
0x57: {  	_ =	shalt  }
0x58: {  	_ =	shalt  }
0x59: {  	_ =	shalt  }
0x5a: {  	_ =	shalt  }
0x5b: {  	_ =	shalt  }
0x5c: {  	_ =	shalt  }
0x5d: {  	_ =	shalt  }
0x5e: {  	_ =	shalt  }
0x5f: {  	_ =	shalt  }
0x60: {  	_ =	shalt  }
0x61: {  	_ =	shalt  }
0x62: {  	_ =	shalt  }
0x63: {  	_ =	shalt  }
0x64: {  	_ =	shalt  }
0x65: {  	_ =	shalt  }
0x66: {  	_ =	shalt  }
0x67: {  	_ =	shalt  }
0x68: {  	_ =	shalt  }
0x69: {  	_ =	shalt  }
0x6a: {  	_ =	shalt  }
0x6b: {  	_ =	shalt  }
0x6c: {  	_ =	shalt  }
0x6d: {  	_ =	shalt  }
0x6e: {  	_ =	shalt  }
0x6f: {  	_ =	shalt  }
0x70: {  	_ =	shalt  }
0x71: {  	_ =	shalt  }
0x72: {  	_ =	shalt  }
0x73: {  	_ =	shalt  }
0x74: {  	_ =	shalt  }
0x75: {  	_ =	shalt  }
0x76: {  	_ =	shalt  }
0x77: {  	_ =	shalt  }
0x78: {  	_ =	shalt  }
0x79: {  	_ =	shalt  }
0x7a: {  	_ =	shalt  }
0x7b: {  	_ =	shalt  }
0x7c: {  	_ =	shalt  }
0x7d: {  	_ =	shalt  }
0x7e: {  	_ =	shalt  }
0x7f: {  	_ =	shalt  }
0x80: {  	_ =	shalt  }
0x81: {  	_ =	shalt  }
0x82: {  	_ =	shalt  }
0x83: {  	_ =	shalt  }
0x84: {  	_ =	shalt  }
0x85: {  	_ =	shalt  }
0x86: {  	_ =	shalt  }
0x87: {  	_ =	shalt  }
.Lfunc_end0:
.L_simem_size_0:
called_computation_lowered:
.L_overlay_start_0:
0x88: {  	s2 =	sld [smem:$0x3FD9]  }
0x89: {  	s3 =	sld [smem:$0x3FFE];
	_ =	sdelay $0x1  }
0x8a: {  	s1 =	srdreg.scid  }
0x8b: {  	s0 =	sand.u32 $0x1, s1  }
0x8c: {  	s17 =	sshll.u32 s0, $0xA;
	s2 =	sadd.s32 s3, s2  }
0x8d: {  	s2 =	sadd.s32 s2, s17  }
0x8e: {  	[smem:$0x3FBF] =	sst s2  }
0x8f: {  	_ = 	snop  }
0x90: {  	s2 =	sld [smem:$0x3FC8]  }
0x91: {  	s18 =	sld [smem:$0x3FC7]  }
0x92: {  	s4 =	sld [smem:$0x3FC6]  }
0x93: {  	s5 =	sld [smem:$0x3FC5]  }
0x94: {  	s6 =	sld [smem:$0x3FC4]  }
0x95: {  	s7 =	sld [smem:$0x3FC3]  }
0x96: {  	s8 =	sld [smem:$0x3FC2]  }
0x97: {  	s9 =	sld [smem:$0x3FD0];
	(tm) =	ssettm $0x1  }
0x98: {  	s10 =	sld [smem:$0x3FFB];
	_ =	sdelay $0x3  }
0x99: {  	_ =	strace s10  }
0x9a: {  	s10 =	sld [smem:$0x3FFC];
	_ =	sdelay $0x3  }
0x9b: {  	_ =	strace s10  }
0x9c: {  	s10 =	sld [smem:$0x3FFD];
	_ =	sdelay $0x3  }
0x9d: {  	_ =	strace s10  }
0x9e: {  	_ =	strace $0x8FFFFFFF  }
0x9f: {  	s19 =	sld [smem:$0x3FDB];
	_ =	sdelay $0x1  }
0xa0: {  	s11 =	simm.s32 $_scs_section_size  }
0xa1: {  	s12 =	simm.s32 $_size__tile_overlayer_lowered;
	s13 =	simm.s32 $_tile_overlayer_lowered  }
0xa2: {  	s22 =	simm.s32 $0x1BFF;
	s21 =	sshll.u32 s13, $0x1;
	s10 =	sadd.s32 s11, s19  }
0xa3: {  	s14 =	simm.s32 $0x0;
	s20 =	sshll.u32 s12, $0x1;
	s12 =	sadd.s32 s21, s10  }
0xa4: {  	[timem:s14], [sflag:s22] =	dma.local [hbm:s12], s20  }
0xa5: {  	_ =	swait.ge [sflag:s22], s20  }
0xa6: {  	s11 =	ssub.s32 $0x0, s20;
	[sflag:s22] =	ssyncset.done $0x0  }
0xa7: {  	[sflag:s22] =	ssyncadd.s32 s11;
	_ =	sdelay $0x1  }
0xa8: {  	s23 =	simm.s32 $0x1B8B  }
0xa9: {  	_ =	swait.ge [sflag:s23], $0x1  }
0xaa: {  	[sflag:s23] =	ssyncset.done $0x0  }
0xab: {  	s25 =	simm.s32 $0x1B8E;
	s24 =	sld [smem:$0x3FFE];
	[sflag:s23] =	ssyncadd.s32 $0xFFFFFFFF  }
0xac: {  	s26 =	simm.s32 $execute0_lowered;
	[smem:$0x3FD2] =	sst s25  }
0xad: {  	s12 =	sshll.u32 s26, $0x1;
	_ =	strace $0x80000046;
	[dreg:$0x1] =	wrdreg $0xFFFFFFFF  }
0xae: {  	s28 =	simm.s32 $_size_execute0_lowered;
	s10 =	sadd.s32 s10, s12;
	[dreg:$0x0] =	wrdreg $0x0  }
0xaf: {  	s12 =	sshll.u32 s28, $0x1;
	[dreg:$0x2] =	wrdreg s10  }
0xb0: {  	[dreg:$0x3] =	wrdreg s12  }
0xb1: {  	[dreg:$0x4] =	wrdreg $0xC0  }
0xb2: {  	_ =	task [dreg:s14], $0x5FFFF  }
0xb3: {  	[dreg:$0x1] =	wrdreg $0xFFFFFFFF  }
0xb4: {  	[dreg:$0x0] =	wrdreg $0x60  }
0xb5: {  	[dreg:$0x2] =	wrdreg s9  }
0xb6: {  	[dreg:$0x3] =	wrdreg s2  }
0xb7: {  	[dreg:$0x4] =	wrdreg s4  }
0xb8: {  	[dreg:$0x5] =	wrdreg s5  }
0xb9: {  	[dreg:$0x6] =	wrdreg s18  }
0xba: {  	[dreg:$0x7] =	wrdreg s6  }
0xbb: {  	[dreg:$0x8] =	wrdreg s7  }
0xbc: {  	[dreg:$0x9] =	wrdreg s8  }
0xbd: {  	[dreg:$0xa] =	wrdreg s24  }
0xbe: {  	[dreg:$0xb] =	wrdreg $0x9  }
0xbf: {  	_ =	task.clear_ibuf [dreg:s14], $0xCFFFF;
	_ =	strace $0x90000046  }
0xc0: {  	s29 =	simm.s32 $0x9;
	_ =	strace $0x80000048  }
0xc1: {  	_ =	swait.ge [sflag:s29], $0x1  }
0xc2: {  	[sflag:s29] =	ssyncadd.s32 $0xFFFFFFFF  }
0xc3: {  	_ =	strace $0x90000048  }
0xc4: {  	_ =	sfence  }
0xc5: {  	s30 =	sld [smem:$0x0];
	_ =	sdelay $0x2  }
0xc6: {  	s31 =	sshll.u32 s1, $0xD;
	s1 =	sshrl.u32 s1, $0x2  }
0xc7: {  	s3 =	sand.u32 $0x4000, s31;
	s1 =	sadd.s32 s1, s30  }
0xc8: {  	s0 =	sor.u32 s3, s0;
	s1 =	sshll.u32 s1, $0x11  }
0xc9: {  	s0 =	sor.u32 s1, s0  }
0xca: {  	s0 =	sadd.s32 $0x8F2B, s0  }
0xcb: {  	[sflag:s0] =	ssyncadd.remote.s32 $0x1  }
0xcc: {  	_ =	sfence.sel $0xFFFF  }
0xcd: {  	[dreg:$0x0] =	wrdreg $0xFFFFFFFF;
	(pc) =	sbr.abs _section_cstart, $3  }
0xce: {  	[dreg:$0x1] =	wrdreg $0xFFFFFFFF  }
0xcf: {  	_ =	task.clear_ibuf [dreg:s14], $0x2FFFF;
	_ =	strace $0x9FFFFFFF  }
0xd0: {  	(tm) =	ssettm $0x7FFFFFFF  }
0xd1: {  	_ =	shalt  }
tec
execute0_lowered:
.L_overlay_start_1:
0x0: {  	(tag) =	ssettag $0x1  }
0x1: {  	s4 =	rddreg [dreg:$0x0]  }
0x2: {  	s0 =	rddreg [dreg:$0x1]  }
0x3: {  	s1 =	rddreg [dreg:$0x2]  }
0x4: {  	s2 =	rddreg [dreg:$0x3]  }
0x5: {  	s3 =	rddreg [dreg:$0x4]  }
0x6: {  	s5 =	rddreg [dreg:$0x5]  }
0x7: {  	s6 =	rddreg [dreg:$0x6]  }
0x8: {  	s8 =	rddreg [dreg:$0x7]  }
0x9: {  	s7 =	srdreg.scid;
	s9 =	stileid.u32  }
0xa: {  	s10 =	rddreg [dreg:$0x8];
	s28 =	simm.s32 $0x14580;
	s29 =	simm.s32 $0x15E80  }
0xb: {  	s30 =	simm.s32 $0x1;
	s11 =	sshll.u32 s9, $0x1;
	s9 =	simm.s32 $0x0  }
0xc: {  	s31 =	simm.s32 $0x19D80;
	s12 =	sadd.s32 $0x600, s10;
	[smem:$0x7FF] =	sst s9  }
0xd: {  	s20 =	sadd.s32 $0x190, s0;
	_ =	strace $0x80000047;
	[dreg:$0xa] =	wrdreg s12  }
0xe: {  	s13 =	simm.s32 $0x0;
	s21 =	sadd.s32 $0x190, s1;
	[dreg:$0xc] =	wrdreg s20  }
0xf: {  	s7 =	sand.u32 $0x1, s7;
	s22 =	sadd.s32 $0x190, s2;
	[dreg:$0xd] =	wrdreg s21  }
0x10: {  	s23 =	sadd.s32 $0x190, s3;
	s24 =	sadd.s32 $0x190, s5;
	[dreg:$0xe] =	wrdreg s22  }
0x11: {  	s25 =	sadd.s32 $0x190, s6;
	s26 =	sadd.s32 $0x190, s8;
	[dreg:$0xf] =	wrdreg s23  }
0x12: {  	s11 =	sor.u32 s7, s11;
	s7 =	ssub.s32 $0x2, s7;
	[dreg:$0x10] =	wrdreg s24  }
0x13: {  	s11 =	smul.u32 $0x1388, s11;
	s19 =	sshrl.u32 s7, $0x1;
	[dreg:$0x11] =	wrdreg s25  }
0x14: {  	[dreg:$0x12] =	wrdreg s26;
	s21 =	simm.s32 $0x3;
	s26 =	simm.s32 $0x19080  }
0x15: {  	s22 =	simm.s32 $0xC390;
	s23 =	simm.s32 $0x4E20;
	s24 =	simm.s32 $0xEAA0  }
0x16: {  	s25 =	simm.s32 $0x7530;
	s12 =	simm.s32 $0x17780;
	s7 =	ssub.s32 s7, s19  }
0x17: {  	s10 =	sadd.s32 s11, s10;
	s4 =	sadd.s32 s4, s11;
	s20 =	smax.u32 s7, $0x1  }
0x18: {  	s7 =	simm.s32 $0x9C80;
	s11 =	simm.s32 $0x2;
	[dreg:$0xb] =	wrdreg s4  }
0x19: {  	v0 =	vimm.f32 $0.0e+00;
	s19 =	sadd.s32 $0x800, s10;
	s4 =	simm.s32 $0x2710;
	s10 =	simm.s32 $0x111B0  }
.LBB2_1:
0x1a: {  	s14 =	rddreg [dreg:$0xb]  }
0x1b: {  	[tilespmem:s9], [sflag:$0x3] =	stream.linear.gather [hbm4b:s14+s9], $0x9C40, $0x38;
	[tilespmem:$0x1C500] =	vst v63  }
0x1c: {  	_ =	swait.ge [sflag:s21], $0x9C40  }
0x1d: {  	[sflag:s21] =	ssyncset.done $0x0  }
0x1e: {  	s15 =	simm.s32 $0x19D00;
	s18 =	rddreg [dreg:$0xa];
	[sflag:s21] =	ssyncadd.s32 $0xFFFF63C0  }
0x1f: {  	[tilespmem:s15], [sflag:$0x3] =	stream.linear.gather [hbm4b:s18+s9], $0x80, $0x38;
	[tilespmem:$0x1C500] =	vst v63  }
0x20: {  	_ =	swait.ge [sflag:s21], $0x80  }
0x21: {  	[sflag:s21] =	ssyncset.done $0x0  }
0x22: {  	[sflag:s21] =	ssyncadd.s32 $0xFFFFFF80  }
0x23: {  	s14 =	simm.s32 $0x0;
	v1 =	vld [tilespmem:$0x19D00]  }
.LBB2_2:
0x24: {  	p0 =	sne.s32 s14, $0x270C0  }
.Ltmp0:
0x25: {  	_ = 	snop;
	(pc) =	sbr.rel @p0 .LBB2_2-.Ltmp0, $3  }
0x26: {  	_ =	sdelay $0x1  }
0x27: {  	s15 =	sshra.s32 s14, $0x2  }
0x28: {  	s14 =	sadd.s32 $0x40, s14;
	[tilespmem:s15+$0x9C80] =	vst v0  }
0x29: {  	s14 =	simm.s32 $0x40;
	s15 =	simm.s32 $0x0  }
.LBB2_4:
0x2a: {  	p0 =	sne.s32 s14, $0x9C00;
	[tilespmem:s15+$0x19D80] =	vst v0;
	s15 =	smov.u32 s14;
	s14 =	sadd.s32 $0x40, s14  }
.Ltmp1:
0x2b: {  	(pc) =	sbr.rel @p0 .LBB2_4-.Ltmp1, $2  }
0x2c: {  	_ =	sdelay $0x2  }
0x2d: {  	s15 =	sshra.s32 s15, $0x2  }
0x2e: {  	[tilespmem:s15+$0x19D80] =	vst v0;
	s14 =	simm.s32 $0x0;
	s16 =	simm.s32 $0x18400  }
0x2f: {  	[tilespmem:s16], [sflag:$0x1] =	stream.linear.gather [hbm4b:s0+s14], $0xC80, $0x38;
	[tilespmem:$0x1C500] =	vst v63  }
0x30: {  	s17 =	simm.s32 $0x13900  }
0x31: {  	[tilespmem:s17], [sflag:$0x1] =	stream.linear.gather [hbm4b:s1+s14], $0xC80, $0x38;
	[tilespmem:$0x1C500] =	vst v63  }
0x32: {  	s18 =	simm.s32 $0x15200  }
0x33: {  	[tilespmem:s18], [sflag:$0x1] =	stream.linear.gather [hbm4b:s2+s14], $0xC80, $0x38;
	[tilespmem:$0x1C500] =	vst v63  }
0x34: {  	s16 =	rddreg [dreg:$0xc]  }
0x35: {  	[tilespmem:s26], [sflag:$0x2] =	stream.linear.gather [hbm4b:s16+s14], $0xC80, $0x38;
	[tilespmem:$0x1C500] =	vst v63  }
0x36: {  	s17 =	rddreg [dreg:$0xd]  }
0x37: {  	[tilespmem:s28], [sflag:$0x2] =	stream.linear.gather [hbm4b:s17+s14], $0xC80, $0x38;
	[tilespmem:$0x1C500] =	vst v63  }
0x38: {  	s18 =	rddreg [dreg:$0xe]  }
0x39: {  	[tilespmem:s29], [sflag:$0x2] =	stream.linear.gather [hbm4b:s18+s14], $0xC80, $0x38;
	[tilespmem:$0x1C500] =	vst v63  }
.LBB2_6:
0x3a: {  	_ =	swait.ge [sflag:s30], $0xC80  }
0x3b: {  	[sflag:s30] =	ssyncset.done $0x0  }
0x3c: {  	[sflag:s30] =	ssyncadd.s32 $0xFFFFF380  }
0x3d: {  	_ =	swait.ge [sflag:s30], $0xC80  }
0x3e: {  	[sflag:s30] =	ssyncset.done $0x0  }
0x3f: {  	[sflag:s30] =	ssyncadd.s32 $0xFFFFF380  }
0x40: {  	_ =	swait.ge [sflag:s30], $0xC80  }
0x41: {  	[sflag:s30] =	ssyncset.done $0x0  }
0x42: {  	s15 =	simm.s32 $0x0;
	[sflag:s30] =	ssyncadd.s32 $0xFFFFF380  }
0x43: {  	v3 =	vld [tilespmem:s15+$0x18470]  }
0x44: {  	v2 =	vld [tilespmem:s15+$0x15270]  }
0x45: {  	v4 =	vld [tilespmem:s15+$0x13970]  }
0x46: {  	v5 =	vld [tilespmem:s15+$0x18460]  }
0x47: {  	v6 =	vld [tilespmem:s15+$0x18430]  }
0x48: {  	v7 =	vld [tilespmem:s15+$0x18450]  }
0x49: {  	v8 =	vld [tilespmem:s15+$0x18420]  }
0x4a: {  	v9 =	vld [tilespmem:s15+$0x13950]  }
0x4b: {  	v10 =	vld [tilespmem:s15+$0x15230]  }
0x4c: {  	v11 =	vld [tilespmem:s15+$0x13960]  }
0x4d: {  	v12 =	vld [tilespmem:s15+$0x13940]  }
0x4e: {  	v13 =	vld [tilespmem:s15+$0x18400]  }
0x4f: {  	v14 =	vld [tilespmem:s15+$0x18410]  }
0x50: {  	v15 =	vld [tilespmem:s15+$0x13930]  }
0x51: {  	v16 =	vld [tilespmem:s15+$0x13910]  }
0x52: {  	v17 =	vld [tilespmem:s15+$0x13920]  }
0x53: {  	v18 =	vld [tilespmem:s15+$0x13900]  }
0x54: {  	v19 =	vld [tilespmem:s15+$0x15250]  }
0x55: {  	v20 =	vld [tilespmem:s15+$0x18440]  }
0x56: {  	v21 =	vld [tilespmem:s15+$0x15260]  }
0x57: {  	v22 =	vld [tilespmem:s15+$0x15210]  }
0x58: {  	v23 =	vld [tilespmem:s15+$0x15200]  }
0x59: {  	v24 =	vld [tilespmem:s15+$0x15220]  }
0x5a: {  	v25 =	vld [tilespmem:s15+$0x15240]  }
0x5b: {  	[tilespmem:v18+s31+$0x0] =	vst.idx.add.f32.msk $0xffff, v13  }
0x5c: {  	[tilespmem:v16+s31+$0x0] =	vst.idx.add.f32.msk $0xffff, v14  }
0x5d: {  	[tilespmem:v17+s31+$0x0] =	vst.idx.add.f32.msk $0xffff, v8  }
0x5e: {  	[tilespmem:v15+s31+$0x0] =	vst.idx.add.f32.msk $0xffff, v6  }
0x5f: {  	[tilespmem:v12+s31+$0x0] =	vst.idx.add.f32.msk $0xffff, v20  }
0x60: {  	[tilespmem:v9+s31+$0x0] =	vst.idx.add.f32.msk $0xffff, v7  }
0x61: {  	[tilespmem:v11+s31+$0x0] =	vst.idx.add.f32.msk $0xffff, v5  }
0x62: {  	[tilespmem:v4+s31+$0x0] =	vst.idx.add.f32.msk $0xffff, v3  }
0x63: {  	v26 =	vld.idx.msk [tilespmem:v18+s9+$0x0], $0xffff  }
0x64: {  	v27 =	vld.idx.msk [tilespmem:v16+s9+$0x0], $0xffff  }
0x65: {  	v28 =	vld.idx.msk [tilespmem:v17+s9+$0x0], $0xffff  }
0x66: {  	v29 =	vld.idx.msk [tilespmem:v15+s9+$0x0], $0xffff  }
0x67: {  	v30 =	vld.idx.msk [tilespmem:v12+s9+$0x0], $0xffff  }
0x68: {  	v31 =	vld.idx.msk [tilespmem:v9+s9+$0x0], $0xffff  }
0x69: {  	v32 =	vld.idx.msk [tilespmem:v11+s9+$0x0], $0xffff;
	v26 =	vmul.f32 v26, v13  }
0x6a: {  	v33 =	vld.idx.msk [tilespmem:v4+s9+$0x0], $0xffff;
	v27 =	vmul.f32 v27, v14  }
0x6b: {  	v28 =	vmul.f32 v28, v8;
	[tilespmem:v23+s7+$0x0] =	vst.idx.add.f32.msk $0xffff, v26  }
0x6c: {  	v39 =	vmul.f32 v29, v6;
	[tilespmem:v22+s7+$0x0] =	vst.idx.add.f32.msk $0xffff, v27  }
0x6d: {  	v40 =	vmul.f32 v30, v20;
	[tilespmem:v24+s7+$0x0] =	vst.idx.add.f32.msk $0xffff, v28  }
0x6e: {  	v41 =	vmul.f32 v31, v7;
	[tilespmem:v10+s7+$0x0] =	vst.idx.add.f32.msk $0xffff, v39  }
0x6f: {  	v42 =	vmul.f32 v32, v5;
	[tilespmem:v25+s7+$0x0] =	vst.idx.add.f32.msk $0xffff, v40  }
0x70: {  	v43 =	vmul.f32 v33, v3;
	[tilespmem:v19+s7+$0x0] =	vst.idx.add.f32.msk $0xffff, v41  }
0x71: {  	[tilespmem:v21+s7+$0x0] =	vst.idx.add.f32.msk $0xffff, v42  }
0x72: {  	[tilespmem:v2+s7+$0x0] =	vst.idx.add.f32.msk $0xffff, v43  }
0x73: {  	v26 =	vld.idx.msk [tilespmem:v18+s4+$0x0], $0xffff  }
0x74: {  	v27 =	vld.idx.msk [tilespmem:v16+s4+$0x0], $0xffff  }
0x75: {  	v28 =	vld.idx.msk [tilespmem:v17+s4+$0x0], $0xffff  }
0x76: {  	v44 =	vld.idx.msk [tilespmem:v15+s4+$0x0], $0xffff  }
0x77: {  	v45 =	vld.idx.msk [tilespmem:v12+s4+$0x0], $0xffff  }
0x78: {  	v46 =	vld.idx.msk [tilespmem:v9+s4+$0x0], $0xffff  }
0x79: {  	v47 =	vld.idx.msk [tilespmem:v11+s4+$0x0], $0xffff;
	v26 =	vmul.f32 v26, v13  }
0x7a: {  	v48 =	vld.idx.msk [tilespmem:v4+s4+$0x0], $0xffff;
	v27 =	vmul.f32 v27, v14  }
0x7b: {  	v28 =	vmul.f32 v28, v8;
	[tilespmem:v23+s22+$0x0] =	vst.idx.add.f32.msk $0xffff, v26  }
0x7c: {  	v49 =	vmul.f32 v44, v6;
	[tilespmem:v22+s22+$0x0] =	vst.idx.add.f32.msk $0xffff, v27  }
0x7d: {  	v50 =	vmul.f32 v45, v20;
	[tilespmem:v24+s22+$0x0] =	vst.idx.add.f32.msk $0xffff, v28  }
0x7e: {  	v51 =	vmul.f32 v46, v7;
	[tilespmem:v10+s22+$0x0] =	vst.idx.add.f32.msk $0xffff, v49  }
0x7f: {  	v52 =	vmul.f32 v47, v5;
	[tilespmem:v25+s22+$0x0] =	vst.idx.add.f32.msk $0xffff, v50  }
0x80: {  	v53 =	vmul.f32 v48, v3;
	[tilespmem:v19+s22+$0x0] =	vst.idx.add.f32.msk $0xffff, v51  }
0x81: {  	[tilespmem:v21+s22+$0x0] =	vst.idx.add.f32.msk $0xffff, v52  }
0x82: {  	[tilespmem:v2+s22+$0x0] =	vst.idx.add.f32.msk $0xffff, v53  }
0x83: {  	v26 =	vld.idx.msk [tilespmem:v18+s23+$0x0], $0xffff  }
0x84: {  	v27 =	vld.idx.msk [tilespmem:v16+s23+$0x0], $0xffff  }
0x85: {  	v28 =	vld.idx.msk [tilespmem:v17+s23+$0x0], $0xffff  }
0x86: {  	v54 =	vld.idx.msk [tilespmem:v15+s23+$0x0], $0xffff  }
0x87: {  	v55 =	vld.idx.msk [tilespmem:v12+s23+$0x0], $0xffff  }
0x88: {  	v56 =	vld.idx.msk [tilespmem:v9+s23+$0x0], $0xffff  }
0x89: {  	v57 =	vld.idx.msk [tilespmem:v11+s23+$0x0], $0xffff;
	v26 =	vmul.f32 v26, v13  }
0x8a: {  	v58 =	vld.idx.msk [tilespmem:v4+s23+$0x0], $0xffff;
	v27 =	vmul.f32 v27, v14  }
0x8b: {  	v28 =	vmul.f32 v28, v8;
	[tilespmem:v23+s24+$0x0] =	vst.idx.add.f32.msk $0xffff, v26  }
0x8c: {  	v59 =	vmul.f32 v54, v6;
	[tilespmem:v22+s24+$0x0] =	vst.idx.add.f32.msk $0xffff, v27  }
0x8d: {  	v60 =	vmul.f32 v55, v20;
	[tilespmem:v24+s24+$0x0] =	vst.idx.add.f32.msk $0xffff, v28  }
0x8e: {  	v61 =	vmul.f32 v56, v7;
	[tilespmem:v10+s24+$0x0] =	vst.idx.add.f32.msk $0xffff, v59  }
0x8f: {  	v62 =	vmul.f32 v57, v5;
	[tilespmem:v25+s24+$0x0] =	vst.idx.add.f32.msk $0xffff, v60  }
0x90: {  	v63 =	vmul.f32 v58, v3;
	[tilespmem:v19+s24+$0x0] =	vst.idx.add.f32.msk $0xffff, v61  }
0x91: {  	[tilespmem:v21+s24+$0x0] =	vst.idx.add.f32.msk $0xffff, v62  }
0x92: {  	[tilespmem:v2+s24+$0x0] =	vst.idx.add.f32.msk $0xffff, v63  }
0x93: {  	v18 =	vld.idx.msk [tilespmem:v18+s25+$0x0], $0xffff  }
0x94: {  	v16 =	vld.idx.msk [tilespmem:v16+s25+$0x0], $0xffff  }
0x95: {  	v17 =	vld.idx.msk [tilespmem:v17+s25+$0x0], $0xffff  }
0x96: {  	v15 =	vld.idx.msk [tilespmem:v15+s25+$0x0], $0xffff  }
0x97: {  	v12 =	vld.idx.msk [tilespmem:v12+s25+$0x0], $0xffff  }
0x98: {  	v9 =	vld.idx.msk [tilespmem:v9+s25+$0x0], $0xffff  }
0x99: {  	v11 =	vld.idx.msk [tilespmem:v11+s25+$0x0], $0xffff;
	v13 =	vmul.f32 v18, v13  }
0x9a: {  	v4 =	vld.idx.msk [tilespmem:v4+s25+$0x0], $0xffff;
	v14 =	vmul.f32 v16, v14  }
0x9b: {  	v8 =	vmul.f32 v17, v8;
	[tilespmem:v23+s10+$0x0] =	vst.idx.add.f32.msk $0xffff, v13  }
0x9c: {  	v6 =	vmul.f32 v15, v6;
	[tilespmem:v22+s10+$0x0] =	vst.idx.add.f32.msk $0xffff, v14  }
0x9d: {  	v12 =	vmul.f32 v12, v20;
	[tilespmem:v24+s10+$0x0] =	vst.idx.add.f32.msk $0xffff, v8  }
0x9e: {  	v7 =	vmul.f32 v9, v7;
	[tilespmem:v10+s10+$0x0] =	vst.idx.add.f32.msk $0xffff, v6  }
0x9f: {  	v5 =	vmul.f32 v11, v5;
	[tilespmem:v25+s10+$0x0] =	vst.idx.add.f32.msk $0xffff, v12  }
0xa0: {  	v3 =	vmul.f32 v4, v3;
	[tilespmem:v19+s10+$0x0] =	vst.idx.add.f32.msk $0xffff, v7  }
0xa1: {  	s15 =	simm.s32 $0x200;
	[tilespmem:v21+s10+$0x0] =	vst.idx.add.f32.msk $0xffff, v5  }
.LBB2_7:
0xa2: {  	s16 =	sshra.s32 s15, $0x2;
	p0 =	sne.s32 s15, $0x3000;
	s15 =	sadd.s32 $0x200, s15;
	[tilespmem:v2+s10+$0x0] =	vst.idx.add.f32.msk $0xffff, v3  }
0xa3: {  	v3 =	vld [tilespmem:s16+$0x18470]  }
0xa4: {  	v2 =	vld [tilespmem:s16+$0x15270]  }
0xa5: {  	v8 =	vld [tilespmem:s16+$0x13970]  }
0xa6: {  	v4 =	vld [tilespmem:s16+$0x18460]  }
0xa7: {  	v6 =	vld [tilespmem:s16+$0x18430]  }
0xa8: {  	v5 =	vld [tilespmem:s16+$0x18450]  }
0xa9: {  	v9 =	vld [tilespmem:s16+$0x18420]  }
0xaa: {  	v12 =	vld [tilespmem:s16+$0x13950]  }
0xab: {  	v7 =	vld [tilespmem:s16+$0x15230]  }
0xac: {  	v13 =	vld [tilespmem:s16+$0x13960]  }
0xad: {  	v16 =	vld [tilespmem:s16+$0x13940]  }
0xae: {  	v15 =	vld [tilespmem:s16+$0x18400]  }
0xaf: {  	v14 =	vld [tilespmem:s16+$0x18410]  }
0xb0: {  	v21 =	vld [tilespmem:s16+$0x13930]  }
0xb1: {  	v23 =	vld [tilespmem:s16+$0x13910]  }
0xb2: {  	v24 =	vld [tilespmem:s16+$0x13920]  }
0xb3: {  	v25 =	vld [tilespmem:s16+$0x13900]  }
0xb4: {  	v10 =	vld [tilespmem:s16+$0x15250]  }
0xb5: {  	v17 =	vld [tilespmem:s16+$0x18440]  }
0xb6: {  	v11 =	vld [tilespmem:s16+$0x15260]  }
0xb7: {  	v19 =	vld [tilespmem:s16+$0x15210]  }
0xb8: {  	v22 =	vld [tilespmem:s16+$0x15200]  }
0xb9: {  	v20 =	vld [tilespmem:s16+$0x15220]  }
0xba: {  	v18 =	vld [tilespmem:s16+$0x15240]  }
0xbb: {  	[tilespmem:v25+s31+$0x0] =	vst.idx.add.f32.msk $0xffff, v15  }
0xbc: {  	[tilespmem:v23+s31+$0x0] =	vst.idx.add.f32.msk $0xffff, v14  }
0xbd: {  	[tilespmem:v24+s31+$0x0] =	vst.idx.add.f32.msk $0xffff, v9  }
0xbe: {  	[tilespmem:v21+s31+$0x0] =	vst.idx.add.f32.msk $0xffff, v6  }
0xbf: {  	[tilespmem:v16+s31+$0x0] =	vst.idx.add.f32.msk $0xffff, v17  }
0xc0: {  	[tilespmem:v12+s31+$0x0] =	vst.idx.add.f32.msk $0xffff, v5  }
0xc1: {  	[tilespmem:v13+s31+$0x0] =	vst.idx.add.f32.msk $0xffff, v4  }
0xc2: {  	[tilespmem:v8+s31+$0x0] =	vst.idx.add.f32.msk $0xffff, v3  }
0xc3: {  	v26 =	vld.idx.msk [tilespmem:v25+s9+$0x0], $0xffff  }
0xc4: {  	v27 =	vld.idx.msk [tilespmem:v23+s9+$0x0], $0xffff  }
0xc5: {  	v28 =	vld.idx.msk [tilespmem:v24+s9+$0x0], $0xffff  }
0xc6: {  	v29 =	vld.idx.msk [tilespmem:v21+s9+$0x0], $0xffff  }
0xc7: {  	v30 =	vld.idx.msk [tilespmem:v16+s9+$0x0], $0xffff  }
0xc8: {  	v31 =	vld.idx.msk [tilespmem:v12+s9+$0x0], $0xffff  }
0xc9: {  	v26 =	vmul.f32 v26, v15;
	v32 =	vld.idx.msk [tilespmem:v13+s9+$0x0], $0xffff  }
0xca: {  	v27 =	vmul.f32 v27, v14;
	v33 =	vld.idx.msk [tilespmem:v8+s9+$0x0], $0xffff  }
0xcb: {  	v28 =	vmul.f32 v28, v9;
	[tilespmem:v22+s7+$0x0] =	vst.idx.add.f32.msk $0xffff, v26  }
0xcc: {  	v26 =	vmul.f32 v29, v6;
	[tilespmem:v19+s7+$0x0] =	vst.idx.add.f32.msk $0xffff, v27  }
0xcd: {  	v27 =	vmul.f32 v30, v17;
	[tilespmem:v20+s7+$0x0] =	vst.idx.add.f32.msk $0xffff, v28  }
0xce: {  	v28 =	vmul.f32 v31, v5;
	[tilespmem:v7+s7+$0x0] =	vst.idx.add.f32.msk $0xffff, v26  }
0xcf: {  	v26 =	vmul.f32 v32, v4;
	[tilespmem:v18+s7+$0x0] =	vst.idx.add.f32.msk $0xffff, v27  }
0xd0: {  	v27 =	vmul.f32 v33, v3;
	[tilespmem:v10+s7+$0x0] =	vst.idx.add.f32.msk $0xffff, v28  }
0xd1: {  	[tilespmem:v11+s7+$0x0] =	vst.idx.add.f32.msk $0xffff, v26  }
0xd2: {  	[tilespmem:v2+s7+$0x0] =	vst.idx.add.f32.msk $0xffff, v27  }
0xd3: {  	v26 =	vld.idx.msk [tilespmem:v25+s4+$0x0], $0xffff  }
0xd4: {  	v27 =	vld.idx.msk [tilespmem:v23+s4+$0x0], $0xffff  }
0xd5: {  	v28 =	vld.idx.msk [tilespmem:v24+s4+$0x0], $0xffff  }
0xd6: {  	v29 =	vld.idx.msk [tilespmem:v21+s4+$0x0], $0xffff  }
0xd7: {  	v30 =	vld.idx.msk [tilespmem:v16+s4+$0x0], $0xffff  }
0xd8: {  	v31 =	vld.idx.msk [tilespmem:v12+s4+$0x0], $0xffff  }
0xd9: {  	v26 =	vmul.f32 v26, v15;
	v32 =	vld.idx.msk [tilespmem:v13+s4+$0x0], $0xffff  }
0xda: {  	v27 =	vmul.f32 v27, v14;
	v33 =	vld.idx.msk [tilespmem:v8+s4+$0x0], $0xffff  }
0xdb: {  	v28 =	vmul.f32 v28, v9;
	[tilespmem:v22+s22+$0x0] =	vst.idx.add.f32.msk $0xffff, v26  }
0xdc: {  	v26 =	vmul.f32 v29, v6;
	[tilespmem:v19+s22+$0x0] =	vst.idx.add.f32.msk $0xffff, v27  }
0xdd: {  	v27 =	vmul.f32 v30, v17;
	[tilespmem:v20+s22+$0x0] =	vst.idx.add.f32.msk $0xffff, v28  }
0xde: {  	v28 =	vmul.f32 v31, v5;
	[tilespmem:v7+s22+$0x0] =	vst.idx.add.f32.msk $0xffff, v26  }
0xdf: {  	v26 =	vmul.f32 v32, v4;
	[tilespmem:v18+s22+$0x0] =	vst.idx.add.f32.msk $0xffff, v27  }
0xe0: {  	v27 =	vmul.f32 v33, v3;
	[tilespmem:v10+s22+$0x0] =	vst.idx.add.f32.msk $0xffff, v28  }
0xe1: {  	[tilespmem:v11+s22+$0x0] =	vst.idx.add.f32.msk $0xffff, v26  }
0xe2: {  	[tilespmem:v2+s22+$0x0] =	vst.idx.add.f32.msk $0xffff, v27  }
0xe3: {  	v26 =	vld.idx.msk [tilespmem:v25+s23+$0x0], $0xffff  }
0xe4: {  	v27 =	vld.idx.msk [tilespmem:v23+s23+$0x0], $0xffff  }
0xe5: {  	v28 =	vld.idx.msk [tilespmem:v24+s23+$0x0], $0xffff  }
0xe6: {  	v29 =	vld.idx.msk [tilespmem:v21+s23+$0x0], $0xffff  }
0xe7: {  	v30 =	vld.idx.msk [tilespmem:v16+s23+$0x0], $0xffff  }
0xe8: {  	v31 =	vld.idx.msk [tilespmem:v12+s23+$0x0], $0xffff  }
0xe9: {  	v26 =	vmul.f32 v26, v15;
	v32 =	vld.idx.msk [tilespmem:v13+s23+$0x0], $0xffff  }
0xea: {  	v27 =	vmul.f32 v27, v14;
	v33 =	vld.idx.msk [tilespmem:v8+s23+$0x0], $0xffff  }
0xeb: {  	v28 =	vmul.f32 v28, v9;
	[tilespmem:v22+s24+$0x0] =	vst.idx.add.f32.msk $0xffff, v26  }
0xec: {  	v26 =	vmul.f32 v29, v6;
	[tilespmem:v19+s24+$0x0] =	vst.idx.add.f32.msk $0xffff, v27  }
0xed: {  	v27 =	vmul.f32 v30, v17;
	[tilespmem:v20+s24+$0x0] =	vst.idx.add.f32.msk $0xffff, v28  }
0xee: {  	v28 =	vmul.f32 v31, v5;
	[tilespmem:v7+s24+$0x0] =	vst.idx.add.f32.msk $0xffff, v26  }
0xef: {  	v26 =	vmul.f32 v32, v4;
	[tilespmem:v18+s24+$0x0] =	vst.idx.add.f32.msk $0xffff, v27  }
0xf0: {  	v27 =	vmul.f32 v33, v3;
	[tilespmem:v10+s24+$0x0] =	vst.idx.add.f32.msk $0xffff, v28  }
0xf1: {  	[tilespmem:v11+s24+$0x0] =	vst.idx.add.f32.msk $0xffff, v26  }
0xf2: {  	[tilespmem:v2+s24+$0x0] =	vst.idx.add.f32.msk $0xffff, v27  }
0xf3: {  	v25 =	vld.idx.msk [tilespmem:v25+s25+$0x0], $0xffff  }
0xf4: {  	v23 =	vld.idx.msk [tilespmem:v23+s25+$0x0], $0xffff  }
0xf5: {  	v24 =	vld.idx.msk [tilespmem:v24+s25+$0x0], $0xffff  }
0xf6: {  	v21 =	vld.idx.msk [tilespmem:v21+s25+$0x0], $0xffff  }
0xf7: {  	v16 =	vld.idx.msk [tilespmem:v16+s25+$0x0], $0xffff  }
0xf8: {  	v12 =	vld.idx.msk [tilespmem:v12+s25+$0x0], $0xffff  }
0xf9: {  	v15 =	vmul.f32 v25, v15;
	v13 =	vld.idx.msk [tilespmem:v13+s25+$0x0], $0xffff  }
0xfa: {  	v14 =	vmul.f32 v23, v14;
	v8 =	vld.idx.msk [tilespmem:v8+s25+$0x0], $0xffff  }
0xfb: {  	v9 =	vmul.f32 v24, v9;
	[tilespmem:v22+s10+$0x0] =	vst.idx.add.f32.msk $0xffff, v15  }
0xfc: {  	v6 =	vmul.f32 v21, v6;
	[tilespmem:v19+s10+$0x0] =	vst.idx.add.f32.msk $0xffff, v14  }
.Ltmp2:
0xfd: {  	v14 =	vmul.f32 v16, v17;
	[tilespmem:v20+s10+$0x0] =	vst.idx.add.f32.msk $0xffff, v9;
	(pc) =	sbr.rel @p0 .LBB2_7-.Ltmp2, $4  }
0xfe: {  	v5 =	vmul.f32 v12, v5;
	[tilespmem:v7+s10+$0x0] =	vst.idx.add.f32.msk $0xffff, v6  }
0xff: {  	v4 =	vmul.f32 v13, v4;
	[tilespmem:v18+s10+$0x0] =	vst.idx.add.f32.msk $0xffff, v14  }
0x100: {  	v3 =	vmul.f32 v8, v3;
	[tilespmem:v10+s10+$0x0] =	vst.idx.add.f32.msk $0xffff, v5  }
0x101: {  	[tilespmem:v11+s10+$0x0] =	vst.idx.add.f32.msk $0xffff, v4  }
0x102: {  	p0 =	seq.s32 s14, $0x18  }
0x103: {  	s15 =	smul.u32 @!p0 $0x1900, s14;
	_ =	sdelay $0x1  }
0x104: {  	s15 =	sshrl.u32 @!p0 s15, $0x3  }
0x105: {  	s15 =	sadd.s32 @!p0 $0x320, s15  }
0x106: {  	[tilespmem:v2+s10+$0x0] =	vst.idx.add.f32.msk $0xffff, v3;
	s17 =	simm.s32 @!p0 $0x0;
	s18 =	simm.s32 @!p0 $0x18400;
	s16 =	sadd.s32 @!p0 s0, s15  }
0x107: {  	[tilespmem:s18], [sflag:$0x1] =	stream.linear.gather @!p0 [hbm4b:s16+s17], $0xC80, $0x38;
	[tilespmem:$0x1C500] =	vst v63  }
0x108: {  	s16 =	sadd.s32 @!p0 s1, s15;
	s18 =	simm.s32 @!p0 $0x13900  }
0x109: {  	[tilespmem:s18], [sflag:$0x1] =	stream.linear.gather @!p0 [hbm4b:s16+s17], $0xC80, $0x38;
	[tilespmem:$0x1C500] =	vst v63  }
0x10a: {  	s15 =	sadd.s32 @!p0 s2, s15;
	s16 =	simm.s32 @!p0 $0x15200  }
0x10b: {  	[tilespmem:s16], [sflag:$0x1] =	stream.linear.gather @!p0 [hbm4b:s15+s17], $0xC80, $0x38;
	[tilespmem:$0x1C500] =	vst v63  }
0x10c: {  	_ =	swait.ge [sflag:s11], $0xC80  }
0x10d: {  	[sflag:s11] =	ssyncset.done $0x0  }
0x10e: {  	[sflag:s11] =	ssyncadd.s32 $0xFFFFF380  }
0x10f: {  	_ =	swait.ge [sflag:s11], $0xC80  }
0x110: {  	[sflag:s11] =	ssyncset.done $0x0  }
0x111: {  	[sflag:s11] =	ssyncadd.s32 $0xFFFFF380  }
0x112: {  	_ =	swait.ge [sflag:s11], $0xC80  }
0x113: {  	[sflag:s11] =	ssyncset.done $0x0  }
0x114: {  	s18 =	simm.s32 $0x0;
	[sflag:s11] =	ssyncadd.s32 $0xFFFFF380  }
0x115: {  	v3 =	vld [tilespmem:s18+$0x190F0]  }
0x116: {  	v2 =	vld [tilespmem:s18+$0x15EF0]  }
0x117: {  	v4 =	vld [tilespmem:s18+$0x145F0]  }
0x118: {  	v5 =	vld [tilespmem:s18+$0x190E0]  }
0x119: {  	v6 =	vld [tilespmem:s18+$0x190B0]  }
0x11a: {  	v7 =	vld [tilespmem:s18+$0x190D0]  }
0x11b: {  	v8 =	vld [tilespmem:s18+$0x190A0]  }
0x11c: {  	v9 =	vld [tilespmem:s18+$0x145D0]  }
0x11d: {  	v10 =	vld [tilespmem:s18+$0x15EB0]  }
0x11e: {  	v11 =	vld [tilespmem:s18+$0x145E0]  }
0x11f: {  	v12 =	vld [tilespmem:s18+$0x145C0]  }
0x120: {  	v13 =	vld [tilespmem:s18+$0x19080]  }
0x121: {  	v14 =	vld [tilespmem:s18+$0x19090]  }
0x122: {  	v15 =	vld [tilespmem:s18+$0x145B0]  }
0x123: {  	v16 =	vld [tilespmem:s18+$0x14590]  }
0x124: {  	v17 =	vld [tilespmem:s18+$0x145A0]  }
0x125: {  	v18 =	vld [tilespmem:s18+$0x14580]  }
0x126: {  	v19 =	vld [tilespmem:s18+$0x15ED0]  }
0x127: {  	v20 =	vld [tilespmem:s18+$0x190C0]  }
0x128: {  	v21 =	vld [tilespmem:s18+$0x15EE0]  }
0x129: {  	v22 =	vld [tilespmem:s18+$0x15E90]  }
0x12a: {  	v23 =	vld [tilespmem:s18+$0x15E80]  }
0x12b: {  	v24 =	vld [tilespmem:s18+$0x15EA0]  }
0x12c: {  	v25 =	vld [tilespmem:s18+$0x15EC0]  }
0x12d: {  	[tilespmem:v18+s31+$0x0] =	vst.idx.add.f32.msk $0xffff, v13  }
0x12e: {  	[tilespmem:v16+s31+$0x0] =	vst.idx.add.f32.msk $0xffff, v14  }
0x12f: {  	[tilespmem:v17+s31+$0x0] =	vst.idx.add.f32.msk $0xffff, v8  }
0x130: {  	[tilespmem:v15+s31+$0x0] =	vst.idx.add.f32.msk $0xffff, v6  }
0x131: {  	[tilespmem:v12+s31+$0x0] =	vst.idx.add.f32.msk $0xffff, v20  }
0x132: {  	[tilespmem:v9+s31+$0x0] =	vst.idx.add.f32.msk $0xffff, v7  }
0x133: {  	[tilespmem:v11+s31+$0x0] =	vst.idx.add.f32.msk $0xffff, v5  }
0x134: {  	[tilespmem:v4+s31+$0x0] =	vst.idx.add.f32.msk $0xffff, v3  }
0x135: {  	v26 =	vld.idx.msk [tilespmem:v18+s9+$0x0], $0xffff  }
0x136: {  	v27 =	vld.idx.msk [tilespmem:v16+s9+$0x0], $0xffff  }
0x137: {  	v28 =	vld.idx.msk [tilespmem:v17+s9+$0x0], $0xffff  }
0x138: {  	v29 =	vld.idx.msk [tilespmem:v15+s9+$0x0], $0xffff  }
0x139: {  	v30 =	vld.idx.msk [tilespmem:v12+s9+$0x0], $0xffff  }
0x13a: {  	v31 =	vld.idx.msk [tilespmem:v9+s9+$0x0], $0xffff  }
0x13b: {  	v32 =	vld.idx.msk [tilespmem:v11+s9+$0x0], $0xffff;
	v26 =	vmul.f32 v26, v13  }
0x13c: {  	v33 =	vld.idx.msk [tilespmem:v4+s9+$0x0], $0xffff;
	v27 =	vmul.f32 v27, v14  }
0x13d: {  	v28 =	vmul.f32 v28, v8;
	[tilespmem:v23+s7+$0x0] =	vst.idx.add.f32.msk $0xffff, v26  }
0x13e: {  	v39 =	vmul.f32 v29, v6;
	[tilespmem:v22+s7+$0x0] =	vst.idx.add.f32.msk $0xffff, v27  }
0x13f: {  	v40 =	vmul.f32 v30, v20;
	[tilespmem:v24+s7+$0x0] =	vst.idx.add.f32.msk $0xffff, v28  }
0x140: {  	v41 =	vmul.f32 v31, v7;
	[tilespmem:v10+s7+$0x0] =	vst.idx.add.f32.msk $0xffff, v39  }
0x141: {  	v42 =	vmul.f32 v32, v5;
	[tilespmem:v25+s7+$0x0] =	vst.idx.add.f32.msk $0xffff, v40  }
0x142: {  	v43 =	vmul.f32 v33, v3;
	[tilespmem:v19+s7+$0x0] =	vst.idx.add.f32.msk $0xffff, v41  }
0x143: {  	[tilespmem:v21+s7+$0x0] =	vst.idx.add.f32.msk $0xffff, v42  }
0x144: {  	[tilespmem:v2+s7+$0x0] =	vst.idx.add.f32.msk $0xffff, v43  }
0x145: {  	v26 =	vld.idx.msk [tilespmem:v18+s4+$0x0], $0xffff  }
0x146: {  	v27 =	vld.idx.msk [tilespmem:v16+s4+$0x0], $0xffff  }
0x147: {  	v28 =	vld.idx.msk [tilespmem:v17+s4+$0x0], $0xffff  }
0x148: {  	v44 =	vld.idx.msk [tilespmem:v15+s4+$0x0], $0xffff  }
0x149: {  	v45 =	vld.idx.msk [tilespmem:v12+s4+$0x0], $0xffff  }
0x14a: {  	v46 =	vld.idx.msk [tilespmem:v9+s4+$0x0], $0xffff  }
0x14b: {  	v47 =	vld.idx.msk [tilespmem:v11+s4+$0x0], $0xffff;
	v26 =	vmul.f32 v26, v13  }
0x14c: {  	v48 =	vld.idx.msk [tilespmem:v4+s4+$0x0], $0xffff;
	v27 =	vmul.f32 v27, v14  }
0x14d: {  	v28 =	vmul.f32 v28, v8;
	[tilespmem:v23+s22+$0x0] =	vst.idx.add.f32.msk $0xffff, v26  }
0x14e: {  	v49 =	vmul.f32 v44, v6;
	[tilespmem:v22+s22+$0x0] =	vst.idx.add.f32.msk $0xffff, v27  }
0x14f: {  	v50 =	vmul.f32 v45, v20;
	[tilespmem:v24+s22+$0x0] =	vst.idx.add.f32.msk $0xffff, v28  }
0x150: {  	v51 =	vmul.f32 v46, v7;
	[tilespmem:v10+s22+$0x0] =	vst.idx.add.f32.msk $0xffff, v49  }
0x151: {  	v52 =	vmul.f32 v47, v5;
	[tilespmem:v25+s22+$0x0] =	vst.idx.add.f32.msk $0xffff, v50  }
0x152: {  	v53 =	vmul.f32 v48, v3;
	[tilespmem:v19+s22+$0x0] =	vst.idx.add.f32.msk $0xffff, v51  }
0x153: {  	[tilespmem:v21+s22+$0x0] =	vst.idx.add.f32.msk $0xffff, v52  }
0x154: {  	[tilespmem:v2+s22+$0x0] =	vst.idx.add.f32.msk $0xffff, v53  }
0x155: {  	v26 =	vld.idx.msk [tilespmem:v18+s23+$0x0], $0xffff  }
0x156: {  	v27 =	vld.idx.msk [tilespmem:v16+s23+$0x0], $0xffff  }
0x157: {  	v28 =	vld.idx.msk [tilespmem:v17+s23+$0x0], $0xffff  }
0x158: {  	v54 =	vld.idx.msk [tilespmem:v15+s23+$0x0], $0xffff  }
0x159: {  	v55 =	vld.idx.msk [tilespmem:v12+s23+$0x0], $0xffff  }
0x15a: {  	v56 =	vld.idx.msk [tilespmem:v9+s23+$0x0], $0xffff  }
0x15b: {  	v57 =	vld.idx.msk [tilespmem:v11+s23+$0x0], $0xffff;
	v26 =	vmul.f32 v26, v13  }
0x15c: {  	v58 =	vld.idx.msk [tilespmem:v4+s23+$0x0], $0xffff;
	v27 =	vmul.f32 v27, v14  }
0x15d: {  	v28 =	vmul.f32 v28, v8;
	[tilespmem:v23+s24+$0x0] =	vst.idx.add.f32.msk $0xffff, v26  }
0x15e: {  	v59 =	vmul.f32 v54, v6;
	[tilespmem:v22+s24+$0x0] =	vst.idx.add.f32.msk $0xffff, v27  }
0x15f: {  	v60 =	vmul.f32 v55, v20;
	[tilespmem:v24+s24+$0x0] =	vst.idx.add.f32.msk $0xffff, v28  }
0x160: {  	v61 =	vmul.f32 v56, v7;
	[tilespmem:v10+s24+$0x0] =	vst.idx.add.f32.msk $0xffff, v59  }
0x161: {  	v62 =	vmul.f32 v57, v5;
	[tilespmem:v25+s24+$0x0] =	vst.idx.add.f32.msk $0xffff, v60  }
0x162: {  	v63 =	vmul.f32 v58, v3;
	[tilespmem:v19+s24+$0x0] =	vst.idx.add.f32.msk $0xffff, v61  }
0x163: {  	[tilespmem:v21+s24+$0x0] =	vst.idx.add.f32.msk $0xffff, v62  }
0x164: {  	[tilespmem:v2+s24+$0x0] =	vst.idx.add.f32.msk $0xffff, v63  }
0x165: {  	v18 =	vld.idx.msk [tilespmem:v18+s25+$0x0], $0xffff  }
0x166: {  	v16 =	vld.idx.msk [tilespmem:v16+s25+$0x0], $0xffff  }
0x167: {  	v17 =	vld.idx.msk [tilespmem:v17+s25+$0x0], $0xffff  }
0x168: {  	v15 =	vld.idx.msk [tilespmem:v15+s25+$0x0], $0xffff  }
0x169: {  	v12 =	vld.idx.msk [tilespmem:v12+s25+$0x0], $0xffff  }
0x16a: {  	v9 =	vld.idx.msk [tilespmem:v9+s25+$0x0], $0xffff  }
0x16b: {  	v11 =	vld.idx.msk [tilespmem:v11+s25+$0x0], $0xffff;
	v13 =	vmul.f32 v18, v13  }
0x16c: {  	v4 =	vld.idx.msk [tilespmem:v4+s25+$0x0], $0xffff;
	v14 =	vmul.f32 v16, v14  }
0x16d: {  	v8 =	vmul.f32 v17, v8;
	[tilespmem:v23+s10+$0x0] =	vst.idx.add.f32.msk $0xffff, v13  }
0x16e: {  	v6 =	vmul.f32 v15, v6;
	[tilespmem:v22+s10+$0x0] =	vst.idx.add.f32.msk $0xffff, v14  }
0x16f: {  	v12 =	vmul.f32 v12, v20;
	[tilespmem:v24+s10+$0x0] =	vst.idx.add.f32.msk $0xffff, v8  }
0x170: {  	v7 =	vmul.f32 v9, v7;
	[tilespmem:v10+s10+$0x0] =	vst.idx.add.f32.msk $0xffff, v6  }
0x171: {  	v5 =	vmul.f32 v11, v5;
	[tilespmem:v25+s10+$0x0] =	vst.idx.add.f32.msk $0xffff, v12  }
0x172: {  	v3 =	vmul.f32 v4, v3;
	[tilespmem:v19+s10+$0x0] =	vst.idx.add.f32.msk $0xffff, v7  }
0x173: {  	s15 =	simm.s32 $0x200;
	[tilespmem:v21+s10+$0x0] =	vst.idx.add.f32.msk $0xffff, v5  }
.LBB2_9:
0x174: {  	s16 =	sshra.s32 s15, $0x2;
	p1 =	sne.s32 s15, $0x3000;
	s15 =	sadd.s32 $0x200, s15;
	[tilespmem:v2+s10+$0x0] =	vst.idx.add.f32.msk $0xffff, v3  }
0x175: {  	v3 =	vld [tilespmem:s16+$0x190F0]  }
0x176: {  	v2 =	vld [tilespmem:s16+$0x15EF0]  }
0x177: {  	v8 =	vld [tilespmem:s16+$0x145F0]  }
0x178: {  	v4 =	vld [tilespmem:s16+$0x190E0]  }
0x179: {  	v6 =	vld [tilespmem:s16+$0x190B0]  }
0x17a: {  	v5 =	vld [tilespmem:s16+$0x190D0]  }
0x17b: {  	v9 =	vld [tilespmem:s16+$0x190A0]  }
0x17c: {  	v12 =	vld [tilespmem:s16+$0x145D0]  }
0x17d: {  	v7 =	vld [tilespmem:s16+$0x15EB0]  }
0x17e: {  	v13 =	vld [tilespmem:s16+$0x145E0]  }
0x17f: {  	v16 =	vld [tilespmem:s16+$0x145C0]  }
0x180: {  	v15 =	vld [tilespmem:s16+$0x19080]  }
0x181: {  	v14 =	vld [tilespmem:s16+$0x19090]  }
0x182: {  	v21 =	vld [tilespmem:s16+$0x145B0]  }
0x183: {  	v23 =	vld [tilespmem:s16+$0x14590]  }
0x184: {  	v24 =	vld [tilespmem:s16+$0x145A0]  }
0x185: {  	v25 =	vld [tilespmem:s16+$0x14580]  }
0x186: {  	v10 =	vld [tilespmem:s16+$0x15ED0]  }
0x187: {  	v17 =	vld [tilespmem:s16+$0x190C0]  }
0x188: {  	v11 =	vld [tilespmem:s16+$0x15EE0]  }
0x189: {  	v19 =	vld [tilespmem:s16+$0x15E90]  }
0x18a: {  	v22 =	vld [tilespmem:s16+$0x15E80]  }
0x18b: {  	v20 =	vld [tilespmem:s16+$0x15EA0]  }
0x18c: {  	v18 =	vld [tilespmem:s16+$0x15EC0]  }
0x18d: {  	[tilespmem:v25+s31+$0x0] =	vst.idx.add.f32.msk $0xffff, v15  }
0x18e: {  	[tilespmem:v23+s31+$0x0] =	vst.idx.add.f32.msk $0xffff, v14  }
0x18f: {  	[tilespmem:v24+s31+$0x0] =	vst.idx.add.f32.msk $0xffff, v9  }
0x190: {  	[tilespmem:v21+s31+$0x0] =	vst.idx.add.f32.msk $0xffff, v6  }
0x191: {  	[tilespmem:v16+s31+$0x0] =	vst.idx.add.f32.msk $0xffff, v17  }
0x192: {  	[tilespmem:v12+s31+$0x0] =	vst.idx.add.f32.msk $0xffff, v5  }
0x193: {  	[tilespmem:v13+s31+$0x0] =	vst.idx.add.f32.msk $0xffff, v4  }
0x194: {  	[tilespmem:v8+s31+$0x0] =	vst.idx.add.f32.msk $0xffff, v3  }
0x195: {  	v26 =	vld.idx.msk [tilespmem:v25+s9+$0x0], $0xffff  }
0x196: {  	v27 =	vld.idx.msk [tilespmem:v23+s9+$0x0], $0xffff  }
0x197: {  	v28 =	vld.idx.msk [tilespmem:v24+s9+$0x0], $0xffff  }
0x198: {  	v29 =	vld.idx.msk [tilespmem:v21+s9+$0x0], $0xffff  }
0x199: {  	v30 =	vld.idx.msk [tilespmem:v16+s9+$0x0], $0xffff  }
0x19a: {  	v31 =	vld.idx.msk [tilespmem:v12+s9+$0x0], $0xffff  }
0x19b: {  	v26 =	vmul.f32 v26, v15;
	v32 =	vld.idx.msk [tilespmem:v13+s9+$0x0], $0xffff  }
0x19c: {  	v27 =	vmul.f32 v27, v14;
	v33 =	vld.idx.msk [tilespmem:v8+s9+$0x0], $0xffff  }
0x19d: {  	v28 =	vmul.f32 v28, v9;
	[tilespmem:v22+s7+$0x0] =	vst.idx.add.f32.msk $0xffff, v26  }
0x19e: {  	v26 =	vmul.f32 v29, v6;
	[tilespmem:v19+s7+$0x0] =	vst.idx.add.f32.msk $0xffff, v27  }
0x19f: {  	v27 =	vmul.f32 v30, v17;
	[tilespmem:v20+s7+$0x0] =	vst.idx.add.f32.msk $0xffff, v28  }
0x1a0: {  	v28 =	vmul.f32 v31, v5;
	[tilespmem:v7+s7+$0x0] =	vst.idx.add.f32.msk $0xffff, v26  }
0x1a1: {  	v26 =	vmul.f32 v32, v4;
	[tilespmem:v18+s7+$0x0] =	vst.idx.add.f32.msk $0xffff, v27  }
0x1a2: {  	v27 =	vmul.f32 v33, v3;
	[tilespmem:v10+s7+$0x0] =	vst.idx.add.f32.msk $0xffff, v28  }
0x1a3: {  	[tilespmem:v11+s7+$0x0] =	vst.idx.add.f32.msk $0xffff, v26  }
0x1a4: {  	[tilespmem:v2+s7+$0x0] =	vst.idx.add.f32.msk $0xffff, v27  }
0x1a5: {  	v26 =	vld.idx.msk [tilespmem:v25+s4+$0x0], $0xffff  }
0x1a6: {  	v27 =	vld.idx.msk [tilespmem:v23+s4+$0x0], $0xffff  }
0x1a7: {  	v28 =	vld.idx.msk [tilespmem:v24+s4+$0x0], $0xffff  }
0x1a8: {  	v29 =	vld.idx.msk [tilespmem:v21+s4+$0x0], $0xffff  }
0x1a9: {  	v30 =	vld.idx.msk [tilespmem:v16+s4+$0x0], $0xffff  }
0x1aa: {  	v31 =	vld.idx.msk [tilespmem:v12+s4+$0x0], $0xffff  }
0x1ab: {  	v26 =	vmul.f32 v26, v15;
	v32 =	vld.idx.msk [tilespmem:v13+s4+$0x0], $0xffff  }
0x1ac: {  	v27 =	vmul.f32 v27, v14;
	v33 =	vld.idx.msk [tilespmem:v8+s4+$0x0], $0xffff  }
0x1ad: {  	v28 =	vmul.f32 v28, v9;
	[tilespmem:v22+s22+$0x0] =	vst.idx.add.f32.msk $0xffff, v26  }
0x1ae: {  	v26 =	vmul.f32 v29, v6;
	[tilespmem:v19+s22+$0x0] =	vst.idx.add.f32.msk $0xffff, v27  }
0x1af: {  	v27 =	vmul.f32 v30, v17;
	[tilespmem:v20+s22+$0x0] =	vst.idx.add.f32.msk $0xffff, v28  }
0x1b0: {  	v28 =	vmul.f32 v31, v5;
	[tilespmem:v7+s22+$0x0] =	vst.idx.add.f32.msk $0xffff, v26  }
0x1b1: {  	v26 =	vmul.f32 v32, v4;
	[tilespmem:v18+s22+$0x0] =	vst.idx.add.f32.msk $0xffff, v27  }
0x1b2: {  	v27 =	vmul.f32 v33, v3;
	[tilespmem:v10+s22+$0x0] =	vst.idx.add.f32.msk $0xffff, v28  }
0x1b3: {  	[tilespmem:v11+s22+$0x0] =	vst.idx.add.f32.msk $0xffff, v26  }
0x1b4: {  	[tilespmem:v2+s22+$0x0] =	vst.idx.add.f32.msk $0xffff, v27  }
0x1b5: {  	v26 =	vld.idx.msk [tilespmem:v25+s23+$0x0], $0xffff  }
0x1b6: {  	v27 =	vld.idx.msk [tilespmem:v23+s23+$0x0], $0xffff  }
0x1b7: {  	v28 =	vld.idx.msk [tilespmem:v24+s23+$0x0], $0xffff  }
0x1b8: {  	v29 =	vld.idx.msk [tilespmem:v21+s23+$0x0], $0xffff  }
0x1b9: {  	v30 =	vld.idx.msk [tilespmem:v16+s23+$0x0], $0xffff  }
0x1ba: {  	v31 =	vld.idx.msk [tilespmem:v12+s23+$0x0], $0xffff  }
0x1bb: {  	v26 =	vmul.f32 v26, v15;
	v32 =	vld.idx.msk [tilespmem:v13+s23+$0x0], $0xffff  }
0x1bc: {  	v27 =	vmul.f32 v27, v14;
	v33 =	vld.idx.msk [tilespmem:v8+s23+$0x0], $0xffff  }
0x1bd: {  	v28 =	vmul.f32 v28, v9;
	[tilespmem:v22+s24+$0x0] =	vst.idx.add.f32.msk $0xffff, v26  }
0x1be: {  	v26 =	vmul.f32 v29, v6;
	[tilespmem:v19+s24+$0x0] =	vst.idx.add.f32.msk $0xffff, v27  }
0x1bf: {  	v27 =	vmul.f32 v30, v17;
	[tilespmem:v20+s24+$0x0] =	vst.idx.add.f32.msk $0xffff, v28  }
0x1c0: {  	v28 =	vmul.f32 v31, v5;
	[tilespmem:v7+s24+$0x0] =	vst.idx.add.f32.msk $0xffff, v26  }
0x1c1: {  	v26 =	vmul.f32 v32, v4;
	[tilespmem:v18+s24+$0x0] =	vst.idx.add.f32.msk $0xffff, v27  }
0x1c2: {  	v27 =	vmul.f32 v33, v3;
	[tilespmem:v10+s24+$0x0] =	vst.idx.add.f32.msk $0xffff, v28  }
0x1c3: {  	[tilespmem:v11+s24+$0x0] =	vst.idx.add.f32.msk $0xffff, v26  }
0x1c4: {  	[tilespmem:v2+s24+$0x0] =	vst.idx.add.f32.msk $0xffff, v27  }
0x1c5: {  	v25 =	vld.idx.msk [tilespmem:v25+s25+$0x0], $0xffff  }
0x1c6: {  	v23 =	vld.idx.msk [tilespmem:v23+s25+$0x0], $0xffff  }
0x1c7: {  	v24 =	vld.idx.msk [tilespmem:v24+s25+$0x0], $0xffff  }
0x1c8: {  	v21 =	vld.idx.msk [tilespmem:v21+s25+$0x0], $0xffff  }
0x1c9: {  	v16 =	vld.idx.msk [tilespmem:v16+s25+$0x0], $0xffff  }
0x1ca: {  	v12 =	vld.idx.msk [tilespmem:v12+s25+$0x0], $0xffff  }
0x1cb: {  	v15 =	vmul.f32 v25, v15;
	v13 =	vld.idx.msk [tilespmem:v13+s25+$0x0], $0xffff  }
0x1cc: {  	v14 =	vmul.f32 v23, v14;
	v8 =	vld.idx.msk [tilespmem:v8+s25+$0x0], $0xffff  }
0x1cd: {  	v9 =	vmul.f32 v24, v9;
	[tilespmem:v22+s10+$0x0] =	vst.idx.add.f32.msk $0xffff, v15  }
0x1ce: {  	v6 =	vmul.f32 v21, v6;
	[tilespmem:v19+s10+$0x0] =	vst.idx.add.f32.msk $0xffff, v14  }
.Ltmp3:
0x1cf: {  	v14 =	vmul.f32 v16, v17;
	[tilespmem:v20+s10+$0x0] =	vst.idx.add.f32.msk $0xffff, v9;
	(pc) =	sbr.rel @p1 .LBB2_9-.Ltmp3, $4  }
0x1d0: {  	v5 =	vmul.f32 v12, v5;
	[tilespmem:v7+s10+$0x0] =	vst.idx.add.f32.msk $0xffff, v6  }
0x1d1: {  	v4 =	vmul.f32 v13, v4;
	[tilespmem:v18+s10+$0x0] =	vst.idx.add.f32.msk $0xffff, v14  }
0x1d2: {  	v3 =	vmul.f32 v8, v3;
	[tilespmem:v10+s10+$0x0] =	vst.idx.add.f32.msk $0xffff, v5  }
0x1d3: {  	[tilespmem:v11+s10+$0x0] =	vst.idx.add.f32.msk $0xffff, v4  }
.Ltmp4:
0x1d4: {  	_ = 	snop;
	(pc) =	sbr.rel @p0 .LBB2_12-.Ltmp4, $2  }
0x1d5: {  	_ =	sdelay $0x2  }
0x1d6: {  	[tilespmem:v2+s10+$0x0] =	vst.idx.add.f32.msk $0xffff, v3  }
0x1d7: {  	s15 =	smul.u32 $0x1900, s14;
	_ =	sdelay $0x1  }
0x1d8: {  	s15 =	sshrl.u32 s15, $0x3  }
0x1d9: {  	s15 =	sadd.s32 $0x4B0, s15  }
0x1da: {  	s16 =	sadd.s32 s0, s15  }
0x1db: {  	[tilespmem:s26], [sflag:$0x2] =	stream.linear.gather [hbm4b:s16+s9], $0xC80, $0x38;
	[tilespmem:$0x1C500] =	vst v63  }
.Ltmp5:
0x1dc: {  	_ = 	snop;
	(pc) =	sbr.rel .LBB2_6-.Ltmp5, $4  }
0x1dd: {  	s18 =	sadd.s32 s1, s15  }
0x1de: {  	[tilespmem:s28], [sflag:$0x2] =	stream.linear.gather [hbm4b:s18+s9], $0xC80, $0x38;
	[tilespmem:$0x1C500] =	vst v63  }
0x1df: {  	s14 =	sadd.s32 $0x1, s14;
	s15 =	sadd.s32 s2, s15  }
0x1e0: {  	[tilespmem:s29], [sflag:$0x2] =	stream.linear.gather [hbm4b:s15+s9], $0xC80, $0x38;
	[tilespmem:$0x1C500] =	vst v63  }
.LBB2_12:
0x1e1: {  	s14 =	simm.s32 $0x0;
	s15 =	simm.s32 $0x18400  }
0x1e2: {  	[tilespmem:s15], [sflag:$0x1] =	stream.linear.gather [hbm4b:s3+s14], $0xC80, $0x38;
	[tilespmem:$0x1C500] =	vst v63  }
0x1e3: {  	s18 =	simm.s32 $0x13900  }
0x1e4: {  	[tilespmem:s18], [sflag:$0x1] =	stream.linear.gather [hbm4b:s5+s14], $0xC80, $0x38;
	[tilespmem:$0x1C500] =	vst v63  }
0x1e5: {  	s16 =	simm.s32 $0x15200  }
0x1e6: {  	[tilespmem:s16], [sflag:$0x1] =	stream.linear.gather [hbm4b:s6+s14], $0xC80, $0x38;
	[tilespmem:$0x1C500] =	vst v63  }
0x1e7: {  	s17 =	simm.s32 $0x16B00  }
0x1e8: {  	[tilespmem:s17], [sflag:$0x1] =	stream.linear.gather [hbm4b:s8+s14], $0xC80, $0x38;
	[tilespmem:$0x1C500] =	vst v63  }
0x1e9: {  	s18 =	rddreg [dreg:$0xf]  }
0x1ea: {  	[tilespmem:s26], [sflag:$0x2] =	stream.linear.gather [hbm4b:s18+s14], $0xC80, $0x38;
	[tilespmem:$0x1C500] =	vst v63  }
0x1eb: {  	s16 =	rddreg [dreg:$0x10]  }
0x1ec: {  	[tilespmem:s28], [sflag:$0x2] =	stream.linear.gather [hbm4b:s16+s14], $0xC80, $0x38;
	[tilespmem:$0x1C500] =	vst v63  }
0x1ed: {  	s17 =	rddreg [dreg:$0x11]  }
0x1ee: {  	[tilespmem:s29], [sflag:$0x2] =	stream.linear.gather [hbm4b:s17+s14], $0xC80, $0x38;
	[tilespmem:$0x1C500] =	vst v63  }
0x1ef: {  	s18 =	rddreg [dreg:$0x12]  }
0x1f0: {  	[tilespmem:s12], [sflag:$0x2] =	stream.linear.gather [hbm4b:s18+s14], $0xC80, $0x38;
	[tilespmem:$0x1C500] =	vst v63  }
.LBB2_13:
0x1f1: {  	_ =	swait.ge [sflag:s30], $0xC80  }
0x1f2: {  	[sflag:s30] =	ssyncset.done $0x0  }
0x1f3: {  	[sflag:s30] =	ssyncadd.s32 $0xFFFFF380  }
0x1f4: {  	_ =	swait.ge [sflag:s30], $0xC80  }
0x1f5: {  	[sflag:s30] =	ssyncset.done $0x0  }
0x1f6: {  	[sflag:s30] =	ssyncadd.s32 $0xFFFFF380  }
0x1f7: {  	_ =	swait.ge [sflag:s30], $0xC80  }
0x1f8: {  	[sflag:s30] =	ssyncset.done $0x0  }
0x1f9: {  	[sflag:s30] =	ssyncadd.s32 $0xFFFFF380  }
0x1fa: {  	_ =	swait.ge [sflag:s30], $0xC80  }
0x1fb: {  	[sflag:s30] =	ssyncset.done $0x0  }
0x1fc: {  	s15 =	simm.s32 $0x0;
	[sflag:s30] =	ssyncadd.s32 $0xFFFFF380  }
.LBB2_14:
0x1fd: {  	s16 =	sshra.s32 s15, $0x2  }
0x1fe: {  	v21 =	vld [tilespmem:s16+$0x13900]  }
0x1ff: {  	v22 =	vld [tilespmem:s16+$0x15200]  }
0x200: {  	v25 =	vld [tilespmem:s16+$0x16B00]  }
0x201: {  	v26 =	vld [tilespmem:s16+$0x18400]  }
0x202: {  	v18 =	vld [tilespmem:s16+$0x13910]  }
0x203: {  	v19 =	vld [tilespmem:s16+$0x15210]  }
0x204: {  	v24 =	vld [tilespmem:s16+$0x16B10]  }
0x205: {  	v27 =	vld [tilespmem:s16+$0x18410]  }
0x206: {  	v15 =	vld [tilespmem:s16+$0x13920]  }
0x207: {  	v16 =	vld [tilespmem:s16+$0x15220]  }
0x208: {  	v23 =	vld [tilespmem:s16+$0x16B20]  }
0x209: {  	v28 =	vld [tilespmem:s16+$0x18420]  }
0x20a: {  	v12 =	vld [tilespmem:s16+$0x13930]  }
0x20b: {  	v13 =	vld [tilespmem:s16+$0x15230]  }
0x20c: {  	v20 =	vld [tilespmem:s16+$0x16B30]  }
0x20d: {  	v29 =	vld [tilespmem:s16+$0x18430]  }
0x20e: {  	v8 =	vld [tilespmem:s16+$0x13940]  }
0x20f: {  	v9 =	vld [tilespmem:s16+$0x15240]  }
0x210: {  	v17 =	vld [tilespmem:s16+$0x16B40]  }
0x211: {  	v30 =	vld [tilespmem:s16+$0x18440]  }
0x212: {  	v6 =	vld [tilespmem:s16+$0x13950]  }
0x213: {  	v7 =	vld [tilespmem:s16+$0x15250]  }
0x214: {  	v14 =	vld [tilespmem:s16+$0x16B50]  }
0x215: {  	v31 =	vld [tilespmem:s16+$0x18450]  }
0x216: {  	v3 =	vld [tilespmem:s16+$0x13960]  }
0x217: {  	v4 =	vld [tilespmem:s16+$0x15260]  }
0x218: {  	v10 =	vld [tilespmem:s16+$0x16B60]  }
0x219: {  	v32 =	vld [tilespmem:s16+$0x18460]  }
0x21a: {  	v5 =	vld [tilespmem:s16+$0x13970]  }
0x21b: {  	v2 =	vld [tilespmem:s16+$0x15270]  }
0x21c: {  	v11 =	vld [tilespmem:s16+$0x16B70]  }
0x21d: {  	v33 =	vld [tilespmem:s16+$0x18470]  }
0x21e: {  	v34 =	vld.idx.msk [tilespmem:v21+s9+$0x0], $0xffff  }
0x21f: {  	v35 =	vld.idx.msk [tilespmem:v22+s9+$0x0], $0xffff  }
0x220: {  	v36 =	vld.idx.msk [tilespmem:v18+s9+$0x0], $0xffff  }
0x221: {  	v37 =	vld.idx.msk [tilespmem:v19+s9+$0x0], $0xffff  }
0x222: {  	v38 =	vld.idx.msk [tilespmem:v15+s9+$0x0], $0xffff  }
0x223: {  	v39 =	vld.idx.msk [tilespmem:v16+s9+$0x0], $0xffff  }
0x224: {  	v40 =	vld.idx.msk [tilespmem:v12+s9+$0x0], $0xffff  }
0x225: {  	v41 =	vld.idx.msk [tilespmem:v13+s9+$0x0], $0xffff  }
0x226: {  	v42 =	vld.idx.msk [tilespmem:v8+s9+$0x0], $0xffff  }
0x227: {  	v26 =	vmul.f32 v26, v1;
	v43 =	vld.idx.msk [tilespmem:v9+s9+$0x0], $0xffff  }
0x228: {  	v44 =	vld.idx.msk [tilespmem:v6+s9+$0x0], $0xffff  }
0x229: {  	v45 =	vld.idx.msk [tilespmem:v7+s9+$0x0], $0xffff;
	v34 =	vmul.f32 v34, v26  }
0x22a: {  	v27 =	vmul.f32 v27, v1;
	v46 =	vld.idx.msk [tilespmem:v3+s9+$0x0], $0xffff  }
0x22b: {  	v61 =	vld.idx.msk [tilespmem:v4+s9+$0x0], $0xffff;
	v34 =	vmul.f32 v35, v34  }
0x22c: {  	v47 =	vld.idx.msk [tilespmem:v5+s9+$0x0], $0xffff;
	v36 =	vmul.f32 v36, v27  }
0x22d: {  	v28 =	vmul.f32 v28, v1;
	v48 =	vld.idx.msk [tilespmem:v2+s9+$0x0], $0xffff;
	v49 =	vsub.f32 $0.0e+00, v34  }
0x22e: {  	v36 =	vmul.f32 v37, v36;
	[tilespmem:v25+s7+$0x0] =	vst.idx.add.f32.msk $0xffff, v34  }
0x22f: {  	v62 =	vmul.f32 v38, v28;
	[tilespmem:v21+s7+$0x0] =	vst.idx.add.f32.msk $0xffff, v49  }
0x230: {  	v29 =	vmul.f32 v29, v1;
	v37 =	vsub.f32 $0.0e+00, v36;
	[tilespmem:v22+s7+$0x0] =	vst.idx.add.f32.msk $0xffff, v49  }
0x231: {  	v34 =	vmul.f32 v39, v62;
	[tilespmem:v24+s7+$0x0] =	vst.idx.add.f32.msk $0xffff, v36  }
0x232: {  	v63 =	vmul.f32 v40, v29;
	[tilespmem:v18+s7+$0x0] =	vst.idx.add.f32.msk $0xffff, v37  }
0x233: {  	v30 =	vmul.f32 v30, v1;
	v40 =	vsub.f32 $0.0e+00, v34;
	[tilespmem:v19+s7+$0x0] =	vst.idx.add.f32.msk $0xffff, v37  }
0x234: {  	v36 =	vmul.f32 v41, v63;
	[tilespmem:v23+s7+$0x0] =	vst.idx.add.f32.msk $0xffff, v34  }
0x235: {  	v41 =	vmul.f32 v42, v30;
	[tilespmem:v15+s7+$0x0] =	vst.idx.add.f32.msk $0xffff, v40  }
0x236: {  	v31 =	vmul.f32 v31, v1;
	v42 =	vsub.f32 $0.0e+00, v36;
	[tilespmem:v16+s7+$0x0] =	vst.idx.add.f32.msk $0xffff, v40  }
0x237: {  	v34 =	vmul.f32 v43, v41;
	[tilespmem:v20+s7+$0x0] =	vst.idx.add.f32.msk $0xffff, v36  }
0x238: {  	v43 =	vmul.f32 v44, v31;
	[tilespmem:v12+s7+$0x0] =	vst.idx.add.f32.msk $0xffff, v42  }
0x239: {  	v32 =	vmul.f32 v32, v1;
	v44 =	vsub.f32 $0.0e+00, v34;
	[tilespmem:v13+s7+$0x0] =	vst.idx.add.f32.msk $0xffff, v42  }
0x23a: {  	v36 =	vmul.f32 v45, v43;
	[tilespmem:v17+s7+$0x0] =	vst.idx.add.f32.msk $0xffff, v34  }
0x23b: {  	v45 =	vmul.f32 v46, v32;
	[tilespmem:v8+s7+$0x0] =	vst.idx.add.f32.msk $0xffff, v44  }
0x23c: {  	v33 =	vmul.f32 v33, v1;
	v46 =	vsub.f32 $0.0e+00, v36;
	[tilespmem:v9+s7+$0x0] =	vst.idx.add.f32.msk $0xffff, v44  }
0x23d: {  	v34 =	vmul.f32 v61, v45;
	[tilespmem:v14+s7+$0x0] =	vst.idx.add.f32.msk $0xffff, v36  }
0x23e: {  	v49 =	vmul.f32 v47, v33;
	[tilespmem:v6+s7+$0x0] =	vst.idx.add.f32.msk $0xffff, v46  }
0x23f: {  	v50 =	vsub.f32 $0.0e+00, v34;
	[tilespmem:v7+s7+$0x0] =	vst.idx.add.f32.msk $0xffff, v46  }
0x240: {  	v35 =	vmul.f32 v48, v49;
	[tilespmem:v10+s7+$0x0] =	vst.idx.add.f32.msk $0xffff, v34  }
0x241: {  	[tilespmem:v3+s7+$0x0] =	vst.idx.add.f32.msk $0xffff, v50  }
0x242: {  	v51 =	vsub.f32 $0.0e+00, v35;
	[tilespmem:v4+s7+$0x0] =	vst.idx.add.f32.msk $0xffff, v50  }
0x243: {  	[tilespmem:v11+s7+$0x0] =	vst.idx.add.f32.msk $0xffff, v35  }
0x244: {  	[tilespmem:v5+s7+$0x0] =	vst.idx.add.f32.msk $0xffff, v51  }
0x245: {  	[tilespmem:v2+s7+$0x0] =	vst.idx.add.f32.msk $0xffff, v51  }
0x246: {  	v34 =	vld.idx.msk [tilespmem:v21+s4+$0x0], $0xffff  }
0x247: {  	v35 =	vld.idx.msk [tilespmem:v22+s4+$0x0], $0xffff  }
0x248: {  	v36 =	vld.idx.msk [tilespmem:v18+s4+$0x0], $0xffff  }
0x249: {  	v37 =	vld.idx.msk [tilespmem:v19+s4+$0x0], $0xffff  }
0x24a: {  	v38 =	vld.idx.msk [tilespmem:v15+s4+$0x0], $0xffff  }
0x24b: {  	v52 =	vld.idx.msk [tilespmem:v16+s4+$0x0], $0xffff  }
0x24c: {  	v53 =	vld.idx.msk [tilespmem:v12+s4+$0x0], $0xffff  }
0x24d: {  	v54 =	vld.idx.msk [tilespmem:v13+s4+$0x0], $0xffff  }
0x24e: {  	v55 =	vld.idx.msk [tilespmem:v8+s4+$0x0], $0xffff  }
0x24f: {  	v56 =	vld.idx.msk [tilespmem:v9+s4+$0x0], $0xffff  }
0x250: {  	v57 =	vld.idx.msk [tilespmem:v6+s4+$0x0], $0xffff  }
0x251: {  	v58 =	vld.idx.msk [tilespmem:v7+s4+$0x0], $0xffff;
	v34 =	vmul.f32 v34, v26  }
0x252: {  	v59 =	vld.idx.msk [tilespmem:v3+s4+$0x0], $0xffff  }
0x253: {  	v60 =	vld.idx.msk [tilespmem:v4+s4+$0x0], $0xffff;
	v34 =	vmul.f32 v35, v34  }
0x254: {  	v61 =	vld.idx.msk [tilespmem:v5+s4+$0x0], $0xffff;
	v36 =	vmul.f32 v36, v27  }
0x255: {  	v62 =	vld.idx.msk [tilespmem:v2+s4+$0x0], $0xffff;
	v63 =	vsub.f32 $0.0e+00, v34  }
0x256: {  	v36 =	vmul.f32 v37, v36;
	[tilespmem:v25+s22+$0x0] =	vst.idx.add.f32.msk $0xffff, v34  }
0x257: {  	v50 =	vmul.f32 v38, v28;
	[tilespmem:v21+s22+$0x0] =	vst.idx.add.f32.msk $0xffff, v63  }
0x258: {  	v37 =	vsub.f32 $0.0e+00, v36;
	[tilespmem:v22+s22+$0x0] =	vst.idx.add.f32.msk $0xffff, v63  }
0x259: {  	v34 =	vmul.f32 v52, v50;
	[tilespmem:v24+s22+$0x0] =	vst.idx.add.f32.msk $0xffff, v36  }
0x25a: {  	v51 =	vmul.f32 v53, v29;
	[tilespmem:v18+s22+$0x0] =	vst.idx.add.f32.msk $0xffff, v37  }
0x25b: {  	v52 =	vsub.f32 $0.0e+00, v34;
	[tilespmem:v19+s22+$0x0] =	vst.idx.add.f32.msk $0xffff, v37  }
0x25c: {  	v36 =	vmul.f32 v54, v51;
	[tilespmem:v23+s22+$0x0] =	vst.idx.add.f32.msk $0xffff, v34  }
0x25d: {  	v53 =	vmul.f32 v55, v30;
	[tilespmem:v15+s22+$0x0] =	vst.idx.add.f32.msk $0xffff, v52  }
0x25e: {  	v54 =	vsub.f32 $0.0e+00, v36;
	[tilespmem:v16+s22+$0x0] =	vst.idx.add.f32.msk $0xffff, v52  }
0x25f: {  	v34 =	vmul.f32 v56, v53;
	[tilespmem:v20+s22+$0x0] =	vst.idx.add.f32.msk $0xffff, v36  }
0x260: {  	v55 =	vmul.f32 v57, v31;
	[tilespmem:v12+s22+$0x0] =	vst.idx.add.f32.msk $0xffff, v54  }
0x261: {  	v56 =	vsub.f32 $0.0e+00, v34;
	[tilespmem:v13+s22+$0x0] =	vst.idx.add.f32.msk $0xffff, v54  }
0x262: {  	v36 =	vmul.f32 v58, v55;
	[tilespmem:v17+s22+$0x0] =	vst.idx.add.f32.msk $0xffff, v34  }
0x263: {  	v57 =	vmul.f32 v59, v32;
	[tilespmem:v8+s22+$0x0] =	vst.idx.add.f32.msk $0xffff, v56  }
0x264: {  	v58 =	vsub.f32 $0.0e+00, v36;
	[tilespmem:v9+s22+$0x0] =	vst.idx.add.f32.msk $0xffff, v56  }
0x265: {  	v34 =	vmul.f32 v60, v57;
	[tilespmem:v14+s22+$0x0] =	vst.idx.add.f32.msk $0xffff, v36  }
0x266: {  	v59 =	vmul.f32 v61, v33;
	[tilespmem:v6+s22+$0x0] =	vst.idx.add.f32.msk $0xffff, v58  }
0x267: {  	v60 =	vsub.f32 $0.0e+00, v34;
	[tilespmem:v7+s22+$0x0] =	vst.idx.add.f32.msk $0xffff, v58  }
0x268: {  	v35 =	vmul.f32 v62, v59;
	[tilespmem:v10+s22+$0x0] =	vst.idx.add.f32.msk $0xffff, v34  }
0x269: {  	[tilespmem:v3+s22+$0x0] =	vst.idx.add.f32.msk $0xffff, v60  }
0x26a: {  	v61 =	vsub.f32 $0.0e+00, v35;
	[tilespmem:v4+s22+$0x0] =	vst.idx.add.f32.msk $0xffff, v60  }
0x26b: {  	[tilespmem:v11+s22+$0x0] =	vst.idx.add.f32.msk $0xffff, v35  }
0x26c: {  	[tilespmem:v5+s22+$0x0] =	vst.idx.add.f32.msk $0xffff, v61  }
0x26d: {  	[tilespmem:v2+s22+$0x0] =	vst.idx.add.f32.msk $0xffff, v61  }
0x26e: {  	v34 =	vld.idx.msk [tilespmem:v21+s23+$0x0], $0xffff  }
0x26f: {  	v35 =	vld.idx.msk [tilespmem:v22+s23+$0x0], $0xffff  }
0x270: {  	v36 =	vld.idx.msk [tilespmem:v18+s23+$0x0], $0xffff  }
0x271: {  	v37 =	vld.idx.msk [tilespmem:v19+s23+$0x0], $0xffff  }
0x272: {  	v62 =	vld.idx.msk [tilespmem:v15+s23+$0x0], $0xffff  }
0x273: {  	v39 =	vld.idx.msk [tilespmem:v16+s23+$0x0], $0xffff  }
0x274: {  	v63 =	vld.idx.msk [tilespmem:v12+s23+$0x0], $0xffff  }
0x275: {  	v52 =	vld.idx.msk [tilespmem:v13+s23+$0x0], $0xffff  }
0x276: {  	v53 =	vld.idx.msk [tilespmem:v8+s23+$0x0], $0xffff  }
0x277: {  	v54 =	vld.idx.msk [tilespmem:v9+s23+$0x0], $0xffff  }
0x278: {  	v55 =	vld.idx.msk [tilespmem:v6+s23+$0x0], $0xffff  }
0x279: {  	v56 =	vld.idx.msk [tilespmem:v7+s23+$0x0], $0xffff;
	v34 =	vmul.f32 v34, v26  }
0x27a: {  	v57 =	vld.idx.msk [tilespmem:v3+s23+$0x0], $0xffff  }
0x27b: {  	v58 =	vld.idx.msk [tilespmem:v4+s23+$0x0], $0xffff;
	v34 =	vmul.f32 v35, v34  }
0x27c: {  	v59 =	vld.idx.msk [tilespmem:v5+s23+$0x0], $0xffff;
	v36 =	vmul.f32 v36, v27  }
0x27d: {  	v60 =	vld.idx.msk [tilespmem:v2+s23+$0x0], $0xffff;
	v61 =	vsub.f32 $0.0e+00, v34  }
0x27e: {  	v36 =	vmul.f32 v37, v36;
	[tilespmem:v25+s24+$0x0] =	vst.idx.add.f32.msk $0xffff, v34  }
0x27f: {  	v62 =	vmul.f32 v62, v28;
	[tilespmem:v21+s24+$0x0] =	vst.idx.add.f32.msk $0xffff, v61  }
0x280: {  	v37 =	vsub.f32 $0.0e+00, v36;
	[tilespmem:v22+s24+$0x0] =	vst.idx.add.f32.msk $0xffff, v61  }
0x281: {  	v34 =	vmul.f32 v39, v62;
	[tilespmem:v24+s24+$0x0] =	vst.idx.add.f32.msk $0xffff, v36  }
0x282: {  	v63 =	vmul.f32 v63, v29;
	[tilespmem:v18+s24+$0x0] =	vst.idx.add.f32.msk $0xffff, v37  }
0x283: {  	v40 =	vsub.f32 $0.0e+00, v34;
	[tilespmem:v19+s24+$0x0] =	vst.idx.add.f32.msk $0xffff, v37  }
0x284: {  	v36 =	vmul.f32 v52, v63;
	[tilespmem:v23+s24+$0x0] =	vst.idx.add.f32.msk $0xffff, v34  }
0x285: {  	v41 =	vmul.f32 v53, v30;
	[tilespmem:v15+s24+$0x0] =	vst.idx.add.f32.msk $0xffff, v40  }
0x286: {  	v42 =	vsub.f32 $0.0e+00, v36;
	[tilespmem:v16+s24+$0x0] =	vst.idx.add.f32.msk $0xffff, v40  }
0x287: {  	v34 =	vmul.f32 v54, v41;
	[tilespmem:v20+s24+$0x0] =	vst.idx.add.f32.msk $0xffff, v36  }
0x288: {  	v43 =	vmul.f32 v55, v31;
	[tilespmem:v12+s24+$0x0] =	vst.idx.add.f32.msk $0xffff, v42  }
0x289: {  	v44 =	vsub.f32 $0.0e+00, v34;
	[tilespmem:v13+s24+$0x0] =	vst.idx.add.f32.msk $0xffff, v42  }
0x28a: {  	v36 =	vmul.f32 v56, v43;
	[tilespmem:v17+s24+$0x0] =	vst.idx.add.f32.msk $0xffff, v34  }
0x28b: {  	v45 =	vmul.f32 v57, v32;
	[tilespmem:v8+s24+$0x0] =	vst.idx.add.f32.msk $0xffff, v44  }
0x28c: {  	v46 =	vsub.f32 $0.0e+00, v36;
	[tilespmem:v9+s24+$0x0] =	vst.idx.add.f32.msk $0xffff, v44  }
0x28d: {  	v34 =	vmul.f32 v58, v45;
	[tilespmem:v14+s24+$0x0] =	vst.idx.add.f32.msk $0xffff, v36  }
0x28e: {  	v49 =	vmul.f32 v59, v33;
	[tilespmem:v6+s24+$0x0] =	vst.idx.add.f32.msk $0xffff, v46  }
0x28f: {  	v50 =	vsub.f32 $0.0e+00, v34;
	[tilespmem:v7+s24+$0x0] =	vst.idx.add.f32.msk $0xffff, v46  }
0x290: {  	v35 =	vmul.f32 v60, v49;
	[tilespmem:v10+s24+$0x0] =	vst.idx.add.f32.msk $0xffff, v34  }
0x291: {  	[tilespmem:v3+s24+$0x0] =	vst.idx.add.f32.msk $0xffff, v50  }
0x292: {  	v51 =	vsub.f32 $0.0e+00, v35;
	[tilespmem:v4+s24+$0x0] =	vst.idx.add.f32.msk $0xffff, v50  }
0x293: {  	[tilespmem:v11+s24+$0x0] =	vst.idx.add.f32.msk $0xffff, v35  }
0x294: {  	[tilespmem:v5+s24+$0x0] =	vst.idx.add.f32.msk $0xffff, v51  }
0x295: {  	[tilespmem:v2+s24+$0x0] =	vst.idx.add.f32.msk $0xffff, v51  }
0x296: {  	v34 =	vld.idx.msk [tilespmem:v21+s25+$0x0], $0xffff  }
0x297: {  	v35 =	vld.idx.msk [tilespmem:v22+s25+$0x0], $0xffff  }
0x298: {  	v36 =	vld.idx.msk [tilespmem:v18+s25+$0x0], $0xffff  }
0x299: {  	v37 =	vld.idx.msk [tilespmem:v19+s25+$0x0], $0xffff  }
0x29a: {  	v52 =	vld.idx.msk [tilespmem:v15+s25+$0x0], $0xffff  }
0x29b: {  	v53 =	vld.idx.msk [tilespmem:v16+s25+$0x0], $0xffff  }
0x29c: {  	v54 =	vld.idx.msk [tilespmem:v12+s25+$0x0], $0xffff  }
0x29d: {  	v55 =	vld.idx.msk [tilespmem:v13+s25+$0x0], $0xffff  }
0x29e: {  	v56 =	vld.idx.msk [tilespmem:v8+s25+$0x0], $0xffff  }
0x29f: {  	v57 =	vld.idx.msk [tilespmem:v9+s25+$0x0], $0xffff  }
0x2a0: {  	v58 =	vld.idx.msk [tilespmem:v6+s25+$0x0], $0xffff  }
0x2a1: {  	v59 =	vld.idx.msk [tilespmem:v7+s25+$0x0], $0xffff;
	v26 =	vmul.f32 v34, v26  }
0x2a2: {  	v60 =	vld.idx.msk [tilespmem:v3+s25+$0x0], $0xffff  }
0x2a3: {  	v61 =	vld.idx.msk [tilespmem:v4+s25+$0x0], $0xffff;
	v26 =	vmul.f32 v35, v26  }
0x2a4: {  	v62 =	vld.idx.msk [tilespmem:v5+s25+$0x0], $0xffff;
	v27 =	vmul.f32 v36, v27  }
0x2a5: {  	v46 =	vld.idx.msk [tilespmem:v2+s25+$0x0], $0xffff;
	v63 =	vsub.f32 $0.0e+00, v26  }
0x2a6: {  	v37 =	vmul.f32 v37, v27;
	[tilespmem:v25+s10+$0x0] =	vst.idx.add.f32.msk $0xffff, v26  }
0x2a7: {  	v38 =	vmul.f32 v52, v28;
	[tilespmem:v21+s10+$0x0] =	vst.idx.add.f32.msk $0xffff, v63  }
0x2a8: {  	v47 =	vsub.f32 $0.0e+00, v37;
	[tilespmem:v22+s10+$0x0] =	vst.idx.add.f32.msk $0xffff, v63  }
0x2a9: {  	v48 =	vmul.f32 v53, v38;
	[tilespmem:v24+s10+$0x0] =	vst.idx.add.f32.msk $0xffff, v37  }
0x2aa: {  	v49 =	vmul.f32 v54, v29;
	[tilespmem:v18+s10+$0x0] =	vst.idx.add.f32.msk $0xffff, v47  }
0x2ab: {  	v50 =	vsub.f32 $0.0e+00, v48;
	[tilespmem:v19+s10+$0x0] =	vst.idx.add.f32.msk $0xffff, v47  }
0x2ac: {  	v51 =	vmul.f32 v55, v49;
	[tilespmem:v23+s10+$0x0] =	vst.idx.add.f32.msk $0xffff, v48  }
0x2ad: {  	v52 =	vmul.f32 v56, v30;
	[tilespmem:v15+s10+$0x0] =	vst.idx.add.f32.msk $0xffff, v50  }
0x2ae: {  	v53 =	vsub.f32 $0.0e+00, v51;
	[tilespmem:v16+s10+$0x0] =	vst.idx.add.f32.msk $0xffff, v50  }
0x2af: {  	v54 =	vmul.f32 v57, v52;
	[tilespmem:v20+s10+$0x0] =	vst.idx.add.f32.msk $0xffff, v51  }
0x2b0: {  	v55 =	vmul.f32 v58, v31;
	[tilespmem:v12+s10+$0x0] =	vst.idx.add.f32.msk $0xffff, v53  }
0x2b1: {  	v56 =	vsub.f32 $0.0e+00, v54;
	[tilespmem:v13+s10+$0x0] =	vst.idx.add.f32.msk $0xffff, v53  }
0x2b2: {  	v57 =	vmul.f32 v59, v55;
	[tilespmem:v17+s10+$0x0] =	vst.idx.add.f32.msk $0xffff, v54  }
0x2b3: {  	v58 =	vmul.f32 v60, v32;
	[tilespmem:v8+s10+$0x0] =	vst.idx.add.f32.msk $0xffff, v56  }
0x2b4: {  	v59 =	vsub.f32 $0.0e+00, v57;
	[tilespmem:v9+s10+$0x0] =	vst.idx.add.f32.msk $0xffff, v56  }
0x2b5: {  	v60 =	vmul.f32 v61, v58;
	[tilespmem:v14+s10+$0x0] =	vst.idx.add.f32.msk $0xffff, v57  }
0x2b6: {  	v61 =	vmul.f32 v62, v33;
	[tilespmem:v6+s10+$0x0] =	vst.idx.add.f32.msk $0xffff, v59  }
0x2b7: {  	v62 =	vsub.f32 $0.0e+00, v60;
	[tilespmem:v7+s10+$0x0] =	vst.idx.add.f32.msk $0xffff, v59  }
0x2b8: {  	p0 =	sne.s32 s15, $0x3000;
	v63 =	vmul.f32 v46, v61;
	[tilespmem:v10+s10+$0x0] =	vst.idx.add.f32.msk $0xffff, v60  }
.Ltmp6:
0x2b9: {  	[tilespmem:v3+s10+$0x0] =	vst.idx.add.f32.msk $0xffff, v62;
	(pc) =	sbr.rel @p0 .LBB2_14-.Ltmp6, $4  }
0x2ba: {  	v3 =	vsub.f32 $0.0e+00, v63;
	[tilespmem:v4+s10+$0x0] =	vst.idx.add.f32.msk $0xffff, v62  }
0x2bb: {  	[tilespmem:v11+s10+$0x0] =	vst.idx.add.f32.msk $0xffff, v63  }
0x2bc: {  	[tilespmem:v5+s10+$0x0] =	vst.idx.add.f32.msk $0xffff, v3  }
0x2bd: {  	s15 =	sadd.s32 $0x200, s15;
	[tilespmem:v2+s10+$0x0] =	vst.idx.add.f32.msk $0xffff, v3  }
0x2be: {  	p0 =	seq.s32 s14, $0x31  }
0x2bf: {  	s15 =	smul.u32 @!p0 $0x1900, s14;
	_ =	sdelay $0x1  }
0x2c0: {  	s15 =	sshrl.u32 @!p0 s15, $0x3  }
0x2c1: {  	s15 =	sadd.s32 @!p0 $0x320, s15  }
0x2c2: {  	s17 =	simm.s32 @!p0 $0x0;
	s18 =	simm.s32 @!p0 $0x18400;
	s16 =	sadd.s32 @!p0 s3, s15  }
0x2c3: {  	[tilespmem:s18], [sflag:$0x1] =	stream.linear.gather @!p0 [hbm4b:s16+s17], $0xC80, $0x38;
	[tilespmem:$0x1C500] =	vst v63  }
0x2c4: {  	s16 =	sadd.s32 @!p0 s5, s15;
	s18 =	simm.s32 @!p0 $0x13900  }
0x2c5: {  	[tilespmem:s18], [sflag:$0x1] =	stream.linear.gather @!p0 [hbm4b:s16+s17], $0xC80, $0x38;
	[tilespmem:$0x1C500] =	vst v63  }
0x2c6: {  	s16 =	sadd.s32 @!p0 s6, s15;
	s18 =	simm.s32 @!p0 $0x15200  }
0x2c7: {  	[tilespmem:s18], [sflag:$0x1] =	stream.linear.gather @!p0 [hbm4b:s16+s17], $0xC80, $0x38;
	[tilespmem:$0x1C500] =	vst v63  }
0x2c8: {  	s15 =	sadd.s32 @!p0 s8, s15;
	s16 =	simm.s32 @!p0 $0x16B00  }
0x2c9: {  	[tilespmem:s16], [sflag:$0x1] =	stream.linear.gather @!p0 [hbm4b:s15+s17], $0xC80, $0x38;
	[tilespmem:$0x1C500] =	vst v63  }
0x2ca: {  	_ =	swait.ge [sflag:s11], $0xC80  }
0x2cb: {  	[sflag:s11] =	ssyncset.done $0x0  }
0x2cc: {  	[sflag:s11] =	ssyncadd.s32 $0xFFFFF380  }
0x2cd: {  	_ =	swait.ge [sflag:s11], $0xC80  }
0x2ce: {  	[sflag:s11] =	ssyncset.done $0x0  }
0x2cf: {  	[sflag:s11] =	ssyncadd.s32 $0xFFFFF380  }
0x2d0: {  	_ =	swait.ge [sflag:s11], $0xC80  }
0x2d1: {  	[sflag:s11] =	ssyncset.done $0x0  }
0x2d2: {  	[sflag:s11] =	ssyncadd.s32 $0xFFFFF380  }
0x2d3: {  	_ =	swait.ge [sflag:s11], $0xC80  }
0x2d4: {  	[sflag:s11] =	ssyncset.done $0x0  }
0x2d5: {  	s15 =	simm.s32 $0x0;
	[sflag:s11] =	ssyncadd.s32 $0xFFFFF380  }
.LBB2_16:
0x2d6: {  	s16 =	sshra.s32 s15, $0x2  }
0x2d7: {  	v21 =	vld [tilespmem:s16+$0x14580]  }
0x2d8: {  	v22 =	vld [tilespmem:s16+$0x15E80]  }
0x2d9: {  	v25 =	vld [tilespmem:s16+$0x17780]  }
0x2da: {  	v26 =	vld [tilespmem:s16+$0x19080]  }
0x2db: {  	v18 =	vld [tilespmem:s16+$0x14590]  }
0x2dc: {  	v19 =	vld [tilespmem:s16+$0x15E90]  }
0x2dd: {  	v24 =	vld [tilespmem:s16+$0x17790]  }
0x2de: {  	v27 =	vld [tilespmem:s16+$0x19090]  }
0x2df: {  	v15 =	vld [tilespmem:s16+$0x145A0]  }
0x2e0: {  	v16 =	vld [tilespmem:s16+$0x15EA0]  }
0x2e1: {  	v23 =	vld [tilespmem:s16+$0x177A0]  }
0x2e2: {  	v28 =	vld [tilespmem:s16+$0x190A0]  }
0x2e3: {  	v12 =	vld [tilespmem:s16+$0x145B0]  }
0x2e4: {  	v13 =	vld [tilespmem:s16+$0x15EB0]  }
0x2e5: {  	v20 =	vld [tilespmem:s16+$0x177B0]  }
0x2e6: {  	v29 =	vld [tilespmem:s16+$0x190B0]  }
0x2e7: {  	v8 =	vld [tilespmem:s16+$0x145C0]  }
0x2e8: {  	v9 =	vld [tilespmem:s16+$0x15EC0]  }
0x2e9: {  	v17 =	vld [tilespmem:s16+$0x177C0]  }
0x2ea: {  	v30 =	vld [tilespmem:s16+$0x190C0]  }
0x2eb: {  	v6 =	vld [tilespmem:s16+$0x145D0]  }
0x2ec: {  	v7 =	vld [tilespmem:s16+$0x15ED0]  }
0x2ed: {  	v14 =	vld [tilespmem:s16+$0x177D0]  }
0x2ee: {  	v31 =	vld [tilespmem:s16+$0x190D0]  }
0x2ef: {  	v3 =	vld [tilespmem:s16+$0x145E0]  }
0x2f0: {  	v4 =	vld [tilespmem:s16+$0x15EE0]  }
0x2f1: {  	v10 =	vld [tilespmem:s16+$0x177E0]  }
0x2f2: {  	v32 =	vld [tilespmem:s16+$0x190E0]  }
0x2f3: {  	v5 =	vld [tilespmem:s16+$0x145F0]  }
0x2f4: {  	v2 =	vld [tilespmem:s16+$0x15EF0]  }
0x2f5: {  	v11 =	vld [tilespmem:s16+$0x177F0]  }
0x2f6: {  	v33 =	vld [tilespmem:s16+$0x190F0]  }
0x2f7: {  	v34 =	vld.idx.msk [tilespmem:v21+s9+$0x0], $0xffff  }
0x2f8: {  	v35 =	vld.idx.msk [tilespmem:v22+s9+$0x0], $0xffff  }
0x2f9: {  	v36 =	vld.idx.msk [tilespmem:v18+s9+$0x0], $0xffff  }
0x2fa: {  	v37 =	vld.idx.msk [tilespmem:v19+s9+$0x0], $0xffff  }
0x2fb: {  	v38 =	vld.idx.msk [tilespmem:v15+s9+$0x0], $0xffff  }
0x2fc: {  	v39 =	vld.idx.msk [tilespmem:v16+s9+$0x0], $0xffff  }
0x2fd: {  	v40 =	vld.idx.msk [tilespmem:v12+s9+$0x0], $0xffff  }
0x2fe: {  	v41 =	vld.idx.msk [tilespmem:v13+s9+$0x0], $0xffff  }
0x2ff: {  	v42 =	vld.idx.msk [tilespmem:v8+s9+$0x0], $0xffff  }
0x300: {  	v26 =	vmul.f32 v26, v1;
	v43 =	vld.idx.msk [tilespmem:v9+s9+$0x0], $0xffff  }
0x301: {  	v44 =	vld.idx.msk [tilespmem:v6+s9+$0x0], $0xffff  }
0x302: {  	v45 =	vld.idx.msk [tilespmem:v7+s9+$0x0], $0xffff;
	v34 =	vmul.f32 v34, v26  }
0x303: {  	v27 =	vmul.f32 v27, v1;
	v46 =	vld.idx.msk [tilespmem:v3+s9+$0x0], $0xffff  }
0x304: {  	v61 =	vld.idx.msk [tilespmem:v4+s9+$0x0], $0xffff;
	v34 =	vmul.f32 v35, v34  }
0x305: {  	v47 =	vld.idx.msk [tilespmem:v5+s9+$0x0], $0xffff;
	v36 =	vmul.f32 v36, v27  }
0x306: {  	v28 =	vmul.f32 v28, v1;
	v48 =	vld.idx.msk [tilespmem:v2+s9+$0x0], $0xffff;
	v49 =	vsub.f32 $0.0e+00, v34  }
0x307: {  	v36 =	vmul.f32 v37, v36;
	[tilespmem:v25+s7+$0x0] =	vst.idx.add.f32.msk $0xffff, v34  }
0x308: {  	v62 =	vmul.f32 v38, v28;
	[tilespmem:v21+s7+$0x0] =	vst.idx.add.f32.msk $0xffff, v49  }
0x309: {  	v29 =	vmul.f32 v29, v1;
	v37 =	vsub.f32 $0.0e+00, v36;
	[tilespmem:v22+s7+$0x0] =	vst.idx.add.f32.msk $0xffff, v49  }
0x30a: {  	v34 =	vmul.f32 v39, v62;
	[tilespmem:v24+s7+$0x0] =	vst.idx.add.f32.msk $0xffff, v36  }
0x30b: {  	v63 =	vmul.f32 v40, v29;
	[tilespmem:v18+s7+$0x0] =	vst.idx.add.f32.msk $0xffff, v37  }
0x30c: {  	v30 =	vmul.f32 v30, v1;
	v40 =	vsub.f32 $0.0e+00, v34;
	[tilespmem:v19+s7+$0x0] =	vst.idx.add.f32.msk $0xffff, v37  }
0x30d: {  	v36 =	vmul.f32 v41, v63;
	[tilespmem:v23+s7+$0x0] =	vst.idx.add.f32.msk $0xffff, v34  }
0x30e: {  	v41 =	vmul.f32 v42, v30;
	[tilespmem:v15+s7+$0x0] =	vst.idx.add.f32.msk $0xffff, v40  }
0x30f: {  	v31 =	vmul.f32 v31, v1;
	v42 =	vsub.f32 $0.0e+00, v36;
	[tilespmem:v16+s7+$0x0] =	vst.idx.add.f32.msk $0xffff, v40  }
0x310: {  	v34 =	vmul.f32 v43, v41;
	[tilespmem:v20+s7+$0x0] =	vst.idx.add.f32.msk $0xffff, v36  }
0x311: {  	v43 =	vmul.f32 v44, v31;
	[tilespmem:v12+s7+$0x0] =	vst.idx.add.f32.msk $0xffff, v42  }
0x312: {  	v32 =	vmul.f32 v32, v1;
	v44 =	vsub.f32 $0.0e+00, v34;
	[tilespmem:v13+s7+$0x0] =	vst.idx.add.f32.msk $0xffff, v42  }
0x313: {  	v36 =	vmul.f32 v45, v43;
	[tilespmem:v17+s7+$0x0] =	vst.idx.add.f32.msk $0xffff, v34  }
0x314: {  	v45 =	vmul.f32 v46, v32;
	[tilespmem:v8+s7+$0x0] =	vst.idx.add.f32.msk $0xffff, v44  }
0x315: {  	v33 =	vmul.f32 v33, v1;
	v46 =	vsub.f32 $0.0e+00, v36;
	[tilespmem:v9+s7+$0x0] =	vst.idx.add.f32.msk $0xffff, v44  }
0x316: {  	v34 =	vmul.f32 v61, v45;
	[tilespmem:v14+s7+$0x0] =	vst.idx.add.f32.msk $0xffff, v36  }
0x317: {  	v49 =	vmul.f32 v47, v33;
	[tilespmem:v6+s7+$0x0] =	vst.idx.add.f32.msk $0xffff, v46  }
0x318: {  	v50 =	vsub.f32 $0.0e+00, v34;
	[tilespmem:v7+s7+$0x0] =	vst.idx.add.f32.msk $0xffff, v46  }
0x319: {  	v35 =	vmul.f32 v48, v49;
	[tilespmem:v10+s7+$0x0] =	vst.idx.add.f32.msk $0xffff, v34  }
0x31a: {  	[tilespmem:v3+s7+$0x0] =	vst.idx.add.f32.msk $0xffff, v50  }
0x31b: {  	v51 =	vsub.f32 $0.0e+00, v35;
	[tilespmem:v4+s7+$0x0] =	vst.idx.add.f32.msk $0xffff, v50  }
0x31c: {  	[tilespmem:v11+s7+$0x0] =	vst.idx.add.f32.msk $0xffff, v35  }
0x31d: {  	[tilespmem:v5+s7+$0x0] =	vst.idx.add.f32.msk $0xffff, v51  }
0x31e: {  	[tilespmem:v2+s7+$0x0] =	vst.idx.add.f32.msk $0xffff, v51  }
0x31f: {  	v34 =	vld.idx.msk [tilespmem:v21+s4+$0x0], $0xffff  }
0x320: {  	v35 =	vld.idx.msk [tilespmem:v22+s4+$0x0], $0xffff  }
0x321: {  	v36 =	vld.idx.msk [tilespmem:v18+s4+$0x0], $0xffff  }
0x322: {  	v37 =	vld.idx.msk [tilespmem:v19+s4+$0x0], $0xffff  }
0x323: {  	v38 =	vld.idx.msk [tilespmem:v15+s4+$0x0], $0xffff  }
0x324: {  	v52 =	vld.idx.msk [tilespmem:v16+s4+$0x0], $0xffff  }
0x325: {  	v53 =	vld.idx.msk [tilespmem:v12+s4+$0x0], $0xffff  }
0x326: {  	v54 =	vld.idx.msk [tilespmem:v13+s4+$0x0], $0xffff  }
0x327: {  	v55 =	vld.idx.msk [tilespmem:v8+s4+$0x0], $0xffff  }
0x328: {  	v56 =	vld.idx.msk [tilespmem:v9+s4+$0x0], $0xffff  }
0x329: {  	v57 =	vld.idx.msk [tilespmem:v6+s4+$0x0], $0xffff  }
0x32a: {  	v58 =	vld.idx.msk [tilespmem:v7+s4+$0x0], $0xffff;
	v34 =	vmul.f32 v34, v26  }
0x32b: {  	v59 =	vld.idx.msk [tilespmem:v3+s4+$0x0], $0xffff  }
0x32c: {  	v60 =	vld.idx.msk [tilespmem:v4+s4+$0x0], $0xffff;
	v34 =	vmul.f32 v35, v34  }
0x32d: {  	v61 =	vld.idx.msk [tilespmem:v5+s4+$0x0], $0xffff;
	v36 =	vmul.f32 v36, v27  }
0x32e: {  	v62 =	vld.idx.msk [tilespmem:v2+s4+$0x0], $0xffff;
	v63 =	vsub.f32 $0.0e+00, v34  }
0x32f: {  	v36 =	vmul.f32 v37, v36;
	[tilespmem:v25+s22+$0x0] =	vst.idx.add.f32.msk $0xffff, v34  }
0x330: {  	v50 =	vmul.f32 v38, v28;
	[tilespmem:v21+s22+$0x0] =	vst.idx.add.f32.msk $0xffff, v63  }
0x331: {  	v37 =	vsub.f32 $0.0e+00, v36;
	[tilespmem:v22+s22+$0x0] =	vst.idx.add.f32.msk $0xffff, v63  }
0x332: {  	v34 =	vmul.f32 v52, v50;
	[tilespmem:v24+s22+$0x0] =	vst.idx.add.f32.msk $0xffff, v36  }
0x333: {  	v51 =	vmul.f32 v53, v29;
	[tilespmem:v18+s22+$0x0] =	vst.idx.add.f32.msk $0xffff, v37  }
0x334: {  	v52 =	vsub.f32 $0.0e+00, v34;
	[tilespmem:v19+s22+$0x0] =	vst.idx.add.f32.msk $0xffff, v37  }
0x335: {  	v36 =	vmul.f32 v54, v51;
	[tilespmem:v23+s22+$0x0] =	vst.idx.add.f32.msk $0xffff, v34  }
0x336: {  	v53 =	vmul.f32 v55, v30;
	[tilespmem:v15+s22+$0x0] =	vst.idx.add.f32.msk $0xffff, v52  }
0x337: {  	v54 =	vsub.f32 $0.0e+00, v36;
	[tilespmem:v16+s22+$0x0] =	vst.idx.add.f32.msk $0xffff, v52  }
0x338: {  	v34 =	vmul.f32 v56, v53;
	[tilespmem:v20+s22+$0x0] =	vst.idx.add.f32.msk $0xffff, v36  }
0x339: {  	v55 =	vmul.f32 v57, v31;
	[tilespmem:v12+s22+$0x0] =	vst.idx.add.f32.msk $0xffff, v54  }
0x33a: {  	v56 =	vsub.f32 $0.0e+00, v34;
	[tilespmem:v13+s22+$0x0] =	vst.idx.add.f32.msk $0xffff, v54  }
0x33b: {  	v36 =	vmul.f32 v58, v55;
	[tilespmem:v17+s22+$0x0] =	vst.idx.add.f32.msk $0xffff, v34  }
0x33c: {  	v57 =	vmul.f32 v59, v32;
	[tilespmem:v8+s22+$0x0] =	vst.idx.add.f32.msk $0xffff, v56  }
0x33d: {  	v58 =	vsub.f32 $0.0e+00, v36;
	[tilespmem:v9+s22+$0x0] =	vst.idx.add.f32.msk $0xffff, v56  }
0x33e: {  	v34 =	vmul.f32 v60, v57;
	[tilespmem:v14+s22+$0x0] =	vst.idx.add.f32.msk $0xffff, v36  }
0x33f: {  	v59 =	vmul.f32 v61, v33;
	[tilespmem:v6+s22+$0x0] =	vst.idx.add.f32.msk $0xffff, v58  }
0x340: {  	v60 =	vsub.f32 $0.0e+00, v34;
	[tilespmem:v7+s22+$0x0] =	vst.idx.add.f32.msk $0xffff, v58  }
0x341: {  	v35 =	vmul.f32 v62, v59;
	[tilespmem:v10+s22+$0x0] =	vst.idx.add.f32.msk $0xffff, v34  }
0x342: {  	[tilespmem:v3+s22+$0x0] =	vst.idx.add.f32.msk $0xffff, v60  }
0x343: {  	v61 =	vsub.f32 $0.0e+00, v35;
	[tilespmem:v4+s22+$0x0] =	vst.idx.add.f32.msk $0xffff, v60  }
0x344: {  	[tilespmem:v11+s22+$0x0] =	vst.idx.add.f32.msk $0xffff, v35  }
0x345: {  	[tilespmem:v5+s22+$0x0] =	vst.idx.add.f32.msk $0xffff, v61  }
0x346: {  	[tilespmem:v2+s22+$0x0] =	vst.idx.add.f32.msk $0xffff, v61  }
0x347: {  	v34 =	vld.idx.msk [tilespmem:v21+s23+$0x0], $0xffff  }
0x348: {  	v35 =	vld.idx.msk [tilespmem:v22+s23+$0x0], $0xffff  }
0x349: {  	v36 =	vld.idx.msk [tilespmem:v18+s23+$0x0], $0xffff  }
0x34a: {  	v37 =	vld.idx.msk [tilespmem:v19+s23+$0x0], $0xffff  }
0x34b: {  	v62 =	vld.idx.msk [tilespmem:v15+s23+$0x0], $0xffff  }
0x34c: {  	v39 =	vld.idx.msk [tilespmem:v16+s23+$0x0], $0xffff  }
0x34d: {  	v63 =	vld.idx.msk [tilespmem:v12+s23+$0x0], $0xffff  }
0x34e: {  	v52 =	vld.idx.msk [tilespmem:v13+s23+$0x0], $0xffff  }
0x34f: {  	v53 =	vld.idx.msk [tilespmem:v8+s23+$0x0], $0xffff  }
0x350: {  	v54 =	vld.idx.msk [tilespmem:v9+s23+$0x0], $0xffff  }
0x351: {  	v55 =	vld.idx.msk [tilespmem:v6+s23+$0x0], $0xffff  }
0x352: {  	v56 =	vld.idx.msk [tilespmem:v7+s23+$0x0], $0xffff;
	v34 =	vmul.f32 v34, v26  }
0x353: {  	v57 =	vld.idx.msk [tilespmem:v3+s23+$0x0], $0xffff  }
0x354: {  	v58 =	vld.idx.msk [tilespmem:v4+s23+$0x0], $0xffff;
	v34 =	vmul.f32 v35, v34  }
0x355: {  	v59 =	vld.idx.msk [tilespmem:v5+s23+$0x0], $0xffff;
	v36 =	vmul.f32 v36, v27  }
0x356: {  	v60 =	vld.idx.msk [tilespmem:v2+s23+$0x0], $0xffff;
	v61 =	vsub.f32 $0.0e+00, v34  }
0x357: {  	v36 =	vmul.f32 v37, v36;
	[tilespmem:v25+s24+$0x0] =	vst.idx.add.f32.msk $0xffff, v34  }
0x358: {  	v62 =	vmul.f32 v62, v28;
	[tilespmem:v21+s24+$0x0] =	vst.idx.add.f32.msk $0xffff, v61  }
0x359: {  	v37 =	vsub.f32 $0.0e+00, v36;
	[tilespmem:v22+s24+$0x0] =	vst.idx.add.f32.msk $0xffff, v61  }
0x35a: {  	v34 =	vmul.f32 v39, v62;
	[tilespmem:v24+s24+$0x0] =	vst.idx.add.f32.msk $0xffff, v36  }
0x35b: {  	v63 =	vmul.f32 v63, v29;
	[tilespmem:v18+s24+$0x0] =	vst.idx.add.f32.msk $0xffff, v37  }
0x35c: {  	v40 =	vsub.f32 $0.0e+00, v34;
	[tilespmem:v19+s24+$0x0] =	vst.idx.add.f32.msk $0xffff, v37  }
0x35d: {  	v36 =	vmul.f32 v52, v63;
	[tilespmem:v23+s24+$0x0] =	vst.idx.add.f32.msk $0xffff, v34  }
0x35e: {  	v41 =	vmul.f32 v53, v30;
	[tilespmem:v15+s24+$0x0] =	vst.idx.add.f32.msk $0xffff, v40  }
0x35f: {  	v42 =	vsub.f32 $0.0e+00, v36;
	[tilespmem:v16+s24+$0x0] =	vst.idx.add.f32.msk $0xffff, v40  }
0x360: {  	v34 =	vmul.f32 v54, v41;
	[tilespmem:v20+s24+$0x0] =	vst.idx.add.f32.msk $0xffff, v36  }
0x361: {  	v43 =	vmul.f32 v55, v31;
	[tilespmem:v12+s24+$0x0] =	vst.idx.add.f32.msk $0xffff, v42  }
0x362: {  	v44 =	vsub.f32 $0.0e+00, v34;
	[tilespmem:v13+s24+$0x0] =	vst.idx.add.f32.msk $0xffff, v42  }
0x363: {  	v36 =	vmul.f32 v56, v43;
	[tilespmem:v17+s24+$0x0] =	vst.idx.add.f32.msk $0xffff, v34  }
0x364: {  	v45 =	vmul.f32 v57, v32;
	[tilespmem:v8+s24+$0x0] =	vst.idx.add.f32.msk $0xffff, v44  }
0x365: {  	v46 =	vsub.f32 $0.0e+00, v36;
	[tilespmem:v9+s24+$0x0] =	vst.idx.add.f32.msk $0xffff, v44  }
0x366: {  	v34 =	vmul.f32 v58, v45;
	[tilespmem:v14+s24+$0x0] =	vst.idx.add.f32.msk $0xffff, v36  }
0x367: {  	v49 =	vmul.f32 v59, v33;
	[tilespmem:v6+s24+$0x0] =	vst.idx.add.f32.msk $0xffff, v46  }
0x368: {  	v50 =	vsub.f32 $0.0e+00, v34;
	[tilespmem:v7+s24+$0x0] =	vst.idx.add.f32.msk $0xffff, v46  }
0x369: {  	v35 =	vmul.f32 v60, v49;
	[tilespmem:v10+s24+$0x0] =	vst.idx.add.f32.msk $0xffff, v34  }
0x36a: {  	[tilespmem:v3+s24+$0x0] =	vst.idx.add.f32.msk $0xffff, v50  }
0x36b: {  	v51 =	vsub.f32 $0.0e+00, v35;
	[tilespmem:v4+s24+$0x0] =	vst.idx.add.f32.msk $0xffff, v50  }
0x36c: {  	[tilespmem:v11+s24+$0x0] =	vst.idx.add.f32.msk $0xffff, v35  }
0x36d: {  	[tilespmem:v5+s24+$0x0] =	vst.idx.add.f32.msk $0xffff, v51  }
0x36e: {  	[tilespmem:v2+s24+$0x0] =	vst.idx.add.f32.msk $0xffff, v51  }
0x36f: {  	v34 =	vld.idx.msk [tilespmem:v21+s25+$0x0], $0xffff  }
0x370: {  	v35 =	vld.idx.msk [tilespmem:v22+s25+$0x0], $0xffff  }
0x371: {  	v36 =	vld.idx.msk [tilespmem:v18+s25+$0x0], $0xffff  }
0x372: {  	v37 =	vld.idx.msk [tilespmem:v19+s25+$0x0], $0xffff  }
0x373: {  	v52 =	vld.idx.msk [tilespmem:v15+s25+$0x0], $0xffff  }
0x374: {  	v53 =	vld.idx.msk [tilespmem:v16+s25+$0x0], $0xffff  }
0x375: {  	v54 =	vld.idx.msk [tilespmem:v12+s25+$0x0], $0xffff  }
0x376: {  	v55 =	vld.idx.msk [tilespmem:v13+s25+$0x0], $0xffff  }
0x377: {  	v56 =	vld.idx.msk [tilespmem:v8+s25+$0x0], $0xffff  }
0x378: {  	v57 =	vld.idx.msk [tilespmem:v9+s25+$0x0], $0xffff  }
0x379: {  	v58 =	vld.idx.msk [tilespmem:v6+s25+$0x0], $0xffff  }
0x37a: {  	v59 =	vld.idx.msk [tilespmem:v7+s25+$0x0], $0xffff;
	v26 =	vmul.f32 v34, v26  }
0x37b: {  	v60 =	vld.idx.msk [tilespmem:v3+s25+$0x0], $0xffff  }
0x37c: {  	v61 =	vld.idx.msk [tilespmem:v4+s25+$0x0], $0xffff;
	v26 =	vmul.f32 v35, v26  }
0x37d: {  	v62 =	vld.idx.msk [tilespmem:v5+s25+$0x0], $0xffff;
	v27 =	vmul.f32 v36, v27  }
0x37e: {  	v46 =	vld.idx.msk [tilespmem:v2+s25+$0x0], $0xffff;
	v63 =	vsub.f32 $0.0e+00, v26  }
0x37f: {  	v37 =	vmul.f32 v37, v27;
	[tilespmem:v25+s10+$0x0] =	vst.idx.add.f32.msk $0xffff, v26  }
0x380: {  	v38 =	vmul.f32 v52, v28;
	[tilespmem:v21+s10+$0x0] =	vst.idx.add.f32.msk $0xffff, v63  }
0x381: {  	v47 =	vsub.f32 $0.0e+00, v37;
	[tilespmem:v22+s10+$0x0] =	vst.idx.add.f32.msk $0xffff, v63  }
0x382: {  	v48 =	vmul.f32 v53, v38;
	[tilespmem:v24+s10+$0x0] =	vst.idx.add.f32.msk $0xffff, v37  }
0x383: {  	v49 =	vmul.f32 v54, v29;
	[tilespmem:v18+s10+$0x0] =	vst.idx.add.f32.msk $0xffff, v47  }
0x384: {  	v50 =	vsub.f32 $0.0e+00, v48;
	[tilespmem:v19+s10+$0x0] =	vst.idx.add.f32.msk $0xffff, v47  }
0x385: {  	v51 =	vmul.f32 v55, v49;
	[tilespmem:v23+s10+$0x0] =	vst.idx.add.f32.msk $0xffff, v48  }
0x386: {  	v52 =	vmul.f32 v56, v30;
	[tilespmem:v15+s10+$0x0] =	vst.idx.add.f32.msk $0xffff, v50  }
0x387: {  	v53 =	vsub.f32 $0.0e+00, v51;
	[tilespmem:v16+s10+$0x0] =	vst.idx.add.f32.msk $0xffff, v50  }
0x388: {  	v54 =	vmul.f32 v57, v52;
	[tilespmem:v20+s10+$0x0] =	vst.idx.add.f32.msk $0xffff, v51  }
0x389: {  	v55 =	vmul.f32 v58, v31;
	[tilespmem:v12+s10+$0x0] =	vst.idx.add.f32.msk $0xffff, v53  }
0x38a: {  	v56 =	vsub.f32 $0.0e+00, v54;
	[tilespmem:v13+s10+$0x0] =	vst.idx.add.f32.msk $0xffff, v53  }
0x38b: {  	v57 =	vmul.f32 v59, v55;
	[tilespmem:v17+s10+$0x0] =	vst.idx.add.f32.msk $0xffff, v54  }
0x38c: {  	v58 =	vmul.f32 v60, v32;
	[tilespmem:v8+s10+$0x0] =	vst.idx.add.f32.msk $0xffff, v56  }
0x38d: {  	v59 =	vsub.f32 $0.0e+00, v57;
	[tilespmem:v9+s10+$0x0] =	vst.idx.add.f32.msk $0xffff, v56  }
0x38e: {  	v60 =	vmul.f32 v61, v58;
	[tilespmem:v14+s10+$0x0] =	vst.idx.add.f32.msk $0xffff, v57  }
0x38f: {  	v61 =	vmul.f32 v62, v33;
	[tilespmem:v6+s10+$0x0] =	vst.idx.add.f32.msk $0xffff, v59  }
0x390: {  	v62 =	vsub.f32 $0.0e+00, v60;
	[tilespmem:v7+s10+$0x0] =	vst.idx.add.f32.msk $0xffff, v59  }
0x391: {  	p1 =	sne.s32 s15, $0x3000;
	v63 =	vmul.f32 v46, v61;
	[tilespmem:v10+s10+$0x0] =	vst.idx.add.f32.msk $0xffff, v60  }
.Ltmp7:
0x392: {  	[tilespmem:v3+s10+$0x0] =	vst.idx.add.f32.msk $0xffff, v62;
	(pc) =	sbr.rel @p1 .LBB2_16-.Ltmp7, $4  }
0x393: {  	v3 =	vsub.f32 $0.0e+00, v63;
	[tilespmem:v4+s10+$0x0] =	vst.idx.add.f32.msk $0xffff, v62  }
0x394: {  	[tilespmem:v11+s10+$0x0] =	vst.idx.add.f32.msk $0xffff, v63  }
0x395: {  	[tilespmem:v5+s10+$0x0] =	vst.idx.add.f32.msk $0xffff, v3  }
0x396: {  	s15 =	sadd.s32 $0x200, s15;
	[tilespmem:v2+s10+$0x0] =	vst.idx.add.f32.msk $0xffff, v3  }
.Ltmp8:
0x397: {  	(pc) =	sbr.rel @p0 .LBB2_19-.Ltmp8, $1  }
0x398: {  	_ =	sdelay $0x3  }
0x399: {  	s15 =	smul.u32 $0x1900, s14;
	_ =	sdelay $0x1  }
0x39a: {  	s15 =	sshrl.u32 s15, $0x3  }
0x39b: {  	s15 =	sadd.s32 $0x4B0, s15  }
0x39c: {  	s16 =	sadd.s32 s3, s15  }
0x39d: {  	[tilespmem:s26], [sflag:$0x2] =	stream.linear.gather [hbm4b:s16+s9], $0xC80, $0x38;
	[tilespmem:$0x1C500] =	vst v63  }
0x39e: {  	s17 =	sadd.s32 s5, s15  }
0x39f: {  	[tilespmem:s28], [sflag:$0x2] =	stream.linear.gather [hbm4b:s17+s9], $0xC80, $0x38;
	[tilespmem:$0x1C500] =	vst v63  }
.Ltmp9:
0x3a0: {  	_ = 	snop;
	(pc) =	sbr.rel .LBB2_13-.Ltmp9, $4  }
0x3a1: {  	s18 =	sadd.s32 s6, s15  }
0x3a2: {  	[tilespmem:s29], [sflag:$0x2] =	stream.linear.gather [hbm4b:s18+s9], $0xC80, $0x38;
	[tilespmem:$0x1C500] =	vst v63  }
0x3a3: {  	s14 =	sadd.s32 $0x1, s14;
	s15 =	sadd.s32 s8, s15  }
0x3a4: {  	[tilespmem:s12], [sflag:$0x2] =	stream.linear.gather [hbm4b:s15+s9], $0xC80, $0x38;
	[tilespmem:$0x1C500] =	vst v63  }
.LBB2_19:
0x3a5: {  	s14 =	simm.s32 $0x0  }
0x3a6: {  	v9 =	vld [tilespmem:s14+$0x19D80]  }
0x3a7: {  	v10 =	vld [tilespmem:s14+$0x0]  }
0x3a8: {  	v11 =	vld [tilespmem:s14+$0x2710]  }
0x3a9: {  	v12 =	vld [tilespmem:s14+$0x4E20]  }
0x3aa: {  	v13 =	vld [tilespmem:s14+$0x7530]  }
0x3ab: {  	v14 =	vld [tilespmem:s14+$0x19D90]  }
0x3ac: {  	v15 =	vld [tilespmem:s14+$0x10]  }
0x3ad: {  	v16 =	vld [tilespmem:s14+$0x2720]  }
0x3ae: {  	v17 =	vld [tilespmem:s14+$0x4E30]  }
0x3af: {  	v18 =	vld [tilespmem:s14+$0x7540]  }
0x3b0: {  	v19 =	vld [tilespmem:s14+$0x19DA0]  }
0x3b1: {  	v20 =	vld [tilespmem:s14+$0x20]  }
0x3b2: {  	v21 =	vld [tilespmem:s14+$0x2730]  }
0x3b3: {  	v22 =	vld [tilespmem:s14+$0x4E40]  }
0x3b4: {  	v23 =	vld [tilespmem:s14+$0x7550]  }
0x3b5: {  	v4 =	vld [tilespmem:s14+$0x19DB0]  }
0x3b6: {  	v24 =	vld [tilespmem:s14+$0x30]  }
0x3b7: {  	v25 =	vld [tilespmem:s14+$0x2740]  }
0x3b8: {  	v8 =	vld [tilespmem:s14+$0x4E50]  }
0x3b9: {  	v7 =	vld [tilespmem:s14+$0x7560]  }
0x3ba: {  	v1 =	vld [tilespmem:s14+$0x19DC0]  }
0x3bb: {  	v6 =	vld [tilespmem:s14+$0x40]  }
0x3bc: {  	v5 =	vld [tilespmem:s14+$0x2750]  }
0x3bd: {  	v3 =	vld [tilespmem:s14+$0x4E60]  }
0x3be: {  	v26 =	vld [tilespmem:s14+$0x9C80]  }
0x3bf: {  	v27 =	vld [tilespmem:s14+$0xC390]  }
0x3c0: {  	v29 =	vld [tilespmem:s14+$0x111B0]  }
0x3c1: {  	v28 =	vld [tilespmem:s14+$0xEAA0];
	v10 =	vmul.f32 v10, v9  }
0x3c2: {  	v30 =	vld [tilespmem:s14+$0x9C90];
	v11 =	vmul.f32 v11, v9  }
0x3c3: {  	v63 =	vld [tilespmem:s14+$0xC3A0];
	v12 =	vmul.f32 v12, v9;
	v9 =	vmul.f32 v13, v9;
	v10 =	vsub.f32 v26, v10  }
0x3c4: {  	v31 =	vld [tilespmem:s14+$0xEAB0];
	v11 =	vsub.f32 v27, v11  }
0x3c5: {  	v13 =	vmul.f32 v15, v14;
	v9 =	vsub.f32 v29, v9;
	[tilespmem:s14+$0x9C80] =	vst v10;
	v10 =	vld [tilespmem:s14+$0x111C0]  }
0x3c6: {  	v2 =	vld [tilespmem:s14+$0x7570];
	v15 =	vmul.f32 v16, v14;
	v12 =	vsub.f32 v28, v12;
	[tilespmem:s14+$0xC390] =	vst v11  }
0x3c7: {  	v13 =	vsub.f32 v30, v13;
	v11 =	vld [tilespmem:s14+$0x9CA0];
	[tilespmem:s14+$0x111B0] =	vst v9;
	v9 =	vmul.f32 v17, v14  }
0x3c8: {  	v15 =	vsub.f32 v63, v15;
	[tilespmem:s14+$0xEAA0] =	vst v12;
	v12 =	vld [tilespmem:s14+$0xC3B0];
	v14 =	vmul.f32 v18, v14  }
0x3c9: {  	v16 =	vld [tilespmem:s14+$0xEAC0];
	[tilespmem:s14+$0x9C90] =	vst v13;
	v17 =	vsub.f32 v31, v9  }
0x3ca: {  	v13 =	vld [tilespmem:s14+$0x111D0];
	[tilespmem:s14+$0xC3A0] =	vst v15;
	v15 =	vmul.f32 v20, v19;
	v14 =	vsub.f32 v10, v14  }
0x3cb: {  	v9 =	vld [tilespmem:s14+$0x9CB0];
	[tilespmem:s14+$0xEAB0] =	vst v17;
	v17 =	vmul.f32 v21, v19  }
0x3cc: {  	v10 =	vld [tilespmem:s14+$0xC3C0];
	v15 =	vsub.f32 v11, v15;
	[tilespmem:s14+$0x111C0] =	vst v14;
	v14 =	vmul.f32 v22, v19  }
0x3cd: {  	v18 =	vmul.f32 v23, v19;
	v11 =	vld [tilespmem:s14+$0xEAD0];
	v17 =	vsub.f32 v12, v17  }
0x3ce: {  	v12 =	vld [tilespmem:s14+$0x111E0];
	[tilespmem:s14+$0x9CA0] =	vst v15;
	v15 =	vsub.f32 v16, v14;
	v16 =	vmul.f32 v24, v4  }
0x3cf: {  	s15 =	simm.s32 $0x140;
	[tilespmem:s14+$0xC3B0] =	vst v17;
	v17 =	vsub.f32 v13, v18;
	v13 =	vld [tilespmem:s14+$0x9CC0];
	v14 =	vmul.f32 v25, v4  }
.LBB2_20:
0x3d0: {  	p0 =	sne.s32 s15, $0x9B00;
	[tilespmem:s14+$0xEAC0] =	vst v15;
	v9 =	vsub.f32 v9, v16;
	v8 =	vmul.f32 v8, v4;
	v15 =	vld [tilespmem:s14+$0xC3D0]  }
0x3d1: {  	v4 =	vmul.f32 v7, v4;
	[tilespmem:s14+$0x111D0] =	vst v17;
	v10 =	vsub.f32 v10, v14;
	v7 =	vld [tilespmem:s14+$0xEAE0]  }
0x3d2: {  	s16 =	sshra.s32 s15, $0x2;
	v6 =	vmul.f32 v6, v1;
	[tilespmem:s14+$0x9CB0] =	vst v9;
	v8 =	vsub.f32 v11, v8;
	v9 =	vld [tilespmem:s14+$0x111F0]  }
0x3d3: {  	v5 =	vmul.f32 v5, v1;
	v11 =	vld [tilespmem:s16+$0x19D80];
	[tilespmem:s14+$0xC3C0] =	vst v10;
	v4 =	vsub.f32 v12, v4  }
0x3d4: {  	v3 =	vmul.f32 v3, v1;
	v10 =	vld [tilespmem:s16+$0x0];
	[tilespmem:s14+$0xEAD0] =	vst v8;
	v6 =	vsub.f32 v13, v6  }
0x3d5: {  	v1 =	vmul.f32 v2, v1;
	v12 =	vld [tilespmem:s16+$0x2710];
	[tilespmem:s14+$0x111E0] =	vst v4;
	v4 =	vsub.f32 v15, v5  }
0x3d6: {  	v13 =	vld [tilespmem:s16+$0x4E20];
	[tilespmem:s14+$0x9CC0] =	vst v6;
	v2 =	vsub.f32 v7, v3  }
0x3d7: {  	v14 =	vld [tilespmem:s16+$0x7530];
	[tilespmem:s14+$0xC3D0] =	vst v4;
	v1 =	vsub.f32 v9, v1  }
0x3d8: {  	v9 =	vld [tilespmem:s16+$0x19D90];
	[tilespmem:s14+$0xEAE0] =	vst v2  }
0x3d9: {  	v15 =	vld [tilespmem:s16+$0x10];
	[tilespmem:s14+$0x111F0] =	vst v1;
	s14 =	smov.u32 s16  }
0x3da: {  	v16 =	vld [tilespmem:s14+$0x2720]  }
0x3db: {  	v17 =	vld [tilespmem:s14+$0x4E30]  }
0x3dc: {  	v18 =	vld [tilespmem:s14+$0x7540]  }
0x3dd: {  	v19 =	vld [tilespmem:s14+$0x19DA0]  }
0x3de: {  	v20 =	vld [tilespmem:s14+$0x20]  }
0x3df: {  	v21 =	vld [tilespmem:s14+$0x2730]  }
0x3e0: {  	v22 =	vld [tilespmem:s14+$0x4E40]  }
0x3e1: {  	v23 =	vld [tilespmem:s14+$0x7550]  }
0x3e2: {  	v4 =	vld [tilespmem:s14+$0x19DB0]  }
0x3e3: {  	v24 =	vld [tilespmem:s14+$0x30]  }
0x3e4: {  	v25 =	vld [tilespmem:s14+$0x2740]  }
0x3e5: {  	v8 =	vld [tilespmem:s14+$0x4E50]  }
0x3e6: {  	v7 =	vld [tilespmem:s14+$0x7560]  }
0x3e7: {  	v1 =	vld [tilespmem:s14+$0x19DC0]  }
0x3e8: {  	v6 =	vld [tilespmem:s14+$0x40]  }
0x3e9: {  	v5 =	vld [tilespmem:s14+$0x2750]  }
0x3ea: {  	v3 =	vld [tilespmem:s14+$0x4E60]  }
0x3eb: {  	v2 =	vld [tilespmem:s14+$0x7570]  }
0x3ec: {  	v26 =	vld [tilespmem:s14+$0x9C80]  }
0x3ed: {  	v27 =	vld [tilespmem:s14+$0xC390]  }
0x3ee: {  	v28 =	vld [tilespmem:s14+$0xEAA0]  }
0x3ef: {  	v10 =	vmul.f32 v10, v11;
	v29 =	vld [tilespmem:s14+$0x111B0]  }
0x3f0: {  	v12 =	vmul.f32 v12, v11;
	v30 =	vld [tilespmem:s14+$0x9C90]  }
0x3f1: {  	v13 =	vmul.f32 v13, v11;
	v10 =	vsub.f32 v26, v10;
	v26 =	vld [tilespmem:s14+$0xC3A0]  }
0x3f2: {  	v11 =	vmul.f32 v14, v11;
	v12 =	vsub.f32 v27, v12;
	v14 =	vld [tilespmem:s14+$0xEAB0]  }
0x3f3: {  	[tilespmem:s14+$0x9C80] =	vst v10;
	v10 =	vsub.f32 v28, v13;
	v13 =	vmul.f32 v15, v9;
	v15 =	vld [tilespmem:s14+$0x111C0]  }
0x3f4: {  	[tilespmem:s14+$0xC390] =	vst v12;
	v11 =	vsub.f32 v29, v11;
	v12 =	vmul.f32 v16, v9;
	v16 =	vld [tilespmem:s14+$0x9CA0]  }
0x3f5: {  	[tilespmem:s14+$0xEAA0] =	vst v10;
	v10 =	vsub.f32 v30, v13;
	v13 =	vmul.f32 v17, v9;
	v17 =	vld [tilespmem:s14+$0xC3B0]  }
0x3f6: {  	v9 =	vmul.f32 v18, v9;
	[tilespmem:s14+$0x111B0] =	vst v11;
	v11 =	vsub.f32 v26, v12;
	v12 =	vld [tilespmem:s14+$0xEAC0]  }
0x3f7: {  	[tilespmem:s14+$0x9C90] =	vst v10;
	v10 =	vsub.f32 v14, v13;
	v13 =	vmul.f32 v20, v19;
	v14 =	vld [tilespmem:s14+$0x111D0]  }
.Ltmp10:
0x3f8: {  	[tilespmem:s14+$0xC3A0] =	vst v11;
	v11 =	vsub.f32 v15, v9;
	v15 =	vmul.f32 v21, v19;
	v9 =	vld [tilespmem:s14+$0x9CB0];
	(pc) =	sbr.rel @p0 .LBB2_20-.Ltmp10, $4  }
0x3f9: {  	[tilespmem:s14+$0xEAB0] =	vst v10;
	v13 =	vsub.f32 v16, v13;
	v16 =	vmul.f32 v22, v19;
	v10 =	vld [tilespmem:s14+$0xC3C0]  }
0x3fa: {  	v18 =	vmul.f32 v23, v19;
	[tilespmem:s14+$0x111C0] =	vst v11;
	v17 =	vsub.f32 v17, v15;
	v11 =	vld [tilespmem:s14+$0xEAD0]  }
0x3fb: {  	[tilespmem:s14+$0x9CA0] =	vst v13;
	v15 =	vsub.f32 v12, v16;
	v16 =	vmul.f32 v24, v4;
	v12 =	vld [tilespmem:s14+$0x111E0]  }
0x3fc: {  	s15 =	sadd.s32 $0x140, s15;
	[tilespmem:s14+$0xC3B0] =	vst v17;
	v17 =	vsub.f32 v14, v18;
	v14 =	vmul.f32 v25, v4;
	v13 =	vld [tilespmem:s14+$0x9CC0]  }
0x3fd: {  	[tilespmem:s14+$0xEAC0] =	vst v15;
	v58 =	vld [tilespmem:s14+$0xC3D0];
	v9 =	vsub.f32 v9, v16;
	v8 =	vmul.f32 v8, v4  }
0x3fe: {  	v59 =	vld [tilespmem:s14+$0xEAE0];
	v60 =	vmul.f32 v7, v4;
	[tilespmem:s14+$0x111D0] =	vst v17;
	v10 =	vsub.f32 v10, v14  }
0x3ff: {  	v6 =	vmul.f32 v6, v1;
	v62 =	vld [tilespmem:s14+$0x111F0];
	[tilespmem:s14+$0x9CB0] =	vst v9;
	v61 =	vsub.f32 v11, v8  }
0x400: {  	v5 =	vmul.f32 v5, v1;
	[tilespmem:s14+$0xC3C0] =	vst v10;
	v4 =	vsub.f32 v12, v60  }
0x401: {  	v3 =	vmul.f32 v3, v1;
	[tilespmem:s14+$0xEAD0] =	vst v61;
	v6 =	vsub.f32 v13, v6  }
0x402: {  	v1 =	vmul.f32 v2, v1;
	[tilespmem:s14+$0x111E0] =	vst v4;
	v63 =	vsub.f32 v58, v5  }
0x403: {  	v2 =	vsub.f32 v59, v3;
	[tilespmem:s14+$0x9CC0] =	vst v6  }
0x404: {  	s13 =	sadd.s32 $0x1, s13;
	v1 =	vsub.f32 v62, v1;
	[tilespmem:s14+$0xC3D0] =	vst v63  }
0x405: {  	p0 =	sne.s32 s13, s20;
	[tilespmem:s14+$0xEAE0] =	vst v2  }
.Ltmp11:
0x406: {  	[tilespmem:s14+$0x111F0] =	vst v1;
	(pc) =	sbr.rel @p0 .LBB2_1-.Ltmp11, $4  }
0x407: {  	[hbm4b:s19+s9] =	stream.linear.scatter [tilespmem:s7], [sflag:$0x3], $0x9C40, $0x38;
	[tilespmem:$0x1C500] =	vst v63  }
0x408: {  	_ =	swait.ge [sflag:s21], $0x9C40  }
0x409: {  	[sflag:s21] =	ssyncset.done $0x0  }
0x40a: {  	[sflag:s21] =	ssyncadd.s32 $0xFFFF63C0  }
0x40b: {  	_ =	sfence.sel $0x180000  }
0x40c: {  	[bflag:$0x0] =	sbarrier.arrive $0xFFFF  }
0x40d: {  	_ =	strace $0x90000047  }
0x40e: {  	s0 =	stileid.u32;
	[bflag:$0x2] =	sbarrier.arrive $0xFFFF  }
0x40f: {  	p0 =	sne.s32 s0, $0x0;
	s0 =	rddreg [dreg:$0x9]  }
0x410: {  	s0 =	sadd.s32 @!p0 $0x100000, s0  }
0x411: {  	[sflag:s0] =	ssyncadd.tile.s32 @!p0 $0x1;
	_ =	shalt  }
.Lfunc_end2:
_tile_overlayer_lowered:
.L_overlay_start_2:
0x412: {  	(tag) =	ssettag $0x2  }
0x413: {  	s0 =	rddreg [dreg:$0x0];
	s2 =	stileid.u32  }
0x414: {  	s1 =	rddreg [dreg:$0x1];
	p0 =	sne.s32 s2, $0x0  }
0x415: {  	s3 =	rddreg [dreg:$0x2];
	[bflag:$0x3] =	sbarrier.arrive $0xFFFF;
	s2 =	simm.s32 @!p0 $0x1C03  }
0x416: {  	[timem:s3], [sflag:s2] =	dma.local @!p0 [hbm:s0], s1  }
0x417: {  	s0 =	simm.s32 @!p0 $0x3  }
0x418: {  	_ =	swait.ge @!p0 [sflag:s0], s1  }
0x419: {  	s1 =	ssub.s32 @!p0 $0x0, s1;
	[sflag:s0] =	ssyncset.done @!p0 $0x0  }
0x41a: {  	[sflag:s0] =	ssyncadd.s32 @!p0 s1  }
0x41b: {  	[bflag:$0x3] =	sbarrier.arrive $0xFFFF  }
0x41c: {  	_ =	shalt  }

</sc_bundles>
